<compile_context>
chip_gen: v7x
topology: tpu7x:2x2x1
jax: 0.10.2.dev20260603
libtpu: 0.0.44.dev20260713+nightly
codegen_flags: <defaults>
</compile_context>

<pallas_src>
import dataclasses
import functools

import jax
import jax.numpy as jnp
from jax import lax
from jax.experimental import pallas as pl
from jax.experimental.pallas import tpu as pltpu
from jax.experimental.pallas import tpu_sc as plsc

N_NODES = 100000
N_EDGES = 6400000
NC = 2
NS = 16
NW = NC * NS
EPW = N_EDGES // NW
C = 128
NCH = EPW // C
CT = EPW - NCH * C
NP = 100352

_mesh = plsc.VectorSubcoreMesh(core_axis_name="c", subcore_axis_name="s")

_cp = pltpu.CompilerParams()
if "needs_layout_passes" in pltpu.CompilerParams.__dataclass_fields__:
    _cp = dataclasses.replace(_cp, needs_layout_passes=False)
if "use_tc_tiling_on_sc" in pltpu.CompilerParams.__dataclass_fields__:
    _cp = dataclasses.replace(_cp, use_tc_tiling_on_sc=False)


def _build_rec(pos_t, spec):
    def body(x_ref, s_ref, o_ref):
        xb = x_ref[...]
        sb = s_ref[...]
        z = jnp.zeros((4, xb.shape[1]), jnp.float32)
        o_ref[...] = jnp.concatenate([xb, sb, z], axis=0).T

    return pl.pallas_call(
        body,
        out_shape=jax.ShapeDtypeStruct((NP, 8), jnp.float32),
        grid=(NP // 2048,),
        in_specs=[pl.BlockSpec((3, 2048), lambda i: (0, i)),
                  pl.BlockSpec((1, 2048), lambda i: (0, i))],
        out_specs=pl.BlockSpec((2048, 8), lambda i: (i, 0)),
    )(pos_t, spec)


@functools.partial(
    pl.kernel,
    out_type=jax.ShapeDtypeStruct((NW, NP), jnp.float32),
    mesh=_mesh,
    compiler_params=_cp,
    scratch_types=[
        pltpu.VMEM((NP,), jnp.float32),
        pltpu.VMEM((C,), jnp.int32),
        pltpu.VMEM((C,), jnp.int32),
        pltpu.VMEM((C,), jnp.int32),
        pltpu.VMEM((C,), jnp.int32),
        pltpu.VMEM((C,), jnp.int32),
        pltpu.VMEM((C,), jnp.int32),
        pltpu.VMEM((C,), jnp.int32),
        pltpu.VMEM((C,), jnp.int32),
        pltpu.VMEM((C,), jnp.int32),
        pltpu.VMEM((C,), jnp.int32),
        pltpu.VMEM((C, 8), jnp.float32),
        pltpu.VMEM((C, 8), jnp.float32),
        pltpu.VMEM((C, 8), jnp.float32),
        pltpu.VMEM((C, 8), jnp.float32),
        pltpu.VMEM((CT,), jnp.int32),
        pltpu.VMEM((CT,), jnp.int32),
        pltpu.VMEM((16,), jnp.float32),
        pltpu.VMEM((16,), jnp.float32),
        pltpu.SemaphoreType.DMA,
        pltpu.SemaphoreType.DMA,
        pltpu.SemaphoreType.DMA,
        pltpu.SemaphoreType.DMA,
        pltpu.SemaphoreType.DMA,
        pltpu.SemaphoreType.DMA,
    ],
)
def _sc_lj(rec_hbm, ei_hbm, ej_hbm, s0_hbm, s1_hbm, s2_hbm, par_hbm, cell_hbm,
           out_hbm,
           energy_v, ei0, ei1, ej0, ej1, c0a, c0b, c1a, c1b, c2a, c2b,
           ri0, ri1, rj0, rj1,
           tei_v, tej_v, par_v, cell_v, ls0, ls1, gi0, gi1, gj0, gj1):
    wid = lax.axis_index("s") * NC + lax.axis_index("c")
    base_t = wid * EPW
    eis, ejs = (ei0, ei1), (ej0, ej1)
    c0s, c1s, c2s = (c0a, c0b), (c1a, c1b), (c2a, c2b)
    ris, rjs = (ri0, ri1), (rj0, rj1)
    lsems, gisems, gjsems = (ls0, ls1), (gi0, gi1), (gj0, gj1)

    pltpu.sync_copy(par_hbm, par_v)
    pltpu.sync_copy(cell_hbm, cell_v)

    @pl.loop(0, NP, step=16)
    def _(i):
        energy_v[pl.ds(i, 16)] = jnp.zeros((16,), jnp.float32)

    zidx = jnp.zeros((16,), jnp.int32)
    cell_rk = [[plsc.load_gather(cell_v, [zidx + (3 * r + k)])
                for k in range(3)] for r in range(3)]
    lane = lax.iota(jnp.int32, 16)

    def lin_copies(cur, s):
        base = base_t + cur * C
        return (
            pltpu.make_async_copy(ei_hbm.at[pl.ds(base, C)], eis[s], lsems[s]),
            pltpu.make_async_copy(ej_hbm.at[pl.ds(base, C)], ejs[s], lsems[s]),
            pltpu.make_async_copy(s0_hbm.at[pl.ds(base, C)], c0s[s], lsems[s]),
            pltpu.make_async_copy(s1_hbm.at[pl.ds(base, C)], c1s[s], lsems[s]),
            pltpu.make_async_copy(s2_hbm.at[pl.ds(base, C)], c2s[s], lsems[s]),
        )

    def issue_lin(cur, s):
        for cp in lin_copies(cur, s):
            cp.start()

    def wait_lin(cur, s):
        for cp in lin_copies(cur, s):
            cp.wait()

    def gath_copies(s):
        return (
            pltpu.make_async_copy(rec_hbm.at[eis[s]], ris[s], gisems[s]),
            pltpu.make_async_copy(rec_hbm.at[ejs[s]], rjs[s], gjsems[s]),
        )

    def issue_gath(s):
        for cp in gath_copies(s):
            cp.start()

    def wait_gath(s):
        for cp in gath_copies(s):
            cp.wait()

    def compute_group(g, n_ei, n_ej, n_c0, n_c1, n_c2, n_reci, n_recj):
        row = lane + g * 16
        col0 = jnp.zeros((16,), jnp.int32)
        xi = plsc.load_gather(n_reci, [row, col0])
        yi = plsc.load_gather(n_reci, [row, col0 + 1])
        zi = plsc.load_gather(n_reci, [row, col0 + 2])
        si = plsc.load_gather(n_reci, [row, col0 + 3])
        xj = plsc.load_gather(n_recj, [row, col0])
        yj = plsc.load_gather(n_recj, [row, col0 + 1])
        zj = plsc.load_gather(n_recj, [row, col0 + 2])
        sj = plsc.load_gather(n_recj, [row, col0 + 3])
        s0 = n_c0[pl.ds(g * 16, 16)].astype(jnp.float32)
        s1 = n_c1[pl.ds(g * 16, 16)].astype(jnp.float32)
        s2 = n_c2[pl.ds(g * 16, 16)].astype(jnp.float32)
        dx = xj - xi + s0 * cell_rk[0][0] + s1 * cell_rk[1][0] + s2 * cell_rk[2][0]
        dy = yj - yi + s0 * cell_rk[0][1] + s1 * cell_rk[1][1] + s2 * cell_rk[2][1]
        dz = zj - zi + s0 * cell_rk[0][2] + s1 * cell_rk[1][2] + s2 * cell_rk[2][2]
        r2 = dx * dx + dy * dy + dz * dz
        r6 = r2 * r2 * r2
        pair = (si * 2.0 + sj).astype(jnp.int32)
        sig6 = plsc.load_gather(par_v, [pair])
        eps2 = plsc.load_gather(par_v, [pair + 4])
        shh = plsc.load_gather(par_v, [pair + 8])
        s6 = sig6 / r6
        eh = eps2 * (s6 * (s6 - 1.0)) - shh
        ii = n_ei[pl.ds(g * 16, 16)]
        jj = n_ej[pl.ds(g * 16, 16)]
        plsc.addupdate_scatter(energy_v, [ii], eh)
        plsc.addupdate_scatter(energy_v, [jj], eh)

    def compute(s):
        for g in range(C // 16):
            compute_group(g, eis[s], ejs[s], c0s[s], c1s[s], c2s[s],
                          ris[s], rjs[s])

    issue_lin(0, 0)
    wait_lin(0, 0)
    issue_gath(0)
    issue_lin(1, 1)

    @pl.loop(0, NCH - 2, step=2)
    def _(i):
        for b in range(2):
            cur = i + b
            s, s1 = b, 1 - b
            wait_lin(cur + 1, s1)
            issue_gath(s1)
            wait_gath(s)
            compute(s)
            issue_lin(cur + 2, s)

    wait_lin(NCH - 1, 1)
    issue_gath(1)
    wait_gath(0)
    compute(0)
    wait_gath(1)
    compute(1)

    tbase = base_t + NCH * C
    pltpu.sync_copy(ei_hbm.at[pl.ds(tbase, CT)], tei_v)
    pltpu.sync_copy(ej_hbm.at[pl.ds(tbase, CT)], tej_v)
    pltpu.sync_copy(s0_hbm.at[pl.ds(tbase, CT)], c0a.at[pl.ds(0, CT)])
    pltpu.sync_copy(s1_hbm.at[pl.ds(tbase, CT)], c1a.at[pl.ds(0, CT)])
    pltpu.sync_copy(s2_hbm.at[pl.ds(tbase, CT)], c2a.at[pl.ds(0, CT)])
    cp_i = pltpu.async_copy(rec_hbm.at[tei_v], ri0.at[pl.ds(0, CT), :], gi0)
    cp_j = pltpu.async_copy(rec_hbm.at[tej_v], rj0.at[pl.ds(0, CT), :], gj0)
    cp_i.wait()
    cp_j.wait()
    for g in range(CT // 16):
        compute_group(g, tei_v, tej_v, c0a, c1a, c2a, ri0, rj0)

    pltpu.sync_copy(energy_v, out_hbm.at[wid])


def _tc_reduce(partial):
    def body(x_ref, o_ref):
        o_ref[...] = jnp.sum(x_ref[...], axis=0, keepdims=True)

    return pl.pallas_call(
        body,
        out_shape=jax.ShapeDtypeStruct((1, NP), jnp.float32),
        grid=(NP // 1024,),
        in_specs=[pl.BlockSpec((NW, 1024), lambda i: (0, i))],
        out_specs=pl.BlockSpec((1, 1024), lambda i: (0, i)),
    )(partial)


def kernel(positions, cell, species, edge_i, edge_j, cell_shifts,
           sigma_table, epsilon_table, shift_table):
    pos_t = jnp.pad(positions.T, ((0, 0), (0, NP - N_NODES)))
    spec = jnp.pad(species.astype(jnp.float32), (0, NP - N_NODES))
    rec = _build_rec(pos_t, spec.reshape(1, NP))
    sig3 = sigma_table * sigma_table * sigma_table
    sig6 = (sig3 * sig3).reshape(-1)
    eps2 = (2.0 * epsilon_table).reshape(-1)
    shh = (0.5 * shift_table).reshape(-1)
    par = jnp.concatenate([sig6, eps2, shh, jnp.zeros((4,), jnp.float32)])
    cellp = jnp.concatenate([cell.reshape(-1), jnp.zeros((7,), jnp.float32)])
    cs = cell_shifts.astype(jnp.int32)
    partial = _sc_lj(rec, edge_i.astype(jnp.int32), edge_j.astype(jnp.int32),
                     cs[:, 0], cs[:, 1], cs[:, 2], par, cellp)
    summed = _tc_reduce(partial)
    return summed[0, :N_NODES].reshape(-1, 1)

# --- scband reference (transcript-rebuilt; emitter-appended) ---
"""Pipeline reference for scband-lennard-jones-7138235646413 (READ-ONLY COPY).

The authoritative reference and input builder live on the scoring server;
editing this copy changes nothing except your own understanding.
"""

import jax, jax.numpy as jnp
import numpy as np

CUTOFF = 5.0
_PARAMS = {(0, 0): (3.4, 0.0104), (0, 1): (3.0, 0.02), (1, 0): (3.0, 0.02), (1, 1): (2.5, 0.015)}
N_NODES = 100000
N_EDGES = 6400000
N_SPECIES = 2


def _build_tables():
    sigma = np.zeros((N_SPECIES, N_SPECIES), dtype=np.float32)
    eps = np.zeros((N_SPECIES, N_SPECIES), dtype=np.float32)
    shift = np.zeros((N_SPECIES, N_SPECIES), dtype=np.float32)
    for (a, b), (s, e) in _PARAMS.items():
        sigma[a, b] = s
        eps[a, b] = e
        shift[a, b] = 4.0 * e * ((s / CUTOFF) ** 12 - (s / CUTOFF) ** 6)
    return jnp.asarray(sigma), jnp.asarray(eps), jnp.asarray(shift)


def setup_inputs(seed: int = 0) -> dict:
    key = jax.random.key(seed)
    k1, k2, k3, k4, k5, k6 = jax.random.split(key, 6)
    positions = jax.random.normal(k1, (N_NODES, 3), dtype=jnp.float32) * 3.0
    cell = jax.random.normal(k2, (3, 3), dtype=jnp.float32)
    species = jax.random.randint(k3, (N_NODES,), 0, N_SPECIES)
    edge_i = jax.random.randint(k4, (N_EDGES,), 0, N_NODES)
    edge_j_raw = jax.random.randint(k5, (N_EDGES,), 0, N_NODES)
    edge_j = jnp.where(edge_j_raw == edge_i, (edge_j_raw + 1) % N_NODES, edge_j_raw)
    cell_shifts = jax.random.randint(k6, (N_EDGES, 3), 0, 2)
    sigma_table, epsilon_table, shift_table = _build_tables()
    return {
        "positions": positions,
        "cell": cell,
        "species": species,
        "edge_i": edge_i,
        "edge_j": edge_j,
        "cell_shifts": cell_shifts,
        "sigma_table": sigma_table,
        "epsilon_table": epsilon_table,
        "shift_table": shift_table,
    }


def reference(positions, cell, species, edge_i, edge_j, cell_shifts, sigma_table, epsilon_table, shift_table):
    # Per-pair LJ parameter lookup (gather from species-pair tables),
    # vectorized form of the original python loop over neighbor pairs.
    si = species[edge_i]
    sj = species[edge_j]
    sigma = sigma_table[si, sj]
    epsilon = epsilon_table[si, sj]
    shift = shift_table[si, sj]
    # distance = positions[j] - positions[i] + S @ cell
    distance = positions[edge_j] - positions[edge_i] + cell_shifts.astype(cell.dtype) @ cell
    r2 = jnp.sum(distance * distance, axis=-1)
    r6 = r2 * r2 * r2
    sigma3 = sigma * sigma * sigma
    sigma6 = sigma3 * sigma3
    sigma_r_6 = sigma6 / r6
    sigma_r_12 = sigma_r_6 * sigma_r_6
    e = 4.0 * epsilon * (sigma_r_12 - sigma_r_6) - shift
    # per-atom energy: half the pair energy scattered to each endpoint
    energy = jnp.zeros((positions.shape[0],), dtype=positions.dtype)
    energy = energy.at[edge_i].add(e * 0.5)
    energy = energy.at[edge_j].add(e * 0.5)
    return energy.reshape(-1, 1)

if __name__ == "__main__":
    import jax
    _d = setup_inputs()
    print(jax.jit(kernel)(*tuple(_d.values())))

</pallas_src>

<mosaic_0001>
#map = affine_map<(d0, d1) -> (0, 0)>
#map1 = affine_map<(d0, d1) -> (0)>
module attributes {stable_mosaic.version = 14 : i64} {
  func.func @_sc_lj(%arg0: i32, %arg1: i32, %arg2: memref<100352x8xf32, #tpu.memory_space<hbm>>, %arg3: memref<6400000xi32, #tpu.memory_space<hbm>>, %arg4: memref<6400000xi32, #tpu.memory_space<hbm>>, %arg5: memref<6400000xi32, #tpu.memory_space<hbm>>, %arg6: memref<6400000xi32, #tpu.memory_space<hbm>>, %arg7: memref<6400000xi32, #tpu.memory_space<hbm>>, %arg8: memref<16xf32, #tpu.memory_space<hbm>>, %arg9: memref<16xf32, #tpu.memory_space<hbm>>, %arg10: memref<32x100352xf32, #tpu.memory_space<hbm>>, %arg11: memref<100352xf32, #tpu.memory_space<vmem>>, %arg12: memref<128xi32, #tpu.memory_space<vmem>>, %arg13: memref<128xi32, #tpu.memory_space<vmem>>, %arg14: memref<128xi32, #tpu.memory_space<vmem>>, %arg15: memref<128xi32, #tpu.memory_space<vmem>>, %arg16: memref<128xi32, #tpu.memory_space<vmem>>, %arg17: memref<128xi32, #tpu.memory_space<vmem>>, %arg18: memref<128xi32, #tpu.memory_space<vmem>>, %arg19: memref<128xi32, #tpu.memory_space<vmem>>, %arg20: memref<128xi32, #tpu.memory_space<vmem>>, %arg21: memref<128xi32, #tpu.memory_space<vmem>>, %arg22: memref<128x8xf32, #tpu.memory_space<vmem>>, %arg23: memref<128x8xf32, #tpu.memory_space<vmem>>, %arg24: memref<128x8xf32, #tpu.memory_space<vmem>>, %arg25: memref<128x8xf32, #tpu.memory_space<vmem>>, %arg26: memref<64xi32, #tpu.memory_space<vmem>>, %arg27: memref<64xi32, #tpu.memory_space<vmem>>, %arg28: memref<16xf32, #tpu.memory_space<vmem>>, %arg29: memref<16xf32, #tpu.memory_space<vmem>>, %arg30: memref<!tpu.dma_semaphore, #tpu.memory_space<semaphore_mem>>, %arg31: memref<!tpu.dma_semaphore, #tpu.memory_space<semaphore_mem>>, %arg32: memref<!tpu.dma_semaphore, #tpu.memory_space<semaphore_mem>>, %arg33: memref<!tpu.dma_semaphore, #tpu.memory_space<semaphore_mem>>, %arg34: memref<!tpu.dma_semaphore, #tpu.memory_space<semaphore_mem>>, %arg35: memref<!tpu.dma_semaphore, #tpu.memory_space<semaphore_mem>>) attributes {dimension_semantics = [#tpu.dimension_semantics<core_parallel>, #tpu.dimension_semantics<subcore_parallel>], iteration_bounds = array<i64: 2, 16>, scalar_prefetch = 0 : i64, scratch_operands = 25 : i64, tpu.core_type = #tpu.core_type<sc_vector_subcore>, window_params = [{transform_indices = #map}, {transform_indices = #map1}, {transform_indices = #map1}, {transform_indices = #map1}, {transform_indices = #map1}, {transform_indices = #map1}, {transform_indices = #map1}, {transform_indices = #map1}, {transform_indices = #map}]} {
    %mul3A = arith.constant 2 : i32
    %mul3A_0 = arith.muli %arg1, %mul3A : i32
    %add3A = arith.addi %mul3A_0, %arg0 : i32
    %mul3A_1 = arith.constant 200000 : i32
    %mul3A_2 = arith.muli %add3A, %mul3A_1 : i32
    "tpu.region"() ({
      %run_scoped3A = tpu.sem_alloc : memref<!tpu.dma_semaphore, #tpu.memory_space<semaphore_mem>>
      tpu.enqueue_dma source(%arg8 : memref<16xf32, #tpu.memory_space<hbm>>) target(%arg28 : memref<16xf32, #tpu.memory_space<vmem>>) target_semaphore(%run_scoped3A : memref<!tpu.dma_semaphore, #tpu.memory_space<semaphore_mem>>)
      tpu.wait_dma2 semaphore(%run_scoped3A : memref<!tpu.dma_semaphore, #tpu.memory_space<semaphore_mem>>) src(%arg8 : memref<16xf32, #tpu.memory_space<hbm>>) dst(%arg28 : memref<16xf32, #tpu.memory_space<vmem>>)
      tpu.yield
    }) : () -> ()
    "tpu.region"() ({
      %run_scoped3A = tpu.sem_alloc : memref<!tpu.dma_semaphore, #tpu.memory_space<semaphore_mem>>
      tpu.enqueue_dma source(%arg9 : memref<16xf32, #tpu.memory_space<hbm>>) target(%arg29 : memref<16xf32, #tpu.memory_space<vmem>>) target_semaphore(%run_scoped3A : memref<!tpu.dma_semaphore, #tpu.memory_space<semaphore_mem>>)
      tpu.wait_dma2 semaphore(%run_scoped3A : memref<!tpu.dma_semaphore, #tpu.memory_space<semaphore_mem>>) src(%arg9 : memref<16xf32, #tpu.memory_space<hbm>>) dst(%arg29 : memref<16xf32, #tpu.memory_space<vmem>>)
      tpu.yield
    }) : () -> ()
    %scan3A = arith.constant 0 : i32
    %scan3A_3 = arith.constant 6272 : i32
    %scan3A_4 = arith.addi %scan3A, %scan3A_3 : i32
    %scan3A_5 = arith.constant 1 : i32
    scf.for %scan3A_2000 = %scan3A to %scan3A_4 step %scan3A_5  : i32 {
      %mul3A_2001 = arith.constant 16 : i32
      %mul3A_2002 = arith.muli %scan3A_2000, %mul3A_2001 : i32
      %add3A_2003 = arith.constant 0 : i32
      %add3A_2004 = arith.addi %add3A_2003, %mul3A_2002 : i32
      %broadcast_in_dim3A_2005 = arith.constant 0.000000e+00 : f32
      %broadcast_in_dim3A_2006 = vector.broadcast %broadcast_in_dim3A_2005 : f32 to vector<16xf32>
      %swap3A = arith.index_cast %add3A_2004 : i32 to index
      %swap3A_2007 = tpu.vector_load %arg11[%swap3A] {strides = array<i32>} : memref<100352xf32, #tpu.memory_space<vmem>>, vector<16xf32>,
      tpu.vector_store %arg11[%swap3A], %broadcast_in_dim3A_2006 {strides = array<i32>} : memref<100352xf32, #tpu.memory_space<vmem>>, vector<16xf32>,
    }
    %scan3A_6 = arith.constant 6272 : i32
    %broadcast_in_dim3A = arith.constant 0 : i32
    %broadcast_in_dim3A_7 = vector.broadcast %broadcast_in_dim3A : i32 to vector<16xi32>
    %add3A_8 = arith.constant 0 : i32
    %add3A_9 = vector.broadcast %add3A_8 : i32 to vector<16xi32>
    %add3A_10 = arith.addi %broadcast_in_dim3A_7, %add3A_9 : vector<16xi32>
    %gather3A = tpu.vector_load_idx %arg29[%add3A_10] : memref<16xf32, #tpu.memory_space<vmem>>[vector<16xi32>], vector<16xf32>,
    %add3A_11 = arith.constant 1 : i32
    %add3A_12 = vector.broadcast %add3A_11 : i32 to vector<16xi32>
    %add3A_13 = arith.addi %broadcast_in_dim3A_7, %add3A_12 : vector<16xi32>
    %gather3A_14 = tpu.vector_load_idx %arg29[%add3A_13] : memref<16xf32, #tpu.memory_space<vmem>>[vector<16xi32>], vector<16xf32>,
    %add3A_15 = arith.constant 2 : i32
    %add3A_16 = vector.broadcast %add3A_15 : i32 to vector<16xi32>
    %add3A_17 = arith.addi %broadcast_in_dim3A_7, %add3A_16 : vector<16xi32>
    %gather3A_18 = tpu.vector_load_idx %arg29[%add3A_17] : memref<16xf32, #tpu.memory_space<vmem>>[vector<16xi32>], vector<16xf32>,
    %add3A_19 = arith.constant 3 : i32
    %add3A_20 = vector.broadcast %add3A_19 : i32 to vector<16xi32>
    %add3A_21 = arith.addi %broadcast_in_dim3A_7, %add3A_20 : vector<16xi32>
    %gather3A_22 = tpu.vector_load_idx %arg29[%add3A_21] : memref<16xf32, #tpu.memory_space<vmem>>[vector<16xi32>], vector<16xf32>,
    %add3A_23 = arith.constant 4 : i32
    %add3A_24 = vector.broadcast %add3A_23 : i32 to vector<16xi32>
    %add3A_25 = arith.addi %broadcast_in_dim3A_7, %add3A_24 : vector<16xi32>
    %gather3A_26 = tpu.vector_load_idx %arg29[%add3A_25] : memref<16xf32, #tpu.memory_space<vmem>>[vector<16xi32>], vector<16xf32>,
    %add3A_27 = arith.constant 5 : i32
    %add3A_28 = vector.broadcast %add3A_27 : i32 to vector<16xi32>
    %add3A_29 = arith.addi %broadcast_in_dim3A_7, %add3A_28 : vector<16xi32>
    %gather3A_30 = tpu.vector_load_idx %arg29[%add3A_29] : memref<16xf32, #tpu.memory_space<vmem>>[vector<16xi32>], vector<16xf32>,
    %add3A_31 = arith.constant 6 : i32
    %add3A_32 = vector.broadcast %add3A_31 : i32 to vector<16xi32>
    %add3A_33 = arith.addi %broadcast_in_dim3A_7, %add3A_32 : vector<16xi32>
    %gather3A_34 = tpu.vector_load_idx %arg29[%add3A_33] : memref<16xf32, #tpu.memory_space<vmem>>[vector<16xi32>], vector<16xf32>,
    %add3A_35 = arith.constant 7 : i32
    %add3A_36 = vector.broadcast %add3A_35 : i32 to vector<16xi32>
    %add3A_37 = arith.addi %broadcast_in_dim3A_7, %add3A_36 : vector<16xi32>
    %gather3A_38 = tpu.vector_load_idx %arg29[%add3A_37] : memref<16xf32, #tpu.memory_space<vmem>>[vector<16xi32>], vector<16xf32>,
    %add3A_39 = arith.constant 8 : i32
    %add3A_40 = vector.broadcast %add3A_39 : i32 to vector<16xi32>
    %add3A_41 = arith.addi %broadcast_in_dim3A_7, %add3A_40 : vector<16xi32>
    %gather3A_42 = tpu.vector_load_idx %arg29[%add3A_41] : memref<16xf32, #tpu.memory_space<vmem>>[vector<16xi32>], vector<16xf32>,
    %iota3A = tpu.iota {dimensions = array<i32: 0>} : vector<16xi32>
    %add3A_43 = arith.constant 0 : i32
    %add3A_44 = arith.addi %mul3A_2, %add3A_43 : i32
    %dma_start3A = tpu.memref_slice %arg3[%add3A_44] : memref<6400000xi32, #tpu.memory_space<hbm>> -> memref<128xi32, #tpu.memory_space<hbm>>
    %dma_start3A_45 = tpu.memref_slice %arg3[%add3A_44] : memref<6400000xi32, #tpu.memory_space<hbm>> -> memref<128xi32, #tpu.memory_space<hbm>>
    tpu.enqueue_dma source(%dma_start3A_45 : memref<128xi32, #tpu.memory_space<hbm>>) target(%arg12 : memref<128xi32, #tpu.memory_space<vmem>>) target_semaphore(%arg30 : memref<!tpu.dma_semaphore, #tpu.memory_space<semaphore_mem>>)
    %dma_start3A_46 = tpu.memref_slice %arg4[%add3A_44] : memref<6400000xi32, #tpu.memory_space<hbm>> -> memref<128xi32, #tpu.memory_space<hbm>>
    %dma_start3A_47 = tpu.memref_slice %arg4[%add3A_44] : memref<6400000xi32, #tpu.memory_space<hbm>> -> memref<128xi32, #tpu.memory_space<hbm>>
    tpu.enqueue_dma source(%dma_start3A_47 : memref<128xi32, #tpu.memory_space<hbm>>) target(%arg14 : memref<128xi32, #tpu.memory_space<vmem>>) target_semaphore(%arg30 : memref<!tpu.dma_semaphore, #tpu.memory_space<semaphore_mem>>)
    %dma_start3A_48 = tpu.memref_slice %arg5[%add3A_44] : memref<6400000xi32, #tpu.memory_space<hbm>> -> memref<128xi32, #tpu.memory_space<hbm>>
    %dma_start3A_49 = tpu.memref_slice %arg5[%add3A_44] : memref<6400000xi32, #tpu.memory_space<hbm>> -> memref<128xi32, #tpu.memory_space<hbm>>
    tpu.enqueue_dma source(%dma_start3A_49 : memref<128xi32, #tpu.memory_space<hbm>>) target(%arg16 : memref<128xi32, #tpu.memory_space<vmem>>) target_semaphore(%arg30 : memref<!tpu.dma_semaphore, #tpu.memory_space<semaphore_mem>>)
    %dma_start3A_50 = tpu.memref_slice %arg6[%add3A_44] : memref<6400000xi32, #tpu.memory_space<hbm>> -> memref<128xi32, #tpu.memory_space<hbm>>
    %dma_start3A_51 = tpu.memref_slice %arg6[%add3A_44] : memref<6400000xi32, #tpu.memory_space<hbm>> -> memref<128xi32, #tpu.memory_space<hbm>>
    tpu.enqueue_dma source(%dma_start3A_51 : memref<128xi32, #tpu.memory_space<hbm>>) target(%arg18 : memref<128xi32, #tpu.memory_space<vmem>>) target_semaphore(%arg30 : memref<!tpu.dma_semaphore, #tpu.memory_space<semaphore_mem>>)
    %dma_start3A_52 = tpu.memref_slice %arg7[%add3A_44] : memref<6400000xi32, #tpu.memory_space<hbm>> -> memref<128xi32, #tpu.memory_space<hbm>>
    %dma_start3A_53 = tpu.memref_slice %arg7[%add3A_44] : memref<6400000xi32, #tpu.memory_space<hbm>> -> memref<128xi32, #tpu.memory_space<hbm>>
    tpu.enqueue_dma source(%dma_start3A_53 : memref<128xi32, #tpu.memory_space<hbm>>) target(%arg20 : memref<128xi32, #tpu.memory_space<vmem>>) target_semaphore(%arg30 : memref<!tpu.dma_semaphore, #tpu.memory_space<semaphore_mem>>)
    %add3A_54 = arith.constant 0 : i32
    %add3A_55 = arith.addi %mul3A_2, %add3A_54 : i32
    %dma_wait3A = tpu.memref_slice %arg3[%add3A_55] : memref<6400000xi32, #tpu.memory_space<hbm>> -> memref<128xi32, #tpu.memory_space<hbm>>
    %dma_wait3A_56 = tpu.memref_slice %arg3[%add3A_55] : memref<6400000xi32, #tpu.memory_space<hbm>> -> memref<128xi32, #tpu.memory_space<hbm>>
    tpu.wait_dma2 semaphore(%arg30 : memref<!tpu.dma_semaphore, #tpu.memory_space<semaphore_mem>>) src(%dma_wait3A_56 : memref<128xi32, #tpu.memory_space<hbm>>) dst(%arg12 : memref<128xi32, #tpu.memory_space<vmem>>)
    %dma_wait3A_57 = tpu.memref_slice %arg4[%add3A_55] : memref<6400000xi32, #tpu.memory_space<hbm>> -> memref<128xi32, #tpu.memory_space<hbm>>
    %dma_wait3A_58 = tpu.memref_slice %arg4[%add3A_55] : memref<6400000xi32, #tpu.memory_space<hbm>> -> memref<128xi32, #tpu.memory_space<hbm>>
    tpu.wait_dma2 semaphore(%arg30 : memref<!tpu.dma_semaphore, #tpu.memory_space<semaphore_mem>>) src(%dma_wait3A_58 : memref<128xi32, #tpu.memory_space<hbm>>) dst(%arg14 : memref<128xi32, #tpu.memory_space<vmem>>)
    %dma_wait3A_59 = tpu.memref_slice %arg5[%add3A_55] : memref<6400000xi32, #tpu.memory_space<hbm>> -> memref<128xi32, #tpu.memory_space<hbm>>
    %dma_wait3A_60 = tpu.memref_slice %arg5[%add3A_55] : memref<6400000xi32, #tpu.memory_space<hbm>> -> memref<128xi32, #tpu.memory_space<hbm>>
    tpu.wait_dma2 semaphore(%arg30 : memref<!tpu.dma_semaphore, #tpu.memory_space<semaphore_mem>>) src(%dma_wait3A_60 : memref<128xi32, #tpu.memory_space<hbm>>) dst(%arg16 : memref<128xi32, #tpu.memory_space<vmem>>)
    %dma_wait3A_61 = tpu.memref_slice %arg6[%add3A_55] : memref<6400000xi32, #tpu.memory_space<hbm>> -> memref<128xi32, #tpu.memory_space<hbm>>
    %dma_wait3A_62 = tpu.memref_slice %arg6[%add3A_55] : memref<6400000xi32, #tpu.memory_space<hbm>> -> memref<128xi32, #tpu.memory_space<hbm>>
    tpu.wait_dma2 semaphore(%arg30 : memref<!tpu.dma_semaphore, #tpu.memory_space<semaphore_mem>>) src(%dma_wait3A_62 : memref<128xi32, #tpu.memory_space<hbm>>) dst(%arg18 : memref<128xi32, #tpu.memory_space<vmem>>)
    %dma_wait3A_63 = tpu.memref_slice %arg7[%add3A_55] : memref<6400000xi32, #tpu.memory_space<hbm>> -> memref<128xi32, #tpu.memory_space<hbm>>
    %dma_wait3A_64 = tpu.memref_slice %arg7[%add3A_55] : memref<6400000xi32, #tpu.memory_space<hbm>> -> memref<128xi32, #tpu.memory_space<hbm>>
    tpu.wait_dma2 semaphore(%arg30 : memref<!tpu.dma_semaphore, #tpu.memory_space<semaphore_mem>>) src(%dma_wait3A_64 : memref<128xi32, #tpu.memory_space<hbm>>) dst(%arg20 : memref<128xi32, #tpu.memory_space<vmem>>)
    %dma_start3A_65 = arith.constant 0 : i32
    %dma_start3A_66 = arith.constant 0 : i32
    %dma_start3A_67 = tpu.memref_slice %arg2[%dma_start3A_65, %dma_start3A_66] : memref<100352x8xf32, #tpu.memory_space<hbm>> -> memref<100352x8xf32, #tpu.memory_space<hbm>>
    tpu.enqueue_indirect_dma source(%dma_start3A_67 : memref<100352x8xf32, #tpu.memory_space<hbm>>) target(%arg22 : memref<128x8xf32, #tpu.memory_space<vmem>>) offsets(%arg12 : memref<128xi32, #tpu.memory_space<vmem>>) semaphore(%arg32 : memref<!tpu.dma_semaphore, #tpu.memory_space<semaphore_mem>>)
    %dma_start3A_68 = arith.constant 0 : i32
    %dma_start3A_69 = arith.constant 0 : i32
    %dma_start3A_70 = tpu.memref_slice %arg2[%dma_start3A_68, %dma_start3A_69] : memref<100352x8xf32, #tpu.memory_space<hbm>> -> memref<100352x8xf32, #tpu.memory_space<hbm>>
    tpu.enqueue_indirect_dma source(%dma_start3A_70 : memref<100352x8xf32, #tpu.memory_space<hbm>>) target(%arg24 : memref<128x8xf32, #tpu.memory_space<vmem>>) offsets(%arg14 : memref<128xi32, #tpu.memory_space<vmem>>) semaphore(%arg34 : memref<!tpu.dma_semaphore, #tpu.memory_space<semaphore_mem>>)
    %add3A_71 = arith.constant 128 : i32
    %add3A_72 = arith.addi %mul3A_2, %add3A_71 : i32
    %dma_start3A_73 = tpu.memref_slice %arg3[%add3A_72] : memref<6400000xi32, #tpu.memory_space<hbm>> -> memref<128xi32, #tpu.memory_space<hbm>>
    %dma_start3A_74 = tpu.memref_slice %arg3[%add3A_72] : memref<6400000xi32, #tpu.memory_space<hbm>> -> memref<128xi32, #tpu.memory_space<hbm>>
    tpu.enqueue_dma source(%dma_start3A_74 : memref<128xi32, #tpu.memory_space<hbm>>) target(%arg13 : memref<128xi32, #tpu.memory_space<vmem>>) target_semaphore(%arg31 : memref<!tpu.dma_semaphore, #tpu.memory_space<semaphore_mem>>)
    %dma_start3A_75 = tpu.memref_slice %arg4[%add3A_72] : memref<6400000xi32, #tpu.memory_space<hbm>> -> memref<128xi32, #tpu.memory_space<hbm>>
    %dma_start3A_76 = tpu.memref_slice %arg4[%add3A_72] : memref<6400000xi32, #tpu.memory_space<hbm>> -> memref<128xi32, #tpu.memory_space<hbm>>
    tpu.enqueue_dma source(%dma_start3A_76 : memref<128xi32, #tpu.memory_space<hbm>>) target(%arg15 : memref<128xi32, #tpu.memory_space<vmem>>) target_semaphore(%arg31 : memref<!tpu.dma_semaphore, #tpu.memory_space<semaphore_mem>>)
    %dma_start3A_77 = tpu.memref_slice %arg5[%add3A_72] : memref<6400000xi32, #tpu.memory_space<hbm>> -> memref<128xi32, #tpu.memory_space<hbm>>
    %dma_start3A_78 = tpu.memref_slice %arg5[%add3A_72] : memref<6400000xi32, #tpu.memory_space<hbm>> -> memref<128xi32, #tpu.memory_space<hbm>>
    tpu.enqueue_dma source(%dma_start3A_78 : memref<128xi32, #tpu.memory_space<hbm>>) target(%arg17 : memref<128xi32, #tpu.memory_space<vmem>>) target_semaphore(%arg31 : memref<!tpu.dma_semaphore, #tpu.memory_space<semaphore_mem>>)
    %dma_start3A_79 = tpu.memref_slice %arg6[%add3A_72] : memref<6400000xi32, #tpu.memory_space<hbm>> -> memref<128xi32, #tpu.memory_space<hbm>>
    %dma_start3A_80 = tpu.memref_slice %arg6[%add3A_72] : memref<6400000xi32, #tpu.memory_space<hbm>> -> memref<128xi32, #tpu.memory_space<hbm>>
    tpu.enqueue_dma source(%dma_start3A_80 : memref<128xi32, #tpu.memory_space<hbm>>) target(%arg19 : memref<128xi32, #tpu.memory_space<vmem>>) target_semaphore(%arg31 : memref<!tpu.dma_semaphore, #tpu.memory_space<semaphore_mem>>)
    %dma_start3A_81 = tpu.memref_slice %arg7[%add3A_72] : memref<6400000xi32, #tpu.memory_space<hbm>> -> memref<128xi32, #tpu.memory_space<hbm>>
    %dma_start3A_82 = tpu.memref_slice %arg7[%add3A_72] : memref<6400000xi32, #tpu.memory_space<hbm>> -> memref<128xi32, #tpu.memory_space<hbm>>
    tpu.enqueue_dma source(%dma_start3A_82 : memref<128xi32, #tpu.memory_space<hbm>>) target(%arg21 : memref<128xi32, #tpu.memory_space<vmem>>) target_semaphore(%arg31 : memref<!tpu.dma_semaphore, #tpu.memory_space<semaphore_mem>>)
    %scan3A_83 = arith.constant 0 : i32
    %scan3A_84 = arith.constant 780 : i32
    %scan3A_85 = arith.addi %scan3A_83, %scan3A_84 : i32
    %scan3A_86 = arith.constant 1 : i32
    scf.for %scan3A_2000 = %scan3A_83 to %scan3A_85 step %scan3A_86  : i32 {
      %mul3A_2001 = arith.constant 2 : i32
      %mul3A_2002 = arith.muli %scan3A_2000, %mul3A_2001 : i32
      %add3A_2003 = arith.constant 0 : i32
      %add3A_2004 = arith.addi %add3A_2003, %mul3A_2002 : i32
      %add3A_2005 = arith.constant 0 : i32
      %add3A_2006 = arith.addi %add3A_2004, %add3A_2005 : i32
      %add3A_2007 = arith.constant 1 : i32
      %add3A_2008 = arith.addi %add3A_2006, %add3A_2007 : i32
      %mul3A_2009 = arith.constant 128 : i32
      %mul3A_2010 = arith.muli %add3A_2008, %mul3A_2009 : i32
      %add3A_2011 = arith.addi %mul3A_2, %mul3A_2010 : i32
      %dma_wait3A_2012 = tpu.memref_slice %arg3[%add3A_2011] : memref<6400000xi32, #tpu.memory_space<hbm>> -> memref<128xi32, #tpu.memory_space<hbm>>
      %dma_wait3A_2013 = tpu.memref_slice %arg3[%add3A_2011] : memref<6400000xi32, #tpu.memory_space<hbm>> -> memref<128xi32, #tpu.memory_space<hbm>>
      tpu.wait_dma2 semaphore(%arg31 : memref<!tpu.dma_semaphore, #tpu.memory_space<semaphore_mem>>) src(%dma_wait3A_2013 : memref<128xi32, #tpu.memory_space<hbm>>) dst(%arg13 : memref<128xi32, #tpu.memory_space<vmem>>)
      %dma_wait3A_2014 = tpu.memref_slice %arg4[%add3A_2011] : memref<6400000xi32, #tpu.memory_space<hbm>> -> memref<128xi32, #tpu.memory_space<hbm>>
      %dma_wait3A_2015 = tpu.memref_slice %arg4[%add3A_2011] : memref<6400000xi32, #tpu.memory_space<hbm>> -> memref<128xi32, #tpu.memory_space<hbm>>
      tpu.wait_dma2 semaphore(%arg31 : memref<!tpu.dma_semaphore, #tpu.memory_space<semaphore_mem>>) src(%dma_wait3A_2015 : memref<128xi32, #tpu.memory_space<hbm>>) dst(%arg15 : memref<128xi32, #tpu.memory_space<vmem>>)
      %dma_wait3A_2016 = tpu.memref_slice %arg5[%add3A_2011] : memref<6400000xi32, #tpu.memory_space<hbm>> -> memref<128xi32, #tpu.memory_space<hbm>>
      %dma_wait3A_2017 = tpu.memref_slice %arg5[%add3A_2011] : memref<6400000xi32, #tpu.memory_space<hbm>> -> memref<128xi32, #tpu.memory_space<hbm>>
      tpu.wait_dma2 semaphore(%arg31 : memref<!tpu.dma_semaphore, #tpu.memory_space<semaphore_mem>>) src(%dma_wait3A_2017 : memref<128xi32, #tpu.memory_space<hbm>>) dst(%arg17 : memref<128xi32, #tpu.memory_space<vmem>>)
      %dma_wait3A_2018 = tpu.memref_slice %arg6[%add3A_2011] : memref<6400000xi32, #tpu.memory_space<hbm>> -> memref<128xi32, #tpu.memory_space<hbm>>
      %dma_wait3A_2019 = tpu.memref_slice %arg6[%add3A_2011] : memref<6400000xi32, #tpu.memory_space<hbm>> -> memref<128xi32, #tpu.memory_space<hbm>>
      tpu.wait_dma2 semaphore(%arg31 : memref<!tpu.dma_semaphore, #tpu.memory_space<semaphore_mem>>) src(%dma_wait3A_2019 : memref<128xi32, #tpu.memory_space<hbm>>) dst(%arg19 : memref<128xi32, #tpu.memory_space<vmem>>)
      %dma_wait3A_2020 = tpu.memref_slice %arg7[%add3A_2011] : memref<6400000xi32, #tpu.memory_space<hbm>> -> memref<128xi32, #tpu.memory_space<hbm>>
      %dma_wait3A_2021 = tpu.memref_slice %arg7[%add3A_2011] : memref<6400000xi32, #tpu.memory_space<hbm>> -> memref<128xi32, #tpu.memory_space<hbm>>
      tpu.wait_dma2 semaphore(%arg31 : memref<!tpu.dma_semaphore, #tpu.memory_space<semaphore_mem>>) src(%dma_wait3A_2021 : memref<128xi32, #tpu.memory_space<hbm>>) dst(%arg21 : memref<128xi32, #tpu.memory_space<vmem>>)
      %dma_start3A_2022 = arith.constant 0 : i32
      %dma_start3A_2023 = arith.constant 0 : i32
      %dma_start3A_2024 = tpu.memref_slice %arg2[%dma_start3A_2022, %dma_start3A_2023] : memref<100352x8xf32, #tpu.memory_space<hbm>> -> memref<100352x8xf32, #tpu.memory_space<hbm>>
      tpu.enqueue_indirect_dma source(%dma_start3A_2024 : memref<100352x8xf32, #tpu.memory_space<hbm>>) target(%arg23 : memref<128x8xf32, #tpu.memory_space<vmem>>) offsets(%arg13 : memref<128xi32, #tpu.memory_space<vmem>>) semaphore(%arg33 : memref<!tpu.dma_semaphore, #tpu.memory_space<semaphore_mem>>)
      %dma_start3A_2025 = arith.constant 0 : i32
      %dma_start3A_2026 = arith.constant 0 : i32
      %dma_start3A_2027 = tpu.memref_slice %arg2[%dma_start3A_2025, %dma_start3A_2026] : memref<100352x8xf32, #tpu.memory_space<hbm>> -> memref<100352x8xf32, #tpu.memory_space<hbm>>
      tpu.enqueue_indirect_dma source(%dma_start3A_2027 : memref<100352x8xf32, #tpu.memory_space<hbm>>) target(%arg25 : memref<128x8xf32, #tpu.memory_space<vmem>>) offsets(%arg15 : memref<128xi32, #tpu.memory_space<vmem>>) semaphore(%arg35 : memref<!tpu.dma_semaphore, #tpu.memory_space<semaphore_mem>>)
      %dma_wait3A_2028 = arith.constant 0 : i32
      %dma_wait3A_2029 = arith.constant 0 : i32
      %dma_wait3A_2030 = tpu.memref_slice %arg2[%dma_wait3A_2028, %dma_wait3A_2029] : memref<100352x8xf32, #tpu.memory_space<hbm>> -> memref<100352x8xf32, #tpu.memory_space<hbm>>
      tpu.wait_indirect_dma semaphore(%arg32 : memref<!tpu.dma_semaphore, #tpu.memory_space<semaphore_mem>>) src(%dma_wait3A_2030 : memref<100352x8xf32, #tpu.memory_space<hbm>>) dst(%arg22 : memref<128x8xf32, #tpu.memory_space<vmem>>)
      %dma_wait3A_2031 = arith.constant 0 : i32
      %dma_wait3A_2032 = arith.constant 0 : i32
      %dma_wait3A_2033 = tpu.memref_slice %arg2[%dma_wait3A_2031, %dma_wait3A_2032] : memref<100352x8xf32, #tpu.memory_space<hbm>> -> memref<100352x8xf32, #tpu.memory_space<hbm>>
      tpu.wait_indirect_dma semaphore(%arg34 : memref<!tpu.dma_semaphore, #tpu.memory_space<semaphore_mem>>) src(%dma_wait3A_2033 : memref<100352x8xf32, #tpu.memory_space<hbm>>) dst(%arg24 : memref<128x8xf32, #tpu.memory_space<vmem>>)
      %add3A_2034 = arith.constant 0 : i32
      %add3A_2035 = vector.broadcast %add3A_2034 : i32 to vector<16xi32>
      %add3A_2036 = arith.addi %iota3A, %add3A_2035 : vector<16xi32>
      %broadcast_in_dim3A_2037 = arith.constant 0 : i32
      %broadcast_in_dim3A_2038 = vector.broadcast %broadcast_in_dim3A_2037 : i32 to vector<16xi32>
      %gather3A_2039 = tpu.vector_load_idx %arg22[%add3A_2036, %broadcast_in_dim3A_2038] : memref<128x8xf32, #tpu.memory_space<vmem>>[vector<16xi32>, vector<16xi32>], vector<16xf32>,
      %add3A_2040 = arith.constant 1 : i32
      %add3A_2041 = vector.broadcast %add3A_2040 : i32 to vector<16xi32>
      %add3A_2042 = arith.addi %broadcast_in_dim3A_2038, %add3A_2041 : vector<16xi32>
      %gather3A_2043 = tpu.vector_load_idx %arg22[%add3A_2036, %add3A_2042] : memref<128x8xf32, #tpu.memory_space<vmem>>[vector<16xi32>, vector<16xi32>], vector<16xf32>,
      %add3A_2044 = arith.constant 2 : i32
      %add3A_2045 = vector.broadcast %add3A_2044 : i32 to vector<16xi32>
      %add3A_2046 = arith.addi %broadcast_in_dim3A_2038, %add3A_2045 : vector<16xi32>
      %gather3A_2047 = tpu.vector_load_idx %arg22[%add3A_2036, %add3A_2046] : memref<128x8xf32, #tpu.memory_space<vmem>>[vector<16xi32>, vector<16xi32>], vector<16xf32>,
      %add3A_2048 = arith.constant 3 : i32
      %add3A_2049 = vector.broadcast %add3A_2048 : i32 to vector<16xi32>
      %add3A_2050 = arith.addi %broadcast_in_dim3A_2038, %add3A_2049 : vector<16xi32>
      %gather3A_2051 = tpu.vector_load_idx %arg22[%add3A_2036, %add3A_2050] : memref<128x8xf32, #tpu.memory_space<vmem>>[vector<16xi32>, vector<16xi32>], vector<16xf32>,
      %gather3A_2052 = tpu.vector_load_idx %arg24[%add3A_2036, %broadcast_in_dim3A_2038] : memref<128x8xf32, #tpu.memory_space<vmem>>[vector<16xi32>, vector<16xi32>], vector<16xf32>,
      %add3A_2053 = arith.constant 1 : i32
      %add3A_2054 = vector.broadcast %add3A_2053 : i32 to vector<16xi32>
      %add3A_2055 = arith.addi %broadcast_in_dim3A_2038, %add3A_2054 : vector<16xi32>
      %gather3A_2056 = tpu.vector_load_idx %arg24[%add3A_2036, %add3A_2055] : memref<128x8xf32, #tpu.memory_space<vmem>>[vector<16xi32>, vector<16xi32>], vector<16xf32>,
      %add3A_2057 = arith.constant 2 : i32
      %add3A_2058 = vector.broadcast %add3A_2057 : i32 to vector<16xi32>
      %add3A_2059 = arith.addi %broadcast_in_dim3A_2038, %add3A_2058 : vector<16xi32>
      %gather3A_2060 = tpu.vector_load_idx %arg24[%add3A_2036, %add3A_2059] : memref<128x8xf32, #tpu.memory_space<vmem>>[vector<16xi32>, vector<16xi32>], vector<16xf32>,
      %add3A_2061 = arith.constant 3 : i32
      %add3A_2062 = vector.broadcast %add3A_2061 : i32 to vector<16xi32>
      %add3A_2063 = arith.addi %broadcast_in_dim3A_2038, %add3A_2062 : vector<16xi32>
      %gather3A_2064 = tpu.vector_load_idx %arg24[%add3A_2036, %add3A_2063] : memref<128x8xf32, #tpu.memory_space<vmem>>[vector<16xi32>, vector<16xi32>], vector<16xf32>,
      %get3A_2065 = arith.constant 0 : index
      %get3A_2066 = tpu.vector_load %arg16[%get3A_2065] {strides = array<i32>} : memref<128xi32, #tpu.memory_space<vmem>>, vector<16xi32>,
      %convert_element_type3A_2067 = arith.sitofp %get3A_2066 : vector<16xi32> to vector<16xf32>
      %get3A_2068 = arith.constant 0 : index
      %get3A_2069 = tpu.vector_load %arg18[%get3A_2068] {strides = array<i32>} : memref<128xi32, #tpu.memory_space<vmem>>, vector<16xi32>,
      %convert_element_type3A_2070 = arith.sitofp %get3A_2069 : vector<16xi32> to vector<16xf32>
      %get3A_2071 = arith.constant 0 : index
      %get3A_2072 = tpu.vector_load %arg20[%get3A_2071] {strides = array<i32>} : memref<128xi32, #tpu.memory_space<vmem>>, vector<16xi32>,
      %convert_element_type3A_2073 = arith.sitofp %get3A_2072 : vector<16xi32> to vector<16xf32>
      %sub3A_2074 = arith.subf %gather3A_2052, %gather3A_2039 : vector<16xf32>
      %mul3A_2075 = arith.mulf %convert_element_type3A_2067, %gather3A : vector<16xf32>
      %add3A_2076 = arith.addf %sub3A_2074, %mul3A_2075 : vector<16xf32>
      %mul3A_2077 = arith.mulf %convert_element_type3A_2070, %gather3A_22 : vector<16xf32>
      %add3A_2078 = arith.addf %add3A_2076, %mul3A_2077 : vector<16xf32>
      %mul3A_2079 = arith.mulf %convert_element_type3A_2073, %gather3A_34 : vector<16xf32>
      %add3A_2080 = arith.addf %add3A_2078, %mul3A_2079 : vector<16xf32>
      %sub3A_2081 = arith.subf %gather3A_2056, %gather3A_2043 : vector<16xf32>
      %mul3A_2082 = arith.mulf %convert_element_type3A_2067, %gather3A_14 : vector<16xf32>
      %add3A_2083 = arith.addf %sub3A_2081, %mul3A_2082 : vector<16xf32>
      %mul3A_2084 = arith.mulf %convert_element_type3A_2070, %gather3A_26 : vector<16xf32>
      %add3A_2085 = arith.addf %add3A_2083, %mul3A_2084 : vector<16xf32>
      %mul3A_2086 = arith.mulf %convert_element_type3A_2073, %gather3A_38 : vector<16xf32>
      %add3A_2087 = arith.addf %add3A_2085, %mul3A_2086 : vector<16xf32>
      %sub3A_2088 = arith.subf %gather3A_2060, %gather3A_2047 : vector<16xf32>
      %mul3A_2089 = arith.mulf %convert_element_type3A_2067, %gather3A_18 : vector<16xf32>
      %add3A_2090 = arith.addf %sub3A_2088, %mul3A_2089 : vector<16xf32>
      %mul3A_2091 = arith.mulf %convert_element_type3A_2070, %gather3A_30 : vector<16xf32>
      %add3A_2092 = arith.addf %add3A_2090, %mul3A_2091 : vector<16xf32>
      %mul3A_2093 = arith.mulf %convert_element_type3A_2073, %gather3A_42 : vector<16xf32>
      %add3A_2094 = arith.addf %add3A_2092, %mul3A_2093 : vector<16xf32>
      %mul3A_2095 = arith.mulf %add3A_2080, %add3A_2080 : vector<16xf32>
      %mul3A_2096 = arith.mulf %add3A_2087, %add3A_2087 : vector<16xf32>
      %add3A_2097 = arith.addf %mul3A_2095, %mul3A_2096 : vector<16xf32>
      %mul3A_2098 = arith.mulf %add3A_2094, %add3A_2094 : vector<16xf32>
      %add3A_2099 = arith.addf %add3A_2097, %mul3A_2098 : vector<16xf32>
      %mul3A_2100 = arith.mulf %add3A_2099, %add3A_2099 : vector<16xf32>
      %mul3A_2101 = arith.mulf %mul3A_2100, %add3A_2099 : vector<16xf32>
      %mul3A_2102 = arith.constant 2.000000e+00 : f32
      %mul3A_2103 = vector.broadcast %mul3A_2102 : f32 to vector<16xf32>
      %mul3A_2104 = arith.mulf %gather3A_2051, %mul3A_2103 : vector<16xf32>
      %add3A_2105 = arith.addf %mul3A_2104, %gather3A_2064 : vector<16xf32>
      %convert_element_type3A_2106 = arith.fptosi %add3A_2105 : vector<16xf32> to vector<16xi32>
      %gather3A_2107 = tpu.vector_load_idx %arg28[%convert_element_type3A_2106] : memref<16xf32, #tpu.memory_space<vmem>>[vector<16xi32>], vector<16xf32>,
      %add3A_2108 = arith.constant 4 : i32
      %add3A_2109 = vector.broadcast %add3A_2108 : i32 to vector<16xi32>
      %add3A_2110 = arith.addi %convert_element_type3A_2106, %add3A_2109 : vector<16xi32>
      %gather3A_2111 = tpu.vector_load_idx %arg28[%add3A_2110] : memref<16xf32, #tpu.memory_space<vmem>>[vector<16xi32>], vector<16xf32>,
      %add3A_2112 = arith.constant 8 : i32
      %add3A_2113 = vector.broadcast %add3A_2112 : i32 to vector<16xi32>
      %add3A_2114 = arith.addi %convert_element_type3A_2106, %add3A_2113 : vector<16xi32>
      %gather3A_2115 = tpu.vector_load_idx %arg28[%add3A_2114] : memref<16xf32, #tpu.memory_space<vmem>>[vector<16xi32>], vector<16xf32>,
      %div3A_2116 = arith.divf %gather3A_2107, %mul3A_2101 : vector<16xf32>
      %sub3A_2117 = arith.constant 1.000000e+00 : f32
      %sub3A_2118 = vector.broadcast %sub3A_2117 : f32 to vector<16xf32>
      %sub3A_2119 = arith.subf %div3A_2116, %sub3A_2118 : vector<16xf32>
      %mul3A_2120 = arith.mulf %div3A_2116, %sub3A_2119 : vector<16xf32>
      %mul3A_2121 = arith.mulf %gather3A_2111, %mul3A_2120 : vector<16xf32>
      %sub3A_2122 = arith.subf %mul3A_2121, %gather3A_2115 : vector<16xf32>
      %get3A_2123 = arith.constant 0 : index
      %get3A_2124 = tpu.vector_load %arg12[%get3A_2123] {strides = array<i32>} : memref<128xi32, #tpu.memory_space<vmem>>, vector<16xi32>,
      %get3A_2125 = arith.constant 0 : index
      %get3A_2126 = tpu.vector_load %arg14[%get3A_2125] {strides = array<i32>} : memref<128xi32, #tpu.memory_space<vmem>>, vector<16xi32>,
      tpu.vector_store_idx %arg11[%get3A_2124], %sub3A_2122 {add = true} : memref<100352xf32, #tpu.memory_space<vmem>>[vector<16xi32>], vector<16xf32>,
      tpu.vector_store_idx %arg11[%get3A_2126], %sub3A_2122 {add = true} : memref<100352xf32, #tpu.memory_space<vmem>>[vector<16xi32>], vector<16xf32>,
      %add3A_2127 = arith.constant 16 : i32
      %add3A_2128 = vector.broadcast %add3A_2127 : i32 to vector<16xi32>
      %add3A_2129 = arith.addi %iota3A, %add3A_2128 : vector<16xi32>
      %broadcast_in_dim3A_2130 = arith.constant 0 : i32
      %broadcast_in_dim3A_2131 = vector.broadcast %broadcast_in_dim3A_2130 : i32 to vector<16xi32>
      %gather3A_2132 = tpu.vector_load_idx %arg22[%add3A_2129, %broadcast_in_dim3A_2131] : memref<128x8xf32, #tpu.memory_space<vmem>>[vector<16xi32>, vector<16xi32>], vector<16xf32>,
      %add3A_2133 = arith.constant 1 : i32
      %add3A_2134 = vector.broadcast %add3A_2133 : i32 to vector<16xi32>
      %add3A_2135 = arith.addi %broadcast_in_dim3A_2131, %add3A_2134 : vector<16xi32>
      %gather3A_2136 = tpu.vector_load_idx %arg22[%add3A_2129, %add3A_2135] : memref<128x8xf32, #tpu.memory_space<vmem>>[vector<16xi32>, vector<16xi32>], vector<16xf32>,
      %add3A_2137 = arith.constant 2 : i32
      %add3A_2138 = vector.broadcast %add3A_2137 : i32 to vector<16xi32>
      %add3A_2139 = arith.addi %broadcast_in_dim3A_2131, %add3A_2138 : vector<16xi32>
      %gather3A_2140 = tpu.vector_load_idx %arg22[%add3A_2129, %add3A_2139] : memref<128x8xf32, #tpu.memory_space<vmem>>[vector<16xi32>, vector<16xi32>], vector<16xf32>,
      %add3A_2141 = arith.constant 3 : i32
      %add3A_2142 = vector.broadcast %add3A_2141 : i32 to vector<16xi32>
      %add3A_2143 = arith.addi %broadcast_in_dim3A_2131, %add3A_2142 : vector<16xi32>
      %gather3A_2144 = tpu.vector_load_idx %arg22[%add3A_2129, %add3A_2143] : memref<128x8xf32, #tpu.memory_space<vmem>>[vector<16xi32>, vector<16xi32>], vector<16xf32>,
      %gather3A_2145 = tpu.vector_load_idx %arg24[%add3A_2129, %broadcast_in_dim3A_2131] : memref<128x8xf32, #tpu.memory_space<vmem>>[vector<16xi32>, vector<16xi32>], vector<16xf32>,
      %add3A_2146 = arith.constant 1 : i32
      %add3A_2147 = vector.broadcast %add3A_2146 : i32 to vector<16xi32>
      %add3A_2148 = arith.addi %broadcast_in_dim3A_2131, %add3A_2147 : vector<16xi32>
      %gather3A_2149 = tpu.vector_load_idx %arg24[%add3A_2129, %add3A_2148] : memref<128x8xf32, #tpu.memory_space<vmem>>[vector<16xi32>, vector<16xi32>], vector<16xf32>,
      %add3A_2150 = arith.constant 2 : i32
      %add3A_2151 = vector.broadcast %add3A_2150 : i32 to vector<16xi32>
      %add3A_2152 = arith.addi %broadcast_in_dim3A_2131, %add3A_2151 : vector<16xi32>
      %gather3A_2153 = tpu.vector_load_idx %arg24[%add3A_2129, %add3A_2152] : memref<128x8xf32, #tpu.memory_space<vmem>>[vector<16xi32>, vector<16xi32>], vector<16xf32>,
      %add3A_2154 = arith.constant 3 : i32
      %add3A_2155 = vector.broadcast %add3A_2154 : i32 to vector<16xi32>
      %add3A_2156 = arith.addi %broadcast_in_dim3A_2131, %add3A_2155 : vector<16xi32>
      %gather3A_2157 = tpu.vector_load_idx %arg24[%add3A_2129, %add3A_2156] : memref<128x8xf32, #tpu.memory_space<vmem>>[vector<16xi32>, vector<16xi32>], vector<16xf32>,
      %get3A_2158 = arith.constant 16 : index
      %get3A_2159 = tpu.vector_load %arg16[%get3A_2158] {strides = array<i32>} : memref<128xi32, #tpu.memory_space<vmem>>, vector<16xi32>,
      %convert_element_type3A_2160 = arith.sitofp %get3A_2159 : vector<16xi32> to vector<16xf32>
      %get3A_2161 = arith.constant 16 : index
      %get3A_2162 = tpu.vector_load %arg18[%get3A_2161] {strides = array<i32>} : memref<128xi32, #tpu.memory_space<vmem>>, vector<16xi32>,
      %convert_element_type3A_2163 = arith.sitofp %get3A_2162 : vector<16xi32> to vector<16xf32>
      %get3A_2164 = arith.constant 16 : index
      %get3A_2165 = tpu.vector_load %arg20[%get3A_2164] {strides = array<i32>} : memref<128xi32, #tpu.memory_space<vmem>>, vector<16xi32>,
      %convert_element_type3A_2166 = arith.sitofp %get3A_2165 : vector<16xi32> to vector<16xf32>
      %sub3A_2167 = arith.subf %gather3A_2145, %gather3A_2132 : vector<16xf32>
      %mul3A_2168 = arith.mulf %convert_element_type3A_2160, %gather3A : vector<16xf32>
      %add3A_2169 = arith.addf %sub3A_2167, %mul3A_2168 : vector<16xf32>
      %mul3A_2170 = arith.mulf %convert_element_type3A_2163, %gather3A_22 : vector<16xf32>
      %add3A_2171 = arith.addf %add3A_2169, %mul3A_2170 : vector<16xf32>
      %mul3A_2172 = arith.mulf %convert_element_type3A_2166, %gather3A_34 : vector<16xf32>
      %add3A_2173 = arith.addf %add3A_2171, %mul3A_2172 : vector<16xf32>
      %sub3A_2174 = arith.subf %gather3A_2149, %gather3A_2136 : vector<16xf32>
      %mul3A_2175 = arith.mulf %convert_element_type3A_2160, %gather3A_14 : vector<16xf32>
      %add3A_2176 = arith.addf %sub3A_2174, %mul3A_2175 : vector<16xf32>
      %mul3A_2177 = arith.mulf %convert_element_type3A_2163, %gather3A_26 : vector<16xf32>
      %add3A_2178 = arith.addf %add3A_2176, %mul3A_2177 : vector<16xf32>
      %mul3A_2179 = arith.mulf %convert_element_type3A_2166, %gather3A_38 : vector<16xf32>
      %add3A_2180 = arith.addf %add3A_2178, %mul3A_2179 : vector<16xf32>
      %sub3A_2181 = arith.subf %gather3A_2153, %gather3A_2140 : vector<16xf32>
      %mul3A_2182 = arith.mulf %convert_element_type3A_2160, %gather3A_18 : vector<16xf32>
      %add3A_2183 = arith.addf %sub3A_2181, %mul3A_2182 : vector<16xf32>
      %mul3A_2184 = arith.mulf %convert_element_type3A_2163, %gather3A_30 : vector<16xf32>
      %add3A_2185 = arith.addf %add3A_2183, %mul3A_2184 : vector<16xf32>
      %mul3A_2186 = arith.mulf %convert_element_type3A_2166, %gather3A_42 : vector<16xf32>
      %add3A_2187 = arith.addf %add3A_2185, %mul3A_2186 : vector<16xf32>
      %mul3A_2188 = arith.mulf %add3A_2173, %add3A_2173 : vector<16xf32>
      %mul3A_2189 = arith.mulf %add3A_2180, %add3A_2180 : vector<16xf32>
      %add3A_2190 = arith.addf %mul3A_2188, %mul3A_2189 : vector<16xf32>
      %mul3A_2191 = arith.mulf %add3A_2187, %add3A_2187 : vector<16xf32>
      %add3A_2192 = arith.addf %add3A_2190, %mul3A_2191 : vector<16xf32>
      %mul3A_2193 = arith.mulf %add3A_2192, %add3A_2192 : vector<16xf32>
      %mul3A_2194 = arith.mulf %mul3A_2193, %add3A_2192 : vector<16xf32>
      %mul3A_2195 = arith.constant 2.000000e+00 : f32
      %mul3A_2196 = vector.broadcast %mul3A_2195 : f32 to vector<16xf32>
      %mul3A_2197 = arith.mulf %gather3A_2144, %mul3A_2196 : vector<16xf32>
      %add3A_2198 = arith.addf %mul3A_2197, %gather3A_2157 : vector<16xf32>
      %convert_element_type3A_2199 = arith.fptosi %add3A_2198 : vector<16xf32> to vector<16xi32>
      %gather3A_2200 = tpu.vector_load_idx %arg28[%convert_element_type3A_2199] : memref<16xf32, #tpu.memory_space<vmem>>[vector<16xi32>], vector<16xf32>,
      %add3A_2201 = arith.constant 4 : i32
      %add3A_2202 = vector.broadcast %add3A_2201 : i32 to vector<16xi32>
      %add3A_2203 = arith.addi %convert_element_type3A_2199, %add3A_2202 : vector<16xi32>
      %gather3A_2204 = tpu.vector_load_idx %arg28[%add3A_2203] : memref<16xf32, #tpu.memory_space<vmem>>[vector<16xi32>], vector<16xf32>,
      %add3A_2205 = arith.constant 8 : i32
      %add3A_2206 = vector.broadcast %add3A_2205 : i32 to vector<16xi32>
      %add3A_2207 = arith.addi %convert_element_type3A_2199, %add3A_2206 : vector<16xi32>
      %gather3A_2208 = tpu.vector_load_idx %arg28[%add3A_2207] : memref<16xf32, #tpu.memory_space<vmem>>[vector<16xi32>], vector<16xf32>,
      %div3A_2209 = arith.divf %gather3A_2200, %mul3A_2194 : vector<16xf32>
      %sub3A_2210 = arith.constant 1.000000e+00 : f32
      %sub3A_2211 = vector.broadcast %sub3A_2210 : f32 to vector<16xf32>
      %sub3A_2212 = arith.subf %div3A_2209, %sub3A_2211 : vector<16xf32>
      %mul3A_2213 = arith.mulf %div3A_2209, %sub3A_2212 : vector<16xf32>
      %mul3A_2214 = arith.mulf %gather3A_2204, %mul3A_2213 : vector<16xf32>
      %sub3A_2215 = arith.subf %mul3A_2214, %gather3A_2208 : vector<16xf32>
      %get3A_2216 = arith.constant 16 : index
      %get3A_2217 = tpu.vector_load %arg12[%get3A_2216] {strides = array<i32>} : memref<128xi32, #tpu.memory_space<vmem>>, vector<16xi32>,
      %get3A_2218 = arith.constant 16 : index
      %get3A_2219 = tpu.vector_load %arg14[%get3A_2218] {strides = array<i32>} : memref<128xi32, #tpu.memory_space<vmem>>, vector<16xi32>,
      tpu.vector_store_idx %arg11[%get3A_2217], %sub3A_2215 {add = true} : memref<100352xf32, #tpu.memory_space<vmem>>[vector<16xi32>], vector<16xf32>,
      tpu.vector_store_idx %arg11[%get3A_2219], %sub3A_2215 {add = true} : memref<100352xf32, #tpu.memory_space<vmem>>[vector<16xi32>], vector<16xf32>,
      %add3A_2220 = arith.constant 32 : i32
      %add3A_2221 = vector.broadcast %add3A_2220 : i32 to vector<16xi32>
      %add3A_2222 = arith.addi %iota3A, %add3A_2221 : vector<16xi32>
      %broadcast_in_dim3A_2223 = arith.constant 0 : i32
      %broadcast_in_dim3A_2224 = vector.broadcast %broadcast_in_dim3A_2223 : i32 to vector<16xi32>
      %gather3A_2225 = tpu.vector_load_idx %arg22[%add3A_2222, %broadcast_in_dim3A_2224] : memref<128x8xf32, #tpu.memory_space<vmem>>[vector<16xi32>, vector<16xi32>], vector<16xf32>,
      %add3A_2226 = arith.constant 1 : i32
      %add3A_2227 = vector.broadcast %add3A_2226 : i32 to vector<16xi32>
      %add3A_2228 = arith.addi %broadcast_in_dim3A_2224, %add3A_2227 : vector<16xi32>
      %gather3A_2229 = tpu.vector_load_idx %arg22[%add3A_2222, %add3A_2228] : memref<128x8xf32, #tpu.memory_space<vmem>>[vector<16xi32>, vector<16xi32>], vector<16xf32>,
      %add3A_2230 = arith.constant 2 : i32
      %add3A_2231 = vector.broadcast %add3A_2230 : i32 to vector<16xi32>
      %add3A_2232 = arith.addi %broadcast_in_dim3A_2224, %add3A_2231 : vector<16xi32>
      %gather3A_2233 = tpu.vector_load_idx %arg22[%add3A_2222, %add3A_2232] : memref<128x8xf32, #tpu.memory_space<vmem>>[vector<16xi32>, vector<16xi32>], vector<16xf32>,
      %add3A_2234 = arith.constant 3 : i32
      %add3A_2235 = vector.broadcast %add3A_2234 : i32 to vector<16xi32>
      %add3A_2236 = arith.addi %broadcast_in_dim3A_2224, %add3A_2235 : vector<16xi32>
      %gather3A_2237 = tpu.vector_load_idx %arg22[%add3A_2222, %add3A_2236] : memref<128x8xf32, #tpu.memory_space<vmem>>[vector<16xi32>, vector<16xi32>], vector<16xf32>,
      %gather3A_2238 = tpu.vector_load_idx %arg24[%add3A_2222, %broadcast_in_dim3A_2224] : memref<128x8xf32, #tpu.memory_space<vmem>>[vector<16xi32>, vector<16xi32>], vector<16xf32>,
      %add3A_2239 = arith.constant 1 : i32
      %add3A_2240 = vector.broadcast %add3A_2239 : i32 to vector<16xi32>
      %add3A_2241 = arith.addi %broadcast_in_dim3A_2224, %add3A_2240 : vector<16xi32>
      %gather3A_2242 = tpu.vector_load_idx %arg24[%add3A_2222, %add3A_2241] : memref<128x8xf32, #tpu.memory_space<vmem>>[vector<16xi32>, vector<16xi32>], vector<16xf32>,
      %add3A_2243 = arith.constant 2 : i32
      %add3A_2244 = vector.broadcast %add3A_2243 : i32 to vector<16xi32>
      %add3A_2245 = arith.addi %broadcast_in_dim3A_2224, %add3A_2244 : vector<16xi32>
      %gather3A_2246 = tpu.vector_load_idx %arg24[%add3A_2222, %add3A_2245] : memref<128x8xf32, #tpu.memory_space<vmem>>[vector<16xi32>, vector<16xi32>], vector<16xf32>,
      %add3A_2247 = arith.constant 3 : i32
      %add3A_2248 = vector.broadcast %add3A_2247 : i32 to vector<16xi32>
      %add3A_2249 = arith.addi %broadcast_in_dim3A_2224, %add3A_2248 : vector<16xi32>
      %gather3A_2250 = tpu.vector_load_idx %arg24[%add3A_2222, %add3A_2249] : memref<128x8xf32, #tpu.memory_space<vmem>>[vector<16xi32>, vector<16xi32>], vector<16xf32>,
      %get3A_2251 = arith.constant 32 : index
      %get3A_2252 = tpu.vector_load %arg16[%get3A_2251] {strides = array<i32>} : memref<128xi32, #tpu.memory_space<vmem>>, vector<16xi32>,
      %convert_element_type3A_2253 = arith.sitofp %get3A_2252 : vector<16xi32> to vector<16xf32>
      %get3A_2254 = arith.constant 32 : index
      %get3A_2255 = tpu.vector_load %arg18[%get3A_2254] {strides = array<i32>} : memref<128xi32, #tpu.memory_space<vmem>>, vector<16xi32>,
      %convert_element_type3A_2256 = arith.sitofp %get3A_2255 : vector<16xi32> to vector<16xf32>
      %get3A_2257 = arith.constant 32 : index
      %get3A_2258 = tpu.vector_load %arg20[%get3A_2257] {strides = array<i32>} : memref<128xi32, #tpu.memory_space<vmem>>, vector<16xi32>,
      %convert_element_type3A_2259 = arith.sitofp %get3A_2258 : vector<16xi32> to vector<16xf32>
      %sub3A_2260 = arith.subf %gather3A_2238, %gather3A_2225 : vector<16xf32>
      %mul3A_2261 = arith.mulf %convert_element_type3A_2253, %gather3A : vector<16xf32>
      %add3A_2262 = arith.addf %sub3A_2260, %mul3A_2261 : vector<16xf32>
      %mul3A_2263 = arith.mulf %convert_element_type3A_2256, %gather3A_22 : vector<16xf32>
      %add3A_2264 = arith.addf %add3A_2262, %mul3A_2263 : vector<16xf32>
      %mul3A_2265 = arith.mulf %convert_element_type3A_2259, %gather3A_34 : vector<16xf32>
      %add3A_2266 = arith.addf %add3A_2264, %mul3A_2265 : vector<16xf32>
      %sub3A_2267 = arith.subf %gather3A_2242, %gather3A_2229 : vector<16xf32>
      %mul3A_2268 = arith.mulf %convert_element_type3A_2253, %gather3A_14 : vector<16xf32>
      %add3A_2269 = arith.addf %sub3A_2267, %mul3A_2268 : vector<16xf32>
      %mul3A_2270 = arith.mulf %convert_element_type3A_2256, %gather3A_26 : vector<16xf32>
      %add3A_2271 = arith.addf %add3A_2269, %mul3A_2270 : vector<16xf32>
      %mul3A_2272 = arith.mulf %convert_element_type3A_2259, %gather3A_38 : vector<16xf32>
      %add3A_2273 = arith.addf %add3A_2271, %mul3A_2272 : vector<16xf32>
      %sub3A_2274 = arith.subf %gather3A_2246, %gather3A_2233 : vector<16xf32>
      %mul3A_2275 = arith.mulf %convert_element_type3A_2253, %gather3A_18 : vector<16xf32>
      %add3A_2276 = arith.addf %sub3A_2274, %mul3A_2275 : vector<16xf32>
      %mul3A_2277 = arith.mulf %convert_element_type3A_2256, %gather3A_30 : vector<16xf32>
      %add3A_2278 = arith.addf %add3A_2276, %mul3A_2277 : vector<16xf32>
      %mul3A_2279 = arith.mulf %convert_element_type3A_2259, %gather3A_42 : vector<16xf32>
      %add3A_2280 = arith.addf %add3A_2278, %mul3A_2279 : vector<16xf32>
      %mul3A_2281 = arith.mulf %add3A_2266, %add3A_2266 : vector<16xf32>
      %mul3A_2282 = arith.mulf %add3A_2273, %add3A_2273 : vector<16xf32>
      %add3A_2283 = arith.addf %mul3A_2281, %mul3A_2282 : vector<16xf32>
      %mul3A_2284 = arith.mulf %add3A_2280, %add3A_2280 : vector<16xf32>
      %add3A_2285 = arith.addf %add3A_2283, %mul3A_2284 : vector<16xf32>
      %mul3A_2286 = arith.mulf %add3A_2285, %add3A_2285 : vector<16xf32>
      %mul3A_2287 = arith.mulf %mul3A_2286, %add3A_2285 : vector<16xf32>
      %mul3A_2288 = arith.constant 2.000000e+00 : f32
      %mul3A_2289 = vector.broadcast %mul3A_2288 : f32 to vector<16xf32>
      %mul3A_2290 = arith.mulf %gather3A_2237, %mul3A_2289 : vector<16xf32>
      %add3A_2291 = arith.addf %mul3A_2290, %gather3A_2250 : vector<16xf32>
      %convert_element_type3A_2292 = arith.fptosi %add3A_2291 : vector<16xf32> to vector<16xi32>
      %gather3A_2293 = tpu.vector_load_idx %arg28[%convert_element_type3A_2292] : memref<16xf32, #tpu.memory_space<vmem>>[vector<16xi32>], vector<16xf32>,
      %add3A_2294 = arith.constant 4 : i32
      %add3A_2295 = vector.broadcast %add3A_2294 : i32 to vector<16xi32>
      %add3A_2296 = arith.addi %convert_element_type3A_2292, %add3A_2295 : vector<16xi32>
      %gather3A_2297 = tpu.vector_load_idx %arg28[%add3A_2296] : memref<16xf32, #tpu.memory_space<vmem>>[vector<16xi32>], vector<16xf32>,
      %add3A_2298 = arith.constant 8 : i32
      %add3A_2299 = vector.broadcast %add3A_2298 : i32 to vector<16xi32>
      %add3A_2300 = arith.addi %convert_element_type3A_2292, %add3A_2299 : vector<16xi32>
      %gather3A_2301 = tpu.vector_load_idx %arg28[%add3A_2300] : memref<16xf32, #tpu.memory_space<vmem>>[vector<16xi32>], vector<16xf32>,
      %div3A_2302 = arith.divf %gather3A_2293, %mul3A_2287 : vector<16xf32>
      %sub3A_2303 = arith.constant 1.000000e+00 : f32
      %sub3A_2304 = vector.broadcast %sub3A_2303 : f32 to vector<16xf32>
      %sub3A_2305 = arith.subf %div3A_2302, %sub3A_2304 : vector<16xf32>
      %mul3A_2306 = arith.mulf %div3A_2302, %sub3A_2305 : vector<16xf32>
      %mul3A_2307 = arith.mulf %gather3A_2297, %mul3A_2306 : vector<16xf32>
      %sub3A_2308 = arith.subf %mul3A_2307, %gather3A_2301 : vector<16xf32>
      %get3A_2309 = arith.constant 32 : index
      %get3A_2310 = tpu.vector_load %arg12[%get3A_2309] {strides = array<i32>} : memref<128xi32, #tpu.memory_space<vmem>>, vector<16xi32>,
      %get3A_2311 = arith.constant 32 : index
      %get3A_2312 = tpu.vector_load %arg14[%get3A_2311] {strides = array<i32>} : memref<128xi32, #tpu.memory_space<vmem>>, vector<16xi32>,
      tpu.vector_store_idx %arg11[%get3A_2310], %sub3A_2308 {add = true} : memref<100352xf32, #tpu.memory_space<vmem>>[vector<16xi32>], vector<16xf32>,
      tpu.vector_store_idx %arg11[%get3A_2312], %sub3A_2308 {add = true} : memref<100352xf32, #tpu.memory_space<vmem>>[vector<16xi32>], vector<16xf32>,
      %add3A_2313 = arith.constant 48 : i32
      %add3A_2314 = vector.broadcast %add3A_2313 : i32 to vector<16xi32>
      %add3A_2315 = arith.addi %iota3A, %add3A_2314 : vector<16xi32>
      %broadcast_in_dim3A_2316 = arith.constant 0 : i32
      %broadcast_in_dim3A_2317 = vector.broadcast %broadcast_in_dim3A_2316 : i32 to vector<16xi32>
      %gather3A_2318 = tpu.vector_load_idx %arg22[%add3A_2315, %broadcast_in_dim3A_2317] : memref<128x8xf32, #tpu.memory_space<vmem>>[vector<16xi32>, vector<16xi32>], vector<16xf32>,
      %add3A_2319 = arith.constant 1 : i32
      %add3A_2320 = vector.broadcast %add3A_2319 : i32 to vector<16xi32>
      %add3A_2321 = arith.addi %broadcast_in_dim3A_2317, %add3A_2320 : vector<16xi32>
      %gather3A_2322 = tpu.vector_load_idx %arg22[%add3A_2315, %add3A_2321] : memref<128x8xf32, #tpu.memory_space<vmem>>[vector<16xi32>, vector<16xi32>], vector<16xf32>,
      %add3A_2323 = arith.constant 2 : i32
      %add3A_2324 = vector.broadcast %add3A_2323 : i32 to vector<16xi32>
      %add3A_2325 = arith.addi %broadcast_in_dim3A_2317, %add3A_2324 : vector<16xi32>
      %gather3A_2326 = tpu.vector_load_idx %arg22[%add3A_2315, %add3A_2325] : memref<128x8xf32, #tpu.memory_space<vmem>>[vector<16xi32>, vector<16xi32>], vector<16xf32>,
      %add3A_2327 = arith.constant 3 : i32
      %add3A_2328 = vector.broadcast %add3A_2327 : i32 to vector<16xi32>
      %add3A_2329 = arith.addi %broadcast_in_dim3A_2317, %add3A_2328 : vector<16xi32>
      %gather3A_2330 = tpu.vector_load_idx %arg22[%add3A_2315, %add3A_2329] : memref<128x8xf32, #tpu.memory_space<vmem>>[vector<16xi32>, vector<16xi32>], vector<16xf32>,
      %gather3A_2331 = tpu.vector_load_idx %arg24[%add3A_2315, %broadcast_in_dim3A_2317] : memref<128x8xf32, #tpu.memory_space<vmem>>[vector<16xi32>, vector<16xi32>], vector<16xf32>,
      %add3A_2332 = arith.constant 1 : i32
      %add3A_2333 = vector.broadcast %add3A_2332 : i32 to vector<16xi32>
      %add3A_2334 = arith.addi %broadcast_in_dim3A_2317, %add3A_2333 : vector<16xi32>
      %gather3A_2335 = tpu.vector_load_idx %arg24[%add3A_2315, %add3A_2334] : memref<128x8xf32, #tpu.memory_space<vmem>>[vector<16xi32>, vector<16xi32>], vector<16xf32>,
      %add3A_2336 = arith.constant 2 : i32
      %add3A_2337 = vector.broadcast %add3A_2336 : i32 to vector<16xi32>
      %add3A_2338 = arith.addi %broadcast_in_dim3A_2317, %add3A_2337 : vector<16xi32>
      %gather3A_2339 = tpu.vector_load_idx %arg24[%add3A_2315, %add3A_2338] : memref<128x8xf32, #tpu.memory_space<vmem>>[vector<16xi32>, vector<16xi32>], vector<16xf32>,
      %add3A_2340 = arith.constant 3 : i32
      %add3A_2341 = vector.broadcast %add3A_2340 : i32 to vector<16xi32>
      %add3A_2342 = arith.addi %broadcast_in_dim3A_2317, %add3A_2341 : vector<16xi32>
      %gather3A_2343 = tpu.vector_load_idx %arg24[%add3A_2315, %add3A_2342] : memref<128x8xf32, #tpu.memory_space<vmem>>[vector<16xi32>, vector<16xi32>], vector<16xf32>,
      %get3A_2344 = arith.constant 48 : index
      %get3A_2345 = tpu.vector_load %arg16[%get3A_2344] {strides = array<i32>} : memref<128xi32, #tpu.memory_space<vmem>>, vector<16xi32>,
      %convert_element_type3A_2346 = arith.sitofp %get3A_2345 : vector<16xi32> to vector<16xf32>
      %get3A_2347 = arith.constant 48 : index
      %get3A_2348 = tpu.vector_load %arg18[%get3A_2347] {strides = array<i32>} : memref<128xi32, #tpu.memory_space<vmem>>, vector<16xi32>,
      %convert_element_type3A_2349 = arith.sitofp %get3A_2348 : vector<16xi32> to vector<16xf32>
      %get3A_2350 = arith.constant 48 : index
      %get3A_2351 = tpu.vector_load %arg20[%get3A_2350] {strides = array<i32>} : memref<128xi32, #tpu.memory_space<vmem>>, vector<16xi32>,
      %convert_element_type3A_2352 = arith.sitofp %get3A_2351 : vector<16xi32> to vector<16xf32>
      %sub3A_2353 = arith.subf %gather3A_2331, %gather3A_2318 : vector<16xf32>
      %mul3A_2354 = arith.mulf %convert_element_type3A_2346, %gather3A : vector<16xf32>
      %add3A_2355 = arith.addf %sub3A_2353, %mul3A_2354 : vector<16xf32>
      %mul3A_2356 = arith.mulf %convert_element_type3A_2349, %gather3A_22 : vector<16xf32>
      %add3A_2357 = arith.addf %add3A_2355, %mul3A_2356 : vector<16xf32>
      %mul3A_2358 = arith.mulf %convert_element_type3A_2352, %gather3A_34 : vector<16xf32>
      %add3A_2359 = arith.addf %add3A_2357, %mul3A_2358 : vector<16xf32>
      %sub3A_2360 = arith.subf %gather3A_2335, %gather3A_2322 : vector<16xf32>
      %mul3A_2361 = arith.mulf %convert_element_type3A_2346, %gather3A_14 : vector<16xf32>
      %add3A_2362 = arith.addf %sub3A_2360, %mul3A_2361 : vector<16xf32>
      %mul3A_2363 = arith.mulf %convert_element_type3A_2349, %gather3A_26 : vector<16xf32>
      %add3A_2364 = arith.addf %add3A_2362, %mul3A_2363 : vector<16xf32>
      %mul3A_2365 = arith.mulf %convert_element_type3A_2352, %gather3A_38 : vector<16xf32>
      %add3A_2366 = arith.addf %add3A_2364, %mul3A_2365 : vector<16xf32>
      %sub3A_2367 = arith.subf %gather3A_2339, %gather3A_2326 : vector<16xf32>
      %mul3A_2368 = arith.mulf %convert_element_type3A_2346, %gather3A_18 : vector<16xf32>
      %add3A_2369 = arith.addf %sub3A_2367, %mul3A_2368 : vector<16xf32>
      %mul3A_2370 = arith.mulf %convert_element_type3A_2349, %gather3A_30 : vector<16xf32>
      %add3A_2371 = arith.addf %add3A_2369, %mul3A_2370 : vector<16xf32>
      %mul3A_2372 = arith.mulf %convert_element_type3A_2352, %gather3A_42 : vector<16xf32>
      %add3A_2373 = arith.addf %add3A_2371, %mul3A_2372 : vector<16xf32>
      %mul3A_2374 = arith.mulf %add3A_2359, %add3A_2359 : vector<16xf32>
      %mul3A_2375 = arith.mulf %add3A_2366, %add3A_2366 : vector<16xf32>
      %add3A_2376 = arith.addf %mul3A_2374, %mul3A_2375 : vector<16xf32>
      %mul3A_2377 = arith.mulf %add3A_2373, %add3A_2373 : vector<16xf32>
      %add3A_2378 = arith.addf %add3A_2376, %mul3A_2377 : vector<16xf32>
      %mul3A_2379 = arith.mulf %add3A_2378, %add3A_2378 : vector<16xf32>
      %mul3A_2380 = arith.mulf %mul3A_2379, %add3A_2378 : vector<16xf32>
      %mul3A_2381 = arith.constant 2.000000e+00 : f32
      %mul3A_2382 = vector.broadcast %mul3A_2381 : f32 to vector<16xf32>
      %mul3A_2383 = arith.mulf %gather3A_2330, %mul3A_2382 : vector<16xf32>
      %add3A_2384 = arith.addf %mul3A_2383, %gather3A_2343 : vector<16xf32>
      %convert_element_type3A_2385 = arith.fptosi %add3A_2384 : vector<16xf32> to vector<16xi32>
      %gather3A_2386 = tpu.vector_load_idx %arg28[%convert_element_type3A_2385] : memref<16xf32, #tpu.memory_space<vmem>>[vector<16xi32>], vector<16xf32>,
      %add3A_2387 = arith.constant 4 : i32
      %add3A_2388 = vector.broadcast %add3A_2387 : i32 to vector<16xi32>
      %add3A_2389 = arith.addi %convert_element_type3A_2385, %add3A_2388 : vector<16xi32>
      %gather3A_2390 = tpu.vector_load_idx %arg28[%add3A_2389] : memref<16xf32, #tpu.memory_space<vmem>>[vector<16xi32>], vector<16xf32>,
      %add3A_2391 = arith.constant 8 : i32
      %add3A_2392 = vector.broadcast %add3A_2391 : i32 to vector<16xi32>
      %add3A_2393 = arith.addi %convert_element_type3A_2385, %add3A_2392 : vector<16xi32>
      %gather3A_2394 = tpu.vector_load_idx %arg28[%add3A_2393] : memref<16xf32, #tpu.memory_space<vmem>>[vector<16xi32>], vector<16xf32>,
      %div3A_2395 = arith.divf %gather3A_2386, %mul3A_2380 : vector<16xf32>
      %sub3A_2396 = arith.constant 1.000000e+00 : f32
      %sub3A_2397 = vector.broadcast %sub3A_2396 : f32 to vector<16xf32>
      %sub3A_2398 = arith.subf %div3A_2395, %sub3A_2397 : vector<16xf32>
      %mul3A_2399 = arith.mulf %div3A_2395, %sub3A_2398 : vector<16xf32>
      %mul3A_2400 = arith.mulf %gather3A_2390, %mul3A_2399 : vector<16xf32>
      %sub3A_2401 = arith.subf %mul3A_2400, %gather3A_2394 : vector<16xf32>
      %get3A_2402 = arith.constant 48 : index
      %get3A_2403 = tpu.vector_load %arg12[%get3A_2402] {strides = array<i32>} : memref<128xi32, #tpu.memory_space<vmem>>, vector<16xi32>,
      %get3A_2404 = arith.constant 48 : index
      %get3A_2405 = tpu.vector_load %arg14[%get3A_2404] {strides = array<i32>} : memref<128xi32, #tpu.memory_space<vmem>>, vector<16xi32>,
      tpu.vector_store_idx %arg11[%get3A_2403], %sub3A_2401 {add = true} : memref<100352xf32, #tpu.memory_space<vmem>>[vector<16xi32>], vector<16xf32>,
      tpu.vector_store_idx %arg11[%get3A_2405], %sub3A_2401 {add = true} : memref<100352xf32, #tpu.memory_space<vmem>>[vector<16xi32>], vector<16xf32>,
      %add3A_2406 = arith.constant 64 : i32
      %add3A_2407 = vector.broadcast %add3A_2406 : i32 to vector<16xi32>
      %add3A_2408 = arith.addi %iota3A, %add3A_2407 : vector<16xi32>
      %broadcast_in_dim3A_2409 = arith.constant 0 : i32
      %broadcast_in_dim3A_2410 = vector.broadcast %broadcast_in_dim3A_2409 : i32 to vector<16xi32>
      %gather3A_2411 = tpu.vector_load_idx %arg22[%add3A_2408, %broadcast_in_dim3A_2410] : memref<128x8xf32, #tpu.memory_space<vmem>>[vector<16xi32>, vector<16xi32>], vector<16xf32>,
      %add3A_2412 = arith.constant 1 : i32
      %add3A_2413 = vector.broadcast %add3A_2412 : i32 to vector<16xi32>
      %add3A_2414 = arith.addi %broadcast_in_dim3A_2410, %add3A_2413 : vector<16xi32>
      %gather3A_2415 = tpu.vector_load_idx %arg22[%add3A_2408, %add3A_2414] : memref<128x8xf32, #tpu.memory_space<vmem>>[vector<16xi32>, vector<16xi32>], vector<16xf32>,
      %add3A_2416 = arith.constant 2 : i32
      %add3A_2417 = vector.broadcast %add3A_2416 : i32 to vector<16xi32>
      %add3A_2418 = arith.addi %broadcast_in_dim3A_2410, %add3A_2417 : vector<16xi32>
      %gather3A_2419 = tpu.vector_load_idx %arg22[%add3A_2408, %add3A_2418] : memref<128x8xf32, #tpu.memory_space<vmem>>[vector<16xi32>, vector<16xi32>], vector<16xf32>,
      %add3A_2420 = arith.constant 3 : i32
      %add3A_2421 = vector.broadcast %add3A_2420 : i32 to vector<16xi32>
      %add3A_2422 = arith.addi %broadcast_in_dim3A_2410, %add3A_2421 : vector<16xi32>
      %gather3A_2423 = tpu.vector_load_idx %arg22[%add3A_2408, %add3A_2422] : memref<128x8xf32, #tpu.memory_space<vmem>>[vector<16xi32>, vector<16xi32>], vector<16xf32>,
      %gather3A_2424 = tpu.vector_load_idx %arg24[%add3A_2408, %broadcast_in_dim3A_2410] : memref<128x8xf32, #tpu.memory_space<vmem>>[vector<16xi32>, vector<16xi32>], vector<16xf32>,
      %add3A_2425 = arith.constant 1 : i32
      %add3A_2426 = vector.broadcast %add3A_2425 : i32 to vector<16xi32>
      %add3A_2427 = arith.addi %broadcast_in_dim3A_2410, %add3A_2426 : vector<16xi32>
      %gather3A_2428 = tpu.vector_load_idx %arg24[%add3A_2408, %add3A_2427] : memref<128x8xf32, #tpu.memory_space<vmem>>[vector<16xi32>, vector<16xi32>], vector<16xf32>,
      %add3A_2429 = arith.constant 2 : i32
      %add3A_2430 = vector.broadcast %add3A_2429 : i32 to vector<16xi32>
      %add3A_2431 = arith.addi %broadcast_in_dim3A_2410, %add3A_2430 : vector<16xi32>
      %gather3A_2432 = tpu.vector_load_idx %arg24[%add3A_2408, %add3A_2431] : memref<128x8xf32, #tpu.memory_space<vmem>>[vector<16xi32>, vector<16xi32>], vector<16xf32>,
      %add3A_2433 = arith.constant 3 : i32
      %add3A_2434 = vector.broadcast %add3A_2433 : i32 to vector<16xi32>
      %add3A_2435 = arith.addi %broadcast_in_dim3A_2410, %add3A_2434 : vector<16xi32>
      %gather3A_2436 = tpu.vector_load_idx %arg24[%add3A_2408, %add3A_2435] : memref<128x8xf32, #tpu.memory_space<vmem>>[vector<16xi32>, vector<16xi32>], vector<16xf32>,
      %get3A_2437 = arith.constant 64 : index
      %get3A_2438 = tpu.vector_load %arg16[%get3A_2437] {strides = array<i32>} : memref<128xi32, #tpu.memory_space<vmem>>, vector<16xi32>,
      %convert_element_type3A_2439 = arith.sitofp %get3A_2438 : vector<16xi32> to vector<16xf32>
      %get3A_2440 = arith.constant 64 : index
      %get3A_2441 = tpu.vector_load %arg18[%get3A_2440] {strides = array<i32>} : memref<128xi32, #tpu.memory_space<vmem>>, vector<16xi32>,
      %convert_element_type3A_2442 = arith.sitofp %get3A_2441 : vector<16xi32> to vector<16xf32>
      %get3A_2443 = arith.constant 64 : index
      %get3A_2444 = tpu.vector_load %arg20[%get3A_2443] {strides = array<i32>} : memref<128xi32, #tpu.memory_space<vmem>>, vector<16xi32>,
      %convert_element_type3A_2445 = arith.sitofp %get3A_2444 : vector<16xi32> to vector<16xf32>
      %sub3A_2446 = arith.subf %gather3A_2424, %gather3A_2411 : vector<16xf32>
      %mul3A_2447 = arith.mulf %convert_element_type3A_2439, %gather3A : vector<16xf32>
      %add3A_2448 = arith.addf %sub3A_2446, %mul3A_2447 : vector<16xf32>
      %mul3A_2449 = arith.mulf %convert_element_type3A_2442, %gather3A_22 : vector<16xf32>
      %add3A_2450 = arith.addf %add3A_2448, %mul3A_2449 : vector<16xf32>
      %mul3A_2451 = arith.mulf %convert_element_type3A_2445, %gather3A_34 : vector<16xf32>
      %add3A_2452 = arith.addf %add3A_2450, %mul3A_2451 : vector<16xf32>
      %sub3A_2453 = arith.subf %gather3A_2428, %gather3A_2415 : vector<16xf32>
      %mul3A_2454 = arith.mulf %convert_element_type3A_2439, %gather3A_14 : vector<16xf32>
      %add3A_2455 = arith.addf %sub3A_2453, %mul3A_2454 : vector<16xf32>
      %mul3A_2456 = arith.mulf %convert_element_type3A_2442, %gather3A_26 : vector<16xf32>
      %add3A_2457 = arith.addf %add3A_2455, %mul3A_2456 : vector<16xf32>
      %mul3A_2458 = arith.mulf %convert_element_type3A_2445, %gather3A_38 : vector<16xf32>
      %add3A_2459 = arith.addf %add3A_2457, %mul3A_2458 : vector<16xf32>
      %sub3A_2460 = arith.subf %gather3A_2432, %gather3A_2419 : vector<16xf32>
      %mul3A_2461 = arith.mulf %convert_element_type3A_2439, %gather3A_18 : vector<16xf32>
      %add3A_2462 = arith.addf %sub3A_2460, %mul3A_2461 : vector<16xf32>
      %mul3A_2463 = arith.mulf %convert_element_type3A_2442, %gather3A_30 : vector<16xf32>
      %add3A_2464 = arith.addf %add3A_2462, %mul3A_2463 : vector<16xf32>
      %mul3A_2465 = arith.mulf %convert_element_type3A_2445, %gather3A_42 : vector<16xf32>
      %add3A_2466 = arith.addf %add3A_2464, %mul3A_2465 : vector<16xf32>
      %mul3A_2467 = arith.mulf %add3A_2452, %add3A_2452 : vector<16xf32>
      %mul3A_2468 = arith.mulf %add3A_2459, %add3A_2459 : vector<16xf32>
      %add3A_2469 = arith.addf %mul3A_2467, %mul3A_2468 : vector<16xf32>
      %mul3A_2470 = arith.mulf %add3A_2466, %add3A_2466 : vector<16xf32>
      %add3A_2471 = arith.addf %add3A_2469, %mul3A_2470 : vector<16xf32>
      %mul3A_2472 = arith.mulf %add3A_2471, %add3A_2471 : vector<16xf32>
      %mul3A_2473 = arith.mulf %mul3A_2472, %add3A_2471 : vector<16xf32>
      %mul3A_2474 = arith.constant 2.000000e+00 : f32
      %mul3A_2475 = vector.broadcast %mul3A_2474 : f32 to vector<16xf32>
      %mul3A_2476 = arith.mulf %gather3A_2423, %mul3A_2475 : vector<16xf32>
      %add3A_2477 = arith.addf %mul3A_2476, %gather3A_2436 : vector<16xf32>
      %convert_element_type3A_2478 = arith.fptosi %add3A_2477 : vector<16xf32> to vector<16xi32>
      %gather3A_2479 = tpu.vector_load_idx %arg28[%convert_element_type3A_2478] : memref<16xf32, #tpu.memory_space<vmem>>[vector<16xi32>], vector<16xf32>,
      %add3A_2480 = arith.constant 4 : i32
      %add3A_2481 = vector.broadcast %add3A_2480 : i32 to vector<16xi32>
      %add3A_2482 = arith.addi %convert_element_type3A_2478, %add3A_2481 : vector<16xi32>
      %gather3A_2483 = tpu.vector_load_idx %arg28[%add3A_2482] : memref<16xf32, #tpu.memory_space<vmem>>[vector<16xi32>], vector<16xf32>,
      %add3A_2484 = arith.constant 8 : i32
      %add3A_2485 = vector.broadcast %add3A_2484 : i32 to vector<16xi32>
      %add3A_2486 = arith.addi %convert_element_type3A_2478, %add3A_2485 : vector<16xi32>
      %gather3A_2487 = tpu.vector_load_idx %arg28[%add3A_2486] : memref<16xf32, #tpu.memory_space<vmem>>[vector<16xi32>], vector<16xf32>,
      %div3A_2488 = arith.divf %gather3A_2479, %mul3A_2473 : vector<16xf32>
      %sub3A_2489 = arith.constant 1.000000e+00 : f32
      %sub3A_2490 = vector.broadcast %sub3A_2489 : f32 to vector<16xf32>
      %sub3A_2491 = arith.subf %div3A_2488, %sub3A_2490 : vector<16xf32>
      %mul3A_2492 = arith.mulf %div3A_2488, %sub3A_2491 : vector<16xf32>
      %mul3A_2493 = arith.mulf %gather3A_2483, %mul3A_2492 : vector<16xf32>
      %sub3A_2494 = arith.subf %mul3A_2493, %gather3A_2487 : vector<16xf32>
      %get3A_2495 = arith.constant 64 : index
      %get3A_2496 = tpu.vector_load %arg12[%get3A_2495] {strides = array<i32>} : memref<128xi32, #tpu.memory_space<vmem>>, vector<16xi32>,
      %get3A_2497 = arith.constant 64 : index
      %get3A_2498 = tpu.vector_load %arg14[%get3A_2497] {strides = array<i32>} : memref<128xi32, #tpu.memory_space<vmem>>, vector<16xi32>,
      tpu.vector_store_idx %arg11[%get3A_2496], %sub3A_2494 {add = true} : memref<100352xf32, #tpu.memory_space<vmem>>[vector<16xi32>], vector<16xf32>,
      tpu.vector_store_idx %arg11[%get3A_2498], %sub3A_2494 {add = true} : memref<100352xf32, #tpu.memory_space<vmem>>[vector<16xi32>], vector<16xf32>,
      %add3A_2499 = arith.constant 80 : i32
      %add3A_2500 = vector.broadcast %add3A_2499 : i32 to vector<16xi32>
      %add3A_2501 = arith.addi %iota3A, %add3A_2500 : vector<16xi32>
      %broadcast_in_dim3A_2502 = arith.constant 0 : i32
      %broadcast_in_dim3A_2503 = vector.broadcast %broadcast_in_dim3A_2502 : i32 to vector<16xi32>
      %gather3A_2504 = tpu.vector_load_idx %arg22[%add3A_2501, %broadcast_in_dim3A_2503] : memref<128x8xf32, #tpu.memory_space<vmem>>[vector<16xi32>, vector<16xi32>], vector<16xf32>,
      %add3A_2505 = arith.constant 1 : i32
      %add3A_2506 = vector.broadcast %add3A_2505 : i32 to vector<16xi32>
      %add3A_2507 = arith.addi %broadcast_in_dim3A_2503, %add3A_2506 : vector<16xi32>
      %gather3A_2508 = tpu.vector_load_idx %arg22[%add3A_2501, %add3A_2507] : memref<128x8xf32, #tpu.memory_space<vmem>>[vector<16xi32>, vector<16xi32>], vector<16xf32>,
      %add3A_2509 = arith.constant 2 : i32
      %add3A_2510 = vector.broadcast %add3A_2509 : i32 to vector<16xi32>
      %add3A_2511 = arith.addi %broadcast_in_dim3A_2503, %add3A_2510 : vector<16xi32>
      %gather3A_2512 = tpu.vector_load_idx %arg22[%add3A_2501, %add3A_2511] : memref<128x8xf32, #tpu.memory_space<vmem>>[vector<16xi32>, vector<16xi32>], vector<16xf32>,
      %add3A_2513 = arith.constant 3 : i32
      %add3A_2514 = vector.broadcast %add3A_2513 : i32 to vector<16xi32>
      %add3A_2515 = arith.addi %broadcast_in_dim3A_2503, %add3A_2514 : vector<16xi32>
      %gather3A_2516 = tpu.vector_load_idx %arg22[%add3A_2501, %add3A_2515] : memref<128x8xf32, #tpu.memory_space<vmem>>[vector<16xi32>, vector<16xi32>], vector<16xf32>,
      %gather3A_2517 = tpu.vector_load_idx %arg24[%add3A_2501, %broadcast_in_dim3A_2503] : memref<128x8xf32, #tpu.memory_space<vmem>>[vector<16xi32>, vector<16xi32>], vector<16xf32>,
      %add3A_2518 = arith.constant 1 : i32
      %add3A_2519 = vector.broadcast %add3A_2518 : i32 to vector<16xi32>
      %add3A_2520 = arith.addi %broadcast_in_dim3A_2503, %add3A_2519 : vector<16xi32>
      %gather3A_2521 = tpu.vector_load_idx %arg24[%add3A_2501, %add3A_2520] : memref<128x8xf32, #tpu.memory_space<vmem>>[vector<16xi32>, vector<16xi32>], vector<16xf32>,
      %add3A_2522 = arith.constant 2 : i32
      %add3A_2523 = vector.broadcast %add3A_2522 : i32 to vector<16xi32>
      %add3A_2524 = arith.addi %broadcast_in_dim3A_2503, %add3A_2523 : vector<16xi32>
      %gather3A_2525 = tpu.vector_load_idx %arg24[%add3A_2501, %add3A_2524] : memref<128x8xf32, #tpu.memory_space<vmem>>[vector<16xi32>, vector<16xi32>], vector<16xf32>,
      %add3A_2526 = arith.constant 3 : i32
      %add3A_2527 = vector.broadcast %add3A_2526 : i32 to vector<16xi32>
      %add3A_2528 = arith.addi %broadcast_in_dim3A_2503, %add3A_2527 : vector<16xi32>
      %gather3A_2529 = tpu.vector_load_idx %arg24[%add3A_2501, %add3A_2528] : memref<128x8xf32, #tpu.memory_space<vmem>>[vector<16xi32>, vector<16xi32>], vector<16xf32>,
      %get3A_2530 = arith.constant 80 : index
      %get3A_2531 = tpu.vector_load %arg16[%get3A_2530] {strides = array<i32>} : memref<128xi32, #tpu.memory_space<vmem>>, vector<16xi32>,
      %convert_element_type3A_2532 = arith.sitofp %get3A_2531 : vector<16xi32> to vector<16xf32>
      %get3A_2533 = arith.constant 80 : index
      %get3A_2534 = tpu.vector_load %arg18[%get3A_2533] {strides = array<i32>} : memref<128xi32, #tpu.memory_space<vmem>>, vector<16xi32>,
      %convert_element_type3A_2535 = arith.sitofp %get3A_2534 : vector<16xi32> to vector<16xf32>
      %get3A_2536 = arith.constant 80 : index
      %get3A_2537 = tpu.vector_load %arg20[%get3A_2536] {strides = array<i32>} : memref<128xi32, #tpu.memory_space<vmem>>, vector<16xi32>,
      %convert_element_type3A_2538 = arith.sitofp %get3A_2537 : vector<16xi32> to vector<16xf32>
      %sub3A_2539 = arith.subf %gather3A_2517, %gather3A_2504 : vector<16xf32>
      %mul3A_2540 = arith.mulf %convert_element_type3A_2532, %gather3A : vector<16xf32>
      %add3A_2541 = arith.addf %sub3A_2539, %mul3A_2540 : vector<16xf32>
      %mul3A_2542 = arith.mulf %convert_element_type3A_2535, %gather3A_22 : vector<16xf32>
      %add3A_2543 = arith.addf %add3A_2541, %mul3A_2542 : vector<16xf32>
      %mul3A_2544 = arith.mulf %convert_element_type3A_2538, %gather3A_34 : vector<16xf32>
      %add3A_2545 = arith.addf %add3A_2543, %mul3A_2544 : vector<16xf32>
      %sub3A_2546 = arith.subf %gather3A_2521, %gather3A_2508 : vector<16xf32>
      %mul3A_2547 = arith.mulf %convert_element_type3A_2532, %gather3A_14 : vector<16xf32>
      %add3A_2548 = arith.addf %sub3A_2546, %mul3A_2547 : vector<16xf32>
      %mul3A_2549 = arith.mulf %convert_element_type3A_2535, %gather3A_26 : vector<16xf32>
      %add3A_2550 = arith.addf %add3A_2548, %mul3A_2549 : vector<16xf32>
      %mul3A_2551 = arith.mulf %convert_element_type3A_2538, %gather3A_38 : vector<16xf32>
      %add3A_2552 = arith.addf %add3A_2550, %mul3A_2551 : vector<16xf32>
      %sub3A_2553 = arith.subf %gather3A_2525, %gather3A_2512 : vector<16xf32>
      %mul3A_2554 = arith.mulf %convert_element_type3A_2532, %gather3A_18 : vector<16xf32>
      %add3A_2555 = arith.addf %sub3A_2553, %mul3A_2554 : vector<16xf32>
      %mul3A_2556 = arith.mulf %convert_element_type3A_2535, %gather3A_30 : vector<16xf32>
      %add3A_2557 = arith.addf %add3A_2555, %mul3A_2556 : vector<16xf32>
      %mul3A_2558 = arith.mulf %convert_element_type3A_2538, %gather3A_42 : vector<16xf32>
      %add3A_2559 = arith.addf %add3A_2557, %mul3A_2558 : vector<16xf32>
      %mul3A_2560 = arith.mulf %add3A_2545, %add3A_2545 : vector<16xf32>
      %mul3A_2561 = arith.mulf %add3A_2552, %add3A_2552 : vector<16xf32>
      %add3A_2562 = arith.addf %mul3A_2560, %mul3A_2561 : vector<16xf32>
      %mul3A_2563 = arith.mulf %add3A_2559, %add3A_2559 : vector<16xf32>
      %add3A_2564 = arith.addf %add3A_2562, %mul3A_2563 : vector<16xf32>
      %mul3A_2565 = arith.mulf %add3A_2564, %add3A_2564 : vector<16xf32>
      %mul3A_2566 = arith.mulf %mul3A_2565, %add3A_2564 : vector<16xf32>
      %mul3A_2567 = arith.constant 2.000000e+00 : f32
      %mul3A_2568 = vector.broadcast %mul3A_2567 : f32 to vector<16xf32>
      %mul3A_2569 = arith.mulf %gather3A_2516, %mul3A_2568 : vector<16xf32>
      %add3A_2570 = arith.addf %mul3A_2569, %gather3A_2529 : vector<16xf32>
      %convert_element_type3A_2571 = arith.fptosi %add3A_2570 : vector<16xf32> to vector<16xi32>
      %gather3A_2572 = tpu.vector_load_idx %arg28[%convert_element_type3A_2571] : memref<16xf32, #tpu.memory_space<vmem>>[vector<16xi32>], vector<16xf32>,
      %add3A_2573 = arith.constant 4 : i32
      %add3A_2574 = vector.broadcast %add3A_2573 : i32 to vector<16xi32>
      %add3A_2575 = arith.addi %convert_element_type3A_2571, %add3A_2574 : vector<16xi32>
      %gather3A_2576 = tpu.vector_load_idx %arg28[%add3A_2575] : memref<16xf32, #tpu.memory_space<vmem>>[vector<16xi32>], vector<16xf32>,
      %add3A_2577 = arith.constant 8 : i32
      %add3A_2578 = vector.broadcast %add3A_2577 : i32 to vector<16xi32>
      %add3A_2579 = arith.addi %convert_element_type3A_2571, %add3A_2578 : vector<16xi32>
      %gather3A_2580 = tpu.vector_load_idx %arg28[%add3A_2579] : memref<16xf32, #tpu.memory_space<vmem>>[vector<16xi32>], vector<16xf32>,
      %div3A_2581 = arith.divf %gather3A_2572, %mul3A_2566 : vector<16xf32>
      %sub3A_2582 = arith.constant 1.000000e+00 : f32
      %sub3A_2583 = vector.broadcast %sub3A_2582 : f32 to vector<16xf32>
      %sub3A_2584 = arith.subf %div3A_2581, %sub3A_2583 : vector<16xf32>
      %mul3A_2585 = arith.mulf %div3A_2581, %sub3A_2584 : vector<16xf32>
      %mul3A_2586 = arith.mulf %gather3A_2576, %mul3A_2585 : vector<16xf32>
      %sub3A_2587 = arith.subf %mul3A_2586, %gather3A_2580 : vector<16xf32>
      %get3A_2588 = arith.constant 80 : index
      %get3A_2589 = tpu.vector_load %arg12[%get3A_2588] {strides = array<i32>} : memref<128xi32, #tpu.memory_space<vmem>>, vector<16xi32>,
      %get3A_2590 = arith.constant 80 : index
      %get3A_2591 = tpu.vector_load %arg14[%get3A_2590] {strides = array<i32>} : memref<128xi32, #tpu.memory_space<vmem>>, vector<16xi32>,
      tpu.vector_store_idx %arg11[%get3A_2589], %sub3A_2587 {add = true} : memref<100352xf32, #tpu.memory_space<vmem>>[vector<16xi32>], vector<16xf32>,
      tpu.vector_store_idx %arg11[%get3A_2591], %sub3A_2587 {add = true} : memref<100352xf32, #tpu.memory_space<vmem>>[vector<16xi32>], vector<16xf32>,
      %add3A_2592 = arith.constant 96 : i32
      %add3A_2593 = vector.broadcast %add3A_2592 : i32 to vector<16xi32>
      %add3A_2594 = arith.addi %iota3A, %add3A_2593 : vector<16xi32>
      %broadcast_in_dim3A_2595 = arith.constant 0 : i32
      %broadcast_in_dim3A_2596 = vector.broadcast %broadcast_in_dim3A_2595 : i32 to vector<16xi32>
      %gather3A_2597 = tpu.vector_load_idx %arg22[%add3A_2594, %broadcast_in_dim3A_2596] : memref<128x8xf32, #tpu.memory_space<vmem>>[vector<16xi32>, vector<16xi32>], vector<16xf32>,
      %add3A_2598 = arith.constant 1 : i32
      %add3A_2599 = vector.broadcast %add3A_2598 : i32 to vector<16xi32>
      %add3A_2600 = arith.addi %broadcast_in_dim3A_2596, %add3A_2599 : vector<16xi32>
      %gather3A_2601 = tpu.vector_load_idx %arg22[%add3A_2594, %add3A_2600] : memref<128x8xf32, #tpu.memory_space<vmem>>[vector<16xi32>, vector<16xi32>], vector<16xf32>,
      %add3A_2602 = arith.constant 2 : i32
      %add3A_2603 = vector.broadcast %add3A_2602 : i32 to vector<16xi32>
      %add3A_2604 = arith.addi %broadcast_in_dim3A_2596, %add3A_2603 : vector<16xi32>
      %gather3A_2605 = tpu.vector_load_idx %arg22[%add3A_2594, %add3A_2604] : memref<128x8xf32, #tpu.memory_space<vmem>>[vector<16xi32>, vector<16xi32>], vector<16xf32>,
      %add3A_2606 = arith.constant 3 : i32
      %add3A_2607 = vector.broadcast %add3A_2606 : i32 to vector<16xi32>
      %add3A_2608 = arith.addi %broadcast_in_dim3A_2596, %add3A_2607 : vector<16xi32>
      %gather3A_2609 = tpu.vector_load_idx %arg22[%add3A_2594, %add3A_2608] : memref<128x8xf32, #tpu.memory_space<vmem>>[vector<16xi32>, vector<16xi32>], vector<16xf32>,
      %gather3A_2610 = tpu.vector_load_idx %arg24[%add3A_2594, %broadcast_in_dim3A_2596] : memref<128x8xf32, #tpu.memory_space<vmem>>[vector<16xi32>, vector<16xi32>], vector<16xf32>,
      %add3A_2611 = arith.constant 1 : i32
      %add3A_2612 = vector.broadcast %add3A_2611 : i32 to vector<16xi32>
      %add3A_2613 = arith.addi %broadcast_in_dim3A_2596, %add3A_2612 : vector<16xi32>
      %gather3A_2614 = tpu.vector_load_idx %arg24[%add3A_2594, %add3A_2613] : memref<128x8xf32, #tpu.memory_space<vmem>>[vector<16xi32>, vector<16xi32>], vector<16xf32>,
      %add3A_2615 = arith.constant 2 : i32
      %add3A_2616 = vector.broadcast %add3A_2615 : i32 to vector<16xi32>
      %add3A_2617 = arith.addi %broadcast_in_dim3A_2596, %add3A_2616 : vector<16xi32>
      %gather3A_2618 = tpu.vector_load_idx %arg24[%add3A_2594, %add3A_2617] : memref<128x8xf32, #tpu.memory_space<vmem>>[vector<16xi32>, vector<16xi32>], vector<16xf32>,
      %add3A_2619 = arith.constant 3 : i32
      %add3A_2620 = vector.broadcast %add3A_2619 : i32 to vector<16xi32>
      %add3A_2621 = arith.addi %broadcast_in_dim3A_2596, %add3A_2620 : vector<16xi32>
      %gather3A_2622 = tpu.vector_load_idx %arg24[%add3A_2594, %add3A_2621] : memref<128x8xf32, #tpu.memory_space<vmem>>[vector<16xi32>, vector<16xi32>], vector<16xf32>,
      %get3A_2623 = arith.constant 96 : index
      %get3A_2624 = tpu.vector_load %arg16[%get3A_2623] {strides = array<i32>} : memref<128xi32, #tpu.memory_space<vmem>>, vector<16xi32>,
      %convert_element_type3A_2625 = arith.sitofp %get3A_2624 : vector<16xi32> to vector<16xf32>
      %get3A_2626 = arith.constant 96 : index
      %get3A_2627 = tpu.vector_load %arg18[%get3A_2626] {strides = array<i32>} : memref<128xi32, #tpu.memory_space<vmem>>, vector<16xi32>,
      %convert_element_type3A_2628 = arith.sitofp %get3A_2627 : vector<16xi32> to vector<16xf32>
      %get3A_2629 = arith.constant 96 : index
      %get3A_2630 = tpu.vector_load %arg20[%get3A_2629] {strides = array<i32>} : memref<128xi32, #tpu.memory_space<vmem>>, vector<16xi32>,
      %convert_element_type3A_2631 = arith.sitofp %get3A_2630 : vector<16xi32> to vector<16xf32>
      %sub3A_2632 = arith.subf %gather3A_2610, %gather3A_2597 : vector<16xf32>
      %mul3A_2633 = arith.mulf %convert_element_type3A_2625, %gather3A : vector<16xf32>
      %add3A_2634 = arith.addf %sub3A_2632, %mul3A_2633 : vector<16xf32>
      %mul3A_2635 = arith.mulf %convert_element_type3A_2628, %gather3A_22 : vector<16xf32>
      %add3A_2636 = arith.addf %add3A_2634, %mul3A_2635 : vector<16xf32>
      %mul3A_2637 = arith.mulf %convert_element_type3A_2631, %gather3A_34 : vector<16xf32>
      %add3A_2638 = arith.addf %add3A_2636, %mul3A_2637 : vector<16xf32>
      %sub3A_2639 = arith.subf %gather3A_2614, %gather3A_2601 : vector<16xf32>
      %mul3A_2640 = arith.mulf %convert_element_type3A_2625, %gather3A_14 : vector<16xf32>
      %add3A_2641 = arith.addf %sub3A_2639, %mul3A_2640 : vector<16xf32>
      %mul3A_2642 = arith.mulf %convert_element_type3A_2628, %gather3A_26 : vector<16xf32>
      %add3A_2643 = arith.addf %add3A_2641, %mul3A_2642 : vector<16xf32>
      %mul3A_2644 = arith.mulf %convert_element_type3A_2631, %gather3A_38 : vector<16xf32>
      %add3A_2645 = arith.addf %add3A_2643, %mul3A_2644 : vector<16xf32>
      %sub3A_2646 = arith.subf %gather3A_2618, %gather3A_2605 : vector<16xf32>
      %mul3A_2647 = arith.mulf %convert_element_type3A_2625, %gather3A_18 : vector<16xf32>
      %add3A_2648 = arith.addf %sub3A_2646, %mul3A_2647 : vector<16xf32>
      %mul3A_2649 = arith.mulf %convert_element_type3A_2628, %gather3A_30 : vector<16xf32>
      %add3A_2650 = arith.addf %add3A_2648, %mul3A_2649 : vector<16xf32>
      %mul3A_2651 = arith.mulf %convert_element_type3A_2631, %gather3A_42 : vector<16xf32>
      %add3A_2652 = arith.addf %add3A_2650, %mul3A_2651 : vector<16xf32>
      %mul3A_2653 = arith.mulf %add3A_2638, %add3A_2638 : vector<16xf32>
      %mul3A_2654 = arith.mulf %add3A_2645, %add3A_2645 : vector<16xf32>
      %add3A_2655 = arith.addf %mul3A_2653, %mul3A_2654 : vector<16xf32>
      %mul3A_2656 = arith.mulf %add3A_2652, %add3A_2652 : vector<16xf32>
      %add3A_2657 = arith.addf %add3A_2655, %mul3A_2656 : vector<16xf32>
      %mul3A_2658 = arith.mulf %add3A_2657, %add3A_2657 : vector<16xf32>
      %mul3A_2659 = arith.mulf %mul3A_2658, %add3A_2657 : vector<16xf32>
      %mul3A_2660 = arith.constant 2.000000e+00 : f32
      %mul3A_2661 = vector.broadcast %mul3A_2660 : f32 to vector<16xf32>
      %mul3A_2662 = arith.mulf %gather3A_2609, %mul3A_2661 : vector<16xf32>
      %add3A_2663 = arith.addf %mul3A_2662, %gather3A_2622 : vector<16xf32>
      %convert_element_type3A_2664 = arith.fptosi %add3A_2663 : vector<16xf32> to vector<16xi32>
      %gather3A_2665 = tpu.vector_load_idx %arg28[%convert_element_type3A_2664] : memref<16xf32, #tpu.memory_space<vmem>>[vector<16xi32>], vector<16xf32>,
      %add3A_2666 = arith.constant 4 : i32
      %add3A_2667 = vector.broadcast %add3A_2666 : i32 to vector<16xi32>
      %add3A_2668 = arith.addi %convert_element_type3A_2664, %add3A_2667 : vector<16xi32>
      %gather3A_2669 = tpu.vector_load_idx %arg28[%add3A_2668] : memref<16xf32, #tpu.memory_space<vmem>>[vector<16xi32>], vector<16xf32>,
      %add3A_2670 = arith.constant 8 : i32
      %add3A_2671 = vector.broadcast %add3A_2670 : i32 to vector<16xi32>
      %add3A_2672 = arith.addi %convert_element_type3A_2664, %add3A_2671 : vector<16xi32>
      %gather3A_2673 = tpu.vector_load_idx %arg28[%add3A_2672] : memref<16xf32, #tpu.memory_space<vmem>>[vector<16xi32>], vector<16xf32>,
      %div3A_2674 = arith.divf %gather3A_2665, %mul3A_2659 : vector<16xf32>
      %sub3A_2675 = arith.constant 1.000000e+00 : f32
      %sub3A_2676 = vector.broadcast %sub3A_2675 : f32 to vector<16xf32>
      %sub3A_2677 = arith.subf %div3A_2674, %sub3A_2676 : vector<16xf32>
      %mul3A_2678 = arith.mulf %div3A_2674, %sub3A_2677 : vector<16xf32>
      %mul3A_2679 = arith.mulf %gather3A_2669, %mul3A_2678 : vector<16xf32>
      %sub3A_2680 = arith.subf %mul3A_2679, %gather3A_2673 : vector<16xf32>
      %get3A_2681 = arith.constant 96 : index
      %get3A_2682 = tpu.vector_load %arg12[%get3A_2681] {strides = array<i32>} : memref<128xi32, #tpu.memory_space<vmem>>, vector<16xi32>,
      %get3A_2683 = arith.constant 96 : index
      %get3A_2684 = tpu.vector_load %arg14[%get3A_2683] {strides = array<i32>} : memref<128xi32, #tpu.memory_space<vmem>>, vector<16xi32>,
      tpu.vector_store_idx %arg11[%get3A_2682], %sub3A_2680 {add = true} : memref<100352xf32, #tpu.memory_space<vmem>>[vector<16xi32>], vector<16xf32>,
      tpu.vector_store_idx %arg11[%get3A_2684], %sub3A_2680 {add = true} : memref<100352xf32, #tpu.memory_space<vmem>>[vector<16xi32>], vector<16xf32>,
      %add3A_2685 = arith.constant 112 : i32
      %add3A_2686 = vector.broadcast %add3A_2685 : i32 to vector<16xi32>
      %add3A_2687 = arith.addi %iota3A, %add3A_2686 : vector<16xi32>
      %broadcast_in_dim3A_2688 = arith.constant 0 : i32
      %broadcast_in_dim3A_2689 = vector.broadcast %broadcast_in_dim3A_2688 : i32 to vector<16xi32>
      %gather3A_2690 = tpu.vector_load_idx %arg22[%add3A_2687, %broadcast_in_dim3A_2689] : memref<128x8xf32, #tpu.memory_space<vmem>>[vector<16xi32>, vector<16xi32>], vector<16xf32>,
      %add3A_2691 = arith.constant 1 : i32
      %add3A_2692 = vector.broadcast %add3A_2691 : i32 to vector<16xi32>
      %add3A_2693 = arith.addi %broadcast_in_dim3A_2689, %add3A_2692 : vector<16xi32>
      %gather3A_2694 = tpu.vector_load_idx %arg22[%add3A_2687, %add3A_2693] : memref<128x8xf32, #tpu.memory_space<vmem>>[vector<16xi32>, vector<16xi32>], vector<16xf32>,
      %add3A_2695 = arith.constant 2 : i32
      %add3A_2696 = vector.broadcast %add3A_2695 : i32 to vector<16xi32>
      %add3A_2697 = arith.addi %broadcast_in_dim3A_2689, %add3A_2696 : vector<16xi32>
      %gather3A_2698 = tpu.vector_load_idx %arg22[%add3A_2687, %add3A_2697] : memref<128x8xf32, #tpu.memory_space<vmem>>[vector<16xi32>, vector<16xi32>], vector<16xf32>,
      %add3A_2699 = arith.constant 3 : i32
      %add3A_2700 = vector.broadcast %add3A_2699 : i32 to vector<16xi32>
      %add3A_2701 = arith.addi %broadcast_in_dim3A_2689, %add3A_2700 : vector<16xi32>
      %gather3A_2702 = tpu.vector_load_idx %arg22[%add3A_2687, %add3A_2701] : memref<128x8xf32, #tpu.memory_space<vmem>>[vector<16xi32>, vector<16xi32>], vector<16xf32>,
      %gather3A_2703 = tpu.vector_load_idx %arg24[%add3A_2687, %broadcast_in_dim3A_2689] : memref<128x8xf32, #tpu.memory_space<vmem>>[vector<16xi32>, vector<16xi32>], vector<16xf32>,
      %add3A_2704 = arith.constant 1 : i32
      %add3A_2705 = vector.broadcast %add3A_2704 : i32 to vector<16xi32>
      %add3A_2706 = arith.addi %broadcast_in_dim3A_2689, %add3A_2705 : vector<16xi32>
      %gather3A_2707 = tpu.vector_load_idx %arg24[%add3A_2687, %add3A_2706] : memref<128x8xf32, #tpu.memory_space<vmem>>[vector<16xi32>, vector<16xi32>], vector<16xf32>,
      %add3A_2708 = arith.constant 2 : i32
      %add3A_2709 = vector.broadcast %add3A_2708 : i32 to vector<16xi32>
      %add3A_2710 = arith.addi %broadcast_in_dim3A_2689, %add3A_2709 : vector<16xi32>
      %gather3A_2711 = tpu.vector_load_idx %arg24[%add3A_2687, %add3A_2710] : memref<128x8xf32, #tpu.memory_space<vmem>>[vector<16xi32>, vector<16xi32>], vector<16xf32>,
      %add3A_2712 = arith.constant 3 : i32
      %add3A_2713 = vector.broadcast %add3A_2712 : i32 to vector<16xi32>
      %add3A_2714 = arith.addi %broadcast_in_dim3A_2689, %add3A_2713 : vector<16xi32>
      %gather3A_2715 = tpu.vector_load_idx %arg24[%add3A_2687, %add3A_2714] : memref<128x8xf32, #tpu.memory_space<vmem>>[vector<16xi32>, vector<16xi32>], vector<16xf32>,
      %get3A_2716 = arith.constant 112 : index
      %get3A_2717 = tpu.vector_load %arg16[%get3A_2716] {strides = array<i32>} : memref<128xi32, #tpu.memory_space<vmem>>, vector<16xi32>,
      %convert_element_type3A_2718 = arith.sitofp %get3A_2717 : vector<16xi32> to vector<16xf32>
      %get3A_2719 = arith.constant 112 : index
      %get3A_2720 = tpu.vector_load %arg18[%get3A_2719] {strides = array<i32>} : memref<128xi32, #tpu.memory_space<vmem>>, vector<16xi32>,
      %convert_element_type3A_2721 = arith.sitofp %get3A_2720 : vector<16xi32> to vector<16xf32>
      %get3A_2722 = arith.constant 112 : index
      %get3A_2723 = tpu.vector_load %arg20[%get3A_2722] {strides = array<i32>} : memref<128xi32, #tpu.memory_space<vmem>>, vector<16xi32>,
      %convert_element_type3A_2724 = arith.sitofp %get3A_2723 : vector<16xi32> to vector<16xf32>
      %sub3A_2725 = arith.subf %gather3A_2703, %gather3A_2690 : vector<16xf32>
      %mul3A_2726 = arith.mulf %convert_element_type3A_2718, %gather3A : vector<16xf32>
      %add3A_2727 = arith.addf %sub3A_2725, %mul3A_2726 : vector<16xf32>
      %mul3A_2728 = arith.mulf %convert_element_type3A_2721, %gather3A_22 : vector<16xf32>
      %add3A_2729 = arith.addf %add3A_2727, %mul3A_2728 : vector<16xf32>
      %mul3A_2730 = arith.mulf %convert_element_type3A_2724, %gather3A_34 : vector<16xf32>
      %add3A_2731 = arith.addf %add3A_2729, %mul3A_2730 : vector<16xf32>
      %sub3A_2732 = arith.subf %gather3A_2707, %gather3A_2694 : vector<16xf32>
      %mul3A_2733 = arith.mulf %convert_element_type3A_2718, %gather3A_14 : vector<16xf32>
      %add3A_2734 = arith.addf %sub3A_2732, %mul3A_2733 : vector<16xf32>
      %mul3A_2735 = arith.mulf %convert_element_type3A_2721, %gather3A_26 : vector<16xf32>
      %add3A_2736 = arith.addf %add3A_2734, %mul3A_2735 : vector<16xf32>
      %mul3A_2737 = arith.mulf %convert_element_type3A_2724, %gather3A_38 : vector<16xf32>
      %add3A_2738 = arith.addf %add3A_2736, %mul3A_2737 : vector<16xf32>
      %sub3A_2739 = arith.subf %gather3A_2711, %gather3A_2698 : vector<16xf32>
      %mul3A_2740 = arith.mulf %convert_element_type3A_2718, %gather3A_18 : vector<16xf32>
      %add3A_2741 = arith.addf %sub3A_2739, %mul3A_2740 : vector<16xf32>
      %mul3A_2742 = arith.mulf %convert_element_type3A_2721, %gather3A_30 : vector<16xf32>
      %add3A_2743 = arith.addf %add3A_2741, %mul3A_2742 : vector<16xf32>
      %mul3A_2744 = arith.mulf %convert_element_type3A_2724, %gather3A_42 : vector<16xf32>
      %add3A_2745 = arith.addf %add3A_2743, %mul3A_2744 : vector<16xf32>
      %mul3A_2746 = arith.mulf %add3A_2731, %add3A_2731 : vector<16xf32>
      %mul3A_2747 = arith.mulf %add3A_2738, %add3A_2738 : vector<16xf32>
      %add3A_2748 = arith.addf %mul3A_2746, %mul3A_2747 : vector<16xf32>
      %mul3A_2749 = arith.mulf %add3A_2745, %add3A_2745 : vector<16xf32>
      %add3A_2750 = arith.addf %add3A_2748, %mul3A_2749 : vector<16xf32>
      %mul3A_2751 = arith.mulf %add3A_2750, %add3A_2750 : vector<16xf32>
      %mul3A_2752 = arith.mulf %mul3A_2751, %add3A_2750 : vector<16xf32>
      %mul3A_2753 = arith.constant 2.000000e+00 : f32
      %mul3A_2754 = vector.broadcast %mul3A_2753 : f32 to vector<16xf32>
      %mul3A_2755 = arith.mulf %gather3A_2702, %mul3A_2754 : vector<16xf32>
      %add3A_2756 = arith.addf %mul3A_2755, %gather3A_2715 : vector<16xf32>
      %convert_element_type3A_2757 = arith.fptosi %add3A_2756 : vector<16xf32> to vector<16xi32>
      %gather3A_2758 = tpu.vector_load_idx %arg28[%convert_element_type3A_2757] : memref<16xf32, #tpu.memory_space<vmem>>[vector<16xi32>], vector<16xf32>,
      %add3A_2759 = arith.constant 4 : i32
      %add3A_2760 = vector.broadcast %add3A_2759 : i32 to vector<16xi32>
      %add3A_2761 = arith.addi %convert_element_type3A_2757, %add3A_2760 : vector<16xi32>
      %gather3A_2762 = tpu.vector_load_idx %arg28[%add3A_2761] : memref<16xf32, #tpu.memory_space<vmem>>[vector<16xi32>], vector<16xf32>,
      %add3A_2763 = arith.constant 8 : i32
      %add3A_2764 = vector.broadcast %add3A_2763 : i32 to vector<16xi32>
      %add3A_2765 = arith.addi %convert_element_type3A_2757, %add3A_2764 : vector<16xi32>
      %gather3A_2766 = tpu.vector_load_idx %arg28[%add3A_2765] : memref<16xf32, #tpu.memory_space<vmem>>[vector<16xi32>], vector<16xf32>,
      %div3A_2767 = arith.divf %gather3A_2758, %mul3A_2752 : vector<16xf32>
      %sub3A_2768 = arith.constant 1.000000e+00 : f32
      %sub3A_2769 = vector.broadcast %sub3A_2768 : f32 to vector<16xf32>
      %sub3A_2770 = arith.subf %div3A_2767, %sub3A_2769 : vector<16xf32>
      %mul3A_2771 = arith.mulf %div3A_2767, %sub3A_2770 : vector<16xf32>
      %mul3A_2772 = arith.mulf %gather3A_2762, %mul3A_2771 : vector<16xf32>
      %sub3A_2773 = arith.subf %mul3A_2772, %gather3A_2766 : vector<16xf32>
      %get3A_2774 = arith.constant 112 : index
      %get3A_2775 = tpu.vector_load %arg12[%get3A_2774] {strides = array<i32>} : memref<128xi32, #tpu.memory_space<vmem>>, vector<16xi32>,
      %get3A_2776 = arith.constant 112 : index
      %get3A_2777 = tpu.vector_load %arg14[%get3A_2776] {strides = array<i32>} : memref<128xi32, #tpu.memory_space<vmem>>, vector<16xi32>,
      tpu.vector_store_idx %arg11[%get3A_2775], %sub3A_2773 {add = true} : memref<100352xf32, #tpu.memory_space<vmem>>[vector<16xi32>], vector<16xf32>,
      tpu.vector_store_idx %arg11[%get3A_2777], %sub3A_2773 {add = true} : memref<100352xf32, #tpu.memory_space<vmem>>[vector<16xi32>], vector<16xf32>,
      %add3A_2778 = arith.constant 2 : i32
      %add3A_2779 = arith.addi %add3A_2006, %add3A_2778 : i32
      %mul3A_2780 = arith.constant 128 : i32
      %mul3A_2781 = arith.muli %add3A_2779, %mul3A_2780 : i32
      %add3A_2782 = arith.addi %mul3A_2, %mul3A_2781 : i32
      %dma_start3A_2783 = tpu.memref_slice %arg3[%add3A_2782] : memref<6400000xi32, #tpu.memory_space<hbm>> -> memref<128xi32, #tpu.memory_space<hbm>>
      %dma_start3A_2784 = tpu.memref_slice %arg3[%add3A_2782] : memref<6400000xi32, #tpu.memory_space<hbm>> -> memref<128xi32, #tpu.memory_space<hbm>>
      tpu.enqueue_dma source(%dma_start3A_2784 : memref<128xi32, #tpu.memory_space<hbm>>) target(%arg12 : memref<128xi32, #tpu.memory_space<vmem>>) target_semaphore(%arg30 : memref<!tpu.dma_semaphore, #tpu.memory_space<semaphore_mem>>)
      %dma_start3A_2785 = tpu.memref_slice %arg4[%add3A_2782] : memref<6400000xi32, #tpu.memory_space<hbm>> -> memref<128xi32, #tpu.memory_space<hbm>>
      %dma_start3A_2786 = tpu.memref_slice %arg4[%add3A_2782] : memref<6400000xi32, #tpu.memory_space<hbm>> -> memref<128xi32, #tpu.memory_space<hbm>>
      tpu.enqueue_dma source(%dma_start3A_2786 : memref<128xi32, #tpu.memory_space<hbm>>) target(%arg14 : memref<128xi32, #tpu.memory_space<vmem>>) target_semaphore(%arg30 : memref<!tpu.dma_semaphore, #tpu.memory_space<semaphore_mem>>)
      %dma_start3A_2787 = tpu.memref_slice %arg5[%add3A_2782] : memref<6400000xi32, #tpu.memory_space<hbm>> -> memref<128xi32, #tpu.memory_space<hbm>>
      %dma_start3A_2788 = tpu.memref_slice %arg5[%add3A_2782] : memref<6400000xi32, #tpu.memory_space<hbm>> -> memref<128xi32, #tpu.memory_space<hbm>>
      tpu.enqueue_dma source(%dma_start3A_2788 : memref<128xi32, #tpu.memory_space<hbm>>) target(%arg16 : memref<128xi32, #tpu.memory_space<vmem>>) target_semaphore(%arg30 : memref<!tpu.dma_semaphore, #tpu.memory_space<semaphore_mem>>)
      %dma_start3A_2789 = tpu.memref_slice %arg6[%add3A_2782] : memref<6400000xi32, #tpu.memory_space<hbm>> -> memref<128xi32, #tpu.memory_space<hbm>>
      %dma_start3A_2790 = tpu.memref_slice %arg6[%add3A_2782] : memref<6400000xi32, #tpu.memory_space<hbm>> -> memref<128xi32, #tpu.memory_space<hbm>>
      tpu.enqueue_dma source(%dma_start3A_2790 : memref<128xi32, #tpu.memory_space<hbm>>) target(%arg18 : memref<128xi32, #tpu.memory_space<vmem>>) target_semaphore(%arg30 : memref<!tpu.dma_semaphore, #tpu.memory_space<semaphore_mem>>)
      %dma_start3A_2791 = tpu.memref_slice %arg7[%add3A_2782] : memref<6400000xi32, #tpu.memory_space<hbm>> -> memref<128xi32, #tpu.memory_space<hbm>>
      %dma_start3A_2792 = tpu.memref_slice %arg7[%add3A_2782] : memref<6400000xi32, #tpu.memory_space<hbm>> -> memref<128xi32, #tpu.memory_space<hbm>>
      tpu.enqueue_dma source(%dma_start3A_2792 : memref<128xi32, #tpu.memory_space<hbm>>) target(%arg20 : memref<128xi32, #tpu.memory_space<vmem>>) target_semaphore(%arg30 : memref<!tpu.dma_semaphore, #tpu.memory_space<semaphore_mem>>)
      %add3A_2793 = arith.constant 1 : i32
      %add3A_2794 = arith.addi %add3A_2004, %add3A_2793 : i32
      %add3A_2795 = arith.constant 1 : i32
      %add3A_2796 = arith.addi %add3A_2794, %add3A_2795 : i32
      %mul3A_2797 = arith.constant 128 : i32
      %mul3A_2798 = arith.muli %add3A_2796, %mul3A_2797 : i32
      %add3A_2799 = arith.addi %mul3A_2, %mul3A_2798 : i32
      %dma_wait3A_2800 = tpu.memref_slice %arg3[%add3A_2799] : memref<6400000xi32, #tpu.memory_space<hbm>> -> memref<128xi32, #tpu.memory_space<hbm>>
      %dma_wait3A_2801 = tpu.memref_slice %arg3[%add3A_2799] : memref<6400000xi32, #tpu.memory_space<hbm>> -> memref<128xi32, #tpu.memory_space<hbm>>
      tpu.wait_dma2 semaphore(%arg30 : memref<!tpu.dma_semaphore, #tpu.memory_space<semaphore_mem>>) src(%dma_wait3A_2801 : memref<128xi32, #tpu.memory_space<hbm>>) dst(%arg12 : memref<128xi32, #tpu.memory_space<vmem>>)
      %dma_wait3A_2802 = tpu.memref_slice %arg4[%add3A_2799] : memref<6400000xi32, #tpu.memory_space<hbm>> -> memref<128xi32, #tpu.memory_space<hbm>>
      %dma_wait3A_2803 = tpu.memref_slice %arg4[%add3A_2799] : memref<6400000xi32, #tpu.memory_space<hbm>> -> memref<128xi32, #tpu.memory_space<hbm>>
      tpu.wait_dma2 semaphore(%arg30 : memref<!tpu.dma_semaphore, #tpu.memory_space<semaphore_mem>>) src(%dma_wait3A_2803 : memref<128xi32, #tpu.memory_space<hbm>>) dst(%arg14 : memref<128xi32, #tpu.memory_space<vmem>>)
      %dma_wait3A_2804 = tpu.memref_slice %arg5[%add3A_2799] : memref<6400000xi32, #tpu.memory_space<hbm>> -> memref<128xi32, #tpu.memory_space<hbm>>
      %dma_wait3A_2805 = tpu.memref_slice %arg5[%add3A_2799] : memref<6400000xi32, #tpu.memory_space<hbm>> -> memref<128xi32, #tpu.memory_space<hbm>>
      tpu.wait_dma2 semaphore(%arg30 : memref<!tpu.dma_semaphore, #tpu.memory_space<semaphore_mem>>) src(%dma_wait3A_2805 : memref<128xi32, #tpu.memory_space<hbm>>) dst(%arg16 : memref<128xi32, #tpu.memory_space<vmem>>)
      %dma_wait3A_2806 = tpu.memref_slice %arg6[%add3A_2799] : memref<6400000xi32, #tpu.memory_space<hbm>> -> memref<128xi32, #tpu.memory_space<hbm>>
      %dma_wait3A_2807 = tpu.memref_slice %arg6[%add3A_2799] : memref<6400000xi32, #tpu.memory_space<hbm>> -> memref<128xi32, #tpu.memory_space<hbm>>
      tpu.wait_dma2 semaphore(%arg30 : memref<!tpu.dma_semaphore, #tpu.memory_space<semaphore_mem>>) src(%dma_wait3A_2807 : memref<128xi32, #tpu.memory_space<hbm>>) dst(%arg18 : memref<128xi32, #tpu.memory_space<vmem>>)
      %dma_wait3A_2808 = tpu.memref_slice %arg7[%add3A_2799] : memref<6400000xi32, #tpu.memory_space<hbm>> -> memref<128xi32, #tpu.memory_space<hbm>>
      %dma_wait3A_2809 = tpu.memref_slice %arg7[%add3A_2799] : memref<6400000xi32, #tpu.memory_space<hbm>> -> memref<128xi32, #tpu.memory_space<hbm>>
      tpu.wait_dma2 semaphore(%arg30 : memref<!tpu.dma_semaphore, #tpu.memory_space<semaphore_mem>>) src(%dma_wait3A_2809 : memref<128xi32, #tpu.memory_space<hbm>>) dst(%arg20 : memref<128xi32, #tpu.memory_space<vmem>>)
      %dma_start3A_2810 = arith.constant 0 : i32
      %dma_start3A_2811 = arith.constant 0 : i32
      %dma_start3A_2812 = tpu.memref_slice %arg2[%dma_start3A_2810, %dma_start3A_2811] : memref<100352x8xf32, #tpu.memory_space<hbm>> -> memref<100352x8xf32, #tpu.memory_space<hbm>>
      tpu.enqueue_indirect_dma source(%dma_start3A_2812 : memref<100352x8xf32, #tpu.memory_space<hbm>>) target(%arg22 : memref<128x8xf32, #tpu.memory_space<vmem>>) offsets(%arg12 : memref<128xi32, #tpu.memory_space<vmem>>) semaphore(%arg32 : memref<!tpu.dma_semaphore, #tpu.memory_space<semaphore_mem>>)
      %dma_start3A_2813 = arith.constant 0 : i32
      %dma_start3A_2814 = arith.constant 0 : i32
      %dma_start3A_2815 = tpu.memref_slice %arg2[%dma_start3A_2813, %dma_start3A_2814] : memref<100352x8xf32, #tpu.memory_space<hbm>> -> memref<100352x8xf32, #tpu.memory_space<hbm>>
      tpu.enqueue_indirect_dma source(%dma_start3A_2815 : memref<100352x8xf32, #tpu.memory_space<hbm>>) target(%arg24 : memref<128x8xf32, #tpu.memory_space<vmem>>) offsets(%arg14 : memref<128xi32, #tpu.memory_space<vmem>>) semaphore(%arg34 : memref<!tpu.dma_semaphore, #tpu.memory_space<semaphore_mem>>)
      %dma_wait3A_2816 = arith.constant 0 : i32
      %dma_wait3A_2817 = arith.constant 0 : i32
      %dma_wait3A_2818 = tpu.memref_slice %arg2[%dma_wait3A_2816, %dma_wait3A_2817] : memref<100352x8xf32, #tpu.memory_space<hbm>> -> memref<100352x8xf32, #tpu.memory_space<hbm>>
      tpu.wait_indirect_dma semaphore(%arg33 : memref<!tpu.dma_semaphore, #tpu.memory_space<semaphore_mem>>) src(%dma_wait3A_2818 : memref<100352x8xf32, #tpu.memory_space<hbm>>) dst(%arg23 : memref<128x8xf32, #tpu.memory_space<vmem>>)
      %dma_wait3A_2819 = arith.constant 0 : i32
      %dma_wait3A_2820 = arith.constant 0 : i32
      %dma_wait3A_2821 = tpu.memref_slice %arg2[%dma_wait3A_2819, %dma_wait3A_2820] : memref<100352x8xf32, #tpu.memory_space<hbm>> -> memref<100352x8xf32, #tpu.memory_space<hbm>>
      tpu.wait_indirect_dma semaphore(%arg35 : memref<!tpu.dma_semaphore, #tpu.memory_space<semaphore_mem>>) src(%dma_wait3A_2821 : memref<100352x8xf32, #tpu.memory_space<hbm>>) dst(%arg25 : memref<128x8xf32, #tpu.memory_space<vmem>>)
      %add3A_2822 = arith.constant 0 : i32
      %add3A_2823 = vector.broadcast %add3A_2822 : i32 to vector<16xi32>
      %add3A_2824 = arith.addi %iota3A, %add3A_2823 : vector<16xi32>
      %broadcast_in_dim3A_2825 = arith.constant 0 : i32
      %broadcast_in_dim3A_2826 = vector.broadcast %broadcast_in_dim3A_2825 : i32 to vector<16xi32>
      %gather3A_2827 = tpu.vector_load_idx %arg23[%add3A_2824, %broadcast_in_dim3A_2826] : memref<128x8xf32, #tpu.memory_space<vmem>>[vector<16xi32>, vector<16xi32>], vector<16xf32>,
      %add3A_2828 = arith.constant 1 : i32
      %add3A_2829 = vector.broadcast %add3A_2828 : i32 to vector<16xi32>
      %add3A_2830 = arith.addi %broadcast_in_dim3A_2826, %add3A_2829 : vector<16xi32>
      %gather3A_2831 = tpu.vector_load_idx %arg23[%add3A_2824, %add3A_2830] : memref<128x8xf32, #tpu.memory_space<vmem>>[vector<16xi32>, vector<16xi32>], vector<16xf32>,
      %add3A_2832 = arith.constant 2 : i32
      %add3A_2833 = vector.broadcast %add3A_2832 : i32 to vector<16xi32>
      %add3A_2834 = arith.addi %broadcast_in_dim3A_2826, %add3A_2833 : vector<16xi32>
      %gather3A_2835 = tpu.vector_load_idx %arg23[%add3A_2824, %add3A_2834] : memref<128x8xf32, #tpu.memory_space<vmem>>[vector<16xi32>, vector<16xi32>], vector<16xf32>,
      %add3A_2836 = arith.constant 3 : i32
      %add3A_2837 = vector.broadcast %add3A_2836 : i32 to vector<16xi32>
      %add3A_2838 = arith.addi %broadcast_in_dim3A_2826, %add3A_2837 : vector<16xi32>
      %gather3A_2839 = tpu.vector_load_idx %arg23[%add3A_2824, %add3A_2838] : memref<128x8xf32, #tpu.memory_space<vmem>>[vector<16xi32>, vector<16xi32>], vector<16xf32>,
      %gather3A_2840 = tpu.vector_load_idx %arg25[%add3A_2824, %broadcast_in_dim3A_2826] : memref<128x8xf32, #tpu.memory_space<vmem>>[vector<16xi32>, vector<16xi32>], vector<16xf32>,
      %add3A_2841 = arith.constant 1 : i32
      %add3A_2842 = vector.broadcast %add3A_2841 : i32 to vector<16xi32>
      %add3A_2843 = arith.addi %broadcast_in_dim3A_2826, %add3A_2842 : vector<16xi32>
      %gather3A_2844 = tpu.vector_load_idx %arg25[%add3A_2824, %add3A_2843] : memref<128x8xf32, #tpu.memory_space<vmem>>[vector<16xi32>, vector<16xi32>], vector<16xf32>,
      %add3A_2845 = arith.constant 2 : i32
      %add3A_2846 = vector.broadcast %add3A_2845 : i32 to vector<16xi32>
      %add3A_2847 = arith.addi %broadcast_in_dim3A_2826, %add3A_2846 : vector<16xi32>
      %gather3A_2848 = tpu.vector_load_idx %arg25[%add3A_2824, %add3A_2847] : memref<128x8xf32, #tpu.memory_space<vmem>>[vector<16xi32>, vector<16xi32>], vector<16xf32>,
      %add3A_2849 = arith.constant 3 : i32
      %add3A_2850 = vector.broadcast %add3A_2849 : i32 to vector<16xi32>
      %add3A_2851 = arith.addi %broadcast_in_dim3A_2826, %add3A_2850 : vector<16xi32>
      %gather3A_2852 = tpu.vector_load_idx %arg25[%add3A_2824, %add3A_2851] : memref<128x8xf32, #tpu.memory_space<vmem>>[vector<16xi32>, vector<16xi32>], vector<16xf32>,
      %get3A_2853 = arith.constant 0 : index
      %get3A_2854 = tpu.vector_load %arg17[%get3A_2853] {strides = array<i32>} : memref<128xi32, #tpu.memory_space<vmem>>, vector<16xi32>,
      %convert_element_type3A_2855 = arith.sitofp %get3A_2854 : vector<16xi32> to vector<16xf32>
      %get3A_2856 = arith.constant 0 : index
      %get3A_2857 = tpu.vector_load %arg19[%get3A_2856] {strides = array<i32>} : memref<128xi32, #tpu.memory_space<vmem>>, vector<16xi32>,
      %convert_element_type3A_2858 = arith.sitofp %get3A_2857 : vector<16xi32> to vector<16xf32>
      %get3A_2859 = arith.constant 0 : index
      %get3A_2860 = tpu.vector_load %arg21[%get3A_2859] {strides = array<i32>} : memref<128xi32, #tpu.memory_space<vmem>>, vector<16xi32>,
      %convert_element_type3A_2861 = arith.sitofp %get3A_2860 : vector<16xi32> to vector<16xf32>
      %sub3A_2862 = arith.subf %gather3A_2840, %gather3A_2827 : vector<16xf32>
      %mul3A_2863 = arith.mulf %convert_element_type3A_2855, %gather3A : vector<16xf32>
      %add3A_2864 = arith.addf %sub3A_2862, %mul3A_2863 : vector<16xf32>
      %mul3A_2865 = arith.mulf %convert_element_type3A_2858, %gather3A_22 : vector<16xf32>
      %add3A_2866 = arith.addf %add3A_2864, %mul3A_2865 : vector<16xf32>
      %mul3A_2867 = arith.mulf %convert_element_type3A_2861, %gather3A_34 : vector<16xf32>
      %add3A_2868 = arith.addf %add3A_2866, %mul3A_2867 : vector<16xf32>
      %sub3A_2869 = arith.subf %gather3A_2844, %gather3A_2831 : vector<16xf32>
      %mul3A_2870 = arith.mulf %convert_element_type3A_2855, %gather3A_14 : vector<16xf32>
      %add3A_2871 = arith.addf %sub3A_2869, %mul3A_2870 : vector<16xf32>
      %mul3A_2872 = arith.mulf %convert_element_type3A_2858, %gather3A_26 : vector<16xf32>
      %add3A_2873 = arith.addf %add3A_2871, %mul3A_2872 : vector<16xf32>
      %mul3A_2874 = arith.mulf %convert_element_type3A_2861, %gather3A_38 : vector<16xf32>
      %add3A_2875 = arith.addf %add3A_2873, %mul3A_2874 : vector<16xf32>
      %sub3A_2876 = arith.subf %gather3A_2848, %gather3A_2835 : vector<16xf32>
      %mul3A_2877 = arith.mulf %convert_element_type3A_2855, %gather3A_18 : vector<16xf32>
      %add3A_2878 = arith.addf %sub3A_2876, %mul3A_2877 : vector<16xf32>
      %mul3A_2879 = arith.mulf %convert_element_type3A_2858, %gather3A_30 : vector<16xf32>
      %add3A_2880 = arith.addf %add3A_2878, %mul3A_2879 : vector<16xf32>
      %mul3A_2881 = arith.mulf %convert_element_type3A_2861, %gather3A_42 : vector<16xf32>
      %add3A_2882 = arith.addf %add3A_2880, %mul3A_2881 : vector<16xf32>
      %mul3A_2883 = arith.mulf %add3A_2868, %add3A_2868 : vector<16xf32>
      %mul3A_2884 = arith.mulf %add3A_2875, %add3A_2875 : vector<16xf32>
      %add3A_2885 = arith.addf %mul3A_2883, %mul3A_2884 : vector<16xf32>
      %mul3A_2886 = arith.mulf %add3A_2882, %add3A_2882 : vector<16xf32>
      %add3A_2887 = arith.addf %add3A_2885, %mul3A_2886 : vector<16xf32>
      %mul3A_2888 = arith.mulf %add3A_2887, %add3A_2887 : vector<16xf32>
      %mul3A_2889 = arith.mulf %mul3A_2888, %add3A_2887 : vector<16xf32>
      %mul3A_2890 = arith.constant 2.000000e+00 : f32
      %mul3A_2891 = vector.broadcast %mul3A_2890 : f32 to vector<16xf32>
      %mul3A_2892 = arith.mulf %gather3A_2839, %mul3A_2891 : vector<16xf32>
      %add3A_2893 = arith.addf %mul3A_2892, %gather3A_2852 : vector<16xf32>
      %convert_element_type3A_2894 = arith.fptosi %add3A_2893 : vector<16xf32> to vector<16xi32>
      %gather3A_2895 = tpu.vector_load_idx %arg28[%convert_element_type3A_2894] : memref<16xf32, #tpu.memory_space<vmem>>[vector<16xi32>], vector<16xf32>,
      %add3A_2896 = arith.constant 4 : i32
      %add3A_2897 = vector.broadcast %add3A_2896 : i32 to vector<16xi32>
      %add3A_2898 = arith.addi %convert_element_type3A_2894, %add3A_2897 : vector<16xi32>
      %gather3A_2899 = tpu.vector_load_idx %arg28[%add3A_2898] : memref<16xf32, #tpu.memory_space<vmem>>[vector<16xi32>], vector<16xf32>,
      %add3A_2900 = arith.constant 8 : i32
      %add3A_2901 = vector.broadcast %add3A_2900 : i32 to vector<16xi32>
      %add3A_2902 = arith.addi %convert_element_type3A_2894, %add3A_2901 : vector<16xi32>
      %gather3A_2903 = tpu.vector_load_idx %arg28[%add3A_2902] : memref<16xf32, #tpu.memory_space<vmem>>[vector<16xi32>], vector<16xf32>,
      %div3A_2904 = arith.divf %gather3A_2895, %mul3A_2889 : vector<16xf32>
      %sub3A_2905 = arith.constant 1.000000e+00 : f32
      %sub3A_2906 = vector.broadcast %sub3A_2905 : f32 to vector<16xf32>
      %sub3A_2907 = arith.subf %div3A_2904, %sub3A_2906 : vector<16xf32>
      %mul3A_2908 = arith.mulf %div3A_2904, %sub3A_2907 : vector<16xf32>
      %mul3A_2909 = arith.mulf %gather3A_2899, %mul3A_2908 : vector<16xf32>
      %sub3A_2910 = arith.subf %mul3A_2909, %gather3A_2903 : vector<16xf32>
      %get3A_2911 = arith.constant 0 : index
      %get3A_2912 = tpu.vector_load %arg13[%get3A_2911] {strides = array<i32>} : memref<128xi32, #tpu.memory_space<vmem>>, vector<16xi32>,
      %get3A_2913 = arith.constant 0 : index
      %get3A_2914 = tpu.vector_load %arg15[%get3A_2913] {strides = array<i32>} : memref<128xi32, #tpu.memory_space<vmem>>, vector<16xi32>,
      tpu.vector_store_idx %arg11[%get3A_2912], %sub3A_2910 {add = true} : memref<100352xf32, #tpu.memory_space<vmem>>[vector<16xi32>], vector<16xf32>,
      tpu.vector_store_idx %arg11[%get3A_2914], %sub3A_2910 {add = true} : memref<100352xf32, #tpu.memory_space<vmem>>[vector<16xi32>], vector<16xf32>,
      %add3A_2915 = arith.constant 16 : i32
      %add3A_2916 = vector.broadcast %add3A_2915 : i32 to vector<16xi32>
      %add3A_2917 = arith.addi %iota3A, %add3A_2916 : vector<16xi32>
      %broadcast_in_dim3A_2918 = arith.constant 0 : i32
      %broadcast_in_dim3A_2919 = vector.broadcast %broadcast_in_dim3A_2918 : i32 to vector<16xi32>
      %gather3A_2920 = tpu.vector_load_idx %arg23[%add3A_2917, %broadcast_in_dim3A_2919] : memref<128x8xf32, #tpu.memory_space<vmem>>[vector<16xi32>, vector<16xi32>], vector<16xf32>,
      %add3A_2921 = arith.constant 1 : i32
      %add3A_2922 = vector.broadcast %add3A_2921 : i32 to vector<16xi32>
      %add3A_2923 = arith.addi %broadcast_in_dim3A_2919, %add3A_2922 : vector<16xi32>
      %gather3A_2924 = tpu.vector_load_idx %arg23[%add3A_2917, %add3A_2923] : memref<128x8xf32, #tpu.memory_space<vmem>>[vector<16xi32>, vector<16xi32>], vector<16xf32>,
      %add3A_2925 = arith.constant 2 : i32
      %add3A_2926 = vector.broadcast %add3A_2925 : i32 to vector<16xi32>
      %add3A_2927 = arith.addi %broadcast_in_dim3A_2919, %add3A_2926 : vector<16xi32>
      %gather3A_2928 = tpu.vector_load_idx %arg23[%add3A_2917, %add3A_2927] : memref<128x8xf32, #tpu.memory_space<vmem>>[vector<16xi32>, vector<16xi32>], vector<16xf32>,
      %add3A_2929 = arith.constant 3 : i32
      %add3A_2930 = vector.broadcast %add3A_2929 : i32 to vector<16xi32>
      %add3A_2931 = arith.addi %broadcast_in_dim3A_2919, %add3A_2930 : vector<16xi32>
      %gather3A_2932 = tpu.vector_load_idx %arg23[%add3A_2917, %add3A_2931] : memref<128x8xf32, #tpu.memory_space<vmem>>[vector<16xi32>, vector<16xi32>], vector<16xf32>,
      %gather3A_2933 = tpu.vector_load_idx %arg25[%add3A_2917, %broadcast_in_dim3A_2919] : memref<128x8xf32, #tpu.memory_space<vmem>>[vector<16xi32>, vector<16xi32>], vector<16xf32>,
      %add3A_2934 = arith.constant 1 : i32
      %add3A_2935 = vector.broadcast %add3A_2934 : i32 to vector<16xi32>
      %add3A_2936 = arith.addi %broadcast_in_dim3A_2919, %add3A_2935 : vector<16xi32>
      %gather3A_2937 = tpu.vector_load_idx %arg25[%add3A_2917, %add3A_2936] : memref<128x8xf32, #tpu.memory_space<vmem>>[vector<16xi32>, vector<16xi32>], vector<16xf32>,
      %add3A_2938 = arith.constant 2 : i32
      %add3A_2939 = vector.broadcast %add3A_2938 : i32 to vector<16xi32>
      %add3A_2940 = arith.addi %broadcast_in_dim3A_2919, %add3A_2939 : vector<16xi32>
      %gather3A_2941 = tpu.vector_load_idx %arg25[%add3A_2917, %add3A_2940] : memref<128x8xf32, #tpu.memory_space<vmem>>[vector<16xi32>, vector<16xi32>], vector<16xf32>,
      %add3A_2942 = arith.constant 3 : i32
      %add3A_2943 = vector.broadcast %add3A_2942 : i32 to vector<16xi32>
      %add3A_2944 = arith.addi %broadcast_in_dim3A_2919, %add3A_2943 : vector<16xi32>
      %gather3A_2945 = tpu.vector_load_idx %arg25[%add3A_2917, %add3A_2944] : memref<128x8xf32, #tpu.memory_space<vmem>>[vector<16xi32>, vector<16xi32>], vector<16xf32>,
      %get3A_2946 = arith.constant 16 : index
      %get3A_2947 = tpu.vector_load %arg17[%get3A_2946] {strides = array<i32>} : memref<128xi32, #tpu.memory_space<vmem>>, vector<16xi32>,
      %convert_element_type3A_2948 = arith.sitofp %get3A_2947 : vector<16xi32> to vector<16xf32>
      %get3A_2949 = arith.constant 16 : index
      %get3A_2950 = tpu.vector_load %arg19[%get3A_2949] {strides = array<i32>} : memref<128xi32, #tpu.memory_space<vmem>>, vector<16xi32>,
      %convert_element_type3A_2951 = arith.sitofp %get3A_2950 : vector<16xi32> to vector<16xf32>
      %get3A_2952 = arith.constant 16 : index
      %get3A_2953 = tpu.vector_load %arg21[%get3A_2952] {strides = array<i32>} : memref<128xi32, #tpu.memory_space<vmem>>, vector<16xi32>,
      %convert_element_type3A_2954 = arith.sitofp %get3A_2953 : vector<16xi32> to vector<16xf32>
      %sub3A_2955 = arith.subf %gather3A_2933, %gather3A_2920 : vector<16xf32>
      %mul3A_2956 = arith.mulf %convert_element_type3A_2948, %gather3A : vector<16xf32>
      %add3A_2957 = arith.addf %sub3A_2955, %mul3A_2956 : vector<16xf32>
      %mul3A_2958 = arith.mulf %convert_element_type3A_2951, %gather3A_22 : vector<16xf32>
      %add3A_2959 = arith.addf %add3A_2957, %mul3A_2958 : vector<16xf32>
      %mul3A_2960 = arith.mulf %convert_element_type3A_2954, %gather3A_34 : vector<16xf32>
      %add3A_2961 = arith.addf %add3A_2959, %mul3A_2960 : vector<16xf32>
      %sub3A_2962 = arith.subf %gather3A_2937, %gather3A_2924 : vector<16xf32>
      %mul3A_2963 = arith.mulf %convert_element_type3A_2948, %gather3A_14 : vector<16xf32>
      %add3A_2964 = arith.addf %sub3A_2962, %mul3A_2963 : vector<16xf32>
      %mul3A_2965 = arith.mulf %convert_element_type3A_2951, %gather3A_26 : vector<16xf32>
      %add3A_2966 = arith.addf %add3A_2964, %mul3A_2965 : vector<16xf32>
      %mul3A_2967 = arith.mulf %convert_element_type3A_2954, %gather3A_38 : vector<16xf32>
      %add3A_2968 = arith.addf %add3A_2966, %mul3A_2967 : vector<16xf32>
      %sub3A_2969 = arith.subf %gather3A_2941, %gather3A_2928 : vector<16xf32>
      %mul3A_2970 = arith.mulf %convert_element_type3A_2948, %gather3A_18 : vector<16xf32>
      %add3A_2971 = arith.addf %sub3A_2969, %mul3A_2970 : vector<16xf32>
      %mul3A_2972 = arith.mulf %convert_element_type3A_2951, %gather3A_30 : vector<16xf32>
      %add3A_2973 = arith.addf %add3A_2971, %mul3A_2972 : vector<16xf32>
      %mul3A_2974 = arith.mulf %convert_element_type3A_2954, %gather3A_42 : vector<16xf32>
      %add3A_2975 = arith.addf %add3A_2973, %mul3A_2974 : vector<16xf32>
      %mul3A_2976 = arith.mulf %add3A_2961, %add3A_2961 : vector<16xf32>
      %mul3A_2977 = arith.mulf %add3A_2968, %add3A_2968 : vector<16xf32>
      %add3A_2978 = arith.addf %mul3A_2976, %mul3A_2977 : vector<16xf32>
      %mul3A_2979 = arith.mulf %add3A_2975, %add3A_2975 : vector<16xf32>
      %add3A_2980 = arith.addf %add3A_2978, %mul3A_2979 : vector<16xf32>
      %mul3A_2981 = arith.mulf %add3A_2980, %add3A_2980 : vector<16xf32>
      %mul3A_2982 = arith.mulf %mul3A_2981, %add3A_2980 : vector<16xf32>
      %mul3A_2983 = arith.constant 2.000000e+00 : f32
      %mul3A_2984 = vector.broadcast %mul3A_2983 : f32 to vector<16xf32>
      %mul3A_2985 = arith.mulf %gather3A_2932, %mul3A_2984 : vector<16xf32>
      %add3A_2986 = arith.addf %mul3A_2985, %gather3A_2945 : vector<16xf32>
      %convert_element_type3A_2987 = arith.fptosi %add3A_2986 : vector<16xf32> to vector<16xi32>
      %gather3A_2988 = tpu.vector_load_idx %arg28[%convert_element_type3A_2987] : memref<16xf32, #tpu.memory_space<vmem>>[vector<16xi32>], vector<16xf32>,
      %add3A_2989 = arith.constant 4 : i32
      %add3A_2990 = vector.broadcast %add3A_2989 : i32 to vector<16xi32>
      %add3A_2991 = arith.addi %convert_element_type3A_2987, %add3A_2990 : vector<16xi32>
      %gather3A_2992 = tpu.vector_load_idx %arg28[%add3A_2991] : memref<16xf32, #tpu.memory_space<vmem>>[vector<16xi32>], vector<16xf32>,
      %add3A_2993 = arith.constant 8 : i32
      %add3A_2994 = vector.broadcast %add3A_2993 : i32 to vector<16xi32>
      %add3A_2995 = arith.addi %convert_element_type3A_2987, %add3A_2994 : vector<16xi32>
      %gather3A_2996 = tpu.vector_load_idx %arg28[%add3A_2995] : memref<16xf32, #tpu.memory_space<vmem>>[vector<16xi32>], vector<16xf32>,
      %div3A_2997 = arith.divf %gather3A_2988, %mul3A_2982 : vector<16xf32>
      %sub3A_2998 = arith.constant 1.000000e+00 : f32
      %sub3A_2999 = vector.broadcast %sub3A_2998 : f32 to vector<16xf32>
      %sub3A_3000 = arith.subf %div3A_2997, %sub3A_2999 : vector<16xf32>
      %mul3A_3001 = arith.mulf %div3A_2997, %sub3A_3000 : vector<16xf32>
      %mul3A_3002 = arith.mulf %gather3A_2992, %mul3A_3001 : vector<16xf32>
      %sub3A_3003 = arith.subf %mul3A_3002, %gather3A_2996 : vector<16xf32>
      %get3A_3004 = arith.constant 16 : index
      %get3A_3005 = tpu.vector_load %arg13[%get3A_3004] {strides = array<i32>} : memref<128xi32, #tpu.memory_space<vmem>>, vector<16xi32>,
      %get3A_3006 = arith.constant 16 : index
      %get3A_3007 = tpu.vector_load %arg15[%get3A_3006] {strides = array<i32>} : memref<128xi32, #tpu.memory_space<vmem>>, vector<16xi32>,
      tpu.vector_store_idx %arg11[%get3A_3005], %sub3A_3003 {add = true} : memref<100352xf32, #tpu.memory_space<vmem>>[vector<16xi32>], vector<16xf32>,
      tpu.vector_store_idx %arg11[%get3A_3007], %sub3A_3003 {add = true} : memref<100352xf32, #tpu.memory_space<vmem>>[vector<16xi32>], vector<16xf32>,
      %add3A_3008 = arith.constant 32 : i32
      %add3A_3009 = vector.broadcast %add3A_3008 : i32 to vector<16xi32>
      %add3A_3010 = arith.addi %iota3A, %add3A_3009 : vector<16xi32>
      %broadcast_in_dim3A_3011 = arith.constant 0 : i32
      %broadcast_in_dim3A_3012 = vector.broadcast %broadcast_in_dim3A_3011 : i32 to vector<16xi32>
      %gather3A_3013 = tpu.vector_load_idx %arg23[%add3A_3010, %broadcast_in_dim3A_3012] : memref<128x8xf32, #tpu.memory_space<vmem>>[vector<16xi32>, vector<16xi32>], vector<16xf32>,
      %add3A_3014 = arith.constant 1 : i32
      %add3A_3015 = vector.broadcast %add3A_3014 : i32 to vector<16xi32>
      %add3A_3016 = arith.addi %broadcast_in_dim3A_3012, %add3A_3015 : vector<16xi32>
      %gather3A_3017 = tpu.vector_load_idx %arg23[%add3A_3010, %add3A_3016] : memref<128x8xf32, #tpu.memory_space<vmem>>[vector<16xi32>, vector<16xi32>], vector<16xf32>,
      %add3A_3018 = arith.constant 2 : i32
      %add3A_3019 = vector.broadcast %add3A_3018 : i32 to vector<16xi32>
      %add3A_3020 = arith.addi %broadcast_in_dim3A_3012, %add3A_3019 : vector<16xi32>
      %gather3A_3021 = tpu.vector_load_idx %arg23[%add3A_3010, %add3A_3020] : memref<128x8xf32, #tpu.memory_space<vmem>>[vector<16xi32>, vector<16xi32>], vector<16xf32>,
      %add3A_3022 = arith.constant 3 : i32
      %add3A_3023 = vector.broadcast %add3A_3022 : i32 to vector<16xi32>
      %add3A_3024 = arith.addi %broadcast_in_dim3A_3012, %add3A_3023 : vector<16xi32>
      %gather3A_3025 = tpu.vector_load_idx %arg23[%add3A_3010, %add3A_3024] : memref<128x8xf32, #tpu.memory_space<vmem>>[vector<16xi32>, vector<16xi32>], vector<16xf32>,
      %gather3A_3026 = tpu.vector_load_idx %arg25[%add3A_3010, %broadcast_in_dim3A_3012] : memref<128x8xf32, #tpu.memory_space<vmem>>[vector<16xi32>, vector<16xi32>], vector<16xf32>,
      %add3A_3027 = arith.constant 1 : i32
      %add3A_3028 = vector.broadcast %add3A_3027 : i32 to vector<16xi32>
      %add3A_3029 = arith.addi %broadcast_in_dim3A_3012, %add3A_3028 : vector<16xi32>
      %gather3A_3030 = tpu.vector_load_idx %arg25[%add3A_3010, %add3A_3029] : memref<128x8xf32, #tpu.memory_space<vmem>>[vector<16xi32>, vector<16xi32>], vector<16xf32>,
      %add3A_3031 = arith.constant 2 : i32
      %add3A_3032 = vector.broadcast %add3A_3031 : i32 to vector<16xi32>
      %add3A_3033 = arith.addi %broadcast_in_dim3A_3012, %add3A_3032 : vector<16xi32>
      %gather3A_3034 = tpu.vector_load_idx %arg25[%add3A_3010, %add3A_3033] : memref<128x8xf32, #tpu.memory_space<vmem>>[vector<16xi32>, vector<16xi32>], vector<16xf32>,
      %add3A_3035 = arith.constant 3 : i32
      %add3A_3036 = vector.broadcast %add3A_3035 : i32 to vector<16xi32>
      %add3A_3037 = arith.addi %broadcast_in_dim3A_3012, %add3A_3036 : vector<16xi32>
      %gather3A_3038 = tpu.vector_load_idx %arg25[%add3A_3010, %add3A_3037] : memref<128x8xf32, #tpu.memory_space<vmem>>[vector<16xi32>, vector<16xi32>], vector<16xf32>,
      %get3A_3039 = arith.constant 32 : index
      %get3A_3040 = tpu.vector_load %arg17[%get3A_3039] {strides = array<i32>} : memref<128xi32, #tpu.memory_space<vmem>>, vector<16xi32>,
      %convert_element_type3A_3041 = arith.sitofp %get3A_3040 : vector<16xi32> to vector<16xf32>
      %get3A_3042 = arith.constant 32 : index
      %get3A_3043 = tpu.vector_load %arg19[%get3A_3042] {strides = array<i32>} : memref<128xi32, #tpu.memory_space<vmem>>, vector<16xi32>,
      %convert_element_type3A_3044 = arith.sitofp %get3A_3043 : vector<16xi32> to vector<16xf32>
      %get3A_3045 = arith.constant 32 : index
      %get3A_3046 = tpu.vector_load %arg21[%get3A_3045] {strides = array<i32>} : memref<128xi32, #tpu.memory_space<vmem>>, vector<16xi32>,
      %convert_element_type3A_3047 = arith.sitofp %get3A_3046 : vector<16xi32> to vector<16xf32>
      %sub3A_3048 = arith.subf %gather3A_3026, %gather3A_3013 : vector<16xf32>
      %mul3A_3049 = arith.mulf %convert_element_type3A_3041, %gather3A : vector<16xf32>
      %add3A_3050 = arith.addf %sub3A_3048, %mul3A_3049 : vector<16xf32>
      %mul3A_3051 = arith.mulf %convert_element_type3A_3044, %gather3A_22 : vector<16xf32>
      %add3A_3052 = arith.addf %add3A_3050, %mul3A_3051 : vector<16xf32>
      %mul3A_3053 = arith.mulf %convert_element_type3A_3047, %gather3A_34 : vector<16xf32>
      %add3A_3054 = arith.addf %add3A_3052, %mul3A_3053 : vector<16xf32>
      %sub3A_3055 = arith.subf %gather3A_3030, %gather3A_3017 : vector<16xf32>
      %mul3A_3056 = arith.mulf %convert_element_type3A_3041, %gather3A_14 : vector<16xf32>
      %add3A_3057 = arith.addf %sub3A_3055, %mul3A_3056 : vector<16xf32>
      %mul3A_3058 = arith.mulf %convert_element_type3A_3044, %gather3A_26 : vector<16xf32>
      %add3A_3059 = arith.addf %add3A_3057, %mul3A_3058 : vector<16xf32>
      %mul3A_3060 = arith.mulf %convert_element_type3A_3047, %gather3A_38 : vector<16xf32>
      %add3A_3061 = arith.addf %add3A_3059, %mul3A_3060 : vector<16xf32>
      %sub3A_3062 = arith.subf %gather3A_3034, %gather3A_3021 : vector<16xf32>
      %mul3A_3063 = arith.mulf %convert_element_type3A_3041, %gather3A_18 : vector<16xf32>
      %add3A_3064 = arith.addf %sub3A_3062, %mul3A_3063 : vector<16xf32>
      %mul3A_3065 = arith.mulf %convert_element_type3A_3044, %gather3A_30 : vector<16xf32>
      %add3A_3066 = arith.addf %add3A_3064, %mul3A_3065 : vector<16xf32>
      %mul3A_3067 = arith.mulf %convert_element_type3A_3047, %gather3A_42 : vector<16xf32>
      %add3A_3068 = arith.addf %add3A_3066, %mul3A_3067 : vector<16xf32>
      %mul3A_3069 = arith.mulf %add3A_3054, %add3A_3054 : vector<16xf32>
      %mul3A_3070 = arith.mulf %add3A_3061, %add3A_3061 : vector<16xf32>
      %add3A_3071 = arith.addf %mul3A_3069, %mul3A_3070 : vector<16xf32>
      %mul3A_3072 = arith.mulf %add3A_3068, %add3A_3068 : vector<16xf32>
      %add3A_3073 = arith.addf %add3A_3071, %mul3A_3072 : vector<16xf32>
      %mul3A_3074 = arith.mulf %add3A_3073, %add3A_3073 : vector<16xf32>
      %mul3A_3075 = arith.mulf %mul3A_3074, %add3A_3073 : vector<16xf32>
      %mul3A_3076 = arith.constant 2.000000e+00 : f32
      %mul3A_3077 = vector.broadcast %mul3A_3076 : f32 to vector<16xf32>
      %mul3A_3078 = arith.mulf %gather3A_3025, %mul3A_3077 : vector<16xf32>
      %add3A_3079 = arith.addf %mul3A_3078, %gather3A_3038 : vector<16xf32>
      %convert_element_type3A_3080 = arith.fptosi %add3A_3079 : vector<16xf32> to vector<16xi32>
      %gather3A_3081 = tpu.vector_load_idx %arg28[%convert_element_type3A_3080] : memref<16xf32, #tpu.memory_space<vmem>>[vector<16xi32>], vector<16xf32>,
      %add3A_3082 = arith.constant 4 : i32
      %add3A_3083 = vector.broadcast %add3A_3082 : i32 to vector<16xi32>
      %add3A_3084 = arith.addi %convert_element_type3A_3080, %add3A_3083 : vector<16xi32>
      %gather3A_3085 = tpu.vector_load_idx %arg28[%add3A_3084] : memref<16xf32, #tpu.memory_space<vmem>>[vector<16xi32>], vector<16xf32>,
      %add3A_3086 = arith.constant 8 : i32
      %add3A_3087 = vector.broadcast %add3A_3086 : i32 to vector<16xi32>
      %add3A_3088 = arith.addi %convert_element_type3A_3080, %add3A_3087 : vector<16xi32>
      %gather3A_3089 = tpu.vector_load_idx %arg28[%add3A_3088] : memref<16xf32, #tpu.memory_space<vmem>>[vector<16xi32>], vector<16xf32>,
      %div3A_3090 = arith.divf %gather3A_3081, %mul3A_3075 : vector<16xf32>
      %sub3A_3091 = arith.constant 1.000000e+00 : f32
      %sub3A_3092 = vector.broadcast %sub3A_3091 : f32 to vector<16xf32>
      %sub3A_3093 = arith.subf %div3A_3090, %sub3A_3092 : vector<16xf32>
      %mul3A_3094 = arith.mulf %div3A_3090, %sub3A_3093 : vector<16xf32>
      %mul3A_3095 = arith.mulf %gather3A_3085, %mul3A_3094 : vector<16xf32>
      %sub3A_3096 = arith.subf %mul3A_3095, %gather3A_3089 : vector<16xf32>
      %get3A_3097 = arith.constant 32 : index
      %get3A_3098 = tpu.vector_load %arg13[%get3A_3097] {strides = array<i32>} : memref<128xi32, #tpu.memory_space<vmem>>, vector<16xi32>,
      %get3A_3099 = arith.constant 32 : index
      %get3A_3100 = tpu.vector_load %arg15[%get3A_3099] {strides = array<i32>} : memref<128xi32, #tpu.memory_space<vmem>>, vector<16xi32>,
      tpu.vector_store_idx %arg11[%get3A_3098], %sub3A_3096 {add = true} : memref<100352xf32, #tpu.memory_space<vmem>>[vector<16xi32>], vector<16xf32>,
      tpu.vector_store_idx %arg11[%get3A_3100], %sub3A_3096 {add = true} : memref<100352xf32, #tpu.memory_space<vmem>>[vector<16xi32>], vector<16xf32>,
      %add3A_3101 = arith.constant 48 : i32
      %add3A_3102 = vector.broadcast %add3A_3101 : i32 to vector<16xi32>
      %add3A_3103 = arith.addi %iota3A, %add3A_3102 : vector<16xi32>
      %broadcast_in_dim3A_3104 = arith.constant 0 : i32
      %broadcast_in_dim3A_3105 = vector.broadcast %broadcast_in_dim3A_3104 : i32 to vector<16xi32>
      %gather3A_3106 = tpu.vector_load_idx %arg23[%add3A_3103, %broadcast_in_dim3A_3105] : memref<128x8xf32, #tpu.memory_space<vmem>>[vector<16xi32>, vector<16xi32>], vector<16xf32>,
      %add3A_3107 = arith.constant 1 : i32
      %add3A_3108 = vector.broadcast %add3A_3107 : i32 to vector<16xi32>
      %add3A_3109 = arith.addi %broadcast_in_dim3A_3105, %add3A_3108 : vector<16xi32>
      %gather3A_3110 = tpu.vector_load_idx %arg23[%add3A_3103, %add3A_3109] : memref<128x8xf32, #tpu.memory_space<vmem>>[vector<16xi32>, vector<16xi32>], vector<16xf32>,
      %add3A_3111 = arith.constant 2 : i32
      %add3A_3112 = vector.broadcast %add3A_3111 : i32 to vector<16xi32>
      %add3A_3113 = arith.addi %broadcast_in_dim3A_3105, %add3A_3112 : vector<16xi32>
      %gather3A_3114 = tpu.vector_load_idx %arg23[%add3A_3103, %add3A_3113] : memref<128x8xf32, #tpu.memory_space<vmem>>[vector<16xi32>, vector<16xi32>], vector<16xf32>,
      %add3A_3115 = arith.constant 3 : i32
      %add3A_3116 = vector.broadcast %add3A_3115 : i32 to vector<16xi32>
      %add3A_3117 = arith.addi %broadcast_in_dim3A_3105, %add3A_3116 : vector<16xi32>
      %gather3A_3118 = tpu.vector_load_idx %arg23[%add3A_3103, %add3A_3117] : memref<128x8xf32, #tpu.memory_space<vmem>>[vector<16xi32>, vector<16xi32>], vector<16xf32>,
      %gather3A_3119 = tpu.vector_load_idx %arg25[%add3A_3103, %broadcast_in_dim3A_3105] : memref<128x8xf32, #tpu.memory_space<vmem>>[vector<16xi32>, vector<16xi32>], vector<16xf32>,
      %add3A_3120 = arith.constant 1 : i32
      %add3A_3121 = vector.broadcast %add3A_3120 : i32 to vector<16xi32>
      %add3A_3122 = arith.addi %broadcast_in_dim3A_3105, %add3A_3121 : vector<16xi32>
      %gather3A_3123 = tpu.vector_load_idx %arg25[%add3A_3103, %add3A_3122] : memref<128x8xf32, #tpu.memory_space<vmem>>[vector<16xi32>, vector<16xi32>], vector<16xf32>,
      %add3A_3124 = arith.constant 2 : i32
      %add3A_3125 = vector.broadcast %add3A_3124 : i32 to vector<16xi32>
      %add3A_3126 = arith.addi %broadcast_in_dim3A_3105, %add3A_3125 : vector<16xi32>
      %gather3A_3127 = tpu.vector_load_idx %arg25[%add3A_3103, %add3A_3126] : memref<128x8xf32, #tpu.memory_space<vmem>>[vector<16xi32>, vector<16xi32>], vector<16xf32>,
      %add3A_3128 = arith.constant 3 : i32
      %add3A_3129 = vector.broadcast %add3A_3128 : i32 to vector<16xi32>
      %add3A_3130 = arith.addi %broadcast_in_dim3A_3105, %add3A_3129 : vector<16xi32>
      %gather3A_3131 = tpu.vector_load_idx %arg25[%add3A_3103, %add3A_3130] : memref<128x8xf32, #tpu.memory_space<vmem>>[vector<16xi32>, vector<16xi32>], vector<16xf32>,
      %get3A_3132 = arith.constant 48 : index
      %get3A_3133 = tpu.vector_load %arg17[%get3A_3132] {strides = array<i32>} : memref<128xi32, #tpu.memory_space<vmem>>, vector<16xi32>,
      %convert_element_type3A_3134 = arith.sitofp %get3A_3133 : vector<16xi32> to vector<16xf32>
      %get3A_3135 = arith.constant 48 : index
      %get3A_3136 = tpu.vector_load %arg19[%get3A_3135] {strides = array<i32>} : memref<128xi32, #tpu.memory_space<vmem>>, vector<16xi32>,
      %convert_element_type3A_3137 = arith.sitofp %get3A_3136 : vector<16xi32> to vector<16xf32>
      %get3A_3138 = arith.constant 48 : index
      %get3A_3139 = tpu.vector_load %arg21[%get3A_3138] {strides = array<i32>} : memref<128xi32, #tpu.memory_space<vmem>>, vector<16xi32>,
      %convert_element_type3A_3140 = arith.sitofp %get3A_3139 : vector<16xi32> to vector<16xf32>
      %sub3A_3141 = arith.subf %gather3A_3119, %gather3A_3106 : vector<16xf32>
      %mul3A_3142 = arith.mulf %convert_element_type3A_3134, %gather3A : vector<16xf32>
      %add3A_3143 = arith.addf %sub3A_3141, %mul3A_3142 : vector<16xf32>
      %mul3A_3144 = arith.mulf %convert_element_type3A_3137, %gather3A_22 : vector<16xf32>
      %add3A_3145 = arith.addf %add3A_3143, %mul3A_3144 : vector<16xf32>
      %mul3A_3146 = arith.mulf %convert_element_type3A_3140, %gather3A_34 : vector<16xf32>
      %add3A_3147 = arith.addf %add3A_3145, %mul3A_3146 : vector<16xf32>
      %sub3A_3148 = arith.subf %gather3A_3123, %gather3A_3110 : vector<16xf32>
      %mul3A_3149 = arith.mulf %convert_element_type3A_3134, %gather3A_14 : vector<16xf32>
      %add3A_3150 = arith.addf %sub3A_3148, %mul3A_3149 : vector<16xf32>
      %mul3A_3151 = arith.mulf %convert_element_type3A_3137, %gather3A_26 : vector<16xf32>
      %add3A_3152 = arith.addf %add3A_3150, %mul3A_3151 : vector<16xf32>
      %mul3A_3153 = arith.mulf %convert_element_type3A_3140, %gather3A_38 : vector<16xf32>
      %add3A_3154 = arith.addf %add3A_3152, %mul3A_3153 : vector<16xf32>
      %sub3A_3155 = arith.subf %gather3A_3127, %gather3A_3114 : vector<16xf32>
      %mul3A_3156 = arith.mulf %convert_element_type3A_3134, %gather3A_18 : vector<16xf32>
      %add3A_3157 = arith.addf %sub3A_3155, %mul3A_3156 : vector<16xf32>
      %mul3A_3158 = arith.mulf %convert_element_type3A_3137, %gather3A_30 : vector<16xf32>
      %add3A_3159 = arith.addf %add3A_3157, %mul3A_3158 : vector<16xf32>
      %mul3A_3160 = arith.mulf %convert_element_type3A_3140, %gather3A_42 : vector<16xf32>
      %add3A_3161 = arith.addf %add3A_3159, %mul3A_3160 : vector<16xf32>
      %mul3A_3162 = arith.mulf %add3A_3147, %add3A_3147 : vector<16xf32>
      %mul3A_3163 = arith.mulf %add3A_3154, %add3A_3154 : vector<16xf32>
      %add3A_3164 = arith.addf %mul3A_3162, %mul3A_3163 : vector<16xf32>
      %mul3A_3165 = arith.mulf %add3A_3161, %add3A_3161 : vector<16xf32>
      %add3A_3166 = arith.addf %add3A_3164, %mul3A_3165 : vector<16xf32>
      %mul3A_3167 = arith.mulf %add3A_3166, %add3A_3166 : vector<16xf32>
      %mul3A_3168 = arith.mulf %mul3A_3167, %add3A_3166 : vector<16xf32>
      %mul3A_3169 = arith.constant 2.000000e+00 : f32
      %mul3A_3170 = vector.broadcast %mul3A_3169 : f32 to vector<16xf32>
      %mul3A_3171 = arith.mulf %gather3A_3118, %mul3A_3170 : vector<16xf32>
      %add3A_3172 = arith.addf %mul3A_3171, %gather3A_3131 : vector<16xf32>
      %convert_element_type3A_3173 = arith.fptosi %add3A_3172 : vector<16xf32> to vector<16xi32>
      %gather3A_3174 = tpu.vector_load_idx %arg28[%convert_element_type3A_3173] : memref<16xf32, #tpu.memory_space<vmem>>[vector<16xi32>], vector<16xf32>,
      %add3A_3175 = arith.constant 4 : i32
      %add3A_3176 = vector.broadcast %add3A_3175 : i32 to vector<16xi32>
      %add3A_3177 = arith.addi %convert_element_type3A_3173, %add3A_3176 : vector<16xi32>
      %gather3A_3178 = tpu.vector_load_idx %arg28[%add3A_3177] : memref<16xf32, #tpu.memory_space<vmem>>[vector<16xi32>], vector<16xf32>,
      %add3A_3179 = arith.constant 8 : i32
      %add3A_3180 = vector.broadcast %add3A_3179 : i32 to vector<16xi32>
      %add3A_3181 = arith.addi %convert_element_type3A_3173, %add3A_3180 : vector<16xi32>
      %gather3A_3182 = tpu.vector_load_idx %arg28[%add3A_3181] : memref<16xf32, #tpu.memory_space<vmem>>[vector<16xi32>], vector<16xf32>,
      %div3A_3183 = arith.divf %gather3A_3174, %mul3A_3168 : vector<16xf32>
      %sub3A_3184 = arith.constant 1.000000e+00 : f32
      %sub3A_3185 = vector.broadcast %sub3A_3184 : f32 to vector<16xf32>
      %sub3A_3186 = arith.subf %div3A_3183, %sub3A_3185 : vector<16xf32>
      %mul3A_3187 = arith.mulf %div3A_3183, %sub3A_3186 : vector<16xf32>
      %mul3A_3188 = arith.mulf %gather3A_3178, %mul3A_3187 : vector<16xf32>
      %sub3A_3189 = arith.subf %mul3A_3188, %gather3A_3182 : vector<16xf32>
      %get3A_3190 = arith.constant 48 : index
      %get3A_3191 = tpu.vector_load %arg13[%get3A_3190] {strides = array<i32>} : memref<128xi32, #tpu.memory_space<vmem>>, vector<16xi32>,
      %get3A_3192 = arith.constant 48 : index
      %get3A_3193 = tpu.vector_load %arg15[%get3A_3192] {strides = array<i32>} : memref<128xi32, #tpu.memory_space<vmem>>, vector<16xi32>,
      tpu.vector_store_idx %arg11[%get3A_3191], %sub3A_3189 {add = true} : memref<100352xf32, #tpu.memory_space<vmem>>[vector<16xi32>], vector<16xf32>,
      tpu.vector_store_idx %arg11[%get3A_3193], %sub3A_3189 {add = true} : memref<100352xf32, #tpu.memory_space<vmem>>[vector<16xi32>], vector<16xf32>,
      %add3A_3194 = arith.constant 64 : i32
      %add3A_3195 = vector.broadcast %add3A_3194 : i32 to vector<16xi32>
      %add3A_3196 = arith.addi %iota3A, %add3A_3195 : vector<16xi32>
      %broadcast_in_dim3A_3197 = arith.constant 0 : i32
      %broadcast_in_dim3A_3198 = vector.broadcast %broadcast_in_dim3A_3197 : i32 to vector<16xi32>
      %gather3A_3199 = tpu.vector_load_idx %arg23[%add3A_3196, %broadcast_in_dim3A_3198] : memref<128x8xf32, #tpu.memory_space<vmem>>[vector<16xi32>, vector<16xi32>], vector<16xf32>,
      %add3A_3200 = arith.constant 1 : i32
      %add3A_3201 = vector.broadcast %add3A_3200 : i32 to vector<16xi32>
      %add3A_3202 = arith.addi %broadcast_in_dim3A_3198, %add3A_3201 : vector<16xi32>
      %gather3A_3203 = tpu.vector_load_idx %arg23[%add3A_3196, %add3A_3202] : memref<128x8xf32, #tpu.memory_space<vmem>>[vector<16xi32>, vector<16xi32>], vector<16xf32>,
      %add3A_3204 = arith.constant 2 : i32
      %add3A_3205 = vector.broadcast %add3A_3204 : i32 to vector<16xi32>
      %add3A_3206 = arith.addi %broadcast_in_dim3A_3198, %add3A_3205 : vector<16xi32>
      %gather3A_3207 = tpu.vector_load_idx %arg23[%add3A_3196, %add3A_3206] : memref<128x8xf32, #tpu.memory_space<vmem>>[vector<16xi32>, vector<16xi32>], vector<16xf32>,
      %add3A_3208 = arith.constant 3 : i32
      %add3A_3209 = vector.broadcast %add3A_3208 : i32 to vector<16xi32>
      %add3A_3210 = arith.addi %broadcast_in_dim3A_3198, %add3A_3209 : vector<16xi32>
      %gather3A_3211 = tpu.vector_load_idx %arg23[%add3A_3196, %add3A_3210] : memref<128x8xf32, #tpu.memory_space<vmem>>[vector<16xi32>, vector<16xi32>], vector<16xf32>,
      %gather3A_3212 = tpu.vector_load_idx %arg25[%add3A_3196, %broadcast_in_dim3A_3198] : memref<128x8xf32, #tpu.memory_space<vmem>>[vector<16xi32>, vector<16xi32>], vector<16xf32>,
      %add3A_3213 = arith.constant 1 : i32
      %add3A_3214 = vector.broadcast %add3A_3213 : i32 to vector<16xi32>
      %add3A_3215 = arith.addi %broadcast_in_dim3A_3198, %add3A_3214 : vector<16xi32>
      %gather3A_3216 = tpu.vector_load_idx %arg25[%add3A_3196, %add3A_3215] : memref<128x8xf32, #tpu.memory_space<vmem>>[vector<16xi32>, vector<16xi32>], vector<16xf32>,
      %add3A_3217 = arith.constant 2 : i32
      %add3A_3218 = vector.broadcast %add3A_3217 : i32 to vector<16xi32>
      %add3A_3219 = arith.addi %broadcast_in_dim3A_3198, %add3A_3218 : vector<16xi32>
      %gather3A_3220 = tpu.vector_load_idx %arg25[%add3A_3196, %add3A_3219] : memref<128x8xf32, #tpu.memory_space<vmem>>[vector<16xi32>, vector<16xi32>], vector<16xf32>,
      %add3A_3221 = arith.constant 3 : i32
      %add3A_3222 = vector.broadcast %add3A_3221 : i32 to vector<16xi32>
      %add3A_3223 = arith.addi %broadcast_in_dim3A_3198, %add3A_3222 : vector<16xi32>
      %gather3A_3224 = tpu.vector_load_idx %arg25[%add3A_3196, %add3A_3223] : memref<128x8xf32, #tpu.memory_space<vmem>>[vector<16xi32>, vector<16xi32>], vector<16xf32>,
      %get3A_3225 = arith.constant 64 : index
      %get3A_3226 = tpu.vector_load %arg17[%get3A_3225] {strides = array<i32>} : memref<128xi32, #tpu.memory_space<vmem>>, vector<16xi32>,
      %convert_element_type3A_3227 = arith.sitofp %get3A_3226 : vector<16xi32> to vector<16xf32>
      %get3A_3228 = arith.constant 64 : index
      %get3A_3229 = tpu.vector_load %arg19[%get3A_3228] {strides = array<i32>} : memref<128xi32, #tpu.memory_space<vmem>>, vector<16xi32>,
      %convert_element_type3A_3230 = arith.sitofp %get3A_3229 : vector<16xi32> to vector<16xf32>
      %get3A_3231 = arith.constant 64 : index
      %get3A_3232 = tpu.vector_load %arg21[%get3A_3231] {strides = array<i32>} : memref<128xi32, #tpu.memory_space<vmem>>, vector<16xi32>,
      %convert_element_type3A_3233 = arith.sitofp %get3A_3232 : vector<16xi32> to vector<16xf32>
      %sub3A_3234 = arith.subf %gather3A_3212, %gather3A_3199 : vector<16xf32>
      %mul3A_3235 = arith.mulf %convert_element_type3A_3227, %gather3A : vector<16xf32>
      %add3A_3236 = arith.addf %sub3A_3234, %mul3A_3235 : vector<16xf32>
      %mul3A_3237 = arith.mulf %convert_element_type3A_3230, %gather3A_22 : vector<16xf32>
      %add3A_3238 = arith.addf %add3A_3236, %mul3A_3237 : vector<16xf32>
      %mul3A_3239 = arith.mulf %convert_element_type3A_3233, %gather3A_34 : vector<16xf32>
      %add3A_3240 = arith.addf %add3A_3238, %mul3A_3239 : vector<16xf32>
      %sub3A_3241 = arith.subf %gather3A_3216, %gather3A_3203 : vector<16xf32>
      %mul3A_3242 = arith.mulf %convert_element_type3A_3227, %gather3A_14 : vector<16xf32>
      %add3A_3243 = arith.addf %sub3A_3241, %mul3A_3242 : vector<16xf32>
      %mul3A_3244 = arith.mulf %convert_element_type3A_3230, %gather3A_26 : vector<16xf32>
      %add3A_3245 = arith.addf %add3A_3243, %mul3A_3244 : vector<16xf32>
      %mul3A_3246 = arith.mulf %convert_element_type3A_3233, %gather3A_38 : vector<16xf32>
      %add3A_3247 = arith.addf %add3A_3245, %mul3A_3246 : vector<16xf32>
      %sub3A_3248 = arith.subf %gather3A_3220, %gather3A_3207 : vector<16xf32>
      %mul3A_3249 = arith.mulf %convert_element_type3A_3227, %gather3A_18 : vector<16xf32>
      %add3A_3250 = arith.addf %sub3A_3248, %mul3A_3249 : vector<16xf32>
      %mul3A_3251 = arith.mulf %convert_element_type3A_3230, %gather3A_30 : vector<16xf32>
      %add3A_3252 = arith.addf %add3A_3250, %mul3A_3251 : vector<16xf32>
      %mul3A_3253 = arith.mulf %convert_element_type3A_3233, %gather3A_42 : vector<16xf32>
      %add3A_3254 = arith.addf %add3A_3252, %mul3A_3253 : vector<16xf32>
      %mul3A_3255 = arith.mulf %add3A_3240, %add3A_3240 : vector<16xf32>
      %mul3A_3256 = arith.mulf %add3A_3247, %add3A_3247 : vector<16xf32>
      %add3A_3257 = arith.addf %mul3A_3255, %mul3A_3256 : vector<16xf32>
      %mul3A_3258 = arith.mulf %add3A_3254, %add3A_3254 : vector<16xf32>
      %add3A_3259 = arith.addf %add3A_3257, %mul3A_3258 : vector<16xf32>
      %mul3A_3260 = arith.mulf %add3A_3259, %add3A_3259 : vector<16xf32>
      %mul3A_3261 = arith.mulf %mul3A_3260, %add3A_3259 : vector<16xf32>
      %mul3A_3262 = arith.constant 2.000000e+00 : f32
      %mul3A_3263 = vector.broadcast %mul3A_3262 : f32 to vector<16xf32>
      %mul3A_3264 = arith.mulf %gather3A_3211, %mul3A_3263 : vector<16xf32>
      %add3A_3265 = arith.addf %mul3A_3264, %gather3A_3224 : vector<16xf32>
      %convert_element_type3A_3266 = arith.fptosi %add3A_3265 : vector<16xf32> to vector<16xi32>
      %gather3A_3267 = tpu.vector_load_idx %arg28[%convert_element_type3A_3266] : memref<16xf32, #tpu.memory_space<vmem>>[vector<16xi32>], vector<16xf32>,
      %add3A_3268 = arith.constant 4 : i32
      %add3A_3269 = vector.broadcast %add3A_3268 : i32 to vector<16xi32>
      %add3A_3270 = arith.addi %convert_element_type3A_3266, %add3A_3269 : vector<16xi32>
      %gather3A_3271 = tpu.vector_load_idx %arg28[%add3A_3270] : memref<16xf32, #tpu.memory_space<vmem>>[vector<16xi32>], vector<16xf32>,
      %add3A_3272 = arith.constant 8 : i32
      %add3A_3273 = vector.broadcast %add3A_3272 : i32 to vector<16xi32>
      %add3A_3274 = arith.addi %convert_element_type3A_3266, %add3A_3273 : vector<16xi32>
      %gather3A_3275 = tpu.vector_load_idx %arg28[%add3A_3274] : memref<16xf32, #tpu.memory_space<vmem>>[vector<16xi32>], vector<16xf32>,
      %div3A_3276 = arith.divf %gather3A_3267, %mul3A_3261 : vector<16xf32>
      %sub3A_3277 = arith.constant 1.000000e+00 : f32
      %sub3A_3278 = vector.broadcast %sub3A_3277 : f32 to vector<16xf32>
      %sub3A_3279 = arith.subf %div3A_3276, %sub3A_3278 : vector<16xf32>
      %mul3A_3280 = arith.mulf %div3A_3276, %sub3A_3279 : vector<16xf32>
      %mul3A_3281 = arith.mulf %gather3A_3271, %mul3A_3280 : vector<16xf32>
      %sub3A_3282 = arith.subf %mul3A_3281, %gather3A_3275 : vector<16xf32>
      %get3A_3283 = arith.constant 64 : index
      %get3A_3284 = tpu.vector_load %arg13[%get3A_3283] {strides = array<i32>} : memref<128xi32, #tpu.memory_space<vmem>>, vector<16xi32>,
      %get3A_3285 = arith.constant 64 : index
      %get3A_3286 = tpu.vector_load %arg15[%get3A_3285] {strides = array<i32>} : memref<128xi32, #tpu.memory_space<vmem>>, vector<16xi32>,
      tpu.vector_store_idx %arg11[%get3A_3284], %sub3A_3282 {add = true} : memref<100352xf32, #tpu.memory_space<vmem>>[vector<16xi32>], vector<16xf32>,
      tpu.vector_store_idx %arg11[%get3A_3286], %sub3A_3282 {add = true} : memref<100352xf32, #tpu.memory_space<vmem>>[vector<16xi32>], vector<16xf32>,
      %add3A_3287 = arith.constant 80 : i32
      %add3A_3288 = vector.broadcast %add3A_3287 : i32 to vector<16xi32>
      %add3A_3289 = arith.addi %iota3A, %add3A_3288 : vector<16xi32>
      %broadcast_in_dim3A_3290 = arith.constant 0 : i32
      %broadcast_in_dim3A_3291 = vector.broadcast %broadcast_in_dim3A_3290 : i32 to vector<16xi32>
      %gather3A_3292 = tpu.vector_load_idx %arg23[%add3A_3289, %broadcast_in_dim3A_3291] : memref<128x8xf32, #tpu.memory_space<vmem>>[vector<16xi32>, vector<16xi32>], vector<16xf32>,
      %add3A_3293 = arith.constant 1 : i32
      %add3A_3294 = vector.broadcast %add3A_3293 : i32 to vector<16xi32>
      %add3A_3295 = arith.addi %broadcast_in_dim3A_3291, %add3A_3294 : vector<16xi32>
      %gather3A_3296 = tpu.vector_load_idx %arg23[%add3A_3289, %add3A_3295] : memref<128x8xf32, #tpu.memory_space<vmem>>[vector<16xi32>, vector<16xi32>], vector<16xf32>,
      %add3A_3297 = arith.constant 2 : i32
      %add3A_3298 = vector.broadcast %add3A_3297 : i32 to vector<16xi32>
      %add3A_3299 = arith.addi %broadcast_in_dim3A_3291, %add3A_3298 : vector<16xi32>
      %gather3A_3300 = tpu.vector_load_idx %arg23[%add3A_3289, %add3A_3299] : memref<128x8xf32, #tpu.memory_space<vmem>>[vector<16xi32>, vector<16xi32>], vector<16xf32>,
      %add3A_3301 = arith.constant 3 : i32
      %add3A_3302 = vector.broadcast %add3A_3301 : i32 to vector<16xi32>
      %add3A_3303 = arith.addi %broadcast_in_dim3A_3291, %add3A_3302 : vector<16xi32>
      %gather3A_3304 = tpu.vector_load_idx %arg23[%add3A_3289, %add3A_3303] : memref<128x8xf32, #tpu.memory_space<vmem>>[vector<16xi32>, vector<16xi32>], vector<16xf32>,
      %gather3A_3305 = tpu.vector_load_idx %arg25[%add3A_3289, %broadcast_in_dim3A_3291] : memref<128x8xf32, #tpu.memory_space<vmem>>[vector<16xi32>, vector<16xi32>], vector<16xf32>,
      %add3A_3306 = arith.constant 1 : i32
      %add3A_3307 = vector.broadcast %add3A_3306 : i32 to vector<16xi32>
      %add3A_3308 = arith.addi %broadcast_in_dim3A_3291, %add3A_3307 : vector<16xi32>
      %gather3A_3309 = tpu.vector_load_idx %arg25[%add3A_3289, %add3A_3308] : memref<128x8xf32, #tpu.memory_space<vmem>>[vector<16xi32>, vector<16xi32>], vector<16xf32>,
      %add3A_3310 = arith.constant 2 : i32
      %add3A_3311 = vector.broadcast %add3A_3310 : i32 to vector<16xi32>
      %add3A_3312 = arith.addi %broadcast_in_dim3A_3291, %add3A_3311 : vector<16xi32>
      %gather3A_3313 = tpu.vector_load_idx %arg25[%add3A_3289, %add3A_3312] : memref<128x8xf32, #tpu.memory_space<vmem>>[vector<16xi32>, vector<16xi32>], vector<16xf32>,
      %add3A_3314 = arith.constant 3 : i32
      %add3A_3315 = vector.broadcast %add3A_3314 : i32 to vector<16xi32>
      %add3A_3316 = arith.addi %broadcast_in_dim3A_3291, %add3A_3315 : vector<16xi32>
      %gather3A_3317 = tpu.vector_load_idx %arg25[%add3A_3289, %add3A_3316] : memref<128x8xf32, #tpu.memory_space<vmem>>[vector<16xi32>, vector<16xi32>], vector<16xf32>,
      %get3A_3318 = arith.constant 80 : index
      %get3A_3319 = tpu.vector_load %arg17[%get3A_3318] {strides = array<i32>} : memref<128xi32, #tpu.memory_space<vmem>>, vector<16xi32>,
      %convert_element_type3A_3320 = arith.sitofp %get3A_3319 : vector<16xi32> to vector<16xf32>
      %get3A_3321 = arith.constant 80 : index
      %get3A_3322 = tpu.vector_load %arg19[%get3A_3321] {strides = array<i32>} : memref<128xi32, #tpu.memory_space<vmem>>, vector<16xi32>,
      %convert_element_type3A_3323 = arith.sitofp %get3A_3322 : vector<16xi32> to vector<16xf32>
      %get3A_3324 = arith.constant 80 : index
      %get3A_3325 = tpu.vector_load %arg21[%get3A_3324] {strides = array<i32>} : memref<128xi32, #tpu.memory_space<vmem>>, vector<16xi32>,
      %convert_element_type3A_3326 = arith.sitofp %get3A_3325 : vector<16xi32> to vector<16xf32>
      %sub3A_3327 = arith.subf %gather3A_3305, %gather3A_3292 : vector<16xf32>
      %mul3A_3328 = arith.mulf %convert_element_type3A_3320, %gather3A : vector<16xf32>
      %add3A_3329 = arith.addf %sub3A_3327, %mul3A_3328 : vector<16xf32>
      %mul3A_3330 = arith.mulf %convert_element_type3A_3323, %gather3A_22 : vector<16xf32>
      %add3A_3331 = arith.addf %add3A_3329, %mul3A_3330 : vector<16xf32>
      %mul3A_3332 = arith.mulf %convert_element_type3A_3326, %gather3A_34 : vector<16xf32>
      %add3A_3333 = arith.addf %add3A_3331, %mul3A_3332 : vector<16xf32>
      %sub3A_3334 = arith.subf %gather3A_3309, %gather3A_3296 : vector<16xf32>
      %mul3A_3335 = arith.mulf %convert_element_type3A_3320, %gather3A_14 : vector<16xf32>
      %add3A_3336 = arith.addf %sub3A_3334, %mul3A_3335 : vector<16xf32>
      %mul3A_3337 = arith.mulf %convert_element_type3A_3323, %gather3A_26 : vector<16xf32>
      %add3A_3338 = arith.addf %add3A_3336, %mul3A_3337 : vector<16xf32>
      %mul3A_3339 = arith.mulf %convert_element_type3A_3326, %gather3A_38 : vector<16xf32>
      %add3A_3340 = arith.addf %add3A_3338, %mul3A_3339 : vector<16xf32>
      %sub3A_3341 = arith.subf %gather3A_3313, %gather3A_3300 : vector<16xf32>
      %mul3A_3342 = arith.mulf %convert_element_type3A_3320, %gather3A_18 : vector<16xf32>
      %add3A_3343 = arith.addf %sub3A_3341, %mul3A_3342 : vector<16xf32>
      %mul3A_3344 = arith.mulf %convert_element_type3A_3323, %gather3A_30 : vector<16xf32>
      %add3A_3345 = arith.addf %add3A_3343, %mul3A_3344 : vector<16xf32>
      %mul3A_3346 = arith.mulf %convert_element_type3A_3326, %gather3A_42 : vector<16xf32>
      %add3A_3347 = arith.addf %add3A_3345, %mul3A_3346 : vector<16xf32>
      %mul3A_3348 = arith.mulf %add3A_3333, %add3A_3333 : vector<16xf32>
      %mul3A_3349 = arith.mulf %add3A_3340, %add3A_3340 : vector<16xf32>
      %add3A_3350 = arith.addf %mul3A_3348, %mul3A_3349 : vector<16xf32>
      %mul3A_3351 = arith.mulf %add3A_3347, %add3A_3347 : vector<16xf32>
      %add3A_3352 = arith.addf %add3A_3350, %mul3A_3351 : vector<16xf32>
      %mul3A_3353 = arith.mulf %add3A_3352, %add3A_3352 : vector<16xf32>
      %mul3A_3354 = arith.mulf %mul3A_3353, %add3A_3352 : vector<16xf32>
      %mul3A_3355 = arith.constant 2.000000e+00 : f32
      %mul3A_3356 = vector.broadcast %mul3A_3355 : f32 to vector<16xf32>
      %mul3A_3357 = arith.mulf %gather3A_3304, %mul3A_3356 : vector<16xf32>
      %add3A_3358 = arith.addf %mul3A_3357, %gather3A_3317 : vector<16xf32>
      %convert_element_type3A_3359 = arith.fptosi %add3A_3358 : vector<16xf32> to vector<16xi32>
      %gather3A_3360 = tpu.vector_load_idx %arg28[%convert_element_type3A_3359] : memref<16xf32, #tpu.memory_space<vmem>>[vector<16xi32>], vector<16xf32>,
      %add3A_3361 = arith.constant 4 : i32
      %add3A_3362 = vector.broadcast %add3A_3361 : i32 to vector<16xi32>
      %add3A_3363 = arith.addi %convert_element_type3A_3359, %add3A_3362 : vector<16xi32>
      %gather3A_3364 = tpu.vector_load_idx %arg28[%add3A_3363] : memref<16xf32, #tpu.memory_space<vmem>>[vector<16xi32>], vector<16xf32>,
      %add3A_3365 = arith.constant 8 : i32
      %add3A_3366 = vector.broadcast %add3A_3365 : i32 to vector<16xi32>
      %add3A_3367 = arith.addi %convert_element_type3A_3359, %add3A_3366 : vector<16xi32>
      %gather3A_3368 = tpu.vector_load_idx %arg28[%add3A_3367] : memref<16xf32, #tpu.memory_space<vmem>>[vector<16xi32>], vector<16xf32>,
      %div3A_3369 = arith.divf %gather3A_3360, %mul3A_3354 : vector<16xf32>
      %sub3A_3370 = arith.constant 1.000000e+00 : f32
      %sub3A_3371 = vector.broadcast %sub3A_3370 : f32 to vector<16xf32>
      %sub3A_3372 = arith.subf %div3A_3369, %sub3A_3371 : vector<16xf32>
      %mul3A_3373 = arith.mulf %div3A_3369, %sub3A_3372 : vector<16xf32>
      %mul3A_3374 = arith.mulf %gather3A_3364, %mul3A_3373 : vector<16xf32>
      %sub3A_3375 = arith.subf %mul3A_3374, %gather3A_3368 : vector<16xf32>
      %get3A_3376 = arith.constant 80 : index
      %get3A_3377 = tpu.vector_load %arg13[%get3A_3376] {strides = array<i32>} : memref<128xi32, #tpu.memory_space<vmem>>, vector<16xi32>,
      %get3A_3378 = arith.constant 80 : index
      %get3A_3379 = tpu.vector_load %arg15[%get3A_3378] {strides = array<i32>} : memref<128xi32, #tpu.memory_space<vmem>>, vector<16xi32>,
      tpu.vector_store_idx %arg11[%get3A_3377], %sub3A_3375 {add = true} : memref<100352xf32, #tpu.memory_space<vmem>>[vector<16xi32>], vector<16xf32>,
      tpu.vector_store_idx %arg11[%get3A_3379], %sub3A_3375 {add = true} : memref<100352xf32, #tpu.memory_space<vmem>>[vector<16xi32>], vector<16xf32>,
      %add3A_3380 = arith.constant 96 : i32
      %add3A_3381 = vector.broadcast %add3A_3380 : i32 to vector<16xi32>
      %add3A_3382 = arith.addi %iota3A, %add3A_3381 : vector<16xi32>
      %broadcast_in_dim3A_3383 = arith.constant 0 : i32
      %broadcast_in_dim3A_3384 = vector.broadcast %broadcast_in_dim3A_3383 : i32 to vector<16xi32>
      %gather3A_3385 = tpu.vector_load_idx %arg23[%add3A_3382, %broadcast_in_dim3A_3384] : memref<128x8xf32, #tpu.memory_space<vmem>>[vector<16xi32>, vector<16xi32>], vector<16xf32>,
      %add3A_3386 = arith.constant 1 : i32
      %add3A_3387 = vector.broadcast %add3A_3386 : i32 to vector<16xi32>
      %add3A_3388 = arith.addi %broadcast_in_dim3A_3384, %add3A_3387 : vector<16xi32>
      %gather3A_3389 = tpu.vector_load_idx %arg23[%add3A_3382, %add3A_3388] : memref<128x8xf32, #tpu.memory_space<vmem>>[vector<16xi32>, vector<16xi32>], vector<16xf32>,
      %add3A_3390 = arith.constant 2 : i32
      %add3A_3391 = vector.broadcast %add3A_3390 : i32 to vector<16xi32>
      %add3A_3392 = arith.addi %broadcast_in_dim3A_3384, %add3A_3391 : vector<16xi32>
      %gather3A_3393 = tpu.vector_load_idx %arg23[%add3A_3382, %add3A_3392] : memref<128x8xf32, #tpu.memory_space<vmem>>[vector<16xi32>, vector<16xi32>], vector<16xf32>,
      %add3A_3394 = arith.constant 3 : i32
      %add3A_3395 = vector.broadcast %add3A_3394 : i32 to vector<16xi32>
      %add3A_3396 = arith.addi %broadcast_in_dim3A_3384, %add3A_3395 : vector<16xi32>
      %gather3A_3397 = tpu.vector_load_idx %arg23[%add3A_3382, %add3A_3396] : memref<128x8xf32, #tpu.memory_space<vmem>>[vector<16xi32>, vector<16xi32>], vector<16xf32>,
      %gather3A_3398 = tpu.vector_load_idx %arg25[%add3A_3382, %broadcast_in_dim3A_3384] : memref<128x8xf32, #tpu.memory_space<vmem>>[vector<16xi32>, vector<16xi32>], vector<16xf32>,
      %add3A_3399 = arith.constant 1 : i32
      %add3A_3400 = vector.broadcast %add3A_3399 : i32 to vector<16xi32>
      %add3A_3401 = arith.addi %broadcast_in_dim3A_3384, %add3A_3400 : vector<16xi32>
      %gather3A_3402 = tpu.vector_load_idx %arg25[%add3A_3382, %add3A_3401] : memref<128x8xf32, #tpu.memory_space<vmem>>[vector<16xi32>, vector<16xi32>], vector<16xf32>,
      %add3A_3403 = arith.constant 2 : i32
      %add3A_3404 = vector.broadcast %add3A_3403 : i32 to vector<16xi32>
      %add3A_3405 = arith.addi %broadcast_in_dim3A_3384, %add3A_3404 : vector<16xi32>
      %gather3A_3406 = tpu.vector_load_idx %arg25[%add3A_3382, %add3A_3405] : memref<128x8xf32, #tpu.memory_space<vmem>>[vector<16xi32>, vector<16xi32>], vector<16xf32>,
      %add3A_3407 = arith.constant 3 : i32
      %add3A_3408 = vector.broadcast %add3A_3407 : i32 to vector<16xi32>
      %add3A_3409 = arith.addi %broadcast_in_dim3A_3384, %add3A_3408 : vector<16xi32>
      %gather3A_3410 = tpu.vector_load_idx %arg25[%add3A_3382, %add3A_3409] : memref<128x8xf32, #tpu.memory_space<vmem>>[vector<16xi32>, vector<16xi32>], vector<16xf32>,
      %get3A_3411 = arith.constant 96 : index
      %get3A_3412 = tpu.vector_load %arg17[%get3A_3411] {strides = array<i32>} : memref<128xi32, #tpu.memory_space<vmem>>, vector<16xi32>,
      %convert_element_type3A_3413 = arith.sitofp %get3A_3412 : vector<16xi32> to vector<16xf32>
      %get3A_3414 = arith.constant 96 : index
      %get3A_3415 = tpu.vector_load %arg19[%get3A_3414] {strides = array<i32>} : memref<128xi32, #tpu.memory_space<vmem>>, vector<16xi32>,
      %convert_element_type3A_3416 = arith.sitofp %get3A_3415 : vector<16xi32> to vector<16xf32>
      %get3A_3417 = arith.constant 96 : index
      %get3A_3418 = tpu.vector_load %arg21[%get3A_3417] {strides = array<i32>} : memref<128xi32, #tpu.memory_space<vmem>>, vector<16xi32>,
      %convert_element_type3A_3419 = arith.sitofp %get3A_3418 : vector<16xi32> to vector<16xf32>
      %sub3A_3420 = arith.subf %gather3A_3398, %gather3A_3385 : vector<16xf32>
      %mul3A_3421 = arith.mulf %convert_element_type3A_3413, %gather3A : vector<16xf32>
      %add3A_3422 = arith.addf %sub3A_3420, %mul3A_3421 : vector<16xf32>
      %mul3A_3423 = arith.mulf %convert_element_type3A_3416, %gather3A_22 : vector<16xf32>
      %add3A_3424 = arith.addf %add3A_3422, %mul3A_3423 : vector<16xf32>
      %mul3A_3425 = arith.mulf %convert_element_type3A_3419, %gather3A_34 : vector<16xf32>
      %add3A_3426 = arith.addf %add3A_3424, %mul3A_3425 : vector<16xf32>
      %sub3A_3427 = arith.subf %gather3A_3402, %gather3A_3389 : vector<16xf32>
      %mul3A_3428 = arith.mulf %convert_element_type3A_3413, %gather3A_14 : vector<16xf32>
      %add3A_3429 = arith.addf %sub3A_3427, %mul3A_3428 : vector<16xf32>
      %mul3A_3430 = arith.mulf %convert_element_type3A_3416, %gather3A_26 : vector<16xf32>
      %add3A_3431 = arith.addf %add3A_3429, %mul3A_3430 : vector<16xf32>
      %mul3A_3432 = arith.mulf %convert_element_type3A_3419, %gather3A_38 : vector<16xf32>
      %add3A_3433 = arith.addf %add3A_3431, %mul3A_3432 : vector<16xf32>
      %sub3A_3434 = arith.subf %gather3A_3406, %gather3A_3393 : vector<16xf32>
      %mul3A_3435 = arith.mulf %convert_element_type3A_3413, %gather3A_18 : vector<16xf32>
      %add3A_3436 = arith.addf %sub3A_3434, %mul3A_3435 : vector<16xf32>
      %mul3A_3437 = arith.mulf %convert_element_type3A_3416, %gather3A_30 : vector<16xf32>
      %add3A_3438 = arith.addf %add3A_3436, %mul3A_3437 : vector<16xf32>
      %mul3A_3439 = arith.mulf %convert_element_type3A_3419, %gather3A_42 : vector<16xf32>
      %add3A_3440 = arith.addf %add3A_3438, %mul3A_3439 : vector<16xf32>
      %mul3A_3441 = arith.mulf %add3A_3426, %add3A_3426 : vector<16xf32>
      %mul3A_3442 = arith.mulf %add3A_3433, %add3A_3433 : vector<16xf32>
      %add3A_3443 = arith.addf %mul3A_3441, %mul3A_3442 : vector<16xf32>
      %mul3A_3444 = arith.mulf %add3A_3440, %add3A_3440 : vector<16xf32>
      %add3A_3445 = arith.addf %add3A_3443, %mul3A_3444 : vector<16xf32>
      %mul3A_3446 = arith.mulf %add3A_3445, %add3A_3445 : vector<16xf32>
      %mul3A_3447 = arith.mulf %mul3A_3446, %add3A_3445 : vector<16xf32>
      %mul3A_3448 = arith.constant 2.000000e+00 : f32
      %mul3A_3449 = vector.broadcast %mul3A_3448 : f32 to vector<16xf32>
      %mul3A_3450 = arith.mulf %gather3A_3397, %mul3A_3449 : vector<16xf32>
      %add3A_3451 = arith.addf %mul3A_3450, %gather3A_3410 : vector<16xf32>
      %convert_element_type3A_3452 = arith.fptosi %add3A_3451 : vector<16xf32> to vector<16xi32>
      %gather3A_3453 = tpu.vector_load_idx %arg28[%convert_element_type3A_3452] : memref<16xf32, #tpu.memory_space<vmem>>[vector<16xi32>], vector<16xf32>,
      %add3A_3454 = arith.constant 4 : i32
      %add3A_3455 = vector.broadcast %add3A_3454 : i32 to vector<16xi32>
      %add3A_3456 = arith.addi %convert_element_type3A_3452, %add3A_3455 : vector<16xi32>
      %gather3A_3457 = tpu.vector_load_idx %arg28[%add3A_3456] : memref<16xf32, #tpu.memory_space<vmem>>[vector<16xi32>], vector<16xf32>,
      %add3A_3458 = arith.constant 8 : i32
      %add3A_3459 = vector.broadcast %add3A_3458 : i32 to vector<16xi32>
      %add3A_3460 = arith.addi %convert_element_type3A_3452, %add3A_3459 : vector<16xi32>
      %gather3A_3461 = tpu.vector_load_idx %arg28[%add3A_3460] : memref<16xf32, #tpu.memory_space<vmem>>[vector<16xi32>], vector<16xf32>,
      %div3A_3462 = arith.divf %gather3A_3453, %mul3A_3447 : vector<16xf32>
      %sub3A_3463 = arith.constant 1.000000e+00 : f32
      %sub3A_3464 = vector.broadcast %sub3A_3463 : f32 to vector<16xf32>
      %sub3A_3465 = arith.subf %div3A_3462, %sub3A_3464 : vector<16xf32>
      %mul3A_3466 = arith.mulf %div3A_3462, %sub3A_3465 : vector<16xf32>
      %mul3A_3467 = arith.mulf %gather3A_3457, %mul3A_3466 : vector<16xf32>
      %sub3A_3468 = arith.subf %mul3A_3467, %gather3A_3461 : vector<16xf32>
      %get3A_3469 = arith.constant 96 : index
      %get3A_3470 = tpu.vector_load %arg13[%get3A_3469] {strides = array<i32>} : memref<128xi32, #tpu.memory_space<vmem>>, vector<16xi32>,
      %get3A_3471 = arith.constant 96 : index
      %get3A_3472 = tpu.vector_load %arg15[%get3A_3471] {strides = array<i32>} : memref<128xi32, #tpu.memory_space<vmem>>, vector<16xi32>,
      tpu.vector_store_idx %arg11[%get3A_3470], %sub3A_3468 {add = true} : memref<100352xf32, #tpu.memory_space<vmem>>[vector<16xi32>], vector<16xf32>,
      tpu.vector_store_idx %arg11[%get3A_3472], %sub3A_3468 {add = true} : memref<100352xf32, #tpu.memory_space<vmem>>[vector<16xi32>], vector<16xf32>,
      %add3A_3473 = arith.constant 112 : i32
      %add3A_3474 = vector.broadcast %add3A_3473 : i32 to vector<16xi32>
      %add3A_3475 = arith.addi %iota3A, %add3A_3474 : vector<16xi32>
      %broadcast_in_dim3A_3476 = arith.constant 0 : i32
      %broadcast_in_dim3A_3477 = vector.broadcast %broadcast_in_dim3A_3476 : i32 to vector<16xi32>
      %gather3A_3478 = tpu.vector_load_idx %arg23[%add3A_3475, %broadcast_in_dim3A_3477] : memref<128x8xf32, #tpu.memory_space<vmem>>[vector<16xi32>, vector<16xi32>], vector<16xf32>,
      %add3A_3479 = arith.constant 1 : i32
      %add3A_3480 = vector.broadcast %add3A_3479 : i32 to vector<16xi32>
      %add3A_3481 = arith.addi %broadcast_in_dim3A_3477, %add3A_3480 : vector<16xi32>
      %gather3A_3482 = tpu.vector_load_idx %arg23[%add3A_3475, %add3A_3481] : memref<128x8xf32, #tpu.memory_space<vmem>>[vector<16xi32>, vector<16xi32>], vector<16xf32>,
      %add3A_3483 = arith.constant 2 : i32
      %add3A_3484 = vector.broadcast %add3A_3483 : i32 to vector<16xi32>
      %add3A_3485 = arith.addi %broadcast_in_dim3A_3477, %add3A_3484 : vector<16xi32>
      %gather3A_3486 = tpu.vector_load_idx %arg23[%add3A_3475, %add3A_3485] : memref<128x8xf32, #tpu.memory_space<vmem>>[vector<16xi32>, vector<16xi32>], vector<16xf32>,
      %add3A_3487 = arith.constant 3 : i32
      %add3A_3488 = vector.broadcast %add3A_3487 : i32 to vector<16xi32>
      %add3A_3489 = arith.addi %broadcast_in_dim3A_3477, %add3A_3488 : vector<16xi32>
      %gather3A_3490 = tpu.vector_load_idx %arg23[%add3A_3475, %add3A_3489] : memref<128x8xf32, #tpu.memory_space<vmem>>[vector<16xi32>, vector<16xi32>], vector<16xf32>,
      %gather3A_3491 = tpu.vector_load_idx %arg25[%add3A_3475, %broadcast_in_dim3A_3477] : memref<128x8xf32, #tpu.memory_space<vmem>>[vector<16xi32>, vector<16xi32>], vector<16xf32>,
      %add3A_3492 = arith.constant 1 : i32
      %add3A_3493 = vector.broadcast %add3A_3492 : i32 to vector<16xi32>
      %add3A_3494 = arith.addi %broadcast_in_dim3A_3477, %add3A_3493 : vector<16xi32>
      %gather3A_3495 = tpu.vector_load_idx %arg25[%add3A_3475, %add3A_3494] : memref<128x8xf32, #tpu.memory_space<vmem>>[vector<16xi32>, vector<16xi32>], vector<16xf32>,
      %add3A_3496 = arith.constant 2 : i32
      %add3A_3497 = vector.broadcast %add3A_3496 : i32 to vector<16xi32>
      %add3A_3498 = arith.addi %broadcast_in_dim3A_3477, %add3A_3497 : vector<16xi32>
      %gather3A_3499 = tpu.vector_load_idx %arg25[%add3A_3475, %add3A_3498] : memref<128x8xf32, #tpu.memory_space<vmem>>[vector<16xi32>, vector<16xi32>], vector<16xf32>,
      %add3A_3500 = arith.constant 3 : i32
      %add3A_3501 = vector.broadcast %add3A_3500 : i32 to vector<16xi32>
      %add3A_3502 = arith.addi %broadcast_in_dim3A_3477, %add3A_3501 : vector<16xi32>
      %gather3A_3503 = tpu.vector_load_idx %arg25[%add3A_3475, %add3A_3502] : memref<128x8xf32, #tpu.memory_space<vmem>>[vector<16xi32>, vector<16xi32>], vector<16xf32>,
      %get3A_3504 = arith.constant 112 : index
      %get3A_3505 = tpu.vector_load %arg17[%get3A_3504] {strides = array<i32>} : memref<128xi32, #tpu.memory_space<vmem>>, vector<16xi32>,
      %convert_element_type3A_3506 = arith.sitofp %get3A_3505 : vector<16xi32> to vector<16xf32>
      %get3A_3507 = arith.constant 112 : index
      %get3A_3508 = tpu.vector_load %arg19[%get3A_3507] {strides = array<i32>} : memref<128xi32, #tpu.memory_space<vmem>>, vector<16xi32>,
      %convert_element_type3A_3509 = arith.sitofp %get3A_3508 : vector<16xi32> to vector<16xf32>
      %get3A_3510 = arith.constant 112 : index
      %get3A_3511 = tpu.vector_load %arg21[%get3A_3510] {strides = array<i32>} : memref<128xi32, #tpu.memory_space<vmem>>, vector<16xi32>,
      %convert_element_type3A_3512 = arith.sitofp %get3A_3511 : vector<16xi32> to vector<16xf32>
      %sub3A_3513 = arith.subf %gather3A_3491, %gather3A_3478 : vector<16xf32>
      %mul3A_3514 = arith.mulf %convert_element_type3A_3506, %gather3A : vector<16xf32>
      %add3A_3515 = arith.addf %sub3A_3513, %mul3A_3514 : vector<16xf32>
      %mul3A_3516 = arith.mulf %convert_element_type3A_3509, %gather3A_22 : vector<16xf32>
      %add3A_3517 = arith.addf %add3A_3515, %mul3A_3516 : vector<16xf32>
      %mul3A_3518 = arith.mulf %convert_element_type3A_3512, %gather3A_34 : vector<16xf32>
      %add3A_3519 = arith.addf %add3A_3517, %mul3A_3518 : vector<16xf32>
      %sub3A_3520 = arith.subf %gather3A_3495, %gather3A_3482 : vector<16xf32>
      %mul3A_3521 = arith.mulf %convert_element_type3A_3506, %gather3A_14 : vector<16xf32>
      %add3A_3522 = arith.addf %sub3A_3520, %mul3A_3521 : vector<16xf32>
      %mul3A_3523 = arith.mulf %convert_element_type3A_3509, %gather3A_26 : vector<16xf32>
      %add3A_3524 = arith.addf %add3A_3522, %mul3A_3523 : vector<16xf32>
      %mul3A_3525 = arith.mulf %convert_element_type3A_3512, %gather3A_38 : vector<16xf32>
      %add3A_3526 = arith.addf %add3A_3524, %mul3A_3525 : vector<16xf32>
      %sub3A_3527 = arith.subf %gather3A_3499, %gather3A_3486 : vector<16xf32>
      %mul3A_3528 = arith.mulf %convert_element_type3A_3506, %gather3A_18 : vector<16xf32>
      %add3A_3529 = arith.addf %sub3A_3527, %mul3A_3528 : vector<16xf32>
      %mul3A_3530 = arith.mulf %convert_element_type3A_3509, %gather3A_30 : vector<16xf32>
      %add3A_3531 = arith.addf %add3A_3529, %mul3A_3530 : vector<16xf32>
      %mul3A_3532 = arith.mulf %convert_element_type3A_3512, %gather3A_42 : vector<16xf32>
      %add3A_3533 = arith.addf %add3A_3531, %mul3A_3532 : vector<16xf32>
      %mul3A_3534 = arith.mulf %add3A_3519, %add3A_3519 : vector<16xf32>
      %mul3A_3535 = arith.mulf %add3A_3526, %add3A_3526 : vector<16xf32>
      %add3A_3536 = arith.addf %mul3A_3534, %mul3A_3535 : vector<16xf32>
      %mul3A_3537 = arith.mulf %add3A_3533, %add3A_3533 : vector<16xf32>
      %add3A_3538 = arith.addf %add3A_3536, %mul3A_3537 : vector<16xf32>
      %mul3A_3539 = arith.mulf %add3A_3538, %add3A_3538 : vector<16xf32>
      %mul3A_3540 = arith.mulf %mul3A_3539, %add3A_3538 : vector<16xf32>
      %mul3A_3541 = arith.constant 2.000000e+00 : f32
      %mul3A_3542 = vector.broadcast %mul3A_3541 : f32 to vector<16xf32>
      %mul3A_3543 = arith.mulf %gather3A_3490, %mul3A_3542 : vector<16xf32>
      %add3A_3544 = arith.addf %mul3A_3543, %gather3A_3503 : vector<16xf32>
      %convert_element_type3A_3545 = arith.fptosi %add3A_3544 : vector<16xf32> to vector<16xi32>
      %gather3A_3546 = tpu.vector_load_idx %arg28[%convert_element_type3A_3545] : memref<16xf32, #tpu.memory_space<vmem>>[vector<16xi32>], vector<16xf32>,
      %add3A_3547 = arith.constant 4 : i32
      %add3A_3548 = vector.broadcast %add3A_3547 : i32 to vector<16xi32>
      %add3A_3549 = arith.addi %convert_element_type3A_3545, %add3A_3548 : vector<16xi32>
      %gather3A_3550 = tpu.vector_load_idx %arg28[%add3A_3549] : memref<16xf32, #tpu.memory_space<vmem>>[vector<16xi32>], vector<16xf32>,
      %add3A_3551 = arith.constant 8 : i32
      %add3A_3552 = vector.broadcast %add3A_3551 : i32 to vector<16xi32>
      %add3A_3553 = arith.addi %convert_element_type3A_3545, %add3A_3552 : vector<16xi32>
      %gather3A_3554 = tpu.vector_load_idx %arg28[%add3A_3553] : memref<16xf32, #tpu.memory_space<vmem>>[vector<16xi32>], vector<16xf32>,
      %div3A_3555 = arith.divf %gather3A_3546, %mul3A_3540 : vector<16xf32>
      %sub3A_3556 = arith.constant 1.000000e+00 : f32
      %sub3A_3557 = vector.broadcast %sub3A_3556 : f32 to vector<16xf32>
      %sub3A_3558 = arith.subf %div3A_3555, %sub3A_3557 : vector<16xf32>
      %mul3A_3559 = arith.mulf %div3A_3555, %sub3A_3558 : vector<16xf32>
      %mul3A_3560 = arith.mulf %gather3A_3550, %mul3A_3559 : vector<16xf32>
      %sub3A_3561 = arith.subf %mul3A_3560, %gather3A_3554 : vector<16xf32>
      %get3A_3562 = arith.constant 112 : index
      %get3A_3563 = tpu.vector_load %arg13[%get3A_3562] {strides = array<i32>} : memref<128xi32, #tpu.memory_space<vmem>>, vector<16xi32>,
      %get3A_3564 = arith.constant 112 : index
      %get3A_3565 = tpu.vector_load %arg15[%get3A_3564] {strides = array<i32>} : memref<128xi32, #tpu.memory_space<vmem>>, vector<16xi32>,
      tpu.vector_store_idx %arg11[%get3A_3563], %sub3A_3561 {add = true} : memref<100352xf32, #tpu.memory_space<vmem>>[vector<16xi32>], vector<16xf32>,
      tpu.vector_store_idx %arg11[%get3A_3565], %sub3A_3561 {add = true} : memref<100352xf32, #tpu.memory_space<vmem>>[vector<16xi32>], vector<16xf32>,
      %add3A_3566 = arith.constant 2 : i32
      %add3A_3567 = arith.addi %add3A_2794, %add3A_3566 : i32
      %mul3A_3568 = arith.constant 128 : i32
      %mul3A_3569 = arith.muli %add3A_3567, %mul3A_3568 : i32
      %add3A_3570 = arith.addi %mul3A_2, %mul3A_3569 : i32
      %dma_start3A_3571 = tpu.memref_slice %arg3[%add3A_3570] : memref<6400000xi32, #tpu.memory_space<hbm>> -> memref<128xi32, #tpu.memory_space<hbm>>
      %dma_start3A_3572 = tpu.memref_slice %arg3[%add3A_3570] : memref<6400000xi32, #tpu.memory_space<hbm>> -> memref<128xi32, #tpu.memory_space<hbm>>
      tpu.enqueue_dma source(%dma_start3A_3572 : memref<128xi32, #tpu.memory_space<hbm>>) target(%arg13 : memref<128xi32, #tpu.memory_space<vmem>>) target_semaphore(%arg31 : memref<!tpu.dma_semaphore, #tpu.memory_space<semaphore_mem>>)
      %dma_start3A_3573 = tpu.memref_slice %arg4[%add3A_3570] : memref<6400000xi32, #tpu.memory_space<hbm>> -> memref<128xi32, #tpu.memory_space<hbm>>
      %dma_start3A_3574 = tpu.memref_slice %arg4[%add3A_3570] : memref<6400000xi32, #tpu.memory_space<hbm>> -> memref<128xi32, #tpu.memory_space<hbm>>
      tpu.enqueue_dma source(%dma_start3A_3574 : memref<128xi32, #tpu.memory_space<hbm>>) target(%arg15 : memref<128xi32, #tpu.memory_space<vmem>>) target_semaphore(%arg31 : memref<!tpu.dma_semaphore, #tpu.memory_space<semaphore_mem>>)
      %dma_start3A_3575 = tpu.memref_slice %arg5[%add3A_3570] : memref<6400000xi32, #tpu.memory_space<hbm>> -> memref<128xi32, #tpu.memory_space<hbm>>
      %dma_start3A_3576 = tpu.memref_slice %arg5[%add3A_3570] : memref<6400000xi32, #tpu.memory_space<hbm>> -> memref<128xi32, #tpu.memory_space<hbm>>
      tpu.enqueue_dma source(%dma_start3A_3576 : memref<128xi32, #tpu.memory_space<hbm>>) target(%arg17 : memref<128xi32, #tpu.memory_space<vmem>>) target_semaphore(%arg31 : memref<!tpu.dma_semaphore, #tpu.memory_space<semaphore_mem>>)
      %dma_start3A_3577 = tpu.memref_slice %arg6[%add3A_3570] : memref<6400000xi32, #tpu.memory_space<hbm>> -> memref<128xi32, #tpu.memory_space<hbm>>
      %dma_start3A_3578 = tpu.memref_slice %arg6[%add3A_3570] : memref<6400000xi32, #tpu.memory_space<hbm>> -> memref<128xi32, #tpu.memory_space<hbm>>
      tpu.enqueue_dma source(%dma_start3A_3578 : memref<128xi32, #tpu.memory_space<hbm>>) target(%arg19 : memref<128xi32, #tpu.memory_space<vmem>>) target_semaphore(%arg31 : memref<!tpu.dma_semaphore, #tpu.memory_space<semaphore_mem>>)
      %dma_start3A_3579 = tpu.memref_slice %arg7[%add3A_3570] : memref<6400000xi32, #tpu.memory_space<hbm>> -> memref<128xi32, #tpu.memory_space<hbm>>
      %dma_start3A_3580 = tpu.memref_slice %arg7[%add3A_3570] : memref<6400000xi32, #tpu.memory_space<hbm>> -> memref<128xi32, #tpu.memory_space<hbm>>
      tpu.enqueue_dma source(%dma_start3A_3580 : memref<128xi32, #tpu.memory_space<hbm>>) target(%arg21 : memref<128xi32, #tpu.memory_space<vmem>>) target_semaphore(%arg31 : memref<!tpu.dma_semaphore, #tpu.memory_space<semaphore_mem>>)
    }
    %scan3A_87 = arith.constant 780 : i32
    %add3A_88 = arith.constant 199808 : i32
    %add3A_89 = arith.addi %mul3A_2, %add3A_88 : i32
    %dma_wait3A_90 = tpu.memref_slice %arg3[%add3A_89] : memref<6400000xi32, #tpu.memory_space<hbm>> -> memref<128xi32, #tpu.memory_space<hbm>>
    %dma_wait3A_91 = tpu.memref_slice %arg3[%add3A_89] : memref<6400000xi32, #tpu.memory_space<hbm>> -> memref<128xi32, #tpu.memory_space<hbm>>
    tpu.wait_dma2 semaphore(%arg31 : memref<!tpu.dma_semaphore, #tpu.memory_space<semaphore_mem>>) src(%dma_wait3A_91 : memref<128xi32, #tpu.memory_space<hbm>>) dst(%arg13 : memref<128xi32, #tpu.memory_space<vmem>>)
    %dma_wait3A_92 = tpu.memref_slice %arg4[%add3A_89] : memref<6400000xi32, #tpu.memory_space<hbm>> -> memref<128xi32, #tpu.memory_space<hbm>>
    %dma_wait3A_93 = tpu.memref_slice %arg4[%add3A_89] : memref<6400000xi32, #tpu.memory_space<hbm>> -> memref<128xi32, #tpu.memory_space<hbm>>
    tpu.wait_dma2 semaphore(%arg31 : memref<!tpu.dma_semaphore, #tpu.memory_space<semaphore_mem>>) src(%dma_wait3A_93 : memref<128xi32, #tpu.memory_space<hbm>>) dst(%arg15 : memref<128xi32, #tpu.memory_space<vmem>>)
    %dma_wait3A_94 = tpu.memref_slice %arg5[%add3A_89] : memref<6400000xi32, #tpu.memory_space<hbm>> -> memref<128xi32, #tpu.memory_space<hbm>>
    %dma_wait3A_95 = tpu.memref_slice %arg5[%add3A_89] : memref<6400000xi32, #tpu.memory_space<hbm>> -> memref<128xi32, #tpu.memory_space<hbm>>
    tpu.wait_dma2 semaphore(%arg31 : memref<!tpu.dma_semaphore, #tpu.memory_space<semaphore_mem>>) src(%dma_wait3A_95 : memref<128xi32, #tpu.memory_space<hbm>>) dst(%arg17 : memref<128xi32, #tpu.memory_space<vmem>>)
    %dma_wait3A_96 = tpu.memref_slice %arg6[%add3A_89] : memref<6400000xi32, #tpu.memory_space<hbm>> -> memref<128xi32, #tpu.memory_space<hbm>>
    %dma_wait3A_97 = tpu.memref_slice %arg6[%add3A_89] : memref<6400000xi32, #tpu.memory_space<hbm>> -> memref<128xi32, #tpu.memory_space<hbm>>
    tpu.wait_dma2 semaphore(%arg31 : memref<!tpu.dma_semaphore, #tpu.memory_space<semaphore_mem>>) src(%dma_wait3A_97 : memref<128xi32, #tpu.memory_space<hbm>>) dst(%arg19 : memref<128xi32, #tpu.memory_space<vmem>>)
    %dma_wait3A_98 = tpu.memref_slice %arg7[%add3A_89] : memref<6400000xi32, #tpu.memory_space<hbm>> -> memref<128xi32, #tpu.memory_space<hbm>>
    %dma_wait3A_99 = tpu.memref_slice %arg7[%add3A_89] : memref<6400000xi32, #tpu.memory_space<hbm>> -> memref<128xi32, #tpu.memory_space<hbm>>
    tpu.wait_dma2 semaphore(%arg31 : memref<!tpu.dma_semaphore, #tpu.memory_space<semaphore_mem>>) src(%dma_wait3A_99 : memref<128xi32, #tpu.memory_space<hbm>>) dst(%arg21 : memref<128xi32, #tpu.memory_space<vmem>>)
    %dma_start3A_100 = arith.constant 0 : i32
    %dma_start3A_101 = arith.constant 0 : i32
    %dma_start3A_102 = tpu.memref_slice %arg2[%dma_start3A_100, %dma_start3A_101] : memref<100352x8xf32, #tpu.memory_space<hbm>> -> memref<100352x8xf32, #tpu.memory_space<hbm>>
    tpu.enqueue_indirect_dma source(%dma_start3A_102 : memref<100352x8xf32, #tpu.memory_space<hbm>>) target(%arg23 : memref<128x8xf32, #tpu.memory_space<vmem>>) offsets(%arg13 : memref<128xi32, #tpu.memory_space<vmem>>) semaphore(%arg33 : memref<!tpu.dma_semaphore, #tpu.memory_space<semaphore_mem>>)
    %dma_start3A_103 = arith.constant 0 : i32
    %dma_start3A_104 = arith.constant 0 : i32
    %dma_start3A_105 = tpu.memref_slice %arg2[%dma_start3A_103, %dma_start3A_104] : memref<100352x8xf32, #tpu.memory_space<hbm>> -> memref<100352x8xf32, #tpu.memory_space<hbm>>
    tpu.enqueue_indirect_dma source(%dma_start3A_105 : memref<100352x8xf32, #tpu.memory_space<hbm>>) target(%arg25 : memref<128x8xf32, #tpu.memory_space<vmem>>) offsets(%arg15 : memref<128xi32, #tpu.memory_space<vmem>>) semaphore(%arg35 : memref<!tpu.dma_semaphore, #tpu.memory_space<semaphore_mem>>)
    %dma_wait3A_106 = arith.constant 0 : i32
    %dma_wait3A_107 = arith.constant 0 : i32
    %dma_wait3A_108 = tpu.memref_slice %arg2[%dma_wait3A_106, %dma_wait3A_107] : memref<100352x8xf32, #tpu.memory_space<hbm>> -> memref<100352x8xf32, #tpu.memory_space<hbm>>
    tpu.wait_indirect_dma semaphore(%arg32 : memref<!tpu.dma_semaphore, #tpu.memory_space<semaphore_mem>>) src(%dma_wait3A_108 : memref<100352x8xf32, #tpu.memory_space<hbm>>) dst(%arg22 : memref<128x8xf32, #tpu.memory_space<vmem>>)
    %dma_wait3A_109 = arith.constant 0 : i32
    %dma_wait3A_110 = arith.constant 0 : i32
    %dma_wait3A_111 = tpu.memref_slice %arg2[%dma_wait3A_109, %dma_wait3A_110] : memref<100352x8xf32, #tpu.memory_space<hbm>> -> memref<100352x8xf32, #tpu.memory_space<hbm>>
    tpu.wait_indirect_dma semaphore(%arg34 : memref<!tpu.dma_semaphore, #tpu.memory_space<semaphore_mem>>) src(%dma_wait3A_111 : memref<100352x8xf32, #tpu.memory_space<hbm>>) dst(%arg24 : memref<128x8xf32, #tpu.memory_space<vmem>>)
    %add3A_112 = arith.constant 0 : i32
    %add3A_113 = vector.broadcast %add3A_112 : i32 to vector<16xi32>
    %add3A_114 = arith.addi %iota3A, %add3A_113 : vector<16xi32>
    %broadcast_in_dim3A_115 = arith.constant 0 : i32
    %broadcast_in_dim3A_116 = vector.broadcast %broadcast_in_dim3A_115 : i32 to vector<16xi32>
    %gather3A_117 = tpu.vector_load_idx %arg22[%add3A_114, %broadcast_in_dim3A_116] : memref<128x8xf32, #tpu.memory_space<vmem>>[vector<16xi32>, vector<16xi32>], vector<16xf32>,
    %add3A_118 = arith.constant 1 : i32
    %add3A_119 = vector.broadcast %add3A_118 : i32 to vector<16xi32>
    %add3A_120 = arith.addi %broadcast_in_dim3A_116, %add3A_119 : vector<16xi32>
    %gather3A_121 = tpu.vector_load_idx %arg22[%add3A_114, %add3A_120] : memref<128x8xf32, #tpu.memory_space<vmem>>[vector<16xi32>, vector<16xi32>], vector<16xf32>,
    %add3A_122 = arith.constant 2 : i32
    %add3A_123 = vector.broadcast %add3A_122 : i32 to vector<16xi32>
    %add3A_124 = arith.addi %broadcast_in_dim3A_116, %add3A_123 : vector<16xi32>
    %gather3A_125 = tpu.vector_load_idx %arg22[%add3A_114, %add3A_124] : memref<128x8xf32, #tpu.memory_space<vmem>>[vector<16xi32>, vector<16xi32>], vector<16xf32>,
    %add3A_126 = arith.constant 3 : i32
    %add3A_127 = vector.broadcast %add3A_126 : i32 to vector<16xi32>
    %add3A_128 = arith.addi %broadcast_in_dim3A_116, %add3A_127 : vector<16xi32>
    %gather3A_129 = tpu.vector_load_idx %arg22[%add3A_114, %add3A_128] : memref<128x8xf32, #tpu.memory_space<vmem>>[vector<16xi32>, vector<16xi32>], vector<16xf32>,
    %gather3A_130 = tpu.vector_load_idx %arg24[%add3A_114, %broadcast_in_dim3A_116] : memref<128x8xf32, #tpu.memory_space<vmem>>[vector<16xi32>, vector<16xi32>], vector<16xf32>,
    %add3A_131 = arith.constant 1 : i32
    %add3A_132 = vector.broadcast %add3A_131 : i32 to vector<16xi32>
    %add3A_133 = arith.addi %broadcast_in_dim3A_116, %add3A_132 : vector<16xi32>
    %gather3A_134 = tpu.vector_load_idx %arg24[%add3A_114, %add3A_133] : memref<128x8xf32, #tpu.memory_space<vmem>>[vector<16xi32>, vector<16xi32>], vector<16xf32>,
    %add3A_135 = arith.constant 2 : i32
    %add3A_136 = vector.broadcast %add3A_135 : i32 to vector<16xi32>
    %add3A_137 = arith.addi %broadcast_in_dim3A_116, %add3A_136 : vector<16xi32>
    %gather3A_138 = tpu.vector_load_idx %arg24[%add3A_114, %add3A_137] : memref<128x8xf32, #tpu.memory_space<vmem>>[vector<16xi32>, vector<16xi32>], vector<16xf32>,
    %add3A_139 = arith.constant 3 : i32
    %add3A_140 = vector.broadcast %add3A_139 : i32 to vector<16xi32>
    %add3A_141 = arith.addi %broadcast_in_dim3A_116, %add3A_140 : vector<16xi32>
    %gather3A_142 = tpu.vector_load_idx %arg24[%add3A_114, %add3A_141] : memref<128x8xf32, #tpu.memory_space<vmem>>[vector<16xi32>, vector<16xi32>], vector<16xf32>,
    %get3A = arith.constant 0 : index
    %get3A_143 = tpu.vector_load %arg16[%get3A] {strides = array<i32>} : memref<128xi32, #tpu.memory_space<vmem>>, vector<16xi32>,
    %convert_element_type3A = arith.sitofp %get3A_143 : vector<16xi32> to vector<16xf32>
    %get3A_144 = arith.constant 0 : index
    %get3A_145 = tpu.vector_load %arg18[%get3A_144] {strides = array<i32>} : memref<128xi32, #tpu.memory_space<vmem>>, vector<16xi32>,
    %convert_element_type3A_146 = arith.sitofp %get3A_145 : vector<16xi32> to vector<16xf32>
    %get3A_147 = arith.constant 0 : index
    %get3A_148 = tpu.vector_load %arg20[%get3A_147] {strides = array<i32>} : memref<128xi32, #tpu.memory_space<vmem>>, vector<16xi32>,
    %convert_element_type3A_149 = arith.sitofp %get3A_148 : vector<16xi32> to vector<16xf32>
    %sub3A = arith.subf %gather3A_130, %gather3A_117 : vector<16xf32>
    %mul3A_150 = arith.mulf %convert_element_type3A, %gather3A : vector<16xf32>
    %add3A_151 = arith.addf %sub3A, %mul3A_150 : vector<16xf32>
    %mul3A_152 = arith.mulf %convert_element_type3A_146, %gather3A_22 : vector<16xf32>
    %add3A_153 = arith.addf %add3A_151, %mul3A_152 : vector<16xf32>
    %mul3A_154 = arith.mulf %convert_element_type3A_149, %gather3A_34 : vector<16xf32>
    %add3A_155 = arith.addf %add3A_153, %mul3A_154 : vector<16xf32>
    %sub3A_156 = arith.subf %gather3A_134, %gather3A_121 : vector<16xf32>
    %mul3A_157 = arith.mulf %convert_element_type3A, %gather3A_14 : vector<16xf32>
    %add3A_158 = arith.addf %sub3A_156, %mul3A_157 : vector<16xf32>
    %mul3A_159 = arith.mulf %convert_element_type3A_146, %gather3A_26 : vector<16xf32>
    %add3A_160 = arith.addf %add3A_158, %mul3A_159 : vector<16xf32>
    %mul3A_161 = arith.mulf %convert_element_type3A_149, %gather3A_38 : vector<16xf32>
    %add3A_162 = arith.addf %add3A_160, %mul3A_161 : vector<16xf32>
    %sub3A_163 = arith.subf %gather3A_138, %gather3A_125 : vector<16xf32>
    %mul3A_164 = arith.mulf %convert_element_type3A, %gather3A_18 : vector<16xf32>
    %add3A_165 = arith.addf %sub3A_163, %mul3A_164 : vector<16xf32>
    %mul3A_166 = arith.mulf %convert_element_type3A_146, %gather3A_30 : vector<16xf32>
    %add3A_167 = arith.addf %add3A_165, %mul3A_166 : vector<16xf32>
    %mul3A_168 = arith.mulf %convert_element_type3A_149, %gather3A_42 : vector<16xf32>
    %add3A_169 = arith.addf %add3A_167, %mul3A_168 : vector<16xf32>
    %mul3A_170 = arith.mulf %add3A_155, %add3A_155 : vector<16xf32>
    %mul3A_171 = arith.mulf %add3A_162, %add3A_162 : vector<16xf32>
    %add3A_172 = arith.addf %mul3A_170, %mul3A_171 : vector<16xf32>
    %mul3A_173 = arith.mulf %add3A_169, %add3A_169 : vector<16xf32>
    %add3A_174 = arith.addf %add3A_172, %mul3A_173 : vector<16xf32>
    %mul3A_175 = arith.mulf %add3A_174, %add3A_174 : vector<16xf32>
    %mul3A_176 = arith.mulf %mul3A_175, %add3A_174 : vector<16xf32>
    %mul3A_177 = arith.constant 2.000000e+00 : f32
    %mul3A_178 = vector.broadcast %mul3A_177 : f32 to vector<16xf32>
    %mul3A_179 = arith.mulf %gather3A_129, %mul3A_178 : vector<16xf32>
    %add3A_180 = arith.addf %mul3A_179, %gather3A_142 : vector<16xf32>
    %convert_element_type3A_181 = arith.fptosi %add3A_180 : vector<16xf32> to vector<16xi32>
    %gather3A_182 = tpu.vector_load_idx %arg28[%convert_element_type3A_181] : memref<16xf32, #tpu.memory_space<vmem>>[vector<16xi32>], vector<16xf32>,
    %add3A_183 = arith.constant 4 : i32
    %add3A_184 = vector.broadcast %add3A_183 : i32 to vector<16xi32>
    %add3A_185 = arith.addi %convert_element_type3A_181, %add3A_184 : vector<16xi32>
    %gather3A_186 = tpu.vector_load_idx %arg28[%add3A_185] : memref<16xf32, #tpu.memory_space<vmem>>[vector<16xi32>], vector<16xf32>,
    %add3A_187 = arith.constant 8 : i32
    %add3A_188 = vector.broadcast %add3A_187 : i32 to vector<16xi32>
    %add3A_189 = arith.addi %convert_element_type3A_181, %add3A_188 : vector<16xi32>
    %gather3A_190 = tpu.vector_load_idx %arg28[%add3A_189] : memref<16xf32, #tpu.memory_space<vmem>>[vector<16xi32>], vector<16xf32>,
    %div3A = arith.divf %gather3A_182, %mul3A_176 : vector<16xf32>
    %sub3A_191 = arith.constant 1.000000e+00 : f32
    %sub3A_192 = vector.broadcast %sub3A_191 : f32 to vector<16xf32>
    %sub3A_193 = arith.subf %div3A, %sub3A_192 : vector<16xf32>
    %mul3A_194 = arith.mulf %div3A, %sub3A_193 : vector<16xf32>
    %mul3A_195 = arith.mulf %gather3A_186, %mul3A_194 : vector<16xf32>
    %sub3A_196 = arith.subf %mul3A_195, %gather3A_190 : vector<16xf32>
    %get3A_197 = arith.constant 0 : index
    %get3A_198 = tpu.vector_load %arg12[%get3A_197] {strides = array<i32>} : memref<128xi32, #tpu.memory_space<vmem>>, vector<16xi32>,
    %get3A_199 = arith.constant 0 : index
    %get3A_200 = tpu.vector_load %arg14[%get3A_199] {strides = array<i32>} : memref<128xi32, #tpu.memory_space<vmem>>, vector<16xi32>,
    tpu.vector_store_idx %arg11[%get3A_198], %sub3A_196 {add = true} : memref<100352xf32, #tpu.memory_space<vmem>>[vector<16xi32>], vector<16xf32>,
    tpu.vector_store_idx %arg11[%get3A_200], %sub3A_196 {add = true} : memref<100352xf32, #tpu.memory_space<vmem>>[vector<16xi32>], vector<16xf32>,
    %add3A_201 = arith.constant 16 : i32
    %add3A_202 = vector.broadcast %add3A_201 : i32 to vector<16xi32>
    %add3A_203 = arith.addi %iota3A, %add3A_202 : vector<16xi32>
    %broadcast_in_dim3A_204 = arith.constant 0 : i32
    %broadcast_in_dim3A_205 = vector.broadcast %broadcast_in_dim3A_204 : i32 to vector<16xi32>
    %gather3A_206 = tpu.vector_load_idx %arg22[%add3A_203, %broadcast_in_dim3A_205] : memref<128x8xf32, #tpu.memory_space<vmem>>[vector<16xi32>, vector<16xi32>], vector<16xf32>,
    %add3A_207 = arith.constant 1 : i32
    %add3A_208 = vector.broadcast %add3A_207 : i32 to vector<16xi32>
    %add3A_209 = arith.addi %broadcast_in_dim3A_205, %add3A_208 : vector<16xi32>
    %gather3A_210 = tpu.vector_load_idx %arg22[%add3A_203, %add3A_209] : memref<128x8xf32, #tpu.memory_space<vmem>>[vector<16xi32>, vector<16xi32>], vector<16xf32>,
    %add3A_211 = arith.constant 2 : i32
    %add3A_212 = vector.broadcast %add3A_211 : i32 to vector<16xi32>
    %add3A_213 = arith.addi %broadcast_in_dim3A_205, %add3A_212 : vector<16xi32>
    %gather3A_214 = tpu.vector_load_idx %arg22[%add3A_203, %add3A_213] : memref<128x8xf32, #tpu.memory_space<vmem>>[vector<16xi32>, vector<16xi32>], vector<16xf32>,
    %add3A_215 = arith.constant 3 : i32
    %add3A_216 = vector.broadcast %add3A_215 : i32 to vector<16xi32>
    %add3A_217 = arith.addi %broadcast_in_dim3A_205, %add3A_216 : vector<16xi32>
    %gather3A_218 = tpu.vector_load_idx %arg22[%add3A_203, %add3A_217] : memref<128x8xf32, #tpu.memory_space<vmem>>[vector<16xi32>, vector<16xi32>], vector<16xf32>,
    %gather3A_219 = tpu.vector_load_idx %arg24[%add3A_203, %broadcast_in_dim3A_205] : memref<128x8xf32, #tpu.memory_space<vmem>>[vector<16xi32>, vector<16xi32>], vector<16xf32>,
    %add3A_220 = arith.constant 1 : i32
    %add3A_221 = vector.broadcast %add3A_220 : i32 to vector<16xi32>
    %add3A_222 = arith.addi %broadcast_in_dim3A_205, %add3A_221 : vector<16xi32>
    %gather3A_223 = tpu.vector_load_idx %arg24[%add3A_203, %add3A_222] : memref<128x8xf32, #tpu.memory_space<vmem>>[vector<16xi32>, vector<16xi32>], vector<16xf32>,
    %add3A_224 = arith.constant 2 : i32
    %add3A_225 = vector.broadcast %add3A_224 : i32 to vector<16xi32>
    %add3A_226 = arith.addi %broadcast_in_dim3A_205, %add3A_225 : vector<16xi32>
    %gather3A_227 = tpu.vector_load_idx %arg24[%add3A_203, %add3A_226] : memref<128x8xf32, #tpu.memory_space<vmem>>[vector<16xi32>, vector<16xi32>], vector<16xf32>,
    %add3A_228 = arith.constant 3 : i32
    %add3A_229 = vector.broadcast %add3A_228 : i32 to vector<16xi32>
    %add3A_230 = arith.addi %broadcast_in_dim3A_205, %add3A_229 : vector<16xi32>
    %gather3A_231 = tpu.vector_load_idx %arg24[%add3A_203, %add3A_230] : memref<128x8xf32, #tpu.memory_space<vmem>>[vector<16xi32>, vector<16xi32>], vector<16xf32>,
    %get3A_232 = arith.constant 16 : index
    %get3A_233 = tpu.vector_load %arg16[%get3A_232] {strides = array<i32>} : memref<128xi32, #tpu.memory_space<vmem>>, vector<16xi32>,
    %convert_element_type3A_234 = arith.sitofp %get3A_233 : vector<16xi32> to vector<16xf32>
    %get3A_235 = arith.constant 16 : index
    %get3A_236 = tpu.vector_load %arg18[%get3A_235] {strides = array<i32>} : memref<128xi32, #tpu.memory_space<vmem>>, vector<16xi32>,
    %convert_element_type3A_237 = arith.sitofp %get3A_236 : vector<16xi32> to vector<16xf32>
    %get3A_238 = arith.constant 16 : index
    %get3A_239 = tpu.vector_load %arg20[%get3A_238] {strides = array<i32>} : memref<128xi32, #tpu.memory_space<vmem>>, vector<16xi32>,
    %convert_element_type3A_240 = arith.sitofp %get3A_239 : vector<16xi32> to vector<16xf32>
    %sub3A_241 = arith.subf %gather3A_219, %gather3A_206 : vector<16xf32>
    %mul3A_242 = arith.mulf %convert_element_type3A_234, %gather3A : vector<16xf32>
    %add3A_243 = arith.addf %sub3A_241, %mul3A_242 : vector<16xf32>
    %mul3A_244 = arith.mulf %convert_element_type3A_237, %gather3A_22 : vector<16xf32>
    %add3A_245 = arith.addf %add3A_243, %mul3A_244 : vector<16xf32>
    %mul3A_246 = arith.mulf %convert_element_type3A_240, %gather3A_34 : vector<16xf32>
    %add3A_247 = arith.addf %add3A_245, %mul3A_246 : vector<16xf32>
    %sub3A_248 = arith.subf %gather3A_223, %gather3A_210 : vector<16xf32>
    %mul3A_249 = arith.mulf %convert_element_type3A_234, %gather3A_14 : vector<16xf32>
    %add3A_250 = arith.addf %sub3A_248, %mul3A_249 : vector<16xf32>
    %mul3A_251 = arith.mulf %convert_element_type3A_237, %gather3A_26 : vector<16xf32>
    %add3A_252 = arith.addf %add3A_250, %mul3A_251 : vector<16xf32>
    %mul3A_253 = arith.mulf %convert_element_type3A_240, %gather3A_38 : vector<16xf32>
    %add3A_254 = arith.addf %add3A_252, %mul3A_253 : vector<16xf32>
    %sub3A_255 = arith.subf %gather3A_227, %gather3A_214 : vector<16xf32>
    %mul3A_256 = arith.mulf %convert_element_type3A_234, %gather3A_18 : vector<16xf32>
    %add3A_257 = arith.addf %sub3A_255, %mul3A_256 : vector<16xf32>
    %mul3A_258 = arith.mulf %convert_element_type3A_237, %gather3A_30 : vector<16xf32>
    %add3A_259 = arith.addf %add3A_257, %mul3A_258 : vector<16xf32>
    %mul3A_260 = arith.mulf %convert_element_type3A_240, %gather3A_42 : vector<16xf32>
    %add3A_261 = arith.addf %add3A_259, %mul3A_260 : vector<16xf32>
    %mul3A_262 = arith.mulf %add3A_247, %add3A_247 : vector<16xf32>
    %mul3A_263 = arith.mulf %add3A_254, %add3A_254 : vector<16xf32>
    %add3A_264 = arith.addf %mul3A_262, %mul3A_263 : vector<16xf32>
    %mul3A_265 = arith.mulf %add3A_261, %add3A_261 : vector<16xf32>
    %add3A_266 = arith.addf %add3A_264, %mul3A_265 : vector<16xf32>
    %mul3A_267 = arith.mulf %add3A_266, %add3A_266 : vector<16xf32>
    %mul3A_268 = arith.mulf %mul3A_267, %add3A_266 : vector<16xf32>
    %mul3A_269 = arith.constant 2.000000e+00 : f32
    %mul3A_270 = vector.broadcast %mul3A_269 : f32 to vector<16xf32>
    %mul3A_271 = arith.mulf %gather3A_218, %mul3A_270 : vector<16xf32>
    %add3A_272 = arith.addf %mul3A_271, %gather3A_231 : vector<16xf32>
    %convert_element_type3A_273 = arith.fptosi %add3A_272 : vector<16xf32> to vector<16xi32>
    %gather3A_274 = tpu.vector_load_idx %arg28[%convert_element_type3A_273] : memref<16xf32, #tpu.memory_space<vmem>>[vector<16xi32>], vector<16xf32>,
    %add3A_275 = arith.constant 4 : i32
    %add3A_276 = vector.broadcast %add3A_275 : i32 to vector<16xi32>
    %add3A_277 = arith.addi %convert_element_type3A_273, %add3A_276 : vector<16xi32>
    %gather3A_278 = tpu.vector_load_idx %arg28[%add3A_277] : memref<16xf32, #tpu.memory_space<vmem>>[vector<16xi32>], vector<16xf32>,
    %add3A_279 = arith.constant 8 : i32
    %add3A_280 = vector.broadcast %add3A_279 : i32 to vector<16xi32>
    %add3A_281 = arith.addi %convert_element_type3A_273, %add3A_280 : vector<16xi32>
    %gather3A_282 = tpu.vector_load_idx %arg28[%add3A_281] : memref<16xf32, #tpu.memory_space<vmem>>[vector<16xi32>], vector<16xf32>,
    %div3A_283 = arith.divf %gather3A_274, %mul3A_268 : vector<16xf32>
    %sub3A_284 = arith.constant 1.000000e+00 : f32
    %sub3A_285 = vector.broadcast %sub3A_284 : f32 to vector<16xf32>
    %sub3A_286 = arith.subf %div3A_283, %sub3A_285 : vector<16xf32>
    %mul3A_287 = arith.mulf %div3A_283, %sub3A_286 : vector<16xf32>
    %mul3A_288 = arith.mulf %gather3A_278, %mul3A_287 : vector<16xf32>
    %sub3A_289 = arith.subf %mul3A_288, %gather3A_282 : vector<16xf32>
    %get3A_290 = arith.constant 16 : index
    %get3A_291 = tpu.vector_load %arg12[%get3A_290] {strides = array<i32>} : memref<128xi32, #tpu.memory_space<vmem>>, vector<16xi32>,
    %get3A_292 = arith.constant 16 : index
    %get3A_293 = tpu.vector_load %arg14[%get3A_292] {strides = array<i32>} : memref<128xi32, #tpu.memory_space<vmem>>, vector<16xi32>,
    tpu.vector_store_idx %arg11[%get3A_291], %sub3A_289 {add = true} : memref<100352xf32, #tpu.memory_space<vmem>>[vector<16xi32>], vector<16xf32>,
    tpu.vector_store_idx %arg11[%get3A_293], %sub3A_289 {add = true} : memref<100352xf32, #tpu.memory_space<vmem>>[vector<16xi32>], vector<16xf32>,
    %add3A_294 = arith.constant 32 : i32
    %add3A_295 = vector.broadcast %add3A_294 : i32 to vector<16xi32>
    %add3A_296 = arith.addi %iota3A, %add3A_295 : vector<16xi32>
    %broadcast_in_dim3A_297 = arith.constant 0 : i32
    %broadcast_in_dim3A_298 = vector.broadcast %broadcast_in_dim3A_297 : i32 to vector<16xi32>
    %gather3A_299 = tpu.vector_load_idx %arg22[%add3A_296, %broadcast_in_dim3A_298] : memref<128x8xf32, #tpu.memory_space<vmem>>[vector<16xi32>, vector<16xi32>], vector<16xf32>,
    %add3A_300 = arith.constant 1 : i32
    %add3A_301 = vector.broadcast %add3A_300 : i32 to vector<16xi32>
    %add3A_302 = arith.addi %broadcast_in_dim3A_298, %add3A_301 : vector<16xi32>
    %gather3A_303 = tpu.vector_load_idx %arg22[%add3A_296, %add3A_302] : memref<128x8xf32, #tpu.memory_space<vmem>>[vector<16xi32>, vector<16xi32>], vector<16xf32>,
    %add3A_304 = arith.constant 2 : i32
    %add3A_305 = vector.broadcast %add3A_304 : i32 to vector<16xi32>
    %add3A_306 = arith.addi %broadcast_in_dim3A_298, %add3A_305 : vector<16xi32>
    %gather3A_307 = tpu.vector_load_idx %arg22[%add3A_296, %add3A_306] : memref<128x8xf32, #tpu.memory_space<vmem>>[vector<16xi32>, vector<16xi32>], vector<16xf32>,
    %add3A_308 = arith.constant 3 : i32
    %add3A_309 = vector.broadcast %add3A_308 : i32 to vector<16xi32>
    %add3A_310 = arith.addi %broadcast_in_dim3A_298, %add3A_309 : vector<16xi32>
    %gather3A_311 = tpu.vector_load_idx %arg22[%add3A_296, %add3A_310] : memref<128x8xf32, #tpu.memory_space<vmem>>[vector<16xi32>, vector<16xi32>], vector<16xf32>,
    %gather3A_312 = tpu.vector_load_idx %arg24[%add3A_296, %broadcast_in_dim3A_298] : memref<128x8xf32, #tpu.memory_space<vmem>>[vector<16xi32>, vector<16xi32>], vector<16xf32>,
    %add3A_313 = arith.constant 1 : i32
    %add3A_314 = vector.broadcast %add3A_313 : i32 to vector<16xi32>
    %add3A_315 = arith.addi %broadcast_in_dim3A_298, %add3A_314 : vector<16xi32>
    %gather3A_316 = tpu.vector_load_idx %arg24[%add3A_296, %add3A_315] : memref<128x8xf32, #tpu.memory_space<vmem>>[vector<16xi32>, vector<16xi32>], vector<16xf32>,
    %add3A_317 = arith.constant 2 : i32
    %add3A_318 = vector.broadcast %add3A_317 : i32 to vector<16xi32>
    %add3A_319 = arith.addi %broadcast_in_dim3A_298, %add3A_318 : vector<16xi32>
    %gather3A_320 = tpu.vector_load_idx %arg24[%add3A_296, %add3A_319] : memref<128x8xf32, #tpu.memory_space<vmem>>[vector<16xi32>, vector<16xi32>], vector<16xf32>,
    %add3A_321 = arith.constant 3 : i32
    %add3A_322 = vector.broadcast %add3A_321 : i32 to vector<16xi32>
    %add3A_323 = arith.addi %broadcast_in_dim3A_298, %add3A_322 : vector<16xi32>
    %gather3A_324 = tpu.vector_load_idx %arg24[%add3A_296, %add3A_323] : memref<128x8xf32, #tpu.memory_space<vmem>>[vector<16xi32>, vector<16xi32>], vector<16xf32>,
    %get3A_325 = arith.constant 32 : index
    %get3A_326 = tpu.vector_load %arg16[%get3A_325] {strides = array<i32>} : memref<128xi32, #tpu.memory_space<vmem>>, vector<16xi32>,
    %convert_element_type3A_327 = arith.sitofp %get3A_326 : vector<16xi32> to vector<16xf32>
    %get3A_328 = arith.constant 32 : index
    %get3A_329 = tpu.vector_load %arg18[%get3A_328] {strides = array<i32>} : memref<128xi32, #tpu.memory_space<vmem>>, vector<16xi32>,
    %convert_element_type3A_330 = arith.sitofp %get3A_329 : vector<16xi32> to vector<16xf32>
    %get3A_331 = arith.constant 32 : index
    %get3A_332 = tpu.vector_load %arg20[%get3A_331] {strides = array<i32>} : memref<128xi32, #tpu.memory_space<vmem>>, vector<16xi32>,
    %convert_element_type3A_333 = arith.sitofp %get3A_332 : vector<16xi32> to vector<16xf32>
    %sub3A_334 = arith.subf %gather3A_312, %gather3A_299 : vector<16xf32>
    %mul3A_335 = arith.mulf %convert_element_type3A_327, %gather3A : vector<16xf32>
    %add3A_336 = arith.addf %sub3A_334, %mul3A_335 : vector<16xf32>
    %mul3A_337 = arith.mulf %convert_element_type3A_330, %gather3A_22 : vector<16xf32>
    %add3A_338 = arith.addf %add3A_336, %mul3A_337 : vector<16xf32>
    %mul3A_339 = arith.mulf %convert_element_type3A_333, %gather3A_34 : vector<16xf32>
    %add3A_340 = arith.addf %add3A_338, %mul3A_339 : vector<16xf32>
    %sub3A_341 = arith.subf %gather3A_316, %gather3A_303 : vector<16xf32>
    %mul3A_342 = arith.mulf %convert_element_type3A_327, %gather3A_14 : vector<16xf32>
    %add3A_343 = arith.addf %sub3A_341, %mul3A_342 : vector<16xf32>
    %mul3A_344 = arith.mulf %convert_element_type3A_330, %gather3A_26 : vector<16xf32>
    %add3A_345 = arith.addf %add3A_343, %mul3A_344 : vector<16xf32>
    %mul3A_346 = arith.mulf %convert_element_type3A_333, %gather3A_38 : vector<16xf32>
    %add3A_347 = arith.addf %add3A_345, %mul3A_346 : vector<16xf32>
    %sub3A_348 = arith.subf %gather3A_320, %gather3A_307 : vector<16xf32>
    %mul3A_349 = arith.mulf %convert_element_type3A_327, %gather3A_18 : vector<16xf32>
    %add3A_350 = arith.addf %sub3A_348, %mul3A_349 : vector<16xf32>
    %mul3A_351 = arith.mulf %convert_element_type3A_330, %gather3A_30 : vector<16xf32>
    %add3A_352 = arith.addf %add3A_350, %mul3A_351 : vector<16xf32>
    %mul3A_353 = arith.mulf %convert_element_type3A_333, %gather3A_42 : vector<16xf32>
    %add3A_354 = arith.addf %add3A_352, %mul3A_353 : vector<16xf32>
    %mul3A_355 = arith.mulf %add3A_340, %add3A_340 : vector<16xf32>
    %mul3A_356 = arith.mulf %add3A_347, %add3A_347 : vector<16xf32>
    %add3A_357 = arith.addf %mul3A_355, %mul3A_356 : vector<16xf32>
    %mul3A_358 = arith.mulf %add3A_354, %add3A_354 : vector<16xf32>
    %add3A_359 = arith.addf %add3A_357, %mul3A_358 : vector<16xf32>
    %mul3A_360 = arith.mulf %add3A_359, %add3A_359 : vector<16xf32>
    %mul3A_361 = arith.mulf %mul3A_360, %add3A_359 : vector<16xf32>
    %mul3A_362 = arith.constant 2.000000e+00 : f32
    %mul3A_363 = vector.broadcast %mul3A_362 : f32 to vector<16xf32>
    %mul3A_364 = arith.mulf %gather3A_311, %mul3A_363 : vector<16xf32>
    %add3A_365 = arith.addf %mul3A_364, %gather3A_324 : vector<16xf32>
    %convert_element_type3A_366 = arith.fptosi %add3A_365 : vector<16xf32> to vector<16xi32>
    %gather3A_367 = tpu.vector_load_idx %arg28[%convert_element_type3A_366] : memref<16xf32, #tpu.memory_space<vmem>>[vector<16xi32>], vector<16xf32>,
    %add3A_368 = arith.constant 4 : i32
    %add3A_369 = vector.broadcast %add3A_368 : i32 to vector<16xi32>
    %add3A_370 = arith.addi %convert_element_type3A_366, %add3A_369 : vector<16xi32>
    %gather3A_371 = tpu.vector_load_idx %arg28[%add3A_370] : memref<16xf32, #tpu.memory_space<vmem>>[vector<16xi32>], vector<16xf32>,
    %add3A_372 = arith.constant 8 : i32
    %add3A_373 = vector.broadcast %add3A_372 : i32 to vector<16xi32>
    %add3A_374 = arith.addi %convert_element_type3A_366, %add3A_373 : vector<16xi32>
    %gather3A_375 = tpu.vector_load_idx %arg28[%add3A_374] : memref<16xf32, #tpu.memory_space<vmem>>[vector<16xi32>], vector<16xf32>,
    %div3A_376 = arith.divf %gather3A_367, %mul3A_361 : vector<16xf32>
    %sub3A_377 = arith.constant 1.000000e+00 : f32
    %sub3A_378 = vector.broadcast %sub3A_377 : f32 to vector<16xf32>
    %sub3A_379 = arith.subf %div3A_376, %sub3A_378 : vector<16xf32>
    %mul3A_380 = arith.mulf %div3A_376, %sub3A_379 : vector<16xf32>
    %mul3A_381 = arith.mulf %gather3A_371, %mul3A_380 : vector<16xf32>
    %sub3A_382 = arith.subf %mul3A_381, %gather3A_375 : vector<16xf32>
    %get3A_383 = arith.constant 32 : index
    %get3A_384 = tpu.vector_load %arg12[%get3A_383] {strides = array<i32>} : memref<128xi32, #tpu.memory_space<vmem>>, vector<16xi32>,
    %get3A_385 = arith.constant 32 : index
    %get3A_386 = tpu.vector_load %arg14[%get3A_385] {strides = array<i32>} : memref<128xi32, #tpu.memory_space<vmem>>, vector<16xi32>,
    tpu.vector_store_idx %arg11[%get3A_384], %sub3A_382 {add = true} : memref<100352xf32, #tpu.memory_space<vmem>>[vector<16xi32>], vector<16xf32>,
    tpu.vector_store_idx %arg11[%get3A_386], %sub3A_382 {add = true} : memref<100352xf32, #tpu.memory_space<vmem>>[vector<16xi32>], vector<16xf32>,
    %add3A_387 = arith.constant 48 : i32
    %add3A_388 = vector.broadcast %add3A_387 : i32 to vector<16xi32>
    %add3A_389 = arith.addi %iota3A, %add3A_388 : vector<16xi32>
    %broadcast_in_dim3A_390 = arith.constant 0 : i32
    %broadcast_in_dim3A_391 = vector.broadcast %broadcast_in_dim3A_390 : i32 to vector<16xi32>
    %gather3A_392 = tpu.vector_load_idx %arg22[%add3A_389, %broadcast_in_dim3A_391] : memref<128x8xf32, #tpu.memory_space<vmem>>[vector<16xi32>, vector<16xi32>], vector<16xf32>,
    %add3A_393 = arith.constant 1 : i32
    %add3A_394 = vector.broadcast %add3A_393 : i32 to vector<16xi32>
    %add3A_395 = arith.addi %broadcast_in_dim3A_391, %add3A_394 : vector<16xi32>
    %gather3A_396 = tpu.vector_load_idx %arg22[%add3A_389, %add3A_395] : memref<128x8xf32, #tpu.memory_space<vmem>>[vector<16xi32>, vector<16xi32>], vector<16xf32>,
    %add3A_397 = arith.constant 2 : i32
    %add3A_398 = vector.broadcast %add3A_397 : i32 to vector<16xi32>
    %add3A_399 = arith.addi %broadcast_in_dim3A_391, %add3A_398 : vector<16xi32>
    %gather3A_400 = tpu.vector_load_idx %arg22[%add3A_389, %add3A_399] : memref<128x8xf32, #tpu.memory_space<vmem>>[vector<16xi32>, vector<16xi32>], vector<16xf32>,
    %add3A_401 = arith.constant 3 : i32
    %add3A_402 = vector.broadcast %add3A_401 : i32 to vector<16xi32>
    %add3A_403 = arith.addi %broadcast_in_dim3A_391, %add3A_402 : vector<16xi32>
    %gather3A_404 = tpu.vector_load_idx %arg22[%add3A_389, %add3A_403] : memref<128x8xf32, #tpu.memory_space<vmem>>[vector<16xi32>, vector<16xi32>], vector<16xf32>,
    %gather3A_405 = tpu.vector_load_idx %arg24[%add3A_389, %broadcast_in_dim3A_391] : memref<128x8xf32, #tpu.memory_space<vmem>>[vector<16xi32>, vector<16xi32>], vector<16xf32>,
    %add3A_406 = arith.constant 1 : i32
    %add3A_407 = vector.broadcast %add3A_406 : i32 to vector<16xi32>
    %add3A_408 = arith.addi %broadcast_in_dim3A_391, %add3A_407 : vector<16xi32>
    %gather3A_409 = tpu.vector_load_idx %arg24[%add3A_389, %add3A_408] : memref<128x8xf32, #tpu.memory_space<vmem>>[vector<16xi32>, vector<16xi32>], vector<16xf32>,
    %add3A_410 = arith.constant 2 : i32
    %add3A_411 = vector.broadcast %add3A_410 : i32 to vector<16xi32>
    %add3A_412 = arith.addi %broadcast_in_dim3A_391, %add3A_411 : vector<16xi32>
    %gather3A_413 = tpu.vector_load_idx %arg24[%add3A_389, %add3A_412] : memref<128x8xf32, #tpu.memory_space<vmem>>[vector<16xi32>, vector<16xi32>], vector<16xf32>,
    %add3A_414 = arith.constant 3 : i32
    %add3A_415 = vector.broadcast %add3A_414 : i32 to vector<16xi32>
    %add3A_416 = arith.addi %broadcast_in_dim3A_391, %add3A_415 : vector<16xi32>
    %gather3A_417 = tpu.vector_load_idx %arg24[%add3A_389, %add3A_416] : memref<128x8xf32, #tpu.memory_space<vmem>>[vector<16xi32>, vector<16xi32>], vector<16xf32>,
    %get3A_418 = arith.constant 48 : index
    %get3A_419 = tpu.vector_load %arg16[%get3A_418] {strides = array<i32>} : memref<128xi32, #tpu.memory_space<vmem>>, vector<16xi32>,
    %convert_element_type3A_420 = arith.sitofp %get3A_419 : vector<16xi32> to vector<16xf32>
    %get3A_421 = arith.constant 48 : index
    %get3A_422 = tpu.vector_load %arg18[%get3A_421] {strides = array<i32>} : memref<128xi32, #tpu.memory_space<vmem>>, vector<16xi32>,
    %convert_element_type3A_423 = arith.sitofp %get3A_422 : vector<16xi32> to vector<16xf32>
    %get3A_424 = arith.constant 48 : index
    %get3A_425 = tpu.vector_load %arg20[%get3A_424] {strides = array<i32>} : memref<128xi32, #tpu.memory_space<vmem>>, vector<16xi32>,
    %convert_element_type3A_426 = arith.sitofp %get3A_425 : vector<16xi32> to vector<16xf32>
    %sub3A_427 = arith.subf %gather3A_405, %gather3A_392 : vector<16xf32>
    %mul3A_428 = arith.mulf %convert_element_type3A_420, %gather3A : vector<16xf32>
    %add3A_429 = arith.addf %sub3A_427, %mul3A_428 : vector<16xf32>
    %mul3A_430 = arith.mulf %convert_element_type3A_423, %gather3A_22 : vector<16xf32>
    %add3A_431 = arith.addf %add3A_429, %mul3A_430 : vector<16xf32>
    %mul3A_432 = arith.mulf %convert_element_type3A_426, %gather3A_34 : vector<16xf32>
    %add3A_433 = arith.addf %add3A_431, %mul3A_432 : vector<16xf32>
    %sub3A_434 = arith.subf %gather3A_409, %gather3A_396 : vector<16xf32>
    %mul3A_435 = arith.mulf %convert_element_type3A_420, %gather3A_14 : vector<16xf32>
    %add3A_436 = arith.addf %sub3A_434, %mul3A_435 : vector<16xf32>
    %mul3A_437 = arith.mulf %convert_element_type3A_423, %gather3A_26 : vector<16xf32>
    %add3A_438 = arith.addf %add3A_436, %mul3A_437 : vector<16xf32>
    %mul3A_439 = arith.mulf %convert_element_type3A_426, %gather3A_38 : vector<16xf32>
    %add3A_440 = arith.addf %add3A_438, %mul3A_439 : vector<16xf32>
    %sub3A_441 = arith.subf %gather3A_413, %gather3A_400 : vector<16xf32>
    %mul3A_442 = arith.mulf %convert_element_type3A_420, %gather3A_18 : vector<16xf32>
    %add3A_443 = arith.addf %sub3A_441, %mul3A_442 : vector<16xf32>
    %mul3A_444 = arith.mulf %convert_element_type3A_423, %gather3A_30 : vector<16xf32>
    %add3A_445 = arith.addf %add3A_443, %mul3A_444 : vector<16xf32>
    %mul3A_446 = arith.mulf %convert_element_type3A_426, %gather3A_42 : vector<16xf32>
    %add3A_447 = arith.addf %add3A_445, %mul3A_446 : vector<16xf32>
    %mul3A_448 = arith.mulf %add3A_433, %add3A_433 : vector<16xf32>
    %mul3A_449 = arith.mulf %add3A_440, %add3A_440 : vector<16xf32>
    %add3A_450 = arith.addf %mul3A_448, %mul3A_449 : vector<16xf32>
    %mul3A_451 = arith.mulf %add3A_447, %add3A_447 : vector<16xf32>
    %add3A_452 = arith.addf %add3A_450, %mul3A_451 : vector<16xf32>
    %mul3A_453 = arith.mulf %add3A_452, %add3A_452 : vector<16xf32>
    %mul3A_454 = arith.mulf %mul3A_453, %add3A_452 : vector<16xf32>
    %mul3A_455 = arith.constant 2.000000e+00 : f32
    %mul3A_456 = vector.broadcast %mul3A_455 : f32 to vector<16xf32>
    %mul3A_457 = arith.mulf %gather3A_404, %mul3A_456 : vector<16xf32>
    %add3A_458 = arith.addf %mul3A_457, %gather3A_417 : vector<16xf32>
    %convert_element_type3A_459 = arith.fptosi %add3A_458 : vector<16xf32> to vector<16xi32>
    %gather3A_460 = tpu.vector_load_idx %arg28[%convert_element_type3A_459] : memref<16xf32, #tpu.memory_space<vmem>>[vector<16xi32>], vector<16xf32>,
    %add3A_461 = arith.constant 4 : i32
    %add3A_462 = vector.broadcast %add3A_461 : i32 to vector<16xi32>
    %add3A_463 = arith.addi %convert_element_type3A_459, %add3A_462 : vector<16xi32>
    %gather3A_464 = tpu.vector_load_idx %arg28[%add3A_463] : memref<16xf32, #tpu.memory_space<vmem>>[vector<16xi32>], vector<16xf32>,
    %add3A_465 = arith.constant 8 : i32
    %add3A_466 = vector.broadcast %add3A_465 : i32 to vector<16xi32>
    %add3A_467 = arith.addi %convert_element_type3A_459, %add3A_466 : vector<16xi32>
    %gather3A_468 = tpu.vector_load_idx %arg28[%add3A_467] : memref<16xf32, #tpu.memory_space<vmem>>[vector<16xi32>], vector<16xf32>,
    %div3A_469 = arith.divf %gather3A_460, %mul3A_454 : vector<16xf32>
    %sub3A_470 = arith.constant 1.000000e+00 : f32
    %sub3A_471 = vector.broadcast %sub3A_470 : f32 to vector<16xf32>
    %sub3A_472 = arith.subf %div3A_469, %sub3A_471 : vector<16xf32>
    %mul3A_473 = arith.mulf %div3A_469, %sub3A_472 : vector<16xf32>
    %mul3A_474 = arith.mulf %gather3A_464, %mul3A_473 : vector<16xf32>
    %sub3A_475 = arith.subf %mul3A_474, %gather3A_468 : vector<16xf32>
    %get3A_476 = arith.constant 48 : index
    %get3A_477 = tpu.vector_load %arg12[%get3A_476] {strides = array<i32>} : memref<128xi32, #tpu.memory_space<vmem>>, vector<16xi32>,
    %get3A_478 = arith.constant 48 : index
    %get3A_479 = tpu.vector_load %arg14[%get3A_478] {strides = array<i32>} : memref<128xi32, #tpu.memory_space<vmem>>, vector<16xi32>,
    tpu.vector_store_idx %arg11[%get3A_477], %sub3A_475 {add = true} : memref<100352xf32, #tpu.memory_space<vmem>>[vector<16xi32>], vector<16xf32>,
    tpu.vector_store_idx %arg11[%get3A_479], %sub3A_475 {add = true} : memref<100352xf32, #tpu.memory_space<vmem>>[vector<16xi32>], vector<16xf32>,
    %add3A_480 = arith.constant 64 : i32
    %add3A_481 = vector.broadcast %add3A_480 : i32 to vector<16xi32>
    %add3A_482 = arith.addi %iota3A, %add3A_481 : vector<16xi32>
    %broadcast_in_dim3A_483 = arith.constant 0 : i32
    %broadcast_in_dim3A_484 = vector.broadcast %broadcast_in_dim3A_483 : i32 to vector<16xi32>
    %gather3A_485 = tpu.vector_load_idx %arg22[%add3A_482, %broadcast_in_dim3A_484] : memref<128x8xf32, #tpu.memory_space<vmem>>[vector<16xi32>, vector<16xi32>], vector<16xf32>,
    %add3A_486 = arith.constant 1 : i32
    %add3A_487 = vector.broadcast %add3A_486 : i32 to vector<16xi32>
    %add3A_488 = arith.addi %broadcast_in_dim3A_484, %add3A_487 : vector<16xi32>
    %gather3A_489 = tpu.vector_load_idx %arg22[%add3A_482, %add3A_488] : memref<128x8xf32, #tpu.memory_space<vmem>>[vector<16xi32>, vector<16xi32>], vector<16xf32>,
    %add3A_490 = arith.constant 2 : i32
    %add3A_491 = vector.broadcast %add3A_490 : i32 to vector<16xi32>
    %add3A_492 = arith.addi %broadcast_in_dim3A_484, %add3A_491 : vector<16xi32>
    %gather3A_493 = tpu.vector_load_idx %arg22[%add3A_482, %add3A_492] : memref<128x8xf32, #tpu.memory_space<vmem>>[vector<16xi32>, vector<16xi32>], vector<16xf32>,
    %add3A_494 = arith.constant 3 : i32
    %add3A_495 = vector.broadcast %add3A_494 : i32 to vector<16xi32>
    %add3A_496 = arith.addi %broadcast_in_dim3A_484, %add3A_495 : vector<16xi32>
    %gather3A_497 = tpu.vector_load_idx %arg22[%add3A_482, %add3A_496] : memref<128x8xf32, #tpu.memory_space<vmem>>[vector<16xi32>, vector<16xi32>], vector<16xf32>,
    %gather3A_498 = tpu.vector_load_idx %arg24[%add3A_482, %broadcast_in_dim3A_484] : memref<128x8xf32, #tpu.memory_space<vmem>>[vector<16xi32>, vector<16xi32>], vector<16xf32>,
    %add3A_499 = arith.constant 1 : i32
    %add3A_500 = vector.broadcast %add3A_499 : i32 to vector<16xi32>
    %add3A_501 = arith.addi %broadcast_in_dim3A_484, %add3A_500 : vector<16xi32>
    %gather3A_502 = tpu.vector_load_idx %arg24[%add3A_482, %add3A_501] : memref<128x8xf32, #tpu.memory_space<vmem>>[vector<16xi32>, vector<16xi32>], vector<16xf32>,
    %add3A_503 = arith.constant 2 : i32
    %add3A_504 = vector.broadcast %add3A_503 : i32 to vector<16xi32>
    %add3A_505 = arith.addi %broadcast_in_dim3A_484, %add3A_504 : vector<16xi32>
    %gather3A_506 = tpu.vector_load_idx %arg24[%add3A_482, %add3A_505] : memref<128x8xf32, #tpu.memory_space<vmem>>[vector<16xi32>, vector<16xi32>], vector<16xf32>,
    %add3A_507 = arith.constant 3 : i32
    %add3A_508 = vector.broadcast %add3A_507 : i32 to vector<16xi32>
    %add3A_509 = arith.addi %broadcast_in_dim3A_484, %add3A_508 : vector<16xi32>
    %gather3A_510 = tpu.vector_load_idx %arg24[%add3A_482, %add3A_509] : memref<128x8xf32, #tpu.memory_space<vmem>>[vector<16xi32>, vector<16xi32>], vector<16xf32>,
    %get3A_511 = arith.constant 64 : index
    %get3A_512 = tpu.vector_load %arg16[%get3A_511] {strides = array<i32>} : memref<128xi32, #tpu.memory_space<vmem>>, vector<16xi32>,
    %convert_element_type3A_513 = arith.sitofp %get3A_512 : vector<16xi32> to vector<16xf32>
    %get3A_514 = arith.constant 64 : index
    %get3A_515 = tpu.vector_load %arg18[%get3A_514] {strides = array<i32>} : memref<128xi32, #tpu.memory_space<vmem>>, vector<16xi32>,
    %convert_element_type3A_516 = arith.sitofp %get3A_515 : vector<16xi32> to vector<16xf32>
    %get3A_517 = arith.constant 64 : index
    %get3A_518 = tpu.vector_load %arg20[%get3A_517] {strides = array<i32>} : memref<128xi32, #tpu.memory_space<vmem>>, vector<16xi32>,
    %convert_element_type3A_519 = arith.sitofp %get3A_518 : vector<16xi32> to vector<16xf32>
    %sub3A_520 = arith.subf %gather3A_498, %gather3A_485 : vector<16xf32>
    %mul3A_521 = arith.mulf %convert_element_type3A_513, %gather3A : vector<16xf32>
    %add3A_522 = arith.addf %sub3A_520, %mul3A_521 : vector<16xf32>
    %mul3A_523 = arith.mulf %convert_element_type3A_516, %gather3A_22 : vector<16xf32>
    %add3A_524 = arith.addf %add3A_522, %mul3A_523 : vector<16xf32>
    %mul3A_525 = arith.mulf %convert_element_type3A_519, %gather3A_34 : vector<16xf32>
    %add3A_526 = arith.addf %add3A_524, %mul3A_525 : vector<16xf32>
    %sub3A_527 = arith.subf %gather3A_502, %gather3A_489 : vector<16xf32>
    %mul3A_528 = arith.mulf %convert_element_type3A_513, %gather3A_14 : vector<16xf32>
    %add3A_529 = arith.addf %sub3A_527, %mul3A_528 : vector<16xf32>
    %mul3A_530 = arith.mulf %convert_element_type3A_516, %gather3A_26 : vector<16xf32>
    %add3A_531 = arith.addf %add3A_529, %mul3A_530 : vector<16xf32>
    %mul3A_532 = arith.mulf %convert_element_type3A_519, %gather3A_38 : vector<16xf32>
    %add3A_533 = arith.addf %add3A_531, %mul3A_532 : vector<16xf32>
    %sub3A_534 = arith.subf %gather3A_506, %gather3A_493 : vector<16xf32>
    %mul3A_535 = arith.mulf %convert_element_type3A_513, %gather3A_18 : vector<16xf32>
    %add3A_536 = arith.addf %sub3A_534, %mul3A_535 : vector<16xf32>
    %mul3A_537 = arith.mulf %convert_element_type3A_516, %gather3A_30 : vector<16xf32>
    %add3A_538 = arith.addf %add3A_536, %mul3A_537 : vector<16xf32>
    %mul3A_539 = arith.mulf %convert_element_type3A_519, %gather3A_42 : vector<16xf32>
    %add3A_540 = arith.addf %add3A_538, %mul3A_539 : vector<16xf32>
    %mul3A_541 = arith.mulf %add3A_526, %add3A_526 : vector<16xf32>
    %mul3A_542 = arith.mulf %add3A_533, %add3A_533 : vector<16xf32>
    %add3A_543 = arith.addf %mul3A_541, %mul3A_542 : vector<16xf32>
    %mul3A_544 = arith.mulf %add3A_540, %add3A_540 : vector<16xf32>
    %add3A_545 = arith.addf %add3A_543, %mul3A_544 : vector<16xf32>
    %mul3A_546 = arith.mulf %add3A_545, %add3A_545 : vector<16xf32>
    %mul3A_547 = arith.mulf %mul3A_546, %add3A_545 : vector<16xf32>
    %mul3A_548 = arith.constant 2.000000e+00 : f32
    %mul3A_549 = vector.broadcast %mul3A_548 : f32 to vector<16xf32>
    %mul3A_550 = arith.mulf %gather3A_497, %mul3A_549 : vector<16xf32>
    %add3A_551 = arith.addf %mul3A_550, %gather3A_510 : vector<16xf32>
    %convert_element_type3A_552 = arith.fptosi %add3A_551 : vector<16xf32> to vector<16xi32>
    %gather3A_553 = tpu.vector_load_idx %arg28[%convert_element_type3A_552] : memref<16xf32, #tpu.memory_space<vmem>>[vector<16xi32>], vector<16xf32>,
    %add3A_554 = arith.constant 4 : i32
    %add3A_555 = vector.broadcast %add3A_554 : i32 to vector<16xi32>
    %add3A_556 = arith.addi %convert_element_type3A_552, %add3A_555 : vector<16xi32>
    %gather3A_557 = tpu.vector_load_idx %arg28[%add3A_556] : memref<16xf32, #tpu.memory_space<vmem>>[vector<16xi32>], vector<16xf32>,
    %add3A_558 = arith.constant 8 : i32
    %add3A_559 = vector.broadcast %add3A_558 : i32 to vector<16xi32>
    %add3A_560 = arith.addi %convert_element_type3A_552, %add3A_559 : vector<16xi32>
    %gather3A_561 = tpu.vector_load_idx %arg28[%add3A_560] : memref<16xf32, #tpu.memory_space<vmem>>[vector<16xi32>], vector<16xf32>,
    %div3A_562 = arith.divf %gather3A_553, %mul3A_547 : vector<16xf32>
    %sub3A_563 = arith.constant 1.000000e+00 : f32
    %sub3A_564 = vector.broadcast %sub3A_563 : f32 to vector<16xf32>
    %sub3A_565 = arith.subf %div3A_562, %sub3A_564 : vector<16xf32>
    %mul3A_566 = arith.mulf %div3A_562, %sub3A_565 : vector<16xf32>
    %mul3A_567 = arith.mulf %gather3A_557, %mul3A_566 : vector<16xf32>
    %sub3A_568 = arith.subf %mul3A_567, %gather3A_561 : vector<16xf32>
    %get3A_569 = arith.constant 64 : index
    %get3A_570 = tpu.vector_load %arg12[%get3A_569] {strides = array<i32>} : memref<128xi32, #tpu.memory_space<vmem>>, vector<16xi32>,
    %get3A_571 = arith.constant 64 : index
    %get3A_572 = tpu.vector_load %arg14[%get3A_571] {strides = array<i32>} : memref<128xi32, #tpu.memory_space<vmem>>, vector<16xi32>,
    tpu.vector_store_idx %arg11[%get3A_570], %sub3A_568 {add = true} : memref<100352xf32, #tpu.memory_space<vmem>>[vector<16xi32>], vector<16xf32>,
    tpu.vector_store_idx %arg11[%get3A_572], %sub3A_568 {add = true} : memref<100352xf32, #tpu.memory_space<vmem>>[vector<16xi32>], vector<16xf32>,
    %add3A_573 = arith.constant 80 : i32
    %add3A_574 = vector.broadcast %add3A_573 : i32 to vector<16xi32>
    %add3A_575 = arith.addi %iota3A, %add3A_574 : vector<16xi32>
    %broadcast_in_dim3A_576 = arith.constant 0 : i32
    %broadcast_in_dim3A_577 = vector.broadcast %broadcast_in_dim3A_576 : i32 to vector<16xi32>
    %gather3A_578 = tpu.vector_load_idx %arg22[%add3A_575, %broadcast_in_dim3A_577] : memref<128x8xf32, #tpu.memory_space<vmem>>[vector<16xi32>, vector<16xi32>], vector<16xf32>,
    %add3A_579 = arith.constant 1 : i32
    %add3A_580 = vector.broadcast %add3A_579 : i32 to vector<16xi32>
    %add3A_581 = arith.addi %broadcast_in_dim3A_577, %add3A_580 : vector<16xi32>
    %gather3A_582 = tpu.vector_load_idx %arg22[%add3A_575, %add3A_581] : memref<128x8xf32, #tpu.memory_space<vmem>>[vector<16xi32>, vector<16xi32>], vector<16xf32>,
    %add3A_583 = arith.constant 2 : i32
    %add3A_584 = vector.broadcast %add3A_583 : i32 to vector<16xi32>
    %add3A_585 = arith.addi %broadcast_in_dim3A_577, %add3A_584 : vector<16xi32>
    %gather3A_586 = tpu.vector_load_idx %arg22[%add3A_575, %add3A_585] : memref<128x8xf32, #tpu.memory_space<vmem>>[vector<16xi32>, vector<16xi32>], vector<16xf32>,
    %add3A_587 = arith.constant 3 : i32
    %add3A_588 = vector.broadcast %add3A_587 : i32 to vector<16xi32>
    %add3A_589 = arith.addi %broadcast_in_dim3A_577, %add3A_588 : vector<16xi32>
    %gather3A_590 = tpu.vector_load_idx %arg22[%add3A_575, %add3A_589] : memref<128x8xf32, #tpu.memory_space<vmem>>[vector<16xi32>, vector<16xi32>], vector<16xf32>,
    %gather3A_591 = tpu.vector_load_idx %arg24[%add3A_575, %broadcast_in_dim3A_577] : memref<128x8xf32, #tpu.memory_space<vmem>>[vector<16xi32>, vector<16xi32>], vector<16xf32>,
    %add3A_592 = arith.constant 1 : i32
    %add3A_593 = vector.broadcast %add3A_592 : i32 to vector<16xi32>
    %add3A_594 = arith.addi %broadcast_in_dim3A_577, %add3A_593 : vector<16xi32>
    %gather3A_595 = tpu.vector_load_idx %arg24[%add3A_575, %add3A_594] : memref<128x8xf32, #tpu.memory_space<vmem>>[vector<16xi32>, vector<16xi32>], vector<16xf32>,
    %add3A_596 = arith.constant 2 : i32
    %add3A_597 = vector.broadcast %add3A_596 : i32 to vector<16xi32>
    %add3A_598 = arith.addi %broadcast_in_dim3A_577, %add3A_597 : vector<16xi32>
    %gather3A_599 = tpu.vector_load_idx %arg24[%add3A_575, %add3A_598] : memref<128x8xf32, #tpu.memory_space<vmem>>[vector<16xi32>, vector<16xi32>], vector<16xf32>,
    %add3A_600 = arith.constant 3 : i32
    %add3A_601 = vector.broadcast %add3A_600 : i32 to vector<16xi32>
    %add3A_602 = arith.addi %broadcast_in_dim3A_577, %add3A_601 : vector<16xi32>
    %gather3A_603 = tpu.vector_load_idx %arg24[%add3A_575, %add3A_602] : memref<128x8xf32, #tpu.memory_space<vmem>>[vector<16xi32>, vector<16xi32>], vector<16xf32>,
    %get3A_604 = arith.constant 80 : index
    %get3A_605 = tpu.vector_load %arg16[%get3A_604] {strides = array<i32>} : memref<128xi32, #tpu.memory_space<vmem>>, vector<16xi32>,
    %convert_element_type3A_606 = arith.sitofp %get3A_605 : vector<16xi32> to vector<16xf32>
    %get3A_607 = arith.constant 80 : index
    %get3A_608 = tpu.vector_load %arg18[%get3A_607] {strides = array<i32>} : memref<128xi32, #tpu.memory_space<vmem>>, vector<16xi32>,
    %convert_element_type3A_609 = arith.sitofp %get3A_608 : vector<16xi32> to vector<16xf32>
    %get3A_610 = arith.constant 80 : index
    %get3A_611 = tpu.vector_load %arg20[%get3A_610] {strides = array<i32>} : memref<128xi32, #tpu.memory_space<vmem>>, vector<16xi32>,
    %convert_element_type3A_612 = arith.sitofp %get3A_611 : vector<16xi32> to vector<16xf32>
    %sub3A_613 = arith.subf %gather3A_591, %gather3A_578 : vector<16xf32>
    %mul3A_614 = arith.mulf %convert_element_type3A_606, %gather3A : vector<16xf32>
    %add3A_615 = arith.addf %sub3A_613, %mul3A_614 : vector<16xf32>
    %mul3A_616 = arith.mulf %convert_element_type3A_609, %gather3A_22 : vector<16xf32>
    %add3A_617 = arith.addf %add3A_615, %mul3A_616 : vector<16xf32>
    %mul3A_618 = arith.mulf %convert_element_type3A_612, %gather3A_34 : vector<16xf32>
    %add3A_619 = arith.addf %add3A_617, %mul3A_618 : vector<16xf32>
    %sub3A_620 = arith.subf %gather3A_595, %gather3A_582 : vector<16xf32>
    %mul3A_621 = arith.mulf %convert_element_type3A_606, %gather3A_14 : vector<16xf32>
    %add3A_622 = arith.addf %sub3A_620, %mul3A_621 : vector<16xf32>
    %mul3A_623 = arith.mulf %convert_element_type3A_609, %gather3A_26 : vector<16xf32>
    %add3A_624 = arith.addf %add3A_622, %mul3A_623 : vector<16xf32>
    %mul3A_625 = arith.mulf %convert_element_type3A_612, %gather3A_38 : vector<16xf32>
    %add3A_626 = arith.addf %add3A_624, %mul3A_625 : vector<16xf32>
    %sub3A_627 = arith.subf %gather3A_599, %gather3A_586 : vector<16xf32>
    %mul3A_628 = arith.mulf %convert_element_type3A_606, %gather3A_18 : vector<16xf32>
    %add3A_629 = arith.addf %sub3A_627, %mul3A_628 : vector<16xf32>
    %mul3A_630 = arith.mulf %convert_element_type3A_609, %gather3A_30 : vector<16xf32>
    %add3A_631 = arith.addf %add3A_629, %mul3A_630 : vector<16xf32>
    %mul3A_632 = arith.mulf %convert_element_type3A_612, %gather3A_42 : vector<16xf32>
    %add3A_633 = arith.addf %add3A_631, %mul3A_632 : vector<16xf32>
    %mul3A_634 = arith.mulf %add3A_619, %add3A_619 : vector<16xf32>
    %mul3A_635 = arith.mulf %add3A_626, %add3A_626 : vector<16xf32>
    %add3A_636 = arith.addf %mul3A_634, %mul3A_635 : vector<16xf32>
    %mul3A_637 = arith.mulf %add3A_633, %add3A_633 : vector<16xf32>
    %add3A_638 = arith.addf %add3A_636, %mul3A_637 : vector<16xf32>
    %mul3A_639 = arith.mulf %add3A_638, %add3A_638 : vector<16xf32>
    %mul3A_640 = arith.mulf %mul3A_639, %add3A_638 : vector<16xf32>
    %mul3A_641 = arith.constant 2.000000e+00 : f32
    %mul3A_642 = vector.broadcast %mul3A_641 : f32 to vector<16xf32>
    %mul3A_643 = arith.mulf %gather3A_590, %mul3A_642 : vector<16xf32>
    %add3A_644 = arith.addf %mul3A_643, %gather3A_603 : vector<16xf32>
    %convert_element_type3A_645 = arith.fptosi %add3A_644 : vector<16xf32> to vector<16xi32>
    %gather3A_646 = tpu.vector_load_idx %arg28[%convert_element_type3A_645] : memref<16xf32, #tpu.memory_space<vmem>>[vector<16xi32>], vector<16xf32>,
    %add3A_647 = arith.constant 4 : i32
    %add3A_648 = vector.broadcast %add3A_647 : i32 to vector<16xi32>
    %add3A_649 = arith.addi %convert_element_type3A_645, %add3A_648 : vector<16xi32>
    %gather3A_650 = tpu.vector_load_idx %arg28[%add3A_649] : memref<16xf32, #tpu.memory_space<vmem>>[vector<16xi32>], vector<16xf32>,
    %add3A_651 = arith.constant 8 : i32
    %add3A_652 = vector.broadcast %add3A_651 : i32 to vector<16xi32>
    %add3A_653 = arith.addi %convert_element_type3A_645, %add3A_652 : vector<16xi32>
    %gather3A_654 = tpu.vector_load_idx %arg28[%add3A_653] : memref<16xf32, #tpu.memory_space<vmem>>[vector<16xi32>], vector<16xf32>,
    %div3A_655 = arith.divf %gather3A_646, %mul3A_640 : vector<16xf32>
    %sub3A_656 = arith.constant 1.000000e+00 : f32
    %sub3A_657 = vector.broadcast %sub3A_656 : f32 to vector<16xf32>
    %sub3A_658 = arith.subf %div3A_655, %sub3A_657 : vector<16xf32>
    %mul3A_659 = arith.mulf %div3A_655, %sub3A_658 : vector<16xf32>
    %mul3A_660 = arith.mulf %gather3A_650, %mul3A_659 : vector<16xf32>
    %sub3A_661 = arith.subf %mul3A_660, %gather3A_654 : vector<16xf32>
    %get3A_662 = arith.constant 80 : index
    %get3A_663 = tpu.vector_load %arg12[%get3A_662] {strides = array<i32>} : memref<128xi32, #tpu.memory_space<vmem>>, vector<16xi32>,
    %get3A_664 = arith.constant 80 : index
    %get3A_665 = tpu.vector_load %arg14[%get3A_664] {strides = array<i32>} : memref<128xi32, #tpu.memory_space<vmem>>, vector<16xi32>,
    tpu.vector_store_idx %arg11[%get3A_663], %sub3A_661 {add = true} : memref<100352xf32, #tpu.memory_space<vmem>>[vector<16xi32>], vector<16xf32>,
    tpu.vector_store_idx %arg11[%get3A_665], %sub3A_661 {add = true} : memref<100352xf32, #tpu.memory_space<vmem>>[vector<16xi32>], vector<16xf32>,
    %add3A_666 = arith.constant 96 : i32
    %add3A_667 = vector.broadcast %add3A_666 : i32 to vector<16xi32>
    %add3A_668 = arith.addi %iota3A, %add3A_667 : vector<16xi32>
    %broadcast_in_dim3A_669 = arith.constant 0 : i32
    %broadcast_in_dim3A_670 = vector.broadcast %broadcast_in_dim3A_669 : i32 to vector<16xi32>
    %gather3A_671 = tpu.vector_load_idx %arg22[%add3A_668, %broadcast_in_dim3A_670] : memref<128x8xf32, #tpu.memory_space<vmem>>[vector<16xi32>, vector<16xi32>], vector<16xf32>,
    %add3A_672 = arith.constant 1 : i32
    %add3A_673 = vector.broadcast %add3A_672 : i32 to vector<16xi32>
    %add3A_674 = arith.addi %broadcast_in_dim3A_670, %add3A_673 : vector<16xi32>
    %gather3A_675 = tpu.vector_load_idx %arg22[%add3A_668, %add3A_674] : memref<128x8xf32, #tpu.memory_space<vmem>>[vector<16xi32>, vector<16xi32>], vector<16xf32>,
    %add3A_676 = arith.constant 2 : i32
    %add3A_677 = vector.broadcast %add3A_676 : i32 to vector<16xi32>
    %add3A_678 = arith.addi %broadcast_in_dim3A_670, %add3A_677 : vector<16xi32>
    %gather3A_679 = tpu.vector_load_idx %arg22[%add3A_668, %add3A_678] : memref<128x8xf32, #tpu.memory_space<vmem>>[vector<16xi32>, vector<16xi32>], vector<16xf32>,
    %add3A_680 = arith.constant 3 : i32
    %add3A_681 = vector.broadcast %add3A_680 : i32 to vector<16xi32>
    %add3A_682 = arith.addi %broadcast_in_dim3A_670, %add3A_681 : vector<16xi32>
    %gather3A_683 = tpu.vector_load_idx %arg22[%add3A_668, %add3A_682] : memref<128x8xf32, #tpu.memory_space<vmem>>[vector<16xi32>, vector<16xi32>], vector<16xf32>,
    %gather3A_684 = tpu.vector_load_idx %arg24[%add3A_668, %broadcast_in_dim3A_670] : memref<128x8xf32, #tpu.memory_space<vmem>>[vector<16xi32>, vector<16xi32>], vector<16xf32>,
    %add3A_685 = arith.constant 1 : i32
    %add3A_686 = vector.broadcast %add3A_685 : i32 to vector<16xi32>
    %add3A_687 = arith.addi %broadcast_in_dim3A_670, %add3A_686 : vector<16xi32>
    %gather3A_688 = tpu.vector_load_idx %arg24[%add3A_668, %add3A_687] : memref<128x8xf32, #tpu.memory_space<vmem>>[vector<16xi32>, vector<16xi32>], vector<16xf32>,
    %add3A_689 = arith.constant 2 : i32
    %add3A_690 = vector.broadcast %add3A_689 : i32 to vector<16xi32>
    %add3A_691 = arith.addi %broadcast_in_dim3A_670, %add3A_690 : vector<16xi32>
    %gather3A_692 = tpu.vector_load_idx %arg24[%add3A_668, %add3A_691] : memref<128x8xf32, #tpu.memory_space<vmem>>[vector<16xi32>, vector<16xi32>], vector<16xf32>,
    %add3A_693 = arith.constant 3 : i32
    %add3A_694 = vector.broadcast %add3A_693 : i32 to vector<16xi32>
    %add3A_695 = arith.addi %broadcast_in_dim3A_670, %add3A_694 : vector<16xi32>
    %gather3A_696 = tpu.vector_load_idx %arg24[%add3A_668, %add3A_695] : memref<128x8xf32, #tpu.memory_space<vmem>>[vector<16xi32>, vector<16xi32>], vector<16xf32>,
    %get3A_697 = arith.constant 96 : index
    %get3A_698 = tpu.vector_load %arg16[%get3A_697] {strides = array<i32>} : memref<128xi32, #tpu.memory_space<vmem>>, vector<16xi32>,
    %convert_element_type3A_699 = arith.sitofp %get3A_698 : vector<16xi32> to vector<16xf32>
    %get3A_700 = arith.constant 96 : index
    %get3A_701 = tpu.vector_load %arg18[%get3A_700] {strides = array<i32>} : memref<128xi32, #tpu.memory_space<vmem>>, vector<16xi32>,
    %convert_element_type3A_702 = arith.sitofp %get3A_701 : vector<16xi32> to vector<16xf32>
    %get3A_703 = arith.constant 96 : index
    %get3A_704 = tpu.vector_load %arg20[%get3A_703] {strides = array<i32>} : memref<128xi32, #tpu.memory_space<vmem>>, vector<16xi32>,
    %convert_element_type3A_705 = arith.sitofp %get3A_704 : vector<16xi32> to vector<16xf32>
    %sub3A_706 = arith.subf %gather3A_684, %gather3A_671 : vector<16xf32>
    %mul3A_707 = arith.mulf %convert_element_type3A_699, %gather3A : vector<16xf32>
    %add3A_708 = arith.addf %sub3A_706, %mul3A_707 : vector<16xf32>
    %mul3A_709 = arith.mulf %convert_element_type3A_702, %gather3A_22 : vector<16xf32>
    %add3A_710 = arith.addf %add3A_708, %mul3A_709 : vector<16xf32>
    %mul3A_711 = arith.mulf %convert_element_type3A_705, %gather3A_34 : vector<16xf32>
    %add3A_712 = arith.addf %add3A_710, %mul3A_711 : vector<16xf32>
    %sub3A_713 = arith.subf %gather3A_688, %gather3A_675 : vector<16xf32>
    %mul3A_714 = arith.mulf %convert_element_type3A_699, %gather3A_14 : vector<16xf32>
    %add3A_715 = arith.addf %sub3A_713, %mul3A_714 : vector<16xf32>
    %mul3A_716 = arith.mulf %convert_element_type3A_702, %gather3A_26 : vector<16xf32>
    %add3A_717 = arith.addf %add3A_715, %mul3A_716 : vector<16xf32>
    %mul3A_718 = arith.mulf %convert_element_type3A_705, %gather3A_38 : vector<16xf32>
    %add3A_719 = arith.addf %add3A_717, %mul3A_718 : vector<16xf32>
    %sub3A_720 = arith.subf %gather3A_692, %gather3A_679 : vector<16xf32>
    %mul3A_721 = arith.mulf %convert_element_type3A_699, %gather3A_18 : vector<16xf32>
    %add3A_722 = arith.addf %sub3A_720, %mul3A_721 : vector<16xf32>
    %mul3A_723 = arith.mulf %convert_element_type3A_702, %gather3A_30 : vector<16xf32>
    %add3A_724 = arith.addf %add3A_722, %mul3A_723 : vector<16xf32>
    %mul3A_725 = arith.mulf %convert_element_type3A_705, %gather3A_42 : vector<16xf32>
    %add3A_726 = arith.addf %add3A_724, %mul3A_725 : vector<16xf32>
    %mul3A_727 = arith.mulf %add3A_712, %add3A_712 : vector<16xf32>
    %mul3A_728 = arith.mulf %add3A_719, %add3A_719 : vector<16xf32>
    %add3A_729 = arith.addf %mul3A_727, %mul3A_728 : vector<16xf32>
    %mul3A_730 = arith.mulf %add3A_726, %add3A_726 : vector<16xf32>
    %add3A_731 = arith.addf %add3A_729, %mul3A_730 : vector<16xf32>
    %mul3A_732 = arith.mulf %add3A_731, %add3A_731 : vector<16xf32>
    %mul3A_733 = arith.mulf %mul3A_732, %add3A_731 : vector<16xf32>
    %mul3A_734 = arith.constant 2.000000e+00 : f32
    %mul3A_735 = vector.broadcast %mul3A_734 : f32 to vector<16xf32>
    %mul3A_736 = arith.mulf %gather3A_683, %mul3A_735 : vector<16xf32>
    %add3A_737 = arith.addf %mul3A_736, %gather3A_696 : vector<16xf32>
    %convert_element_type3A_738 = arith.fptosi %add3A_737 : vector<16xf32> to vector<16xi32>
    %gather3A_739 = tpu.vector_load_idx %arg28[%convert_element_type3A_738] : memref<16xf32, #tpu.memory_space<vmem>>[vector<16xi32>], vector<16xf32>,
    %add3A_740 = arith.constant 4 : i32
    %add3A_741 = vector.broadcast %add3A_740 : i32 to vector<16xi32>
    %add3A_742 = arith.addi %convert_element_type3A_738, %add3A_741 : vector<16xi32>
    %gather3A_743 = tpu.vector_load_idx %arg28[%add3A_742] : memref<16xf32, #tpu.memory_space<vmem>>[vector<16xi32>], vector<16xf32>,
    %add3A_744 = arith.constant 8 : i32
    %add3A_745 = vector.broadcast %add3A_744 : i32 to vector<16xi32>
    %add3A_746 = arith.addi %convert_element_type3A_738, %add3A_745 : vector<16xi32>
    %gather3A_747 = tpu.vector_load_idx %arg28[%add3A_746] : memref<16xf32, #tpu.memory_space<vmem>>[vector<16xi32>], vector<16xf32>,
    %div3A_748 = arith.divf %gather3A_739, %mul3A_733 : vector<16xf32>
    %sub3A_749 = arith.constant 1.000000e+00 : f32
    %sub3A_750 = vector.broadcast %sub3A_749 : f32 to vector<16xf32>
    %sub3A_751 = arith.subf %div3A_748, %sub3A_750 : vector<16xf32>
    %mul3A_752 = arith.mulf %div3A_748, %sub3A_751 : vector<16xf32>
    %mul3A_753 = arith.mulf %gather3A_743, %mul3A_752 : vector<16xf32>
    %sub3A_754 = arith.subf %mul3A_753, %gather3A_747 : vector<16xf32>
    %get3A_755 = arith.constant 96 : index
    %get3A_756 = tpu.vector_load %arg12[%get3A_755] {strides = array<i32>} : memref<128xi32, #tpu.memory_space<vmem>>, vector<16xi32>,
    %get3A_757 = arith.constant 96 : index
    %get3A_758 = tpu.vector_load %arg14[%get3A_757] {strides = array<i32>} : memref<128xi32, #tpu.memory_space<vmem>>, vector<16xi32>,
    tpu.vector_store_idx %arg11[%get3A_756], %sub3A_754 {add = true} : memref<100352xf32, #tpu.memory_space<vmem>>[vector<16xi32>], vector<16xf32>,
    tpu.vector_store_idx %arg11[%get3A_758], %sub3A_754 {add = true} : memref<100352xf32, #tpu.memory_space<vmem>>[vector<16xi32>], vector<16xf32>,
    %add3A_759 = arith.constant 112 : i32
    %add3A_760 = vector.broadcast %add3A_759 : i32 to vector<16xi32>
    %add3A_761 = arith.addi %iota3A, %add3A_760 : vector<16xi32>
    %broadcast_in_dim3A_762 = arith.constant 0 : i32
    %broadcast_in_dim3A_763 = vector.broadcast %broadcast_in_dim3A_762 : i32 to vector<16xi32>
    %gather3A_764 = tpu.vector_load_idx %arg22[%add3A_761, %broadcast_in_dim3A_763] : memref<128x8xf32, #tpu.memory_space<vmem>>[vector<16xi32>, vector<16xi32>], vector<16xf32>,
    %add3A_765 = arith.constant 1 : i32
    %add3A_766 = vector.broadcast %add3A_765 : i32 to vector<16xi32>
    %add3A_767 = arith.addi %broadcast_in_dim3A_763, %add3A_766 : vector<16xi32>
    %gather3A_768 = tpu.vector_load_idx %arg22[%add3A_761, %add3A_767] : memref<128x8xf32, #tpu.memory_space<vmem>>[vector<16xi32>, vector<16xi32>], vector<16xf32>,
    %add3A_769 = arith.constant 2 : i32
    %add3A_770 = vector.broadcast %add3A_769 : i32 to vector<16xi32>
    %add3A_771 = arith.addi %broadcast_in_dim3A_763, %add3A_770 : vector<16xi32>
    %gather3A_772 = tpu.vector_load_idx %arg22[%add3A_761, %add3A_771] : memref<128x8xf32, #tpu.memory_space<vmem>>[vector<16xi32>, vector<16xi32>], vector<16xf32>,
    %add3A_773 = arith.constant 3 : i32
    %add3A_774 = vector.broadcast %add3A_773 : i32 to vector<16xi32>
    %add3A_775 = arith.addi %broadcast_in_dim3A_763, %add3A_774 : vector<16xi32>
    %gather3A_776 = tpu.vector_load_idx %arg22[%add3A_761, %add3A_775] : memref<128x8xf32, #tpu.memory_space<vmem>>[vector<16xi32>, vector<16xi32>], vector<16xf32>,
    %gather3A_777 = tpu.vector_load_idx %arg24[%add3A_761, %broadcast_in_dim3A_763] : memref<128x8xf32, #tpu.memory_space<vmem>>[vector<16xi32>, vector<16xi32>], vector<16xf32>,
    %add3A_778 = arith.constant 1 : i32
    %add3A_779 = vector.broadcast %add3A_778 : i32 to vector<16xi32>
    %add3A_780 = arith.addi %broadcast_in_dim3A_763, %add3A_779 : vector<16xi32>
    %gather3A_781 = tpu.vector_load_idx %arg24[%add3A_761, %add3A_780] : memref<128x8xf32, #tpu.memory_space<vmem>>[vector<16xi32>, vector<16xi32>], vector<16xf32>,
    %add3A_782 = arith.constant 2 : i32
    %add3A_783 = vector.broadcast %add3A_782 : i32 to vector<16xi32>
    %add3A_784 = arith.addi %broadcast_in_dim3A_763, %add3A_783 : vector<16xi32>
    %gather3A_785 = tpu.vector_load_idx %arg24[%add3A_761, %add3A_784] : memref<128x8xf32, #tpu.memory_space<vmem>>[vector<16xi32>, vector<16xi32>], vector<16xf32>,
    %add3A_786 = arith.constant 3 : i32
    %add3A_787 = vector.broadcast %add3A_786 : i32 to vector<16xi32>
    %add3A_788 = arith.addi %broadcast_in_dim3A_763, %add3A_787 : vector<16xi32>
    %gather3A_789 = tpu.vector_load_idx %arg24[%add3A_761, %add3A_788] : memref<128x8xf32, #tpu.memory_space<vmem>>[vector<16xi32>, vector<16xi32>], vector<16xf32>,
    %get3A_790 = arith.constant 112 : index
    %get3A_791 = tpu.vector_load %arg16[%get3A_790] {strides = array<i32>} : memref<128xi32, #tpu.memory_space<vmem>>, vector<16xi32>,
    %convert_element_type3A_792 = arith.sitofp %get3A_791 : vector<16xi32> to vector<16xf32>
    %get3A_793 = arith.constant 112 : index
    %get3A_794 = tpu.vector_load %arg18[%get3A_793] {strides = array<i32>} : memref<128xi32, #tpu.memory_space<vmem>>, vector<16xi32>,
    %convert_element_type3A_795 = arith.sitofp %get3A_794 : vector<16xi32> to vector<16xf32>
    %get3A_796 = arith.constant 112 : index
    %get3A_797 = tpu.vector_load %arg20[%get3A_796] {strides = array<i32>} : memref<128xi32, #tpu.memory_space<vmem>>, vector<16xi32>,
    %convert_element_type3A_798 = arith.sitofp %get3A_797 : vector<16xi32> to vector<16xf32>
    %sub3A_799 = arith.subf %gather3A_777, %gather3A_764 : vector<16xf32>
    %mul3A_800 = arith.mulf %convert_element_type3A_792, %gather3A : vector<16xf32>
    %add3A_801 = arith.addf %sub3A_799, %mul3A_800 : vector<16xf32>
    %mul3A_802 = arith.mulf %convert_element_type3A_795, %gather3A_22 : vector<16xf32>
    %add3A_803 = arith.addf %add3A_801, %mul3A_802 : vector<16xf32>
    %mul3A_804 = arith.mulf %convert_element_type3A_798, %gather3A_34 : vector<16xf32>
    %add3A_805 = arith.addf %add3A_803, %mul3A_804 : vector<16xf32>
    %sub3A_806 = arith.subf %gather3A_781, %gather3A_768 : vector<16xf32>
    %mul3A_807 = arith.mulf %convert_element_type3A_792, %gather3A_14 : vector<16xf32>
    %add3A_808 = arith.addf %sub3A_806, %mul3A_807 : vector<16xf32>
    %mul3A_809 = arith.mulf %convert_element_type3A_795, %gather3A_26 : vector<16xf32>
    %add3A_810 = arith.addf %add3A_808, %mul3A_809 : vector<16xf32>
    %mul3A_811 = arith.mulf %convert_element_type3A_798, %gather3A_38 : vector<16xf32>
    %add3A_812 = arith.addf %add3A_810, %mul3A_811 : vector<16xf32>
    %sub3A_813 = arith.subf %gather3A_785, %gather3A_772 : vector<16xf32>
    %mul3A_814 = arith.mulf %convert_element_type3A_792, %gather3A_18 : vector<16xf32>
    %add3A_815 = arith.addf %sub3A_813, %mul3A_814 : vector<16xf32>
    %mul3A_816 = arith.mulf %convert_element_type3A_795, %gather3A_30 : vector<16xf32>
    %add3A_817 = arith.addf %add3A_815, %mul3A_816 : vector<16xf32>
    %mul3A_818 = arith.mulf %convert_element_type3A_798, %gather3A_42 : vector<16xf32>
    %add3A_819 = arith.addf %add3A_817, %mul3A_818 : vector<16xf32>
    %mul3A_820 = arith.mulf %add3A_805, %add3A_805 : vector<16xf32>
    %mul3A_821 = arith.mulf %add3A_812, %add3A_812 : vector<16xf32>
    %add3A_822 = arith.addf %mul3A_820, %mul3A_821 : vector<16xf32>
    %mul3A_823 = arith.mulf %add3A_819, %add3A_819 : vector<16xf32>
    %add3A_824 = arith.addf %add3A_822, %mul3A_823 : vector<16xf32>
    %mul3A_825 = arith.mulf %add3A_824, %add3A_824 : vector<16xf32>
    %mul3A_826 = arith.mulf %mul3A_825, %add3A_824 : vector<16xf32>
    %mul3A_827 = arith.constant 2.000000e+00 : f32
    %mul3A_828 = vector.broadcast %mul3A_827 : f32 to vector<16xf32>
    %mul3A_829 = arith.mulf %gather3A_776, %mul3A_828 : vector<16xf32>
    %add3A_830 = arith.addf %mul3A_829, %gather3A_789 : vector<16xf32>
    %convert_element_type3A_831 = arith.fptosi %add3A_830 : vector<16xf32> to vector<16xi32>
    %gather3A_832 = tpu.vector_load_idx %arg28[%convert_element_type3A_831] : memref<16xf32, #tpu.memory_space<vmem>>[vector<16xi32>], vector<16xf32>,
    %add3A_833 = arith.constant 4 : i32
    %add3A_834 = vector.broadcast %add3A_833 : i32 to vector<16xi32>
    %add3A_835 = arith.addi %convert_element_type3A_831, %add3A_834 : vector<16xi32>
    %gather3A_836 = tpu.vector_load_idx %arg28[%add3A_835] : memref<16xf32, #tpu.memory_space<vmem>>[vector<16xi32>], vector<16xf32>,
    %add3A_837 = arith.constant 8 : i32
    %add3A_838 = vector.broadcast %add3A_837 : i32 to vector<16xi32>
    %add3A_839 = arith.addi %convert_element_type3A_831, %add3A_838 : vector<16xi32>
    %gather3A_840 = tpu.vector_load_idx %arg28[%add3A_839] : memref<16xf32, #tpu.memory_space<vmem>>[vector<16xi32>], vector<16xf32>,
    %div3A_841 = arith.divf %gather3A_832, %mul3A_826 : vector<16xf32>
    %sub3A_842 = arith.constant 1.000000e+00 : f32
    %sub3A_843 = vector.broadcast %sub3A_842 : f32 to vector<16xf32>
    %sub3A_844 = arith.subf %div3A_841, %sub3A_843 : vector<16xf32>
    %mul3A_845 = arith.mulf %div3A_841, %sub3A_844 : vector<16xf32>
    %mul3A_846 = arith.mulf %gather3A_836, %mul3A_845 : vector<16xf32>
    %sub3A_847 = arith.subf %mul3A_846, %gather3A_840 : vector<16xf32>
    %get3A_848 = arith.constant 112 : index
    %get3A_849 = tpu.vector_load %arg12[%get3A_848] {strides = array<i32>} : memref<128xi32, #tpu.memory_space<vmem>>, vector<16xi32>,
    %get3A_850 = arith.constant 112 : index
    %get3A_851 = tpu.vector_load %arg14[%get3A_850] {strides = array<i32>} : memref<128xi32, #tpu.memory_space<vmem>>, vector<16xi32>,
    tpu.vector_store_idx %arg11[%get3A_849], %sub3A_847 {add = true} : memref<100352xf32, #tpu.memory_space<vmem>>[vector<16xi32>], vector<16xf32>,
    tpu.vector_store_idx %arg11[%get3A_851], %sub3A_847 {add = true} : memref<100352xf32, #tpu.memory_space<vmem>>[vector<16xi32>], vector<16xf32>,
    %dma_wait3A_852 = arith.constant 0 : i32
    %dma_wait3A_853 = arith.constant 0 : i32
    %dma_wait3A_854 = tpu.memref_slice %arg2[%dma_wait3A_852, %dma_wait3A_853] : memref<100352x8xf32, #tpu.memory_space<hbm>> -> memref<100352x8xf32, #tpu.memory_space<hbm>>
    tpu.wait_indirect_dma semaphore(%arg33 : memref<!tpu.dma_semaphore, #tpu.memory_space<semaphore_mem>>) src(%dma_wait3A_854 : memref<100352x8xf32, #tpu.memory_space<hbm>>) dst(%arg23 : memref<128x8xf32, #tpu.memory_space<vmem>>)
    %dma_wait3A_855 = arith.constant 0 : i32
    %dma_wait3A_856 = arith.constant 0 : i32
    %dma_wait3A_857 = tpu.memref_slice %arg2[%dma_wait3A_855, %dma_wait3A_856] : memref<100352x8xf32, #tpu.memory_space<hbm>> -> memref<100352x8xf32, #tpu.memory_space<hbm>>
    tpu.wait_indirect_dma semaphore(%arg35 : memref<!tpu.dma_semaphore, #tpu.memory_space<semaphore_mem>>) src(%dma_wait3A_857 : memref<100352x8xf32, #tpu.memory_space<hbm>>) dst(%arg25 : memref<128x8xf32, #tpu.memory_space<vmem>>)
    %add3A_858 = arith.constant 0 : i32
    %add3A_859 = vector.broadcast %add3A_858 : i32 to vector<16xi32>
    %add3A_860 = arith.addi %iota3A, %add3A_859 : vector<16xi32>
    %broadcast_in_dim3A_861 = arith.constant 0 : i32
    %broadcast_in_dim3A_862 = vector.broadcast %broadcast_in_dim3A_861 : i32 to vector<16xi32>
    %gather3A_863 = tpu.vector_load_idx %arg23[%add3A_860, %broadcast_in_dim3A_862] : memref<128x8xf32, #tpu.memory_space<vmem>>[vector<16xi32>, vector<16xi32>], vector<16xf32>,
    %add3A_864 = arith.constant 1 : i32
    %add3A_865 = vector.broadcast %add3A_864 : i32 to vector<16xi32>
    %add3A_866 = arith.addi %broadcast_in_dim3A_862, %add3A_865 : vector<16xi32>
    %gather3A_867 = tpu.vector_load_idx %arg23[%add3A_860, %add3A_866] : memref<128x8xf32, #tpu.memory_space<vmem>>[vector<16xi32>, vector<16xi32>], vector<16xf32>,
    %add3A_868 = arith.constant 2 : i32
    %add3A_869 = vector.broadcast %add3A_868 : i32 to vector<16xi32>
    %add3A_870 = arith.addi %broadcast_in_dim3A_862, %add3A_869 : vector<16xi32>
    %gather3A_871 = tpu.vector_load_idx %arg23[%add3A_860, %add3A_870] : memref<128x8xf32, #tpu.memory_space<vmem>>[vector<16xi32>, vector<16xi32>], vector<16xf32>,
    %add3A_872 = arith.constant 3 : i32
    %add3A_873 = vector.broadcast %add3A_872 : i32 to vector<16xi32>
    %add3A_874 = arith.addi %broadcast_in_dim3A_862, %add3A_873 : vector<16xi32>
    %gather3A_875 = tpu.vector_load_idx %arg23[%add3A_860, %add3A_874] : memref<128x8xf32, #tpu.memory_space<vmem>>[vector<16xi32>, vector<16xi32>], vector<16xf32>,
    %gather3A_876 = tpu.vector_load_idx %arg25[%add3A_860, %broadcast_in_dim3A_862] : memref<128x8xf32, #tpu.memory_space<vmem>>[vector<16xi32>, vector<16xi32>], vector<16xf32>,
    %add3A_877 = arith.constant 1 : i32
    %add3A_878 = vector.broadcast %add3A_877 : i32 to vector<16xi32>
    %add3A_879 = arith.addi %broadcast_in_dim3A_862, %add3A_878 : vector<16xi32>
    %gather3A_880 = tpu.vector_load_idx %arg25[%add3A_860, %add3A_879] : memref<128x8xf32, #tpu.memory_space<vmem>>[vector<16xi32>, vector<16xi32>], vector<16xf32>,
    %add3A_881 = arith.constant 2 : i32
    %add3A_882 = vector.broadcast %add3A_881 : i32 to vector<16xi32>
    %add3A_883 = arith.addi %broadcast_in_dim3A_862, %add3A_882 : vector<16xi32>
    %gather3A_884 = tpu.vector_load_idx %arg25[%add3A_860, %add3A_883] : memref<128x8xf32, #tpu.memory_space<vmem>>[vector<16xi32>, vector<16xi32>], vector<16xf32>,
    %add3A_885 = arith.constant 3 : i32
    %add3A_886 = vector.broadcast %add3A_885 : i32 to vector<16xi32>
    %add3A_887 = arith.addi %broadcast_in_dim3A_862, %add3A_886 : vector<16xi32>
    %gather3A_888 = tpu.vector_load_idx %arg25[%add3A_860, %add3A_887] : memref<128x8xf32, #tpu.memory_space<vmem>>[vector<16xi32>, vector<16xi32>], vector<16xf32>,
    %get3A_889 = arith.constant 0 : index
    %get3A_890 = tpu.vector_load %arg17[%get3A_889] {strides = array<i32>} : memref<128xi32, #tpu.memory_space<vmem>>, vector<16xi32>,
    %convert_element_type3A_891 = arith.sitofp %get3A_890 : vector<16xi32> to vector<16xf32>
    %get3A_892 = arith.constant 0 : index
    %get3A_893 = tpu.vector_load %arg19[%get3A_892] {strides = array<i32>} : memref<128xi32, #tpu.memory_space<vmem>>, vector<16xi32>,
    %convert_element_type3A_894 = arith.sitofp %get3A_893 : vector<16xi32> to vector<16xf32>
    %get3A_895 = arith.constant 0 : index
    %get3A_896 = tpu.vector_load %arg21[%get3A_895] {strides = array<i32>} : memref<128xi32, #tpu.memory_space<vmem>>, vector<16xi32>,
    %convert_element_type3A_897 = arith.sitofp %get3A_896 : vector<16xi32> to vector<16xf32>
    %sub3A_898 = arith.subf %gather3A_876, %gather3A_863 : vector<16xf32>
    %mul3A_899 = arith.mulf %convert_element_type3A_891, %gather3A : vector<16xf32>
    %add3A_900 = arith.addf %sub3A_898, %mul3A_899 : vector<16xf32>
    %mul3A_901 = arith.mulf %convert_element_type3A_894, %gather3A_22 : vector<16xf32>
    %add3A_902 = arith.addf %add3A_900, %mul3A_901 : vector<16xf32>
    %mul3A_903 = arith.mulf %convert_element_type3A_897, %gather3A_34 : vector<16xf32>
    %add3A_904 = arith.addf %add3A_902, %mul3A_903 : vector<16xf32>
    %sub3A_905 = arith.subf %gather3A_880, %gather3A_867 : vector<16xf32>
    %mul3A_906 = arith.mulf %convert_element_type3A_891, %gather3A_14 : vector<16xf32>
    %add3A_907 = arith.addf %sub3A_905, %mul3A_906 : vector<16xf32>
    %mul3A_908 = arith.mulf %convert_element_type3A_894, %gather3A_26 : vector<16xf32>
    %add3A_909 = arith.addf %add3A_907, %mul3A_908 : vector<16xf32>
    %mul3A_910 = arith.mulf %convert_element_type3A_897, %gather3A_38 : vector<16xf32>
    %add3A_911 = arith.addf %add3A_909, %mul3A_910 : vector<16xf32>
    %sub3A_912 = arith.subf %gather3A_884, %gather3A_871 : vector<16xf32>
    %mul3A_913 = arith.mulf %convert_element_type3A_891, %gather3A_18 : vector<16xf32>
    %add3A_914 = arith.addf %sub3A_912, %mul3A_913 : vector<16xf32>
    %mul3A_915 = arith.mulf %convert_element_type3A_894, %gather3A_30 : vector<16xf32>
    %add3A_916 = arith.addf %add3A_914, %mul3A_915 : vector<16xf32>
    %mul3A_917 = arith.mulf %convert_element_type3A_897, %gather3A_42 : vector<16xf32>
    %add3A_918 = arith.addf %add3A_916, %mul3A_917 : vector<16xf32>
    %mul3A_919 = arith.mulf %add3A_904, %add3A_904 : vector<16xf32>
    %mul3A_920 = arith.mulf %add3A_911, %add3A_911 : vector<16xf32>
    %add3A_921 = arith.addf %mul3A_919, %mul3A_920 : vector<16xf32>
    %mul3A_922 = arith.mulf %add3A_918, %add3A_918 : vector<16xf32>
    %add3A_923 = arith.addf %add3A_921, %mul3A_922 : vector<16xf32>
    %mul3A_924 = arith.mulf %add3A_923, %add3A_923 : vector<16xf32>
    %mul3A_925 = arith.mulf %mul3A_924, %add3A_923 : vector<16xf32>
    %mul3A_926 = arith.constant 2.000000e+00 : f32
    %mul3A_927 = vector.broadcast %mul3A_926 : f32 to vector<16xf32>
    %mul3A_928 = arith.mulf %gather3A_875, %mul3A_927 : vector<16xf32>
    %add3A_929 = arith.addf %mul3A_928, %gather3A_888 : vector<16xf32>
    %convert_element_type3A_930 = arith.fptosi %add3A_929 : vector<16xf32> to vector<16xi32>
    %gather3A_931 = tpu.vector_load_idx %arg28[%convert_element_type3A_930] : memref<16xf32, #tpu.memory_space<vmem>>[vector<16xi32>], vector<16xf32>,
    %add3A_932 = arith.constant 4 : i32
    %add3A_933 = vector.broadcast %add3A_932 : i32 to vector<16xi32>
    %add3A_934 = arith.addi %convert_element_type3A_930, %add3A_933 : vector<16xi32>
    %gather3A_935 = tpu.vector_load_idx %arg28[%add3A_934] : memref<16xf32, #tpu.memory_space<vmem>>[vector<16xi32>], vector<16xf32>,
    %add3A_936 = arith.constant 8 : i32
    %add3A_937 = vector.broadcast %add3A_936 : i32 to vector<16xi32>
    %add3A_938 = arith.addi %convert_element_type3A_930, %add3A_937 : vector<16xi32>
    %gather3A_939 = tpu.vector_load_idx %arg28[%add3A_938] : memref<16xf32, #tpu.memory_space<vmem>>[vector<16xi32>], vector<16xf32>,
    %div3A_940 = arith.divf %gather3A_931, %mul3A_925 : vector<16xf32>
    %sub3A_941 = arith.constant 1.000000e+00 : f32
    %sub3A_942 = vector.broadcast %sub3A_941 : f32 to vector<16xf32>
    %sub3A_943 = arith.subf %div3A_940, %sub3A_942 : vector<16xf32>
    %mul3A_944 = arith.mulf %div3A_940, %sub3A_943 : vector<16xf32>
    %mul3A_945 = arith.mulf %gather3A_935, %mul3A_944 : vector<16xf32>
    %sub3A_946 = arith.subf %mul3A_945, %gather3A_939 : vector<16xf32>
    %get3A_947 = arith.constant 0 : index
    %get3A_948 = tpu.vector_load %arg13[%get3A_947] {strides = array<i32>} : memref<128xi32, #tpu.memory_space<vmem>>, vector<16xi32>,
    %get3A_949 = arith.constant 0 : index
    %get3A_950 = tpu.vector_load %arg15[%get3A_949] {strides = array<i32>} : memref<128xi32, #tpu.memory_space<vmem>>, vector<16xi32>,
    tpu.vector_store_idx %arg11[%get3A_948], %sub3A_946 {add = true} : memref<100352xf32, #tpu.memory_space<vmem>>[vector<16xi32>], vector<16xf32>,
    tpu.vector_store_idx %arg11[%get3A_950], %sub3A_946 {add = true} : memref<100352xf32, #tpu.memory_space<vmem>>[vector<16xi32>], vector<16xf32>,
    %add3A_951 = arith.constant 16 : i32
    %add3A_952 = vector.broadcast %add3A_951 : i32 to vector<16xi32>
    %add3A_953 = arith.addi %iota3A, %add3A_952 : vector<16xi32>
    %broadcast_in_dim3A_954 = arith.constant 0 : i32
    %broadcast_in_dim3A_955 = vector.broadcast %broadcast_in_dim3A_954 : i32 to vector<16xi32>
    %gather3A_956 = tpu.vector_load_idx %arg23[%add3A_953, %broadcast_in_dim3A_955] : memref<128x8xf32, #tpu.memory_space<vmem>>[vector<16xi32>, vector<16xi32>], vector<16xf32>,
    %add3A_957 = arith.constant 1 : i32
    %add3A_958 = vector.broadcast %add3A_957 : i32 to vector<16xi32>
    %add3A_959 = arith.addi %broadcast_in_dim3A_955, %add3A_958 : vector<16xi32>
    %gather3A_960 = tpu.vector_load_idx %arg23[%add3A_953, %add3A_959] : memref<128x8xf32, #tpu.memory_space<vmem>>[vector<16xi32>, vector<16xi32>], vector<16xf32>,
    %add3A_961 = arith.constant 2 : i32
    %add3A_962 = vector.broadcast %add3A_961 : i32 to vector<16xi32>
    %add3A_963 = arith.addi %broadcast_in_dim3A_955, %add3A_962 : vector<16xi32>
    %gather3A_964 = tpu.vector_load_idx %arg23[%add3A_953, %add3A_963] : memref<128x8xf32, #tpu.memory_space<vmem>>[vector<16xi32>, vector<16xi32>], vector<16xf32>,
    %add3A_965 = arith.constant 3 : i32
    %add3A_966 = vector.broadcast %add3A_965 : i32 to vector<16xi32>
    %add3A_967 = arith.addi %broadcast_in_dim3A_955, %add3A_966 : vector<16xi32>
    %gather3A_968 = tpu.vector_load_idx %arg23[%add3A_953, %add3A_967] : memref<128x8xf32, #tpu.memory_space<vmem>>[vector<16xi32>, vector<16xi32>], vector<16xf32>,
    %gather3A_969 = tpu.vector_load_idx %arg25[%add3A_953, %broadcast_in_dim3A_955] : memref<128x8xf32, #tpu.memory_space<vmem>>[vector<16xi32>, vector<16xi32>], vector<16xf32>,
    %add3A_970 = arith.constant 1 : i32
    %add3A_971 = vector.broadcast %add3A_970 : i32 to vector<16xi32>
    %add3A_972 = arith.addi %broadcast_in_dim3A_955, %add3A_971 : vector<16xi32>
    %gather3A_973 = tpu.vector_load_idx %arg25[%add3A_953, %add3A_972] : memref<128x8xf32, #tpu.memory_space<vmem>>[vector<16xi32>, vector<16xi32>], vector<16xf32>,
    %add3A_974 = arith.constant 2 : i32
    %add3A_975 = vector.broadcast %add3A_974 : i32 to vector<16xi32>
    %add3A_976 = arith.addi %broadcast_in_dim3A_955, %add3A_975 : vector<16xi32>
    %gather3A_977 = tpu.vector_load_idx %arg25[%add3A_953, %add3A_976] : memref<128x8xf32, #tpu.memory_space<vmem>>[vector<16xi32>, vector<16xi32>], vector<16xf32>,
    %add3A_978 = arith.constant 3 : i32
    %add3A_979 = vector.broadcast %add3A_978 : i32 to vector<16xi32>
    %add3A_980 = arith.addi %broadcast_in_dim3A_955, %add3A_979 : vector<16xi32>
    %gather3A_981 = tpu.vector_load_idx %arg25[%add3A_953, %add3A_980] : memref<128x8xf32, #tpu.memory_space<vmem>>[vector<16xi32>, vector<16xi32>], vector<16xf32>,
    %get3A_982 = arith.constant 16 : index
    %get3A_983 = tpu.vector_load %arg17[%get3A_982] {strides = array<i32>} : memref<128xi32, #tpu.memory_space<vmem>>, vector<16xi32>,
    %convert_element_type3A_984 = arith.sitofp %get3A_983 : vector<16xi32> to vector<16xf32>
    %get3A_985 = arith.constant 16 : index
    %get3A_986 = tpu.vector_load %arg19[%get3A_985] {strides = array<i32>} : memref<128xi32, #tpu.memory_space<vmem>>, vector<16xi32>,
    %convert_element_type3A_987 = arith.sitofp %get3A_986 : vector<16xi32> to vector<16xf32>
    %get3A_988 = arith.constant 16 : index
    %get3A_989 = tpu.vector_load %arg21[%get3A_988] {strides = array<i32>} : memref<128xi32, #tpu.memory_space<vmem>>, vector<16xi32>,
    %convert_element_type3A_990 = arith.sitofp %get3A_989 : vector<16xi32> to vector<16xf32>
    %sub3A_991 = arith.subf %gather3A_969, %gather3A_956 : vector<16xf32>
    %mul3A_992 = arith.mulf %convert_element_type3A_984, %gather3A : vector<16xf32>
    %add3A_993 = arith.addf %sub3A_991, %mul3A_992 : vector<16xf32>
    %mul3A_994 = arith.mulf %convert_element_type3A_987, %gather3A_22 : vector<16xf32>
    %add3A_995 = arith.addf %add3A_993, %mul3A_994 : vector<16xf32>
    %mul3A_996 = arith.mulf %convert_element_type3A_990, %gather3A_34 : vector<16xf32>
    %add3A_997 = arith.addf %add3A_995, %mul3A_996 : vector<16xf32>
    %sub3A_998 = arith.subf %gather3A_973, %gather3A_960 : vector<16xf32>
    %mul3A_999 = arith.mulf %convert_element_type3A_984, %gather3A_14 : vector<16xf32>
    %add3A_1000 = arith.addf %sub3A_998, %mul3A_999 : vector<16xf32>
    %mul3A_1001 = arith.mulf %convert_element_type3A_987, %gather3A_26 : vector<16xf32>
    %add3A_1002 = arith.addf %add3A_1000, %mul3A_1001 : vector<16xf32>
    %mul3A_1003 = arith.mulf %convert_element_type3A_990, %gather3A_38 : vector<16xf32>
    %add3A_1004 = arith.addf %add3A_1002, %mul3A_1003 : vector<16xf32>
    %sub3A_1005 = arith.subf %gather3A_977, %gather3A_964 : vector<16xf32>
    %mul3A_1006 = arith.mulf %convert_element_type3A_984, %gather3A_18 : vector<16xf32>
    %add3A_1007 = arith.addf %sub3A_1005, %mul3A_1006 : vector<16xf32>
    %mul3A_1008 = arith.mulf %convert_element_type3A_987, %gather3A_30 : vector<16xf32>
    %add3A_1009 = arith.addf %add3A_1007, %mul3A_1008 : vector<16xf32>
    %mul3A_1010 = arith.mulf %convert_element_type3A_990, %gather3A_42 : vector<16xf32>
    %add3A_1011 = arith.addf %add3A_1009, %mul3A_1010 : vector<16xf32>
    %mul3A_1012 = arith.mulf %add3A_997, %add3A_997 : vector<16xf32>
    %mul3A_1013 = arith.mulf %add3A_1004, %add3A_1004 : vector<16xf32>
    %add3A_1014 = arith.addf %mul3A_1012, %mul3A_1013 : vector<16xf32>
    %mul3A_1015 = arith.mulf %add3A_1011, %add3A_1011 : vector<16xf32>
    %add3A_1016 = arith.addf %add3A_1014, %mul3A_1015 : vector<16xf32>
    %mul3A_1017 = arith.mulf %add3A_1016, %add3A_1016 : vector<16xf32>
    %mul3A_1018 = arith.mulf %mul3A_1017, %add3A_1016 : vector<16xf32>
    %mul3A_1019 = arith.constant 2.000000e+00 : f32
    %mul3A_1020 = vector.broadcast %mul3A_1019 : f32 to vector<16xf32>
    %mul3A_1021 = arith.mulf %gather3A_968, %mul3A_1020 : vector<16xf32>
    %add3A_1022 = arith.addf %mul3A_1021, %gather3A_981 : vector<16xf32>
    %convert_element_type3A_1023 = arith.fptosi %add3A_1022 : vector<16xf32> to vector<16xi32>
    %gather3A_1024 = tpu.vector_load_idx %arg28[%convert_element_type3A_1023] : memref<16xf32, #tpu.memory_space<vmem>>[vector<16xi32>], vector<16xf32>,
    %add3A_1025 = arith.constant 4 : i32
    %add3A_1026 = vector.broadcast %add3A_1025 : i32 to vector<16xi32>
    %add3A_1027 = arith.addi %convert_element_type3A_1023, %add3A_1026 : vector<16xi32>
    %gather3A_1028 = tpu.vector_load_idx %arg28[%add3A_1027] : memref<16xf32, #tpu.memory_space<vmem>>[vector<16xi32>], vector<16xf32>,
    %add3A_1029 = arith.constant 8 : i32
    %add3A_1030 = vector.broadcast %add3A_1029 : i32 to vector<16xi32>
    %add3A_1031 = arith.addi %convert_element_type3A_1023, %add3A_1030 : vector<16xi32>
    %gather3A_1032 = tpu.vector_load_idx %arg28[%add3A_1031] : memref<16xf32, #tpu.memory_space<vmem>>[vector<16xi32>], vector<16xf32>,
    %div3A_1033 = arith.divf %gather3A_1024, %mul3A_1018 : vector<16xf32>
    %sub3A_1034 = arith.constant 1.000000e+00 : f32
    %sub3A_1035 = vector.broadcast %sub3A_1034 : f32 to vector<16xf32>
    %sub3A_1036 = arith.subf %div3A_1033, %sub3A_1035 : vector<16xf32>
    %mul3A_1037 = arith.mulf %div3A_1033, %sub3A_1036 : vector<16xf32>
    %mul3A_1038 = arith.mulf %gather3A_1028, %mul3A_1037 : vector<16xf32>
    %sub3A_1039 = arith.subf %mul3A_1038, %gather3A_1032 : vector<16xf32>
    %get3A_1040 = arith.constant 16 : index
    %get3A_1041 = tpu.vector_load %arg13[%get3A_1040] {strides = array<i32>} : memref<128xi32, #tpu.memory_space<vmem>>, vector<16xi32>,
    %get3A_1042 = arith.constant 16 : index
    %get3A_1043 = tpu.vector_load %arg15[%get3A_1042] {strides = array<i32>} : memref<128xi32, #tpu.memory_space<vmem>>, vector<16xi32>,
    tpu.vector_store_idx %arg11[%get3A_1041], %sub3A_1039 {add = true} : memref<100352xf32, #tpu.memory_space<vmem>>[vector<16xi32>], vector<16xf32>,
    tpu.vector_store_idx %arg11[%get3A_1043], %sub3A_1039 {add = true} : memref<100352xf32, #tpu.memory_space<vmem>>[vector<16xi32>], vector<16xf32>,
    %add3A_1044 = arith.constant 32 : i32
    %add3A_1045 = vector.broadcast %add3A_1044 : i32 to vector<16xi32>
    %add3A_1046 = arith.addi %iota3A, %add3A_1045 : vector<16xi32>
    %broadcast_in_dim3A_1047 = arith.constant 0 : i32
    %broadcast_in_dim3A_1048 = vector.broadcast %broadcast_in_dim3A_1047 : i32 to vector<16xi32>
    %gather3A_1049 = tpu.vector_load_idx %arg23[%add3A_1046, %broadcast_in_dim3A_1048] : memref<128x8xf32, #tpu.memory_space<vmem>>[vector<16xi32>, vector<16xi32>], vector<16xf32>,
    %add3A_1050 = arith.constant 1 : i32
    %add3A_1051 = vector.broadcast %add3A_1050 : i32 to vector<16xi32>
    %add3A_1052 = arith.addi %broadcast_in_dim3A_1048, %add3A_1051 : vector<16xi32>
    %gather3A_1053 = tpu.vector_load_idx %arg23[%add3A_1046, %add3A_1052] : memref<128x8xf32, #tpu.memory_space<vmem>>[vector<16xi32>, vector<16xi32>], vector<16xf32>,
    %add3A_1054 = arith.constant 2 : i32
    %add3A_1055 = vector.broadcast %add3A_1054 : i32 to vector<16xi32>
    %add3A_1056 = arith.addi %broadcast_in_dim3A_1048, %add3A_1055 : vector<16xi32>
    %gather3A_1057 = tpu.vector_load_idx %arg23[%add3A_1046, %add3A_1056] : memref<128x8xf32, #tpu.memory_space<vmem>>[vector<16xi32>, vector<16xi32>], vector<16xf32>,
    %add3A_1058 = arith.constant 3 : i32
    %add3A_1059 = vector.broadcast %add3A_1058 : i32 to vector<16xi32>
    %add3A_1060 = arith.addi %broadcast_in_dim3A_1048, %add3A_1059 : vector<16xi32>
    %gather3A_1061 = tpu.vector_load_idx %arg23[%add3A_1046, %add3A_1060] : memref<128x8xf32, #tpu.memory_space<vmem>>[vector<16xi32>, vector<16xi32>], vector<16xf32>,
    %gather3A_1062 = tpu.vector_load_idx %arg25[%add3A_1046, %broadcast_in_dim3A_1048] : memref<128x8xf32, #tpu.memory_space<vmem>>[vector<16xi32>, vector<16xi32>], vector<16xf32>,
    %add3A_1063 = arith.constant 1 : i32
    %add3A_1064 = vector.broadcast %add3A_1063 : i32 to vector<16xi32>
    %add3A_1065 = arith.addi %broadcast_in_dim3A_1048, %add3A_1064 : vector<16xi32>
    %gather3A_1066 = tpu.vector_load_idx %arg25[%add3A_1046, %add3A_1065] : memref<128x8xf32, #tpu.memory_space<vmem>>[vector<16xi32>, vector<16xi32>], vector<16xf32>,
    %add3A_1067 = arith.constant 2 : i32
    %add3A_1068 = vector.broadcast %add3A_1067 : i32 to vector<16xi32>
    %add3A_1069 = arith.addi %broadcast_in_dim3A_1048, %add3A_1068 : vector<16xi32>
    %gather3A_1070 = tpu.vector_load_idx %arg25[%add3A_1046, %add3A_1069] : memref<128x8xf32, #tpu.memory_space<vmem>>[vector<16xi32>, vector<16xi32>], vector<16xf32>,
    %add3A_1071 = arith.constant 3 : i32
    %add3A_1072 = vector.broadcast %add3A_1071 : i32 to vector<16xi32>
    %add3A_1073 = arith.addi %broadcast_in_dim3A_1048, %add3A_1072 : vector<16xi32>
    %gather3A_1074 = tpu.vector_load_idx %arg25[%add3A_1046, %add3A_1073] : memref<128x8xf32, #tpu.memory_space<vmem>>[vector<16xi32>, vector<16xi32>], vector<16xf32>,
    %get3A_1075 = arith.constant 32 : index
    %get3A_1076 = tpu.vector_load %arg17[%get3A_1075] {strides = array<i32>} : memref<128xi32, #tpu.memory_space<vmem>>, vector<16xi32>,
    %convert_element_type3A_1077 = arith.sitofp %get3A_1076 : vector<16xi32> to vector<16xf32>
    %get3A_1078 = arith.constant 32 : index
    %get3A_1079 = tpu.vector_load %arg19[%get3A_1078] {strides = array<i32>} : memref<128xi32, #tpu.memory_space<vmem>>, vector<16xi32>,
    %convert_element_type3A_1080 = arith.sitofp %get3A_1079 : vector<16xi32> to vector<16xf32>
    %get3A_1081 = arith.constant 32 : index
    %get3A_1082 = tpu.vector_load %arg21[%get3A_1081] {strides = array<i32>} : memref<128xi32, #tpu.memory_space<vmem>>, vector<16xi32>,
    %convert_element_type3A_1083 = arith.sitofp %get3A_1082 : vector<16xi32> to vector<16xf32>
    %sub3A_1084 = arith.subf %gather3A_1062, %gather3A_1049 : vector<16xf32>
    %mul3A_1085 = arith.mulf %convert_element_type3A_1077, %gather3A : vector<16xf32>
    %add3A_1086 = arith.addf %sub3A_1084, %mul3A_1085 : vector<16xf32>
    %mul3A_1087 = arith.mulf %convert_element_type3A_1080, %gather3A_22 : vector<16xf32>
    %add3A_1088 = arith.addf %add3A_1086, %mul3A_1087 : vector<16xf32>
    %mul3A_1089 = arith.mulf %convert_element_type3A_1083, %gather3A_34 : vector<16xf32>
    %add3A_1090 = arith.addf %add3A_1088, %mul3A_1089 : vector<16xf32>
    %sub3A_1091 = arith.subf %gather3A_1066, %gather3A_1053 : vector<16xf32>
    %mul3A_1092 = arith.mulf %convert_element_type3A_1077, %gather3A_14 : vector<16xf32>
    %add3A_1093 = arith.addf %sub3A_1091, %mul3A_1092 : vector<16xf32>
    %mul3A_1094 = arith.mulf %convert_element_type3A_1080, %gather3A_26 : vector<16xf32>
    %add3A_1095 = arith.addf %add3A_1093, %mul3A_1094 : vector<16xf32>
    %mul3A_1096 = arith.mulf %convert_element_type3A_1083, %gather3A_38 : vector<16xf32>
    %add3A_1097 = arith.addf %add3A_1095, %mul3A_1096 : vector<16xf32>
    %sub3A_1098 = arith.subf %gather3A_1070, %gather3A_1057 : vector<16xf32>
    %mul3A_1099 = arith.mulf %convert_element_type3A_1077, %gather3A_18 : vector<16xf32>
    %add3A_1100 = arith.addf %sub3A_1098, %mul3A_1099 : vector<16xf32>
    %mul3A_1101 = arith.mulf %convert_element_type3A_1080, %gather3A_30 : vector<16xf32>
    %add3A_1102 = arith.addf %add3A_1100, %mul3A_1101 : vector<16xf32>
    %mul3A_1103 = arith.mulf %convert_element_type3A_1083, %gather3A_42 : vector<16xf32>
    %add3A_1104 = arith.addf %add3A_1102, %mul3A_1103 : vector<16xf32>
    %mul3A_1105 = arith.mulf %add3A_1090, %add3A_1090 : vector<16xf32>
    %mul3A_1106 = arith.mulf %add3A_1097, %add3A_1097 : vector<16xf32>
    %add3A_1107 = arith.addf %mul3A_1105, %mul3A_1106 : vector<16xf32>
    %mul3A_1108 = arith.mulf %add3A_1104, %add3A_1104 : vector<16xf32>
    %add3A_1109 = arith.addf %add3A_1107, %mul3A_1108 : vector<16xf32>
    %mul3A_1110 = arith.mulf %add3A_1109, %add3A_1109 : vector<16xf32>
    %mul3A_1111 = arith.mulf %mul3A_1110, %add3A_1109 : vector<16xf32>
    %mul3A_1112 = arith.constant 2.000000e+00 : f32
    %mul3A_1113 = vector.broadcast %mul3A_1112 : f32 to vector<16xf32>
    %mul3A_1114 = arith.mulf %gather3A_1061, %mul3A_1113 : vector<16xf32>
    %add3A_1115 = arith.addf %mul3A_1114, %gather3A_1074 : vector<16xf32>
    %convert_element_type3A_1116 = arith.fptosi %add3A_1115 : vector<16xf32> to vector<16xi32>
    %gather3A_1117 = tpu.vector_load_idx %arg28[%convert_element_type3A_1116] : memref<16xf32, #tpu.memory_space<vmem>>[vector<16xi32>], vector<16xf32>,
    %add3A_1118 = arith.constant 4 : i32
    %add3A_1119 = vector.broadcast %add3A_1118 : i32 to vector<16xi32>
    %add3A_1120 = arith.addi %convert_element_type3A_1116, %add3A_1119 : vector<16xi32>
    %gather3A_1121 = tpu.vector_load_idx %arg28[%add3A_1120] : memref<16xf32, #tpu.memory_space<vmem>>[vector<16xi32>], vector<16xf32>,
    %add3A_1122 = arith.constant 8 : i32
    %add3A_1123 = vector.broadcast %add3A_1122 : i32 to vector<16xi32>
    %add3A_1124 = arith.addi %convert_element_type3A_1116, %add3A_1123 : vector<16xi32>
    %gather3A_1125 = tpu.vector_load_idx %arg28[%add3A_1124] : memref<16xf32, #tpu.memory_space<vmem>>[vector<16xi32>], vector<16xf32>,
    %div3A_1126 = arith.divf %gather3A_1117, %mul3A_1111 : vector<16xf32>
    %sub3A_1127 = arith.constant 1.000000e+00 : f32
    %sub3A_1128 = vector.broadcast %sub3A_1127 : f32 to vector<16xf32>
    %sub3A_1129 = arith.subf %div3A_1126, %sub3A_1128 : vector<16xf32>
    %mul3A_1130 = arith.mulf %div3A_1126, %sub3A_1129 : vector<16xf32>
    %mul3A_1131 = arith.mulf %gather3A_1121, %mul3A_1130 : vector<16xf32>
    %sub3A_1132 = arith.subf %mul3A_1131, %gather3A_1125 : vector<16xf32>
    %get3A_1133 = arith.constant 32 : index
    %get3A_1134 = tpu.vector_load %arg13[%get3A_1133] {strides = array<i32>} : memref<128xi32, #tpu.memory_space<vmem>>, vector<16xi32>,
    %get3A_1135 = arith.constant 32 : index
    %get3A_1136 = tpu.vector_load %arg15[%get3A_1135] {strides = array<i32>} : memref<128xi32, #tpu.memory_space<vmem>>, vector<16xi32>,
    tpu.vector_store_idx %arg11[%get3A_1134], %sub3A_1132 {add = true} : memref<100352xf32, #tpu.memory_space<vmem>>[vector<16xi32>], vector<16xf32>,
    tpu.vector_store_idx %arg11[%get3A_1136], %sub3A_1132 {add = true} : memref<100352xf32, #tpu.memory_space<vmem>>[vector<16xi32>], vector<16xf32>,
    %add3A_1137 = arith.constant 48 : i32
    %add3A_1138 = vector.broadcast %add3A_1137 : i32 to vector<16xi32>
    %add3A_1139 = arith.addi %iota3A, %add3A_1138 : vector<16xi32>
    %broadcast_in_dim3A_1140 = arith.constant 0 : i32
    %broadcast_in_dim3A_1141 = vector.broadcast %broadcast_in_dim3A_1140 : i32 to vector<16xi32>
    %gather3A_1142 = tpu.vector_load_idx %arg23[%add3A_1139, %broadcast_in_dim3A_1141] : memref<128x8xf32, #tpu.memory_space<vmem>>[vector<16xi32>, vector<16xi32>], vector<16xf32>,
    %add3A_1143 = arith.constant 1 : i32
    %add3A_1144 = vector.broadcast %add3A_1143 : i32 to vector<16xi32>
    %add3A_1145 = arith.addi %broadcast_in_dim3A_1141, %add3A_1144 : vector<16xi32>
    %gather3A_1146 = tpu.vector_load_idx %arg23[%add3A_1139, %add3A_1145] : memref<128x8xf32, #tpu.memory_space<vmem>>[vector<16xi32>, vector<16xi32>], vector<16xf32>,
    %add3A_1147 = arith.constant 2 : i32
    %add3A_1148 = vector.broadcast %add3A_1147 : i32 to vector<16xi32>
    %add3A_1149 = arith.addi %broadcast_in_dim3A_1141, %add3A_1148 : vector<16xi32>
    %gather3A_1150 = tpu.vector_load_idx %arg23[%add3A_1139, %add3A_1149] : memref<128x8xf32, #tpu.memory_space<vmem>>[vector<16xi32>, vector<16xi32>], vector<16xf32>,
    %add3A_1151 = arith.constant 3 : i32
    %add3A_1152 = vector.broadcast %add3A_1151 : i32 to vector<16xi32>
    %add3A_1153 = arith.addi %broadcast_in_dim3A_1141, %add3A_1152 : vector<16xi32>
    %gather3A_1154 = tpu.vector_load_idx %arg23[%add3A_1139, %add3A_1153] : memref<128x8xf32, #tpu.memory_space<vmem>>[vector<16xi32>, vector<16xi32>], vector<16xf32>,
    %gather3A_1155 = tpu.vector_load_idx %arg25[%add3A_1139, %broadcast_in_dim3A_1141] : memref<128x8xf32, #tpu.memory_space<vmem>>[vector<16xi32>, vector<16xi32>], vector<16xf32>,
    %add3A_1156 = arith.constant 1 : i32
    %add3A_1157 = vector.broadcast %add3A_1156 : i32 to vector<16xi32>
    %add3A_1158 = arith.addi %broadcast_in_dim3A_1141, %add3A_1157 : vector<16xi32>
    %gather3A_1159 = tpu.vector_load_idx %arg25[%add3A_1139, %add3A_1158] : memref<128x8xf32, #tpu.memory_space<vmem>>[vector<16xi32>, vector<16xi32>], vector<16xf32>,
    %add3A_1160 = arith.constant 2 : i32
    %add3A_1161 = vector.broadcast %add3A_1160 : i32 to vector<16xi32>
    %add3A_1162 = arith.addi %broadcast_in_dim3A_1141, %add3A_1161 : vector<16xi32>
    %gather3A_1163 = tpu.vector_load_idx %arg25[%add3A_1139, %add3A_1162] : memref<128x8xf32, #tpu.memory_space<vmem>>[vector<16xi32>, vector<16xi32>], vector<16xf32>,
    %add3A_1164 = arith.constant 3 : i32
    %add3A_1165 = vector.broadcast %add3A_1164 : i32 to vector<16xi32>
    %add3A_1166 = arith.addi %broadcast_in_dim3A_1141, %add3A_1165 : vector<16xi32>
    %gather3A_1167 = tpu.vector_load_idx %arg25[%add3A_1139, %add3A_1166] : memref<128x8xf32, #tpu.memory_space<vmem>>[vector<16xi32>, vector<16xi32>], vector<16xf32>,
    %get3A_1168 = arith.constant 48 : index
    %get3A_1169 = tpu.vector_load %arg17[%get3A_1168] {strides = array<i32>} : memref<128xi32, #tpu.memory_space<vmem>>, vector<16xi32>,
    %convert_element_type3A_1170 = arith.sitofp %get3A_1169 : vector<16xi32> to vector<16xf32>
    %get3A_1171 = arith.constant 48 : index
    %get3A_1172 = tpu.vector_load %arg19[%get3A_1171] {strides = array<i32>} : memref<128xi32, #tpu.memory_space<vmem>>, vector<16xi32>,
    %convert_element_type3A_1173 = arith.sitofp %get3A_1172 : vector<16xi32> to vector<16xf32>
    %get3A_1174 = arith.constant 48 : index
    %get3A_1175 = tpu.vector_load %arg21[%get3A_1174] {strides = array<i32>} : memref<128xi32, #tpu.memory_space<vmem>>, vector<16xi32>,
    %convert_element_type3A_1176 = arith.sitofp %get3A_1175 : vector<16xi32> to vector<16xf32>
    %sub3A_1177 = arith.subf %gather3A_1155, %gather3A_1142 : vector<16xf32>
    %mul3A_1178 = arith.mulf %convert_element_type3A_1170, %gather3A : vector<16xf32>
    %add3A_1179 = arith.addf %sub3A_1177, %mul3A_1178 : vector<16xf32>
    %mul3A_1180 = arith.mulf %convert_element_type3A_1173, %gather3A_22 : vector<16xf32>
    %add3A_1181 = arith.addf %add3A_1179, %mul3A_1180 : vector<16xf32>
    %mul3A_1182 = arith.mulf %convert_element_type3A_1176, %gather3A_34 : vector<16xf32>
    %add3A_1183 = arith.addf %add3A_1181, %mul3A_1182 : vector<16xf32>
    %sub3A_1184 = arith.subf %gather3A_1159, %gather3A_1146 : vector<16xf32>
    %mul3A_1185 = arith.mulf %convert_element_type3A_1170, %gather3A_14 : vector<16xf32>
    %add3A_1186 = arith.addf %sub3A_1184, %mul3A_1185 : vector<16xf32>
    %mul3A_1187 = arith.mulf %convert_element_type3A_1173, %gather3A_26 : vector<16xf32>
    %add3A_1188 = arith.addf %add3A_1186, %mul3A_1187 : vector<16xf32>
    %mul3A_1189 = arith.mulf %convert_element_type3A_1176, %gather3A_38 : vector<16xf32>
    %add3A_1190 = arith.addf %add3A_1188, %mul3A_1189 : vector<16xf32>
    %sub3A_1191 = arith.subf %gather3A_1163, %gather3A_1150 : vector<16xf32>
    %mul3A_1192 = arith.mulf %convert_element_type3A_1170, %gather3A_18 : vector<16xf32>
    %add3A_1193 = arith.addf %sub3A_1191, %mul3A_1192 : vector<16xf32>
    %mul3A_1194 = arith.mulf %convert_element_type3A_1173, %gather3A_30 : vector<16xf32>
    %add3A_1195 = arith.addf %add3A_1193, %mul3A_1194 : vector<16xf32>
    %mul3A_1196 = arith.mulf %convert_element_type3A_1176, %gather3A_42 : vector<16xf32>
    %add3A_1197 = arith.addf %add3A_1195, %mul3A_1196 : vector<16xf32>
    %mul3A_1198 = arith.mulf %add3A_1183, %add3A_1183 : vector<16xf32>
    %mul3A_1199 = arith.mulf %add3A_1190, %add3A_1190 : vector<16xf32>
    %add3A_1200 = arith.addf %mul3A_1198, %mul3A_1199 : vector<16xf32>
    %mul3A_1201 = arith.mulf %add3A_1197, %add3A_1197 : vector<16xf32>
    %add3A_1202 = arith.addf %add3A_1200, %mul3A_1201 : vector<16xf32>
    %mul3A_1203 = arith.mulf %add3A_1202, %add3A_1202 : vector<16xf32>
    %mul3A_1204 = arith.mulf %mul3A_1203, %add3A_1202 : vector<16xf32>
    %mul3A_1205 = arith.constant 2.000000e+00 : f32
    %mul3A_1206 = vector.broadcast %mul3A_1205 : f32 to vector<16xf32>
    %mul3A_1207 = arith.mulf %gather3A_1154, %mul3A_1206 : vector<16xf32>
    %add3A_1208 = arith.addf %mul3A_1207, %gather3A_1167 : vector<16xf32>
    %convert_element_type3A_1209 = arith.fptosi %add3A_1208 : vector<16xf32> to vector<16xi32>
    %gather3A_1210 = tpu.vector_load_idx %arg28[%convert_element_type3A_1209] : memref<16xf32, #tpu.memory_space<vmem>>[vector<16xi32>], vector<16xf32>,
    %add3A_1211 = arith.constant 4 : i32
    %add3A_1212 = vector.broadcast %add3A_1211 : i32 to vector<16xi32>
    %add3A_1213 = arith.addi %convert_element_type3A_1209, %add3A_1212 : vector<16xi32>
    %gather3A_1214 = tpu.vector_load_idx %arg28[%add3A_1213] : memref<16xf32, #tpu.memory_space<vmem>>[vector<16xi32>], vector<16xf32>,
    %add3A_1215 = arith.constant 8 : i32
    %add3A_1216 = vector.broadcast %add3A_1215 : i32 to vector<16xi32>
    %add3A_1217 = arith.addi %convert_element_type3A_1209, %add3A_1216 : vector<16xi32>
    %gather3A_1218 = tpu.vector_load_idx %arg28[%add3A_1217] : memref<16xf32, #tpu.memory_space<vmem>>[vector<16xi32>], vector<16xf32>,
    %div3A_1219 = arith.divf %gather3A_1210, %mul3A_1204 : vector<16xf32>
    %sub3A_1220 = arith.constant 1.000000e+00 : f32
    %sub3A_1221 = vector.broadcast %sub3A_1220 : f32 to vector<16xf32>
    %sub3A_1222 = arith.subf %div3A_1219, %sub3A_1221 : vector<16xf32>
    %mul3A_1223 = arith.mulf %div3A_1219, %sub3A_1222 : vector<16xf32>
    %mul3A_1224 = arith.mulf %gather3A_1214, %mul3A_1223 : vector<16xf32>
    %sub3A_1225 = arith.subf %mul3A_1224, %gather3A_1218 : vector<16xf32>
    %get3A_1226 = arith.constant 48 : index
    %get3A_1227 = tpu.vector_load %arg13[%get3A_1226] {strides = array<i32>} : memref<128xi32, #tpu.memory_space<vmem>>, vector<16xi32>,
    %get3A_1228 = arith.constant 48 : index
    %get3A_1229 = tpu.vector_load %arg15[%get3A_1228] {strides = array<i32>} : memref<128xi32, #tpu.memory_space<vmem>>, vector<16xi32>,
    tpu.vector_store_idx %arg11[%get3A_1227], %sub3A_1225 {add = true} : memref<100352xf32, #tpu.memory_space<vmem>>[vector<16xi32>], vector<16xf32>,
    tpu.vector_store_idx %arg11[%get3A_1229], %sub3A_1225 {add = true} : memref<100352xf32, #tpu.memory_space<vmem>>[vector<16xi32>], vector<16xf32>,
    %add3A_1230 = arith.constant 64 : i32
    %add3A_1231 = vector.broadcast %add3A_1230 : i32 to vector<16xi32>
    %add3A_1232 = arith.addi %iota3A, %add3A_1231 : vector<16xi32>
    %broadcast_in_dim3A_1233 = arith.constant 0 : i32
    %broadcast_in_dim3A_1234 = vector.broadcast %broadcast_in_dim3A_1233 : i32 to vector<16xi32>
    %gather3A_1235 = tpu.vector_load_idx %arg23[%add3A_1232, %broadcast_in_dim3A_1234] : memref<128x8xf32, #tpu.memory_space<vmem>>[vector<16xi32>, vector<16xi32>], vector<16xf32>,
    %add3A_1236 = arith.constant 1 : i32
    %add3A_1237 = vector.broadcast %add3A_1236 : i32 to vector<16xi32>
    %add3A_1238 = arith.addi %broadcast_in_dim3A_1234, %add3A_1237 : vector<16xi32>
    %gather3A_1239 = tpu.vector_load_idx %arg23[%add3A_1232, %add3A_1238] : memref<128x8xf32, #tpu.memory_space<vmem>>[vector<16xi32>, vector<16xi32>], vector<16xf32>,
    %add3A_1240 = arith.constant 2 : i32
    %add3A_1241 = vector.broadcast %add3A_1240 : i32 to vector<16xi32>
    %add3A_1242 = arith.addi %broadcast_in_dim3A_1234, %add3A_1241 : vector<16xi32>
    %gather3A_1243 = tpu.vector_load_idx %arg23[%add3A_1232, %add3A_1242] : memref<128x8xf32, #tpu.memory_space<vmem>>[vector<16xi32>, vector<16xi32>], vector<16xf32>,
    %add3A_1244 = arith.constant 3 : i32
    %add3A_1245 = vector.broadcast %add3A_1244 : i32 to vector<16xi32>
    %add3A_1246 = arith.addi %broadcast_in_dim3A_1234, %add3A_1245 : vector<16xi32>
    %gather3A_1247 = tpu.vector_load_idx %arg23[%add3A_1232, %add3A_1246] : memref<128x8xf32, #tpu.memory_space<vmem>>[vector<16xi32>, vector<16xi32>], vector<16xf32>,
    %gather3A_1248 = tpu.vector_load_idx %arg25[%add3A_1232, %broadcast_in_dim3A_1234] : memref<128x8xf32, #tpu.memory_space<vmem>>[vector<16xi32>, vector<16xi32>], vector<16xf32>,
    %add3A_1249 = arith.constant 1 : i32
    %add3A_1250 = vector.broadcast %add3A_1249 : i32 to vector<16xi32>
    %add3A_1251 = arith.addi %broadcast_in_dim3A_1234, %add3A_1250 : vector<16xi32>
    %gather3A_1252 = tpu.vector_load_idx %arg25[%add3A_1232, %add3A_1251] : memref<128x8xf32, #tpu.memory_space<vmem>>[vector<16xi32>, vector<16xi32>], vector<16xf32>,
    %add3A_1253 = arith.constant 2 : i32
    %add3A_1254 = vector.broadcast %add3A_1253 : i32 to vector<16xi32>
    %add3A_1255 = arith.addi %broadcast_in_dim3A_1234, %add3A_1254 : vector<16xi32>
    %gather3A_1256 = tpu.vector_load_idx %arg25[%add3A_1232, %add3A_1255] : memref<128x8xf32, #tpu.memory_space<vmem>>[vector<16xi32>, vector<16xi32>], vector<16xf32>,
    %add3A_1257 = arith.constant 3 : i32
    %add3A_1258 = vector.broadcast %add3A_1257 : i32 to vector<16xi32>
    %add3A_1259 = arith.addi %broadcast_in_dim3A_1234, %add3A_1258 : vector<16xi32>
    %gather3A_1260 = tpu.vector_load_idx %arg25[%add3A_1232, %add3A_1259] : memref<128x8xf32, #tpu.memory_space<vmem>>[vector<16xi32>, vector<16xi32>], vector<16xf32>,
    %get3A_1261 = arith.constant 64 : index
    %get3A_1262 = tpu.vector_load %arg17[%get3A_1261] {strides = array<i32>} : memref<128xi32, #tpu.memory_space<vmem>>, vector<16xi32>,
    %convert_element_type3A_1263 = arith.sitofp %get3A_1262 : vector<16xi32> to vector<16xf32>
    %get3A_1264 = arith.constant 64 : index
    %get3A_1265 = tpu.vector_load %arg19[%get3A_1264] {strides = array<i32>} : memref<128xi32, #tpu.memory_space<vmem>>, vector<16xi32>,
    %convert_element_type3A_1266 = arith.sitofp %get3A_1265 : vector<16xi32> to vector<16xf32>
    %get3A_1267 = arith.constant 64 : index
    %get3A_1268 = tpu.vector_load %arg21[%get3A_1267] {strides = array<i32>} : memref<128xi32, #tpu.memory_space<vmem>>, vector<16xi32>,
    %convert_element_type3A_1269 = arith.sitofp %get3A_1268 : vector<16xi32> to vector<16xf32>
    %sub3A_1270 = arith.subf %gather3A_1248, %gather3A_1235 : vector<16xf32>
    %mul3A_1271 = arith.mulf %convert_element_type3A_1263, %gather3A : vector<16xf32>
    %add3A_1272 = arith.addf %sub3A_1270, %mul3A_1271 : vector<16xf32>
    %mul3A_1273 = arith.mulf %convert_element_type3A_1266, %gather3A_22 : vector<16xf32>
    %add3A_1274 = arith.addf %add3A_1272, %mul3A_1273 : vector<16xf32>
    %mul3A_1275 = arith.mulf %convert_element_type3A_1269, %gather3A_34 : vector<16xf32>
    %add3A_1276 = arith.addf %add3A_1274, %mul3A_1275 : vector<16xf32>
    %sub3A_1277 = arith.subf %gather3A_1252, %gather3A_1239 : vector<16xf32>
    %mul3A_1278 = arith.mulf %convert_element_type3A_1263, %gather3A_14 : vector<16xf32>
    %add3A_1279 = arith.addf %sub3A_1277, %mul3A_1278 : vector<16xf32>
    %mul3A_1280 = arith.mulf %convert_element_type3A_1266, %gather3A_26 : vector<16xf32>
    %add3A_1281 = arith.addf %add3A_1279, %mul3A_1280 : vector<16xf32>
    %mul3A_1282 = arith.mulf %convert_element_type3A_1269, %gather3A_38 : vector<16xf32>
    %add3A_1283 = arith.addf %add3A_1281, %mul3A_1282 : vector<16xf32>
    %sub3A_1284 = arith.subf %gather3A_1256, %gather3A_1243 : vector<16xf32>
    %mul3A_1285 = arith.mulf %convert_element_type3A_1263, %gather3A_18 : vector<16xf32>
    %add3A_1286 = arith.addf %sub3A_1284, %mul3A_1285 : vector<16xf32>
    %mul3A_1287 = arith.mulf %convert_element_type3A_1266, %gather3A_30 : vector<16xf32>
    %add3A_1288 = arith.addf %add3A_1286, %mul3A_1287 : vector<16xf32>
    %mul3A_1289 = arith.mulf %convert_element_type3A_1269, %gather3A_42 : vector<16xf32>
    %add3A_1290 = arith.addf %add3A_1288, %mul3A_1289 : vector<16xf32>
    %mul3A_1291 = arith.mulf %add3A_1276, %add3A_1276 : vector<16xf32>
    %mul3A_1292 = arith.mulf %add3A_1283, %add3A_1283 : vector<16xf32>
    %add3A_1293 = arith.addf %mul3A_1291, %mul3A_1292 : vector<16xf32>
    %mul3A_1294 = arith.mulf %add3A_1290, %add3A_1290 : vector<16xf32>
    %add3A_1295 = arith.addf %add3A_1293, %mul3A_1294 : vector<16xf32>
    %mul3A_1296 = arith.mulf %add3A_1295, %add3A_1295 : vector<16xf32>
    %mul3A_1297 = arith.mulf %mul3A_1296, %add3A_1295 : vector<16xf32>
    %mul3A_1298 = arith.constant 2.000000e+00 : f32
    %mul3A_1299 = vector.broadcast %mul3A_1298 : f32 to vector<16xf32>
    %mul3A_1300 = arith.mulf %gather3A_1247, %mul3A_1299 : vector<16xf32>
    %add3A_1301 = arith.addf %mul3A_1300, %gather3A_1260 : vector<16xf32>
    %convert_element_type3A_1302 = arith.fptosi %add3A_1301 : vector<16xf32> to vector<16xi32>
    %gather3A_1303 = tpu.vector_load_idx %arg28[%convert_element_type3A_1302] : memref<16xf32, #tpu.memory_space<vmem>>[vector<16xi32>], vector<16xf32>,
    %add3A_1304 = arith.constant 4 : i32
    %add3A_1305 = vector.broadcast %add3A_1304 : i32 to vector<16xi32>
    %add3A_1306 = arith.addi %convert_element_type3A_1302, %add3A_1305 : vector<16xi32>
    %gather3A_1307 = tpu.vector_load_idx %arg28[%add3A_1306] : memref<16xf32, #tpu.memory_space<vmem>>[vector<16xi32>], vector<16xf32>,
    %add3A_1308 = arith.constant 8 : i32
    %add3A_1309 = vector.broadcast %add3A_1308 : i32 to vector<16xi32>
    %add3A_1310 = arith.addi %convert_element_type3A_1302, %add3A_1309 : vector<16xi32>
    %gather3A_1311 = tpu.vector_load_idx %arg28[%add3A_1310] : memref<16xf32, #tpu.memory_space<vmem>>[vector<16xi32>], vector<16xf32>,
    %div3A_1312 = arith.divf %gather3A_1303, %mul3A_1297 : vector<16xf32>
    %sub3A_1313 = arith.constant 1.000000e+00 : f32
    %sub3A_1314 = vector.broadcast %sub3A_1313 : f32 to vector<16xf32>
    %sub3A_1315 = arith.subf %div3A_1312, %sub3A_1314 : vector<16xf32>
    %mul3A_1316 = arith.mulf %div3A_1312, %sub3A_1315 : vector<16xf32>
    %mul3A_1317 = arith.mulf %gather3A_1307, %mul3A_1316 : vector<16xf32>
    %sub3A_1318 = arith.subf %mul3A_1317, %gather3A_1311 : vector<16xf32>
    %get3A_1319 = arith.constant 64 : index
    %get3A_1320 = tpu.vector_load %arg13[%get3A_1319] {strides = array<i32>} : memref<128xi32, #tpu.memory_space<vmem>>, vector<16xi32>,
    %get3A_1321 = arith.constant 64 : index
    %get3A_1322 = tpu.vector_load %arg15[%get3A_1321] {strides = array<i32>} : memref<128xi32, #tpu.memory_space<vmem>>, vector<16xi32>,
    tpu.vector_store_idx %arg11[%get3A_1320], %sub3A_1318 {add = true} : memref<100352xf32, #tpu.memory_space<vmem>>[vector<16xi32>], vector<16xf32>,
    tpu.vector_store_idx %arg11[%get3A_1322], %sub3A_1318 {add = true} : memref<100352xf32, #tpu.memory_space<vmem>>[vector<16xi32>], vector<16xf32>,
    %add3A_1323 = arith.constant 80 : i32
    %add3A_1324 = vector.broadcast %add3A_1323 : i32 to vector<16xi32>
    %add3A_1325 = arith.addi %iota3A, %add3A_1324 : vector<16xi32>
    %broadcast_in_dim3A_1326 = arith.constant 0 : i32
    %broadcast_in_dim3A_1327 = vector.broadcast %broadcast_in_dim3A_1326 : i32 to vector<16xi32>
    %gather3A_1328 = tpu.vector_load_idx %arg23[%add3A_1325, %broadcast_in_dim3A_1327] : memref<128x8xf32, #tpu.memory_space<vmem>>[vector<16xi32>, vector<16xi32>], vector<16xf32>,
    %add3A_1329 = arith.constant 1 : i32
    %add3A_1330 = vector.broadcast %add3A_1329 : i32 to vector<16xi32>
    %add3A_1331 = arith.addi %broadcast_in_dim3A_1327, %add3A_1330 : vector<16xi32>
    %gather3A_1332 = tpu.vector_load_idx %arg23[%add3A_1325, %add3A_1331] : memref<128x8xf32, #tpu.memory_space<vmem>>[vector<16xi32>, vector<16xi32>], vector<16xf32>,
    %add3A_1333 = arith.constant 2 : i32
    %add3A_1334 = vector.broadcast %add3A_1333 : i32 to vector<16xi32>
    %add3A_1335 = arith.addi %broadcast_in_dim3A_1327, %add3A_1334 : vector<16xi32>
    %gather3A_1336 = tpu.vector_load_idx %arg23[%add3A_1325, %add3A_1335] : memref<128x8xf32, #tpu.memory_space<vmem>>[vector<16xi32>, vector<16xi32>], vector<16xf32>,
    %add3A_1337 = arith.constant 3 : i32
    %add3A_1338 = vector.broadcast %add3A_1337 : i32 to vector<16xi32>
    %add3A_1339 = arith.addi %broadcast_in_dim3A_1327, %add3A_1338 : vector<16xi32>
    %gather3A_1340 = tpu.vector_load_idx %arg23[%add3A_1325, %add3A_1339] : memref<128x8xf32, #tpu.memory_space<vmem>>[vector<16xi32>, vector<16xi32>], vector<16xf32>,
    %gather3A_1341 = tpu.vector_load_idx %arg25[%add3A_1325, %broadcast_in_dim3A_1327] : memref<128x8xf32, #tpu.memory_space<vmem>>[vector<16xi32>, vector<16xi32>], vector<16xf32>,
    %add3A_1342 = arith.constant 1 : i32
    %add3A_1343 = vector.broadcast %add3A_1342 : i32 to vector<16xi32>
    %add3A_1344 = arith.addi %broadcast_in_dim3A_1327, %add3A_1343 : vector<16xi32>
    %gather3A_1345 = tpu.vector_load_idx %arg25[%add3A_1325, %add3A_1344] : memref<128x8xf32, #tpu.memory_space<vmem>>[vector<16xi32>, vector<16xi32>], vector<16xf32>,
    %add3A_1346 = arith.constant 2 : i32
    %add3A_1347 = vector.broadcast %add3A_1346 : i32 to vector<16xi32>
    %add3A_1348 = arith.addi %broadcast_in_dim3A_1327, %add3A_1347 : vector<16xi32>
    %gather3A_1349 = tpu.vector_load_idx %arg25[%add3A_1325, %add3A_1348] : memref<128x8xf32, #tpu.memory_space<vmem>>[vector<16xi32>, vector<16xi32>], vector<16xf32>,
    %add3A_1350 = arith.constant 3 : i32
    %add3A_1351 = vector.broadcast %add3A_1350 : i32 to vector<16xi32>
    %add3A_1352 = arith.addi %broadcast_in_dim3A_1327, %add3A_1351 : vector<16xi32>
    %gather3A_1353 = tpu.vector_load_idx %arg25[%add3A_1325, %add3A_1352] : memref<128x8xf32, #tpu.memory_space<vmem>>[vector<16xi32>, vector<16xi32>], vector<16xf32>,
    %get3A_1354 = arith.constant 80 : index
    %get3A_1355 = tpu.vector_load %arg17[%get3A_1354] {strides = array<i32>} : memref<128xi32, #tpu.memory_space<vmem>>, vector<16xi32>,
    %convert_element_type3A_1356 = arith.sitofp %get3A_1355 : vector<16xi32> to vector<16xf32>
    %get3A_1357 = arith.constant 80 : index
    %get3A_1358 = tpu.vector_load %arg19[%get3A_1357] {strides = array<i32>} : memref<128xi32, #tpu.memory_space<vmem>>, vector<16xi32>,
    %convert_element_type3A_1359 = arith.sitofp %get3A_1358 : vector<16xi32> to vector<16xf32>
    %get3A_1360 = arith.constant 80 : index
    %get3A_1361 = tpu.vector_load %arg21[%get3A_1360] {strides = array<i32>} : memref<128xi32, #tpu.memory_space<vmem>>, vector<16xi32>,
    %convert_element_type3A_1362 = arith.sitofp %get3A_1361 : vector<16xi32> to vector<16xf32>
    %sub3A_1363 = arith.subf %gather3A_1341, %gather3A_1328 : vector<16xf32>
    %mul3A_1364 = arith.mulf %convert_element_type3A_1356, %gather3A : vector<16xf32>
    %add3A_1365 = arith.addf %sub3A_1363, %mul3A_1364 : vector<16xf32>
    %mul3A_1366 = arith.mulf %convert_element_type3A_1359, %gather3A_22 : vector<16xf32>
    %add3A_1367 = arith.addf %add3A_1365, %mul3A_1366 : vector<16xf32>
    %mul3A_1368 = arith.mulf %convert_element_type3A_1362, %gather3A_34 : vector<16xf32>
    %add3A_1369 = arith.addf %add3A_1367, %mul3A_1368 : vector<16xf32>
    %sub3A_1370 = arith.subf %gather3A_1345, %gather3A_1332 : vector<16xf32>
    %mul3A_1371 = arith.mulf %convert_element_type3A_1356, %gather3A_14 : vector<16xf32>
    %add3A_1372 = arith.addf %sub3A_1370, %mul3A_1371 : vector<16xf32>
    %mul3A_1373 = arith.mulf %convert_element_type3A_1359, %gather3A_26 : vector<16xf32>
    %add3A_1374 = arith.addf %add3A_1372, %mul3A_1373 : vector<16xf32>
    %mul3A_1375 = arith.mulf %convert_element_type3A_1362, %gather3A_38 : vector<16xf32>
    %add3A_1376 = arith.addf %add3A_1374, %mul3A_1375 : vector<16xf32>
    %sub3A_1377 = arith.subf %gather3A_1349, %gather3A_1336 : vector<16xf32>
    %mul3A_1378 = arith.mulf %convert_element_type3A_1356, %gather3A_18 : vector<16xf32>
    %add3A_1379 = arith.addf %sub3A_1377, %mul3A_1378 : vector<16xf32>
    %mul3A_1380 = arith.mulf %convert_element_type3A_1359, %gather3A_30 : vector<16xf32>
    %add3A_1381 = arith.addf %add3A_1379, %mul3A_1380 : vector<16xf32>
    %mul3A_1382 = arith.mulf %convert_element_type3A_1362, %gather3A_42 : vector<16xf32>
    %add3A_1383 = arith.addf %add3A_1381, %mul3A_1382 : vector<16xf32>
    %mul3A_1384 = arith.mulf %add3A_1369, %add3A_1369 : vector<16xf32>
    %mul3A_1385 = arith.mulf %add3A_1376, %add3A_1376 : vector<16xf32>
    %add3A_1386 = arith.addf %mul3A_1384, %mul3A_1385 : vector<16xf32>
    %mul3A_1387 = arith.mulf %add3A_1383, %add3A_1383 : vector<16xf32>
    %add3A_1388 = arith.addf %add3A_1386, %mul3A_1387 : vector<16xf32>
    %mul3A_1389 = arith.mulf %add3A_1388, %add3A_1388 : vector<16xf32>
    %mul3A_1390 = arith.mulf %mul3A_1389, %add3A_1388 : vector<16xf32>
    %mul3A_1391 = arith.constant 2.000000e+00 : f32
    %mul3A_1392 = vector.broadcast %mul3A_1391 : f32 to vector<16xf32>
    %mul3A_1393 = arith.mulf %gather3A_1340, %mul3A_1392 : vector<16xf32>
    %add3A_1394 = arith.addf %mul3A_1393, %gather3A_1353 : vector<16xf32>
    %convert_element_type3A_1395 = arith.fptosi %add3A_1394 : vector<16xf32> to vector<16xi32>
    %gather3A_1396 = tpu.vector_load_idx %arg28[%convert_element_type3A_1395] : memref<16xf32, #tpu.memory_space<vmem>>[vector<16xi32>], vector<16xf32>,
    %add3A_1397 = arith.constant 4 : i32
    %add3A_1398 = vector.broadcast %add3A_1397 : i32 to vector<16xi32>
    %add3A_1399 = arith.addi %convert_element_type3A_1395, %add3A_1398 : vector<16xi32>
    %gather3A_1400 = tpu.vector_load_idx %arg28[%add3A_1399] : memref<16xf32, #tpu.memory_space<vmem>>[vector<16xi32>], vector<16xf32>,
    %add3A_1401 = arith.constant 8 : i32
    %add3A_1402 = vector.broadcast %add3A_1401 : i32 to vector<16xi32>
    %add3A_1403 = arith.addi %convert_element_type3A_1395, %add3A_1402 : vector<16xi32>
    %gather3A_1404 = tpu.vector_load_idx %arg28[%add3A_1403] : memref<16xf32, #tpu.memory_space<vmem>>[vector<16xi32>], vector<16xf32>,
    %div3A_1405 = arith.divf %gather3A_1396, %mul3A_1390 : vector<16xf32>
    %sub3A_1406 = arith.constant 1.000000e+00 : f32
    %sub3A_1407 = vector.broadcast %sub3A_1406 : f32 to vector<16xf32>
    %sub3A_1408 = arith.subf %div3A_1405, %sub3A_1407 : vector<16xf32>
    %mul3A_1409 = arith.mulf %div3A_1405, %sub3A_1408 : vector<16xf32>
    %mul3A_1410 = arith.mulf %gather3A_1400, %mul3A_1409 : vector<16xf32>
    %sub3A_1411 = arith.subf %mul3A_1410, %gather3A_1404 : vector<16xf32>
    %get3A_1412 = arith.constant 80 : index
    %get3A_1413 = tpu.vector_load %arg13[%get3A_1412] {strides = array<i32>} : memref<128xi32, #tpu.memory_space<vmem>>, vector<16xi32>,
    %get3A_1414 = arith.constant 80 : index
    %get3A_1415 = tpu.vector_load %arg15[%get3A_1414] {strides = array<i32>} : memref<128xi32, #tpu.memory_space<vmem>>, vector<16xi32>,
    tpu.vector_store_idx %arg11[%get3A_1413], %sub3A_1411 {add = true} : memref<100352xf32, #tpu.memory_space<vmem>>[vector<16xi32>], vector<16xf32>,
    tpu.vector_store_idx %arg11[%get3A_1415], %sub3A_1411 {add = true} : memref<100352xf32, #tpu.memory_space<vmem>>[vector<16xi32>], vector<16xf32>,
    %add3A_1416 = arith.constant 96 : i32
    %add3A_1417 = vector.broadcast %add3A_1416 : i32 to vector<16xi32>
    %add3A_1418 = arith.addi %iota3A, %add3A_1417 : vector<16xi32>
    %broadcast_in_dim3A_1419 = arith.constant 0 : i32
    %broadcast_in_dim3A_1420 = vector.broadcast %broadcast_in_dim3A_1419 : i32 to vector<16xi32>
    %gather3A_1421 = tpu.vector_load_idx %arg23[%add3A_1418, %broadcast_in_dim3A_1420] : memref<128x8xf32, #tpu.memory_space<vmem>>[vector<16xi32>, vector<16xi32>], vector<16xf32>,
    %add3A_1422 = arith.constant 1 : i32
    %add3A_1423 = vector.broadcast %add3A_1422 : i32 to vector<16xi32>
    %add3A_1424 = arith.addi %broadcast_in_dim3A_1420, %add3A_1423 : vector<16xi32>
    %gather3A_1425 = tpu.vector_load_idx %arg23[%add3A_1418, %add3A_1424] : memref<128x8xf32, #tpu.memory_space<vmem>>[vector<16xi32>, vector<16xi32>], vector<16xf32>,
    %add3A_1426 = arith.constant 2 : i32
    %add3A_1427 = vector.broadcast %add3A_1426 : i32 to vector<16xi32>
    %add3A_1428 = arith.addi %broadcast_in_dim3A_1420, %add3A_1427 : vector<16xi32>
    %gather3A_1429 = tpu.vector_load_idx %arg23[%add3A_1418, %add3A_1428] : memref<128x8xf32, #tpu.memory_space<vmem>>[vector<16xi32>, vector<16xi32>], vector<16xf32>,
    %add3A_1430 = arith.constant 3 : i32
    %add3A_1431 = vector.broadcast %add3A_1430 : i32 to vector<16xi32>
    %add3A_1432 = arith.addi %broadcast_in_dim3A_1420, %add3A_1431 : vector<16xi32>
    %gather3A_1433 = tpu.vector_load_idx %arg23[%add3A_1418, %add3A_1432] : memref<128x8xf32, #tpu.memory_space<vmem>>[vector<16xi32>, vector<16xi32>], vector<16xf32>,
    %gather3A_1434 = tpu.vector_load_idx %arg25[%add3A_1418, %broadcast_in_dim3A_1420] : memref<128x8xf32, #tpu.memory_space<vmem>>[vector<16xi32>, vector<16xi32>], vector<16xf32>,
    %add3A_1435 = arith.constant 1 : i32
    %add3A_1436 = vector.broadcast %add3A_1435 : i32 to vector<16xi32>
    %add3A_1437 = arith.addi %broadcast_in_dim3A_1420, %add3A_1436 : vector<16xi32>
    %gather3A_1438 = tpu.vector_load_idx %arg25[%add3A_1418, %add3A_1437] : memref<128x8xf32, #tpu.memory_space<vmem>>[vector<16xi32>, vector<16xi32>], vector<16xf32>,
    %add3A_1439 = arith.constant 2 : i32
    %add3A_1440 = vector.broadcast %add3A_1439 : i32 to vector<16xi32>
    %add3A_1441 = arith.addi %broadcast_in_dim3A_1420, %add3A_1440 : vector<16xi32>
    %gather3A_1442 = tpu.vector_load_idx %arg25[%add3A_1418, %add3A_1441] : memref<128x8xf32, #tpu.memory_space<vmem>>[vector<16xi32>, vector<16xi32>], vector<16xf32>,
    %add3A_1443 = arith.constant 3 : i32
    %add3A_1444 = vector.broadcast %add3A_1443 : i32 to vector<16xi32>
    %add3A_1445 = arith.addi %broadcast_in_dim3A_1420, %add3A_1444 : vector<16xi32>
    %gather3A_1446 = tpu.vector_load_idx %arg25[%add3A_1418, %add3A_1445] : memref<128x8xf32, #tpu.memory_space<vmem>>[vector<16xi32>, vector<16xi32>], vector<16xf32>,
    %get3A_1447 = arith.constant 96 : index
    %get3A_1448 = tpu.vector_load %arg17[%get3A_1447] {strides = array<i32>} : memref<128xi32, #tpu.memory_space<vmem>>, vector<16xi32>,
    %convert_element_type3A_1449 = arith.sitofp %get3A_1448 : vector<16xi32> to vector<16xf32>
    %get3A_1450 = arith.constant 96 : index
    %get3A_1451 = tpu.vector_load %arg19[%get3A_1450] {strides = array<i32>} : memref<128xi32, #tpu.memory_space<vmem>>, vector<16xi32>,
    %convert_element_type3A_1452 = arith.sitofp %get3A_1451 : vector<16xi32> to vector<16xf32>
    %get3A_1453 = arith.constant 96 : index
    %get3A_1454 = tpu.vector_load %arg21[%get3A_1453] {strides = array<i32>} : memref<128xi32, #tpu.memory_space<vmem>>, vector<16xi32>,
    %convert_element_type3A_1455 = arith.sitofp %get3A_1454 : vector<16xi32> to vector<16xf32>
    %sub3A_1456 = arith.subf %gather3A_1434, %gather3A_1421 : vector<16xf32>
    %mul3A_1457 = arith.mulf %convert_element_type3A_1449, %gather3A : vector<16xf32>
    %add3A_1458 = arith.addf %sub3A_1456, %mul3A_1457 : vector<16xf32>
    %mul3A_1459 = arith.mulf %convert_element_type3A_1452, %gather3A_22 : vector<16xf32>
    %add3A_1460 = arith.addf %add3A_1458, %mul3A_1459 : vector<16xf32>
    %mul3A_1461 = arith.mulf %convert_element_type3A_1455, %gather3A_34 : vector<16xf32>
    %add3A_1462 = arith.addf %add3A_1460, %mul3A_1461 : vector<16xf32>
    %sub3A_1463 = arith.subf %gather3A_1438, %gather3A_1425 : vector<16xf32>
    %mul3A_1464 = arith.mulf %convert_element_type3A_1449, %gather3A_14 : vector<16xf32>
    %add3A_1465 = arith.addf %sub3A_1463, %mul3A_1464 : vector<16xf32>
    %mul3A_1466 = arith.mulf %convert_element_type3A_1452, %gather3A_26 : vector<16xf32>
    %add3A_1467 = arith.addf %add3A_1465, %mul3A_1466 : vector<16xf32>
    %mul3A_1468 = arith.mulf %convert_element_type3A_1455, %gather3A_38 : vector<16xf32>
    %add3A_1469 = arith.addf %add3A_1467, %mul3A_1468 : vector<16xf32>
    %sub3A_1470 = arith.subf %gather3A_1442, %gather3A_1429 : vector<16xf32>
    %mul3A_1471 = arith.mulf %convert_element_type3A_1449, %gather3A_18 : vector<16xf32>
    %add3A_1472 = arith.addf %sub3A_1470, %mul3A_1471 : vector<16xf32>
    %mul3A_1473 = arith.mulf %convert_element_type3A_1452, %gather3A_30 : vector<16xf32>
    %add3A_1474 = arith.addf %add3A_1472, %mul3A_1473 : vector<16xf32>
    %mul3A_1475 = arith.mulf %convert_element_type3A_1455, %gather3A_42 : vector<16xf32>
    %add3A_1476 = arith.addf %add3A_1474, %mul3A_1475 : vector<16xf32>
    %mul3A_1477 = arith.mulf %add3A_1462, %add3A_1462 : vector<16xf32>
    %mul3A_1478 = arith.mulf %add3A_1469, %add3A_1469 : vector<16xf32>
    %add3A_1479 = arith.addf %mul3A_1477, %mul3A_1478 : vector<16xf32>
    %mul3A_1480 = arith.mulf %add3A_1476, %add3A_1476 : vector<16xf32>
    %add3A_1481 = arith.addf %add3A_1479, %mul3A_1480 : vector<16xf32>
    %mul3A_1482 = arith.mulf %add3A_1481, %add3A_1481 : vector<16xf32>
    %mul3A_1483 = arith.mulf %mul3A_1482, %add3A_1481 : vector<16xf32>
    %mul3A_1484 = arith.constant 2.000000e+00 : f32
    %mul3A_1485 = vector.broadcast %mul3A_1484 : f32 to vector<16xf32>
    %mul3A_1486 = arith.mulf %gather3A_1433, %mul3A_1485 : vector<16xf32>
    %add3A_1487 = arith.addf %mul3A_1486, %gather3A_1446 : vector<16xf32>
    %convert_element_type3A_1488 = arith.fptosi %add3A_1487 : vector<16xf32> to vector<16xi32>
    %gather3A_1489 = tpu.vector_load_idx %arg28[%convert_element_type3A_1488] : memref<16xf32, #tpu.memory_space<vmem>>[vector<16xi32>], vector<16xf32>,
    %add3A_1490 = arith.constant 4 : i32
    %add3A_1491 = vector.broadcast %add3A_1490 : i32 to vector<16xi32>
    %add3A_1492 = arith.addi %convert_element_type3A_1488, %add3A_1491 : vector<16xi32>
    %gather3A_1493 = tpu.vector_load_idx %arg28[%add3A_1492] : memref<16xf32, #tpu.memory_space<vmem>>[vector<16xi32>], vector<16xf32>,
    %add3A_1494 = arith.constant 8 : i32
    %add3A_1495 = vector.broadcast %add3A_1494 : i32 to vector<16xi32>
    %add3A_1496 = arith.addi %convert_element_type3A_1488, %add3A_1495 : vector<16xi32>
    %gather3A_1497 = tpu.vector_load_idx %arg28[%add3A_1496] : memref<16xf32, #tpu.memory_space<vmem>>[vector<16xi32>], vector<16xf32>,
    %div3A_1498 = arith.divf %gather3A_1489, %mul3A_1483 : vector<16xf32>
    %sub3A_1499 = arith.constant 1.000000e+00 : f32
    %sub3A_1500 = vector.broadcast %sub3A_1499 : f32 to vector<16xf32>
    %sub3A_1501 = arith.subf %div3A_1498, %sub3A_1500 : vector<16xf32>
    %mul3A_1502 = arith.mulf %div3A_1498, %sub3A_1501 : vector<16xf32>
    %mul3A_1503 = arith.mulf %gather3A_1493, %mul3A_1502 : vector<16xf32>
    %sub3A_1504 = arith.subf %mul3A_1503, %gather3A_1497 : vector<16xf32>
    %get3A_1505 = arith.constant 96 : index
    %get3A_1506 = tpu.vector_load %arg13[%get3A_1505] {strides = array<i32>} : memref<128xi32, #tpu.memory_space<vmem>>, vector<16xi32>,
    %get3A_1507 = arith.constant 96 : index
    %get3A_1508 = tpu.vector_load %arg15[%get3A_1507] {strides = array<i32>} : memref<128xi32, #tpu.memory_space<vmem>>, vector<16xi32>,
    tpu.vector_store_idx %arg11[%get3A_1506], %sub3A_1504 {add = true} : memref<100352xf32, #tpu.memory_space<vmem>>[vector<16xi32>], vector<16xf32>,
    tpu.vector_store_idx %arg11[%get3A_1508], %sub3A_1504 {add = true} : memref<100352xf32, #tpu.memory_space<vmem>>[vector<16xi32>], vector<16xf32>,
    %add3A_1509 = arith.constant 112 : i32
    %add3A_1510 = vector.broadcast %add3A_1509 : i32 to vector<16xi32>
    %add3A_1511 = arith.addi %iota3A, %add3A_1510 : vector<16xi32>
    %broadcast_in_dim3A_1512 = arith.constant 0 : i32
    %broadcast_in_dim3A_1513 = vector.broadcast %broadcast_in_dim3A_1512 : i32 to vector<16xi32>
    %gather3A_1514 = tpu.vector_load_idx %arg23[%add3A_1511, %broadcast_in_dim3A_1513] : memref<128x8xf32, #tpu.memory_space<vmem>>[vector<16xi32>, vector<16xi32>], vector<16xf32>,
    %add3A_1515 = arith.constant 1 : i32
    %add3A_1516 = vector.broadcast %add3A_1515 : i32 to vector<16xi32>
    %add3A_1517 = arith.addi %broadcast_in_dim3A_1513, %add3A_1516 : vector<16xi32>
    %gather3A_1518 = tpu.vector_load_idx %arg23[%add3A_1511, %add3A_1517] : memref<128x8xf32, #tpu.memory_space<vmem>>[vector<16xi32>, vector<16xi32>], vector<16xf32>,
    %add3A_1519 = arith.constant 2 : i32
    %add3A_1520 = vector.broadcast %add3A_1519 : i32 to vector<16xi32>
    %add3A_1521 = arith.addi %broadcast_in_dim3A_1513, %add3A_1520 : vector<16xi32>
    %gather3A_1522 = tpu.vector_load_idx %arg23[%add3A_1511, %add3A_1521] : memref<128x8xf32, #tpu.memory_space<vmem>>[vector<16xi32>, vector<16xi32>], vector<16xf32>,
    %add3A_1523 = arith.constant 3 : i32
    %add3A_1524 = vector.broadcast %add3A_1523 : i32 to vector<16xi32>
    %add3A_1525 = arith.addi %broadcast_in_dim3A_1513, %add3A_1524 : vector<16xi32>
    %gather3A_1526 = tpu.vector_load_idx %arg23[%add3A_1511, %add3A_1525] : memref<128x8xf32, #tpu.memory_space<vmem>>[vector<16xi32>, vector<16xi32>], vector<16xf32>,
    %gather3A_1527 = tpu.vector_load_idx %arg25[%add3A_1511, %broadcast_in_dim3A_1513] : memref<128x8xf32, #tpu.memory_space<vmem>>[vector<16xi32>, vector<16xi32>], vector<16xf32>,
    %add3A_1528 = arith.constant 1 : i32
    %add3A_1529 = vector.broadcast %add3A_1528 : i32 to vector<16xi32>
    %add3A_1530 = arith.addi %broadcast_in_dim3A_1513, %add3A_1529 : vector<16xi32>
    %gather3A_1531 = tpu.vector_load_idx %arg25[%add3A_1511, %add3A_1530] : memref<128x8xf32, #tpu.memory_space<vmem>>[vector<16xi32>, vector<16xi32>], vector<16xf32>,
    %add3A_1532 = arith.constant 2 : i32
    %add3A_1533 = vector.broadcast %add3A_1532 : i32 to vector<16xi32>
    %add3A_1534 = arith.addi %broadcast_in_dim3A_1513, %add3A_1533 : vector<16xi32>
    %gather3A_1535 = tpu.vector_load_idx %arg25[%add3A_1511, %add3A_1534] : memref<128x8xf32, #tpu.memory_space<vmem>>[vector<16xi32>, vector<16xi32>], vector<16xf32>,
    %add3A_1536 = arith.constant 3 : i32
    %add3A_1537 = vector.broadcast %add3A_1536 : i32 to vector<16xi32>
    %add3A_1538 = arith.addi %broadcast_in_dim3A_1513, %add3A_1537 : vector<16xi32>
    %gather3A_1539 = tpu.vector_load_idx %arg25[%add3A_1511, %add3A_1538] : memref<128x8xf32, #tpu.memory_space<vmem>>[vector<16xi32>, vector<16xi32>], vector<16xf32>,
    %get3A_1540 = arith.constant 112 : index
    %get3A_1541 = tpu.vector_load %arg17[%get3A_1540] {strides = array<i32>} : memref<128xi32, #tpu.memory_space<vmem>>, vector<16xi32>,
    %convert_element_type3A_1542 = arith.sitofp %get3A_1541 : vector<16xi32> to vector<16xf32>
    %get3A_1543 = arith.constant 112 : index
    %get3A_1544 = tpu.vector_load %arg19[%get3A_1543] {strides = array<i32>} : memref<128xi32, #tpu.memory_space<vmem>>, vector<16xi32>,
    %convert_element_type3A_1545 = arith.sitofp %get3A_1544 : vector<16xi32> to vector<16xf32>
    %get3A_1546 = arith.constant 112 : index
    %get3A_1547 = tpu.vector_load %arg21[%get3A_1546] {strides = array<i32>} : memref<128xi32, #tpu.memory_space<vmem>>, vector<16xi32>,
    %convert_element_type3A_1548 = arith.sitofp %get3A_1547 : vector<16xi32> to vector<16xf32>
    %sub3A_1549 = arith.subf %gather3A_1527, %gather3A_1514 : vector<16xf32>
    %mul3A_1550 = arith.mulf %convert_element_type3A_1542, %gather3A : vector<16xf32>
    %add3A_1551 = arith.addf %sub3A_1549, %mul3A_1550 : vector<16xf32>
    %mul3A_1552 = arith.mulf %convert_element_type3A_1545, %gather3A_22 : vector<16xf32>
    %add3A_1553 = arith.addf %add3A_1551, %mul3A_1552 : vector<16xf32>
    %mul3A_1554 = arith.mulf %convert_element_type3A_1548, %gather3A_34 : vector<16xf32>
    %add3A_1555 = arith.addf %add3A_1553, %mul3A_1554 : vector<16xf32>
    %sub3A_1556 = arith.subf %gather3A_1531, %gather3A_1518 : vector<16xf32>
    %mul3A_1557 = arith.mulf %convert_element_type3A_1542, %gather3A_14 : vector<16xf32>
    %add3A_1558 = arith.addf %sub3A_1556, %mul3A_1557 : vector<16xf32>
    %mul3A_1559 = arith.mulf %convert_element_type3A_1545, %gather3A_26 : vector<16xf32>
    %add3A_1560 = arith.addf %add3A_1558, %mul3A_1559 : vector<16xf32>
    %mul3A_1561 = arith.mulf %convert_element_type3A_1548, %gather3A_38 : vector<16xf32>
    %add3A_1562 = arith.addf %add3A_1560, %mul3A_1561 : vector<16xf32>
    %sub3A_1563 = arith.subf %gather3A_1535, %gather3A_1522 : vector<16xf32>
    %mul3A_1564 = arith.mulf %convert_element_type3A_1542, %gather3A_18 : vector<16xf32>
    %add3A_1565 = arith.addf %sub3A_1563, %mul3A_1564 : vector<16xf32>
    %mul3A_1566 = arith.mulf %convert_element_type3A_1545, %gather3A_30 : vector<16xf32>
    %add3A_1567 = arith.addf %add3A_1565, %mul3A_1566 : vector<16xf32>
    %mul3A_1568 = arith.mulf %convert_element_type3A_1548, %gather3A_42 : vector<16xf32>
    %add3A_1569 = arith.addf %add3A_1567, %mul3A_1568 : vector<16xf32>
    %mul3A_1570 = arith.mulf %add3A_1555, %add3A_1555 : vector<16xf32>
    %mul3A_1571 = arith.mulf %add3A_1562, %add3A_1562 : vector<16xf32>
    %add3A_1572 = arith.addf %mul3A_1570, %mul3A_1571 : vector<16xf32>
    %mul3A_1573 = arith.mulf %add3A_1569, %add3A_1569 : vector<16xf32>
    %add3A_1574 = arith.addf %add3A_1572, %mul3A_1573 : vector<16xf32>
    %mul3A_1575 = arith.mulf %add3A_1574, %add3A_1574 : vector<16xf32>
    %mul3A_1576 = arith.mulf %mul3A_1575, %add3A_1574 : vector<16xf32>
    %mul3A_1577 = arith.constant 2.000000e+00 : f32
    %mul3A_1578 = vector.broadcast %mul3A_1577 : f32 to vector<16xf32>
    %mul3A_1579 = arith.mulf %gather3A_1526, %mul3A_1578 : vector<16xf32>
    %add3A_1580 = arith.addf %mul3A_1579, %gather3A_1539 : vector<16xf32>
    %convert_element_type3A_1581 = arith.fptosi %add3A_1580 : vector<16xf32> to vector<16xi32>
    %gather3A_1582 = tpu.vector_load_idx %arg28[%convert_element_type3A_1581] : memref<16xf32, #tpu.memory_space<vmem>>[vector<16xi32>], vector<16xf32>,
    %add3A_1583 = arith.constant 4 : i32
    %add3A_1584 = vector.broadcast %add3A_1583 : i32 to vector<16xi32>
    %add3A_1585 = arith.addi %convert_element_type3A_1581, %add3A_1584 : vector<16xi32>
    %gather3A_1586 = tpu.vector_load_idx %arg28[%add3A_1585] : memref<16xf32, #tpu.memory_space<vmem>>[vector<16xi32>], vector<16xf32>,
    %add3A_1587 = arith.constant 8 : i32
    %add3A_1588 = vector.broadcast %add3A_1587 : i32 to vector<16xi32>
    %add3A_1589 = arith.addi %convert_element_type3A_1581, %add3A_1588 : vector<16xi32>
    %gather3A_1590 = tpu.vector_load_idx %arg28[%add3A_1589] : memref<16xf32, #tpu.memory_space<vmem>>[vector<16xi32>], vector<16xf32>,
    %div3A_1591 = arith.divf %gather3A_1582, %mul3A_1576 : vector<16xf32>
    %sub3A_1592 = arith.constant 1.000000e+00 : f32
    %sub3A_1593 = vector.broadcast %sub3A_1592 : f32 to vector<16xf32>
    %sub3A_1594 = arith.subf %div3A_1591, %sub3A_1593 : vector<16xf32>
    %mul3A_1595 = arith.mulf %div3A_1591, %sub3A_1594 : vector<16xf32>
    %mul3A_1596 = arith.mulf %gather3A_1586, %mul3A_1595 : vector<16xf32>
    %sub3A_1597 = arith.subf %mul3A_1596, %gather3A_1590 : vector<16xf32>
    %get3A_1598 = arith.constant 112 : index
    %get3A_1599 = tpu.vector_load %arg13[%get3A_1598] {strides = array<i32>} : memref<128xi32, #tpu.memory_space<vmem>>, vector<16xi32>,
    %get3A_1600 = arith.constant 112 : index
    %get3A_1601 = tpu.vector_load %arg15[%get3A_1600] {strides = array<i32>} : memref<128xi32, #tpu.memory_space<vmem>>, vector<16xi32>,
    tpu.vector_store_idx %arg11[%get3A_1599], %sub3A_1597 {add = true} : memref<100352xf32, #tpu.memory_space<vmem>>[vector<16xi32>], vector<16xf32>,
    tpu.vector_store_idx %arg11[%get3A_1601], %sub3A_1597 {add = true} : memref<100352xf32, #tpu.memory_space<vmem>>[vector<16xi32>], vector<16xf32>,
    %add3A_1602 = arith.constant 199936 : i32
    %add3A_1603 = arith.addi %mul3A_2, %add3A_1602 : i32
    "tpu.region"() ({
      %run_scoped3A = tpu.sem_alloc : memref<!tpu.dma_semaphore, #tpu.memory_space<semaphore_mem>>
      %dma_start3A_2000 = tpu.memref_slice %arg3[%add3A_1603] : memref<6400000xi32, #tpu.memory_space<hbm>> -> memref<64xi32, #tpu.memory_space<hbm>>
      %dma_start3A_2001 = tpu.memref_slice %arg3[%add3A_1603] : memref<6400000xi32, #tpu.memory_space<hbm>> -> memref<64xi32, #tpu.memory_space<hbm>>
      tpu.enqueue_dma source(%dma_start3A_2001 : memref<64xi32, #tpu.memory_space<hbm>>) target(%arg26 : memref<64xi32, #tpu.memory_space<vmem>>) target_semaphore(%run_scoped3A : memref<!tpu.dma_semaphore, #tpu.memory_space<semaphore_mem>>)
      %dma_wait3A_2002 = tpu.memref_slice %arg3[%add3A_1603] : memref<6400000xi32, #tpu.memory_space<hbm>> -> memref<64xi32, #tpu.memory_space<hbm>>
      %dma_wait3A_2003 = tpu.memref_slice %arg3[%add3A_1603] : memref<6400000xi32, #tpu.memory_space<hbm>> -> memref<64xi32, #tpu.memory_space<hbm>>
      tpu.wait_dma2 semaphore(%run_scoped3A : memref<!tpu.dma_semaphore, #tpu.memory_space<semaphore_mem>>) src(%dma_wait3A_2003 : memref<64xi32, #tpu.memory_space<hbm>>) dst(%arg26 : memref<64xi32, #tpu.memory_space<vmem>>)
      tpu.yield
    }) : () -> ()
    "tpu.region"() ({
      %run_scoped3A = tpu.sem_alloc : memref<!tpu.dma_semaphore, #tpu.memory_space<semaphore_mem>>
      %dma_start3A_2000 = tpu.memref_slice %arg4[%add3A_1603] : memref<6400000xi32, #tpu.memory_space<hbm>> -> memref<64xi32, #tpu.memory_space<hbm>>
      %dma_start3A_2001 = tpu.memref_slice %arg4[%add3A_1603] : memref<6400000xi32, #tpu.memory_space<hbm>> -> memref<64xi32, #tpu.memory_space<hbm>>
      tpu.enqueue_dma source(%dma_start3A_2001 : memref<64xi32, #tpu.memory_space<hbm>>) target(%arg27 : memref<64xi32, #tpu.memory_space<vmem>>) target_semaphore(%run_scoped3A : memref<!tpu.dma_semaphore, #tpu.memory_space<semaphore_mem>>)
      %dma_wait3A_2002 = tpu.memref_slice %arg4[%add3A_1603] : memref<6400000xi32, #tpu.memory_space<hbm>> -> memref<64xi32, #tpu.memory_space<hbm>>
      %dma_wait3A_2003 = tpu.memref_slice %arg4[%add3A_1603] : memref<6400000xi32, #tpu.memory_space<hbm>> -> memref<64xi32, #tpu.memory_space<hbm>>
      tpu.wait_dma2 semaphore(%run_scoped3A : memref<!tpu.dma_semaphore, #tpu.memory_space<semaphore_mem>>) src(%dma_wait3A_2003 : memref<64xi32, #tpu.memory_space<hbm>>) dst(%arg27 : memref<64xi32, #tpu.memory_space<vmem>>)
      tpu.yield
    }) : () -> ()
    "tpu.region"() ({
      %run_scoped3A = tpu.sem_alloc : memref<!tpu.dma_semaphore, #tpu.memory_space<semaphore_mem>>
      %dma_start3A_2000 = arith.constant 0 : i32
      %dma_start3A_2001 = tpu.memref_slice %arg16[%dma_start3A_2000] : memref<128xi32, #tpu.memory_space<vmem>> -> memref<64xi32, #tpu.memory_space<vmem>>
      %dma_start3A_2002 = tpu.memref_slice %arg5[%add3A_1603] : memref<6400000xi32, #tpu.memory_space<hbm>> -> memref<64xi32, #tpu.memory_space<hbm>>
      %dma_start3A_2003 = arith.constant 0 : i32
      %dma_start3A_2004 = tpu.memref_slice %arg16[%dma_start3A_2003] : memref<128xi32, #tpu.memory_space<vmem>> -> memref<64xi32, #tpu.memory_space<vmem>>
      %dma_start3A_2005 = tpu.memref_slice %arg5[%add3A_1603] : memref<6400000xi32, #tpu.memory_space<hbm>> -> memref<64xi32, #tpu.memory_space<hbm>>
      tpu.enqueue_dma source(%dma_start3A_2005 : memref<64xi32, #tpu.memory_space<hbm>>) target(%dma_start3A_2004 : memref<64xi32, #tpu.memory_space<vmem>>) target_semaphore(%run_scoped3A : memref<!tpu.dma_semaphore, #tpu.memory_space<semaphore_mem>>)
      %dma_wait3A_2006 = arith.constant 0 : i32
      %dma_wait3A_2007 = tpu.memref_slice %arg16[%dma_wait3A_2006] : memref<128xi32, #tpu.memory_space<vmem>> -> memref<64xi32, #tpu.memory_space<vmem>>
      %dma_wait3A_2008 = tpu.memref_slice %arg5[%add3A_1603] : memref<6400000xi32, #tpu.memory_space<hbm>> -> memref<64xi32, #tpu.memory_space<hbm>>
      %dma_wait3A_2009 = arith.constant 0 : i32
      %dma_wait3A_2010 = tpu.memref_slice %arg16[%dma_wait3A_2009] : memref<128xi32, #tpu.memory_space<vmem>> -> memref<64xi32, #tpu.memory_space<vmem>>
      %dma_wait3A_2011 = tpu.memref_slice %arg5[%add3A_1603] : memref<6400000xi32, #tpu.memory_space<hbm>> -> memref<64xi32, #tpu.memory_space<hbm>>
      tpu.wait_dma2 semaphore(%run_scoped3A : memref<!tpu.dma_semaphore, #tpu.memory_space<semaphore_mem>>) src(%dma_wait3A_2011 : memref<64xi32, #tpu.memory_space<hbm>>) dst(%dma_wait3A_2010 : memref<64xi32, #tpu.memory_space<vmem>>)
      tpu.yield
    }) : () -> ()
    "tpu.region"() ({
      %run_scoped3A = tpu.sem_alloc : memref<!tpu.dma_semaphore, #tpu.memory_space<semaphore_mem>>
      %dma_start3A_2000 = arith.constant 0 : i32
      %dma_start3A_2001 = tpu.memref_slice %arg18[%dma_start3A_2000] : memref<128xi32, #tpu.memory_space<vmem>> -> memref<64xi32, #tpu.memory_space<vmem>>
      %dma_start3A_2002 = tpu.memref_slice %arg6[%add3A_1603] : memref<6400000xi32, #tpu.memory_space<hbm>> -> memref<64xi32, #tpu.memory_space<hbm>>
      %dma_start3A_2003 = arith.constant 0 : i32
      %dma_start3A_2004 = tpu.memref_slice %arg18[%dma_start3A_2003] : memref<128xi32, #tpu.memory_space<vmem>> -> memref<64xi32, #tpu.memory_space<vmem>>
      %dma_start3A_2005 = tpu.memref_slice %arg6[%add3A_1603] : memref<6400000xi32, #tpu.memory_space<hbm>> -> memref<64xi32, #tpu.memory_space<hbm>>
      tpu.enqueue_dma source(%dma_start3A_2005 : memref<64xi32, #tpu.memory_space<hbm>>) target(%dma_start3A_2004 : memref<64xi32, #tpu.memory_space<vmem>>) target_semaphore(%run_scoped3A : memref<!tpu.dma_semaphore, #tpu.memory_space<semaphore_mem>>)
      %dma_wait3A_2006 = arith.constant 0 : i32
      %dma_wait3A_2007 = tpu.memref_slice %arg18[%dma_wait3A_2006] : memref<128xi32, #tpu.memory_space<vmem>> -> memref<64xi32, #tpu.memory_space<vmem>>
      %dma_wait3A_2008 = tpu.memref_slice %arg6[%add3A_1603] : memref<6400000xi32, #tpu.memory_space<hbm>> -> memref<64xi32, #tpu.memory_space<hbm>>
      %dma_wait3A_2009 = arith.constant 0 : i32
      %dma_wait3A_2010 = tpu.memref_slice %arg18[%dma_wait3A_2009] : memref<128xi32, #tpu.memory_space<vmem>> -> memref<64xi32, #tpu.memory_space<vmem>>
      %dma_wait3A_2011 = tpu.memref_slice %arg6[%add3A_1603] : memref<6400000xi32, #tpu.memory_space<hbm>> -> memref<64xi32, #tpu.memory_space<hbm>>
      tpu.wait_dma2 semaphore(%run_scoped3A : memref<!tpu.dma_semaphore, #tpu.memory_space<semaphore_mem>>) src(%dma_wait3A_2011 : memref<64xi32, #tpu.memory_space<hbm>>) dst(%dma_wait3A_2010 : memref<64xi32, #tpu.memory_space<vmem>>)
      tpu.yield
    }) : () -> ()
    "tpu.region"() ({
      %run_scoped3A = tpu.sem_alloc : memref<!tpu.dma_semaphore, #tpu.memory_space<semaphore_mem>>
      %dma_start3A_2000 = arith.constant 0 : i32
      %dma_start3A_2001 = tpu.memref_slice %arg20[%dma_start3A_2000] : memref<128xi32, #tpu.memory_space<vmem>> -> memref<64xi32, #tpu.memory_space<vmem>>
      %dma_start3A_2002 = tpu.memref_slice %arg7[%add3A_1603] : memref<6400000xi32, #tpu.memory_space<hbm>> -> memref<64xi32, #tpu.memory_space<hbm>>
      %dma_start3A_2003 = arith.constant 0 : i32
      %dma_start3A_2004 = tpu.memref_slice %arg20[%dma_start3A_2003] : memref<128xi32, #tpu.memory_space<vmem>> -> memref<64xi32, #tpu.memory_space<vmem>>
      %dma_start3A_2005 = tpu.memref_slice %arg7[%add3A_1603] : memref<6400000xi32, #tpu.memory_space<hbm>> -> memref<64xi32, #tpu.memory_space<hbm>>
      tpu.enqueue_dma source(%dma_start3A_2005 : memref<64xi32, #tpu.memory_space<hbm>>) target(%dma_start3A_2004 : memref<64xi32, #tpu.memory_space<vmem>>) target_semaphore(%run_scoped3A : memref<!tpu.dma_semaphore, #tpu.memory_space<semaphore_mem>>)
      %dma_wait3A_2006 = arith.constant 0 : i32
      %dma_wait3A_2007 = tpu.memref_slice %arg20[%dma_wait3A_2006] : memref<128xi32, #tpu.memory_space<vmem>> -> memref<64xi32, #tpu.memory_space<vmem>>
      %dma_wait3A_2008 = tpu.memref_slice %arg7[%add3A_1603] : memref<6400000xi32, #tpu.memory_space<hbm>> -> memref<64xi32, #tpu.memory_space<hbm>>
      %dma_wait3A_2009 = arith.constant 0 : i32
      %dma_wait3A_2010 = tpu.memref_slice %arg20[%dma_wait3A_2009] : memref<128xi32, #tpu.memory_space<vmem>> -> memref<64xi32, #tpu.memory_space<vmem>>
      %dma_wait3A_2011 = tpu.memref_slice %arg7[%add3A_1603] : memref<6400000xi32, #tpu.memory_space<hbm>> -> memref<64xi32, #tpu.memory_space<hbm>>
      tpu.wait_dma2 semaphore(%run_scoped3A : memref<!tpu.dma_semaphore, #tpu.memory_space<semaphore_mem>>) src(%dma_wait3A_2011 : memref<64xi32, #tpu.memory_space<hbm>>) dst(%dma_wait3A_2010 : memref<64xi32, #tpu.memory_space<vmem>>)
      tpu.yield
    }) : () -> ()
    %dma_start3A_1604 = arith.constant 0 : i32
    %dma_start3A_1605 = arith.constant 0 : i32
    %dma_start3A_1606 = tpu.memref_slice %arg22[%dma_start3A_1604, %dma_start3A_1605] : memref<128x8xf32, #tpu.memory_space<vmem>> -> memref<64x8xf32, #tpu.memory_space<vmem>>
    %dma_start3A_1607 = arith.constant 0 : i32
    %dma_start3A_1608 = arith.constant 0 : i32
    %dma_start3A_1609 = tpu.memref_slice %arg2[%dma_start3A_1607, %dma_start3A_1608] : memref<100352x8xf32, #tpu.memory_space<hbm>> -> memref<100352x8xf32, #tpu.memory_space<hbm>>
    tpu.enqueue_indirect_dma source(%dma_start3A_1609 : memref<100352x8xf32, #tpu.memory_space<hbm>>) target(%dma_start3A_1606 : memref<64x8xf32, #tpu.memory_space<vmem>>) offsets(%arg26 : memref<64xi32, #tpu.memory_space<vmem>>) semaphore(%arg32 : memref<!tpu.dma_semaphore, #tpu.memory_space<semaphore_mem>>)
    %dma_start3A_1610 = arith.constant 0 : i32
    %dma_start3A_1611 = arith.constant 0 : i32
    %dma_start3A_1612 = tpu.memref_slice %arg24[%dma_start3A_1610, %dma_start3A_1611] : memref<128x8xf32, #tpu.memory_space<vmem>> -> memref<64x8xf32, #tpu.memory_space<vmem>>
    %dma_start3A_1613 = arith.constant 0 : i32
    %dma_start3A_1614 = arith.constant 0 : i32
    %dma_start3A_1615 = tpu.memref_slice %arg2[%dma_start3A_1613, %dma_start3A_1614] : memref<100352x8xf32, #tpu.memory_space<hbm>> -> memref<100352x8xf32, #tpu.memory_space<hbm>>
    tpu.enqueue_indirect_dma source(%dma_start3A_1615 : memref<100352x8xf32, #tpu.memory_space<hbm>>) target(%dma_start3A_1612 : memref<64x8xf32, #tpu.memory_space<vmem>>) offsets(%arg27 : memref<64xi32, #tpu.memory_space<vmem>>) semaphore(%arg34 : memref<!tpu.dma_semaphore, #tpu.memory_space<semaphore_mem>>)
    %dma_wait3A_1616 = arith.constant 0 : i32
    %dma_wait3A_1617 = arith.constant 0 : i32
    %dma_wait3A_1618 = tpu.memref_slice %arg22[%dma_wait3A_1616, %dma_wait3A_1617] : memref<128x8xf32, #tpu.memory_space<vmem>> -> memref<64x8xf32, #tpu.memory_space<vmem>>
    %dma_wait3A_1619 = arith.constant 0 : i32
    %dma_wait3A_1620 = arith.constant 0 : i32
    %dma_wait3A_1621 = tpu.memref_slice %arg2[%dma_wait3A_1619, %dma_wait3A_1620] : memref<100352x8xf32, #tpu.memory_space<hbm>> -> memref<100352x8xf32, #tpu.memory_space<hbm>>
    tpu.wait_indirect_dma semaphore(%arg32 : memref<!tpu.dma_semaphore, #tpu.memory_space<semaphore_mem>>) src(%dma_wait3A_1621 : memref<100352x8xf32, #tpu.memory_space<hbm>>) dst(%dma_wait3A_1618 : memref<64x8xf32, #tpu.memory_space<vmem>>)
    %dma_wait3A_1622 = arith.constant 0 : i32
    %dma_wait3A_1623 = arith.constant 0 : i32
    %dma_wait3A_1624 = tpu.memref_slice %arg24[%dma_wait3A_1622, %dma_wait3A_1623] : memref<128x8xf32, #tpu.memory_space<vmem>> -> memref<64x8xf32, #tpu.memory_space<vmem>>
    %dma_wait3A_1625 = arith.constant 0 : i32
    %dma_wait3A_1626 = arith.constant 0 : i32
    %dma_wait3A_1627 = tpu.memref_slice %arg2[%dma_wait3A_1625, %dma_wait3A_1626] : memref<100352x8xf32, #tpu.memory_space<hbm>> -> memref<100352x8xf32, #tpu.memory_space<hbm>>
    tpu.wait_indirect_dma semaphore(%arg34 : memref<!tpu.dma_semaphore, #tpu.memory_space<semaphore_mem>>) src(%dma_wait3A_1627 : memref<100352x8xf32, #tpu.memory_space<hbm>>) dst(%dma_wait3A_1624 : memref<64x8xf32, #tpu.memory_space<vmem>>)
    %add3A_1628 = arith.constant 0 : i32
    %add3A_1629 = vector.broadcast %add3A_1628 : i32 to vector<16xi32>
    %add3A_1630 = arith.addi %iota3A, %add3A_1629 : vector<16xi32>
    %broadcast_in_dim3A_1631 = arith.constant 0 : i32
    %broadcast_in_dim3A_1632 = vector.broadcast %broadcast_in_dim3A_1631 : i32 to vector<16xi32>
    %gather3A_1633 = tpu.vector_load_idx %arg22[%add3A_1630, %broadcast_in_dim3A_1632] : memref<128x8xf32, #tpu.memory_space<vmem>>[vector<16xi32>, vector<16xi32>], vector<16xf32>,
    %add3A_1634 = arith.constant 1 : i32
    %add3A_1635 = vector.broadcast %add3A_1634 : i32 to vector<16xi32>
    %add3A_1636 = arith.addi %broadcast_in_dim3A_1632, %add3A_1635 : vector<16xi32>
    %gather3A_1637 = tpu.vector_load_idx %arg22[%add3A_1630, %add3A_1636] : memref<128x8xf32, #tpu.memory_space<vmem>>[vector<16xi32>, vector<16xi32>], vector<16xf32>,
    %add3A_1638 = arith.constant 2 : i32
    %add3A_1639 = vector.broadcast %add3A_1638 : i32 to vector<16xi32>
    %add3A_1640 = arith.addi %broadcast_in_dim3A_1632, %add3A_1639 : vector<16xi32>
    %gather3A_1641 = tpu.vector_load_idx %arg22[%add3A_1630, %add3A_1640] : memref<128x8xf32, #tpu.memory_space<vmem>>[vector<16xi32>, vector<16xi32>], vector<16xf32>,
    %add3A_1642 = arith.constant 3 : i32
    %add3A_1643 = vector.broadcast %add3A_1642 : i32 to vector<16xi32>
    %add3A_1644 = arith.addi %broadcast_in_dim3A_1632, %add3A_1643 : vector<16xi32>
    %gather3A_1645 = tpu.vector_load_idx %arg22[%add3A_1630, %add3A_1644] : memref<128x8xf32, #tpu.memory_space<vmem>>[vector<16xi32>, vector<16xi32>], vector<16xf32>,
    %gather3A_1646 = tpu.vector_load_idx %arg24[%add3A_1630, %broadcast_in_dim3A_1632] : memref<128x8xf32, #tpu.memory_space<vmem>>[vector<16xi32>, vector<16xi32>], vector<16xf32>,
    %add3A_1647 = arith.constant 1 : i32
    %add3A_1648 = vector.broadcast %add3A_1647 : i32 to vector<16xi32>
    %add3A_1649 = arith.addi %broadcast_in_dim3A_1632, %add3A_1648 : vector<16xi32>
    %gather3A_1650 = tpu.vector_load_idx %arg24[%add3A_1630, %add3A_1649] : memref<128x8xf32, #tpu.memory_space<vmem>>[vector<16xi32>, vector<16xi32>], vector<16xf32>,
    %add3A_1651 = arith.constant 2 : i32
    %add3A_1652 = vector.broadcast %add3A_1651 : i32 to vector<16xi32>
    %add3A_1653 = arith.addi %broadcast_in_dim3A_1632, %add3A_1652 : vector<16xi32>
    %gather3A_1654 = tpu.vector_load_idx %arg24[%add3A_1630, %add3A_1653] : memref<128x8xf32, #tpu.memory_space<vmem>>[vector<16xi32>, vector<16xi32>], vector<16xf32>,
    %add3A_1655 = arith.constant 3 : i32
    %add3A_1656 = vector.broadcast %add3A_1655 : i32 to vector<16xi32>
    %add3A_1657 = arith.addi %broadcast_in_dim3A_1632, %add3A_1656 : vector<16xi32>
    %gather3A_1658 = tpu.vector_load_idx %arg24[%add3A_1630, %add3A_1657] : memref<128x8xf32, #tpu.memory_space<vmem>>[vector<16xi32>, vector<16xi32>], vector<16xf32>,
    %get3A_1659 = arith.constant 0 : index
    %get3A_1660 = tpu.vector_load %arg16[%get3A_1659] {strides = array<i32>} : memref<128xi32, #tpu.memory_space<vmem>>, vector<16xi32>,
    %convert_element_type3A_1661 = arith.sitofp %get3A_1660 : vector<16xi32> to vector<16xf32>
    %get3A_1662 = arith.constant 0 : index
    %get3A_1663 = tpu.vector_load %arg18[%get3A_1662] {strides = array<i32>} : memref<128xi32, #tpu.memory_space<vmem>>, vector<16xi32>,
    %convert_element_type3A_1664 = arith.sitofp %get3A_1663 : vector<16xi32> to vector<16xf32>
    %get3A_1665 = arith.constant 0 : index
    %get3A_1666 = tpu.vector_load %arg20[%get3A_1665] {strides = array<i32>} : memref<128xi32, #tpu.memory_space<vmem>>, vector<16xi32>,
    %convert_element_type3A_1667 = arith.sitofp %get3A_1666 : vector<16xi32> to vector<16xf32>
    %sub3A_1668 = arith.subf %gather3A_1646, %gather3A_1633 : vector<16xf32>
    %mul3A_1669 = arith.mulf %convert_element_type3A_1661, %gather3A : vector<16xf32>
    %add3A_1670 = arith.addf %sub3A_1668, %mul3A_1669 : vector<16xf32>
    %mul3A_1671 = arith.mulf %convert_element_type3A_1664, %gather3A_22 : vector<16xf32>
    %add3A_1672 = arith.addf %add3A_1670, %mul3A_1671 : vector<16xf32>
    %mul3A_1673 = arith.mulf %convert_element_type3A_1667, %gather3A_34 : vector<16xf32>
    %add3A_1674 = arith.addf %add3A_1672, %mul3A_1673 : vector<16xf32>
    %sub3A_1675 = arith.subf %gather3A_1650, %gather3A_1637 : vector<16xf32>
    %mul3A_1676 = arith.mulf %convert_element_type3A_1661, %gather3A_14 : vector<16xf32>
    %add3A_1677 = arith.addf %sub3A_1675, %mul3A_1676 : vector<16xf32>
    %mul3A_1678 = arith.mulf %convert_element_type3A_1664, %gather3A_26 : vector<16xf32>
    %add3A_1679 = arith.addf %add3A_1677, %mul3A_1678 : vector<16xf32>
    %mul3A_1680 = arith.mulf %convert_element_type3A_1667, %gather3A_38 : vector<16xf32>
    %add3A_1681 = arith.addf %add3A_1679, %mul3A_1680 : vector<16xf32>
    %sub3A_1682 = arith.subf %gather3A_1654, %gather3A_1641 : vector<16xf32>
    %mul3A_1683 = arith.mulf %convert_element_type3A_1661, %gather3A_18 : vector<16xf32>
    %add3A_1684 = arith.addf %sub3A_1682, %mul3A_1683 : vector<16xf32>
    %mul3A_1685 = arith.mulf %convert_element_type3A_1664, %gather3A_30 : vector<16xf32>
    %add3A_1686 = arith.addf %add3A_1684, %mul3A_1685 : vector<16xf32>
    %mul3A_1687 = arith.mulf %convert_element_type3A_1667, %gather3A_42 : vector<16xf32>
    %add3A_1688 = arith.addf %add3A_1686, %mul3A_1687 : vector<16xf32>
    %mul3A_1689 = arith.mulf %add3A_1674, %add3A_1674 : vector<16xf32>
    %mul3A_1690 = arith.mulf %add3A_1681, %add3A_1681 : vector<16xf32>
    %add3A_1691 = arith.addf %mul3A_1689, %mul3A_1690 : vector<16xf32>
    %mul3A_1692 = arith.mulf %add3A_1688, %add3A_1688 : vector<16xf32>
    %add3A_1693 = arith.addf %add3A_1691, %mul3A_1692 : vector<16xf32>
    %mul3A_1694 = arith.mulf %add3A_1693, %add3A_1693 : vector<16xf32>
    %mul3A_1695 = arith.mulf %mul3A_1694, %add3A_1693 : vector<16xf32>
    %mul3A_1696 = arith.constant 2.000000e+00 : f32
    %mul3A_1697 = vector.broadcast %mul3A_1696 : f32 to vector<16xf32>
    %mul3A_1698 = arith.mulf %gather3A_1645, %mul3A_1697 : vector<16xf32>
    %add3A_1699 = arith.addf %mul3A_1698, %gather3A_1658 : vector<16xf32>
    %convert_element_type3A_1700 = arith.fptosi %add3A_1699 : vector<16xf32> to vector<16xi32>
    %gather3A_1701 = tpu.vector_load_idx %arg28[%convert_element_type3A_1700] : memref<16xf32, #tpu.memory_space<vmem>>[vector<16xi32>], vector<16xf32>,
    %add3A_1702 = arith.constant 4 : i32
    %add3A_1703 = vector.broadcast %add3A_1702 : i32 to vector<16xi32>
    %add3A_1704 = arith.addi %convert_element_type3A_1700, %add3A_1703 : vector<16xi32>
    %gather3A_1705 = tpu.vector_load_idx %arg28[%add3A_1704] : memref<16xf32, #tpu.memory_space<vmem>>[vector<16xi32>], vector<16xf32>,
    %add3A_1706 = arith.constant 8 : i32
    %add3A_1707 = vector.broadcast %add3A_1706 : i32 to vector<16xi32>
    %add3A_1708 = arith.addi %convert_element_type3A_1700, %add3A_1707 : vector<16xi32>
    %gather3A_1709 = tpu.vector_load_idx %arg28[%add3A_1708] : memref<16xf32, #tpu.memory_space<vmem>>[vector<16xi32>], vector<16xf32>,
    %div3A_1710 = arith.divf %gather3A_1701, %mul3A_1695 : vector<16xf32>
    %sub3A_1711 = arith.constant 1.000000e+00 : f32
    %sub3A_1712 = vector.broadcast %sub3A_1711 : f32 to vector<16xf32>
    %sub3A_1713 = arith.subf %div3A_1710, %sub3A_1712 : vector<16xf32>
    %mul3A_1714 = arith.mulf %div3A_1710, %sub3A_1713 : vector<16xf32>
    %mul3A_1715 = arith.mulf %gather3A_1705, %mul3A_1714 : vector<16xf32>
    %sub3A_1716 = arith.subf %mul3A_1715, %gather3A_1709 : vector<16xf32>
    %get3A_1717 = arith.constant 0 : index
    %get3A_1718 = tpu.vector_load %arg26[%get3A_1717] {strides = array<i32>} : memref<64xi32, #tpu.memory_space<vmem>>, vector<16xi32>,
    %get3A_1719 = arith.constant 0 : index
    %get3A_1720 = tpu.vector_load %arg27[%get3A_1719] {strides = array<i32>} : memref<64xi32, #tpu.memory_space<vmem>>, vector<16xi32>,
    tpu.vector_store_idx %arg11[%get3A_1718], %sub3A_1716 {add = true} : memref<100352xf32, #tpu.memory_space<vmem>>[vector<16xi32>], vector<16xf32>,
    tpu.vector_store_idx %arg11[%get3A_1720], %sub3A_1716 {add = true} : memref<100352xf32, #tpu.memory_space<vmem>>[vector<16xi32>], vector<16xf32>,
    %add3A_1721 = arith.constant 16 : i32
    %add3A_1722 = vector.broadcast %add3A_1721 : i32 to vector<16xi32>
    %add3A_1723 = arith.addi %iota3A, %add3A_1722 : vector<16xi32>
    %broadcast_in_dim3A_1724 = arith.constant 0 : i32
    %broadcast_in_dim3A_1725 = vector.broadcast %broadcast_in_dim3A_1724 : i32 to vector<16xi32>
    %gather3A_1726 = tpu.vector_load_idx %arg22[%add3A_1723, %broadcast_in_dim3A_1725] : memref<128x8xf32, #tpu.memory_space<vmem>>[vector<16xi32>, vector<16xi32>], vector<16xf32>,
    %add3A_1727 = arith.constant 1 : i32
    %add3A_1728 = vector.broadcast %add3A_1727 : i32 to vector<16xi32>
    %add3A_1729 = arith.addi %broadcast_in_dim3A_1725, %add3A_1728 : vector<16xi32>
    %gather3A_1730 = tpu.vector_load_idx %arg22[%add3A_1723, %add3A_1729] : memref<128x8xf32, #tpu.memory_space<vmem>>[vector<16xi32>, vector<16xi32>], vector<16xf32>,
    %add3A_1731 = arith.constant 2 : i32
    %add3A_1732 = vector.broadcast %add3A_1731 : i32 to vector<16xi32>
    %add3A_1733 = arith.addi %broadcast_in_dim3A_1725, %add3A_1732 : vector<16xi32>
    %gather3A_1734 = tpu.vector_load_idx %arg22[%add3A_1723, %add3A_1733] : memref<128x8xf32, #tpu.memory_space<vmem>>[vector<16xi32>, vector<16xi32>], vector<16xf32>,
    %add3A_1735 = arith.constant 3 : i32
    %add3A_1736 = vector.broadcast %add3A_1735 : i32 to vector<16xi32>
    %add3A_1737 = arith.addi %broadcast_in_dim3A_1725, %add3A_1736 : vector<16xi32>
    %gather3A_1738 = tpu.vector_load_idx %arg22[%add3A_1723, %add3A_1737] : memref<128x8xf32, #tpu.memory_space<vmem>>[vector<16xi32>, vector<16xi32>], vector<16xf32>,
    %gather3A_1739 = tpu.vector_load_idx %arg24[%add3A_1723, %broadcast_in_dim3A_1725] : memref<128x8xf32, #tpu.memory_space<vmem>>[vector<16xi32>, vector<16xi32>], vector<16xf32>,
    %add3A_1740 = arith.constant 1 : i32
    %add3A_1741 = vector.broadcast %add3A_1740 : i32 to vector<16xi32>
    %add3A_1742 = arith.addi %broadcast_in_dim3A_1725, %add3A_1741 : vector<16xi32>
    %gather3A_1743 = tpu.vector_load_idx %arg24[%add3A_1723, %add3A_1742] : memref<128x8xf32, #tpu.memory_space<vmem>>[vector<16xi32>, vector<16xi32>], vector<16xf32>,
    %add3A_1744 = arith.constant 2 : i32
    %add3A_1745 = vector.broadcast %add3A_1744 : i32 to vector<16xi32>
    %add3A_1746 = arith.addi %broadcast_in_dim3A_1725, %add3A_1745 : vector<16xi32>
    %gather3A_1747 = tpu.vector_load_idx %arg24[%add3A_1723, %add3A_1746] : memref<128x8xf32, #tpu.memory_space<vmem>>[vector<16xi32>, vector<16xi32>], vector<16xf32>,
    %add3A_1748 = arith.constant 3 : i32
    %add3A_1749 = vector.broadcast %add3A_1748 : i32 to vector<16xi32>
    %add3A_1750 = arith.addi %broadcast_in_dim3A_1725, %add3A_1749 : vector<16xi32>
    %gather3A_1751 = tpu.vector_load_idx %arg24[%add3A_1723, %add3A_1750] : memref<128x8xf32, #tpu.memory_space<vmem>>[vector<16xi32>, vector<16xi32>], vector<16xf32>,
    %get3A_1752 = arith.constant 16 : index
    %get3A_1753 = tpu.vector_load %arg16[%get3A_1752] {strides = array<i32>} : memref<128xi32, #tpu.memory_space<vmem>>, vector<16xi32>,
    %convert_element_type3A_1754 = arith.sitofp %get3A_1753 : vector<16xi32> to vector<16xf32>
    %get3A_1755 = arith.constant 16 : index
    %get3A_1756 = tpu.vector_load %arg18[%get3A_1755] {strides = array<i32>} : memref<128xi32, #tpu.memory_space<vmem>>, vector<16xi32>,
    %convert_element_type3A_1757 = arith.sitofp %get3A_1756 : vector<16xi32> to vector<16xf32>
    %get3A_1758 = arith.constant 16 : index
    %get3A_1759 = tpu.vector_load %arg20[%get3A_1758] {strides = array<i32>} : memref<128xi32, #tpu.memory_space<vmem>>, vector<16xi32>,
    %convert_element_type3A_1760 = arith.sitofp %get3A_1759 : vector<16xi32> to vector<16xf32>
    %sub3A_1761 = arith.subf %gather3A_1739, %gather3A_1726 : vector<16xf32>
    %mul3A_1762 = arith.mulf %convert_element_type3A_1754, %gather3A : vector<16xf32>
    %add3A_1763 = arith.addf %sub3A_1761, %mul3A_1762 : vector<16xf32>
    %mul3A_1764 = arith.mulf %convert_element_type3A_1757, %gather3A_22 : vector<16xf32>
    %add3A_1765 = arith.addf %add3A_1763, %mul3A_1764 : vector<16xf32>
    %mul3A_1766 = arith.mulf %convert_element_type3A_1760, %gather3A_34 : vector<16xf32>
    %add3A_1767 = arith.addf %add3A_1765, %mul3A_1766 : vector<16xf32>
    %sub3A_1768 = arith.subf %gather3A_1743, %gather3A_1730 : vector<16xf32>
    %mul3A_1769 = arith.mulf %convert_element_type3A_1754, %gather3A_14 : vector<16xf32>
    %add3A_1770 = arith.addf %sub3A_1768, %mul3A_1769 : vector<16xf32>
    %mul3A_1771 = arith.mulf %convert_element_type3A_1757, %gather3A_26 : vector<16xf32>
    %add3A_1772 = arith.addf %add3A_1770, %mul3A_1771 : vector<16xf32>
    %mul3A_1773 = arith.mulf %convert_element_type3A_1760, %gather3A_38 : vector<16xf32>
    %add3A_1774 = arith.addf %add3A_1772, %mul3A_1773 : vector<16xf32>
    %sub3A_1775 = arith.subf %gather3A_1747, %gather3A_1734 : vector<16xf32>
    %mul3A_1776 = arith.mulf %convert_element_type3A_1754, %gather3A_18 : vector<16xf32>
    %add3A_1777 = arith.addf %sub3A_1775, %mul3A_1776 : vector<16xf32>
    %mul3A_1778 = arith.mulf %convert_element_type3A_1757, %gather3A_30 : vector<16xf32>
    %add3A_1779 = arith.addf %add3A_1777, %mul3A_1778 : vector<16xf32>
    %mul3A_1780 = arith.mulf %convert_element_type3A_1760, %gather3A_42 : vector<16xf32>
    %add3A_1781 = arith.addf %add3A_1779, %mul3A_1780 : vector<16xf32>
    %mul3A_1782 = arith.mulf %add3A_1767, %add3A_1767 : vector<16xf32>
    %mul3A_1783 = arith.mulf %add3A_1774, %add3A_1774 : vector<16xf32>
    %add3A_1784 = arith.addf %mul3A_1782, %mul3A_1783 : vector<16xf32>
    %mul3A_1785 = arith.mulf %add3A_1781, %add3A_1781 : vector<16xf32>
    %add3A_1786 = arith.addf %add3A_1784, %mul3A_1785 : vector<16xf32>
    %mul3A_1787 = arith.mulf %add3A_1786, %add3A_1786 : vector<16xf32>
    %mul3A_1788 = arith.mulf %mul3A_1787, %add3A_1786 : vector<16xf32>
    %mul3A_1789 = arith.constant 2.000000e+00 : f32
    %mul3A_1790 = vector.broadcast %mul3A_1789 : f32 to vector<16xf32>
    %mul3A_1791 = arith.mulf %gather3A_1738, %mul3A_1790 : vector<16xf32>
    %add3A_1792 = arith.addf %mul3A_1791, %gather3A_1751 : vector<16xf32>
    %convert_element_type3A_1793 = arith.fptosi %add3A_1792 : vector<16xf32> to vector<16xi32>
    %gather3A_1794 = tpu.vector_load_idx %arg28[%convert_element_type3A_1793] : memref<16xf32, #tpu.memory_space<vmem>>[vector<16xi32>], vector<16xf32>,
    %add3A_1795 = arith.constant 4 : i32
    %add3A_1796 = vector.broadcast %add3A_1795 : i32 to vector<16xi32>
    %add3A_1797 = arith.addi %convert_element_type3A_1793, %add3A_1796 : vector<16xi32>
    %gather3A_1798 = tpu.vector_load_idx %arg28[%add3A_1797] : memref<16xf32, #tpu.memory_space<vmem>>[vector<16xi32>], vector<16xf32>,
    %add3A_1799 = arith.constant 8 : i32
    %add3A_1800 = vector.broadcast %add3A_1799 : i32 to vector<16xi32>
    %add3A_1801 = arith.addi %convert_element_type3A_1793, %add3A_1800 : vector<16xi32>
    %gather3A_1802 = tpu.vector_load_idx %arg28[%add3A_1801] : memref<16xf32, #tpu.memory_space<vmem>>[vector<16xi32>], vector<16xf32>,
    %div3A_1803 = arith.divf %gather3A_1794, %mul3A_1788 : vector<16xf32>
    %sub3A_1804 = arith.constant 1.000000e+00 : f32
    %sub3A_1805 = vector.broadcast %sub3A_1804 : f32 to vector<16xf32>
    %sub3A_1806 = arith.subf %div3A_1803, %sub3A_1805 : vector<16xf32>
    %mul3A_1807 = arith.mulf %div3A_1803, %sub3A_1806 : vector<16xf32>
    %mul3A_1808 = arith.mulf %gather3A_1798, %mul3A_1807 : vector<16xf32>
    %sub3A_1809 = arith.subf %mul3A_1808, %gather3A_1802 : vector<16xf32>
    %get3A_1810 = arith.constant 16 : index
    %get3A_1811 = tpu.vector_load %arg26[%get3A_1810] {strides = array<i32>} : memref<64xi32, #tpu.memory_space<vmem>>, vector<16xi32>,
    %get3A_1812 = arith.constant 16 : index
    %get3A_1813 = tpu.vector_load %arg27[%get3A_1812] {strides = array<i32>} : memref<64xi32, #tpu.memory_space<vmem>>, vector<16xi32>,
    tpu.vector_store_idx %arg11[%get3A_1811], %sub3A_1809 {add = true} : memref<100352xf32, #tpu.memory_space<vmem>>[vector<16xi32>], vector<16xf32>,
    tpu.vector_store_idx %arg11[%get3A_1813], %sub3A_1809 {add = true} : memref<100352xf32, #tpu.memory_space<vmem>>[vector<16xi32>], vector<16xf32>,
    %add3A_1814 = arith.constant 32 : i32
    %add3A_1815 = vector.broadcast %add3A_1814 : i32 to vector<16xi32>
    %add3A_1816 = arith.addi %iota3A, %add3A_1815 : vector<16xi32>
    %broadcast_in_dim3A_1817 = arith.constant 0 : i32
    %broadcast_in_dim3A_1818 = vector.broadcast %broadcast_in_dim3A_1817 : i32 to vector<16xi32>
    %gather3A_1819 = tpu.vector_load_idx %arg22[%add3A_1816, %broadcast_in_dim3A_1818] : memref<128x8xf32, #tpu.memory_space<vmem>>[vector<16xi32>, vector<16xi32>], vector<16xf32>,
    %add3A_1820 = arith.constant 1 : i32
    %add3A_1821 = vector.broadcast %add3A_1820 : i32 to vector<16xi32>
    %add3A_1822 = arith.addi %broadcast_in_dim3A_1818, %add3A_1821 : vector<16xi32>
    %gather3A_1823 = tpu.vector_load_idx %arg22[%add3A_1816, %add3A_1822] : memref<128x8xf32, #tpu.memory_space<vmem>>[vector<16xi32>, vector<16xi32>], vector<16xf32>,
    %add3A_1824 = arith.constant 2 : i32
    %add3A_1825 = vector.broadcast %add3A_1824 : i32 to vector<16xi32>
    %add3A_1826 = arith.addi %broadcast_in_dim3A_1818, %add3A_1825 : vector<16xi32>
    %gather3A_1827 = tpu.vector_load_idx %arg22[%add3A_1816, %add3A_1826] : memref<128x8xf32, #tpu.memory_space<vmem>>[vector<16xi32>, vector<16xi32>], vector<16xf32>,
    %add3A_1828 = arith.constant 3 : i32
    %add3A_1829 = vector.broadcast %add3A_1828 : i32 to vector<16xi32>
    %add3A_1830 = arith.addi %broadcast_in_dim3A_1818, %add3A_1829 : vector<16xi32>
    %gather3A_1831 = tpu.vector_load_idx %arg22[%add3A_1816, %add3A_1830] : memref<128x8xf32, #tpu.memory_space<vmem>>[vector<16xi32>, vector<16xi32>], vector<16xf32>,
    %gather3A_1832 = tpu.vector_load_idx %arg24[%add3A_1816, %broadcast_in_dim3A_1818] : memref<128x8xf32, #tpu.memory_space<vmem>>[vector<16xi32>, vector<16xi32>], vector<16xf32>,
    %add3A_1833 = arith.constant 1 : i32
    %add3A_1834 = vector.broadcast %add3A_1833 : i32 to vector<16xi32>
    %add3A_1835 = arith.addi %broadcast_in_dim3A_1818, %add3A_1834 : vector<16xi32>
    %gather3A_1836 = tpu.vector_load_idx %arg24[%add3A_1816, %add3A_1835] : memref<128x8xf32, #tpu.memory_space<vmem>>[vector<16xi32>, vector<16xi32>], vector<16xf32>,
    %add3A_1837 = arith.constant 2 : i32
    %add3A_1838 = vector.broadcast %add3A_1837 : i32 to vector<16xi32>
    %add3A_1839 = arith.addi %broadcast_in_dim3A_1818, %add3A_1838 : vector<16xi32>
    %gather3A_1840 = tpu.vector_load_idx %arg24[%add3A_1816, %add3A_1839] : memref<128x8xf32, #tpu.memory_space<vmem>>[vector<16xi32>, vector<16xi32>], vector<16xf32>,
    %add3A_1841 = arith.constant 3 : i32
    %add3A_1842 = vector.broadcast %add3A_1841 : i32 to vector<16xi32>
    %add3A_1843 = arith.addi %broadcast_in_dim3A_1818, %add3A_1842 : vector<16xi32>
    %gather3A_1844 = tpu.vector_load_idx %arg24[%add3A_1816, %add3A_1843] : memref<128x8xf32, #tpu.memory_space<vmem>>[vector<16xi32>, vector<16xi32>], vector<16xf32>,
    %get3A_1845 = arith.constant 32 : index
    %get3A_1846 = tpu.vector_load %arg16[%get3A_1845] {strides = array<i32>} : memref<128xi32, #tpu.memory_space<vmem>>, vector<16xi32>,
    %convert_element_type3A_1847 = arith.sitofp %get3A_1846 : vector<16xi32> to vector<16xf32>
    %get3A_1848 = arith.constant 32 : index
    %get3A_1849 = tpu.vector_load %arg18[%get3A_1848] {strides = array<i32>} : memref<128xi32, #tpu.memory_space<vmem>>, vector<16xi32>,
    %convert_element_type3A_1850 = arith.sitofp %get3A_1849 : vector<16xi32> to vector<16xf32>
    %get3A_1851 = arith.constant 32 : index
    %get3A_1852 = tpu.vector_load %arg20[%get3A_1851] {strides = array<i32>} : memref<128xi32, #tpu.memory_space<vmem>>, vector<16xi32>,
    %convert_element_type3A_1853 = arith.sitofp %get3A_1852 : vector<16xi32> to vector<16xf32>
    %sub3A_1854 = arith.subf %gather3A_1832, %gather3A_1819 : vector<16xf32>
    %mul3A_1855 = arith.mulf %convert_element_type3A_1847, %gather3A : vector<16xf32>
    %add3A_1856 = arith.addf %sub3A_1854, %mul3A_1855 : vector<16xf32>
    %mul3A_1857 = arith.mulf %convert_element_type3A_1850, %gather3A_22 : vector<16xf32>
    %add3A_1858 = arith.addf %add3A_1856, %mul3A_1857 : vector<16xf32>
    %mul3A_1859 = arith.mulf %convert_element_type3A_1853, %gather3A_34 : vector<16xf32>
    %add3A_1860 = arith.addf %add3A_1858, %mul3A_1859 : vector<16xf32>
    %sub3A_1861 = arith.subf %gather3A_1836, %gather3A_1823 : vector<16xf32>
    %mul3A_1862 = arith.mulf %convert_element_type3A_1847, %gather3A_14 : vector<16xf32>
    %add3A_1863 = arith.addf %sub3A_1861, %mul3A_1862 : vector<16xf32>
    %mul3A_1864 = arith.mulf %convert_element_type3A_1850, %gather3A_26 : vector<16xf32>
    %add3A_1865 = arith.addf %add3A_1863, %mul3A_1864 : vector<16xf32>
    %mul3A_1866 = arith.mulf %convert_element_type3A_1853, %gather3A_38 : vector<16xf32>
    %add3A_1867 = arith.addf %add3A_1865, %mul3A_1866 : vector<16xf32>
    %sub3A_1868 = arith.subf %gather3A_1840, %gather3A_1827 : vector<16xf32>
    %mul3A_1869 = arith.mulf %convert_element_type3A_1847, %gather3A_18 : vector<16xf32>
    %add3A_1870 = arith.addf %sub3A_1868, %mul3A_1869 : vector<16xf32>
    %mul3A_1871 = arith.mulf %convert_element_type3A_1850, %gather3A_30 : vector<16xf32>
    %add3A_1872 = arith.addf %add3A_1870, %mul3A_1871 : vector<16xf32>
    %mul3A_1873 = arith.mulf %convert_element_type3A_1853, %gather3A_42 : vector<16xf32>
    %add3A_1874 = arith.addf %add3A_1872, %mul3A_1873 : vector<16xf32>
    %mul3A_1875 = arith.mulf %add3A_1860, %add3A_1860 : vector<16xf32>
    %mul3A_1876 = arith.mulf %add3A_1867, %add3A_1867 : vector<16xf32>
    %add3A_1877 = arith.addf %mul3A_1875, %mul3A_1876 : vector<16xf32>
    %mul3A_1878 = arith.mulf %add3A_1874, %add3A_1874 : vector<16xf32>
    %add3A_1879 = arith.addf %add3A_1877, %mul3A_1878 : vector<16xf32>
    %mul3A_1880 = arith.mulf %add3A_1879, %add3A_1879 : vector<16xf32>
    %mul3A_1881 = arith.mulf %mul3A_1880, %add3A_1879 : vector<16xf32>
    %mul3A_1882 = arith.constant 2.000000e+00 : f32
    %mul3A_1883 = vector.broadcast %mul3A_1882 : f32 to vector<16xf32>
    %mul3A_1884 = arith.mulf %gather3A_1831, %mul3A_1883 : vector<16xf32>
    %add3A_1885 = arith.addf %mul3A_1884, %gather3A_1844 : vector<16xf32>
    %convert_element_type3A_1886 = arith.fptosi %add3A_1885 : vector<16xf32> to vector<16xi32>
    %gather3A_1887 = tpu.vector_load_idx %arg28[%convert_element_type3A_1886] : memref<16xf32, #tpu.memory_space<vmem>>[vector<16xi32>], vector<16xf32>,
    %add3A_1888 = arith.constant 4 : i32
    %add3A_1889 = vector.broadcast %add3A_1888 : i32 to vector<16xi32>
    %add3A_1890 = arith.addi %convert_element_type3A_1886, %add3A_1889 : vector<16xi32>
    %gather3A_1891 = tpu.vector_load_idx %arg28[%add3A_1890] : memref<16xf32, #tpu.memory_space<vmem>>[vector<16xi32>], vector<16xf32>,
    %add3A_1892 = arith.constant 8 : i32
    %add3A_1893 = vector.broadcast %add3A_1892 : i32 to vector<16xi32>
    %add3A_1894 = arith.addi %convert_element_type3A_1886, %add3A_1893 : vector<16xi32>
    %gather3A_1895 = tpu.vector_load_idx %arg28[%add3A_1894] : memref<16xf32, #tpu.memory_space<vmem>>[vector<16xi32>], vector<16xf32>,
    %div3A_1896 = arith.divf %gather3A_1887, %mul3A_1881 : vector<16xf32>
    %sub3A_1897 = arith.constant 1.000000e+00 : f32
    %sub3A_1898 = vector.broadcast %sub3A_1897 : f32 to vector<16xf32>
    %sub3A_1899 = arith.subf %div3A_1896, %sub3A_1898 : vector<16xf32>
    %mul3A_1900 = arith.mulf %div3A_1896, %sub3A_1899 : vector<16xf32>
    %mul3A_1901 = arith.mulf %gather3A_1891, %mul3A_1900 : vector<16xf32>
    %sub3A_1902 = arith.subf %mul3A_1901, %gather3A_1895 : vector<16xf32>
    %get3A_1903 = arith.constant 32 : index
    %get3A_1904 = tpu.vector_load %arg26[%get3A_1903] {strides = array<i32>} : memref<64xi32, #tpu.memory_space<vmem>>, vector<16xi32>,
    %get3A_1905 = arith.constant 32 : index
    %get3A_1906 = tpu.vector_load %arg27[%get3A_1905] {strides = array<i32>} : memref<64xi32, #tpu.memory_space<vmem>>, vector<16xi32>,
    tpu.vector_store_idx %arg11[%get3A_1904], %sub3A_1902 {add = true} : memref<100352xf32, #tpu.memory_space<vmem>>[vector<16xi32>], vector<16xf32>,
    tpu.vector_store_idx %arg11[%get3A_1906], %sub3A_1902 {add = true} : memref<100352xf32, #tpu.memory_space<vmem>>[vector<16xi32>], vector<16xf32>,
    %add3A_1907 = arith.constant 48 : i32
    %add3A_1908 = vector.broadcast %add3A_1907 : i32 to vector<16xi32>
    %add3A_1909 = arith.addi %iota3A, %add3A_1908 : vector<16xi32>
    %broadcast_in_dim3A_1910 = arith.constant 0 : i32
    %broadcast_in_dim3A_1911 = vector.broadcast %broadcast_in_dim3A_1910 : i32 to vector<16xi32>
    %gather3A_1912 = tpu.vector_load_idx %arg22[%add3A_1909, %broadcast_in_dim3A_1911] : memref<128x8xf32, #tpu.memory_space<vmem>>[vector<16xi32>, vector<16xi32>], vector<16xf32>,
    %add3A_1913 = arith.constant 1 : i32
    %add3A_1914 = vector.broadcast %add3A_1913 : i32 to vector<16xi32>
    %add3A_1915 = arith.addi %broadcast_in_dim3A_1911, %add3A_1914 : vector<16xi32>
    %gather3A_1916 = tpu.vector_load_idx %arg22[%add3A_1909, %add3A_1915] : memref<128x8xf32, #tpu.memory_space<vmem>>[vector<16xi32>, vector<16xi32>], vector<16xf32>,
    %add3A_1917 = arith.constant 2 : i32
    %add3A_1918 = vector.broadcast %add3A_1917 : i32 to vector<16xi32>
    %add3A_1919 = arith.addi %broadcast_in_dim3A_1911, %add3A_1918 : vector<16xi32>
    %gather3A_1920 = tpu.vector_load_idx %arg22[%add3A_1909, %add3A_1919] : memref<128x8xf32, #tpu.memory_space<vmem>>[vector<16xi32>, vector<16xi32>], vector<16xf32>,
    %add3A_1921 = arith.constant 3 : i32
    %add3A_1922 = vector.broadcast %add3A_1921 : i32 to vector<16xi32>
    %add3A_1923 = arith.addi %broadcast_in_dim3A_1911, %add3A_1922 : vector<16xi32>
    %gather3A_1924 = tpu.vector_load_idx %arg22[%add3A_1909, %add3A_1923] : memref<128x8xf32, #tpu.memory_space<vmem>>[vector<16xi32>, vector<16xi32>], vector<16xf32>,
    %gather3A_1925 = tpu.vector_load_idx %arg24[%add3A_1909, %broadcast_in_dim3A_1911] : memref<128x8xf32, #tpu.memory_space<vmem>>[vector<16xi32>, vector<16xi32>], vector<16xf32>,
    %add3A_1926 = arith.constant 1 : i32
    %add3A_1927 = vector.broadcast %add3A_1926 : i32 to vector<16xi32>
    %add3A_1928 = arith.addi %broadcast_in_dim3A_1911, %add3A_1927 : vector<16xi32>
    %gather3A_1929 = tpu.vector_load_idx %arg24[%add3A_1909, %add3A_1928] : memref<128x8xf32, #tpu.memory_space<vmem>>[vector<16xi32>, vector<16xi32>], vector<16xf32>,
    %add3A_1930 = arith.constant 2 : i32
    %add3A_1931 = vector.broadcast %add3A_1930 : i32 to vector<16xi32>
    %add3A_1932 = arith.addi %broadcast_in_dim3A_1911, %add3A_1931 : vector<16xi32>
    %gather3A_1933 = tpu.vector_load_idx %arg24[%add3A_1909, %add3A_1932] : memref<128x8xf32, #tpu.memory_space<vmem>>[vector<16xi32>, vector<16xi32>], vector<16xf32>,
    %add3A_1934 = arith.constant 3 : i32
    %add3A_1935 = vector.broadcast %add3A_1934 : i32 to vector<16xi32>
    %add3A_1936 = arith.addi %broadcast_in_dim3A_1911, %add3A_1935 : vector<16xi32>
    %gather3A_1937 = tpu.vector_load_idx %arg24[%add3A_1909, %add3A_1936] : memref<128x8xf32, #tpu.memory_space<vmem>>[vector<16xi32>, vector<16xi32>], vector<16xf32>,
    %get3A_1938 = arith.constant 48 : index
    %get3A_1939 = tpu.vector_load %arg16[%get3A_1938] {strides = array<i32>} : memref<128xi32, #tpu.memory_space<vmem>>, vector<16xi32>,
    %convert_element_type3A_1940 = arith.sitofp %get3A_1939 : vector<16xi32> to vector<16xf32>
    %get3A_1941 = arith.constant 48 : index
    %get3A_1942 = tpu.vector_load %arg18[%get3A_1941] {strides = array<i32>} : memref<128xi32, #tpu.memory_space<vmem>>, vector<16xi32>,
    %convert_element_type3A_1943 = arith.sitofp %get3A_1942 : vector<16xi32> to vector<16xf32>
    %get3A_1944 = arith.constant 48 : index
    %get3A_1945 = tpu.vector_load %arg20[%get3A_1944] {strides = array<i32>} : memref<128xi32, #tpu.memory_space<vmem>>, vector<16xi32>,
    %convert_element_type3A_1946 = arith.sitofp %get3A_1945 : vector<16xi32> to vector<16xf32>
    %sub3A_1947 = arith.subf %gather3A_1925, %gather3A_1912 : vector<16xf32>
    %mul3A_1948 = arith.mulf %convert_element_type3A_1940, %gather3A : vector<16xf32>
    %add3A_1949 = arith.addf %sub3A_1947, %mul3A_1948 : vector<16xf32>
    %mul3A_1950 = arith.mulf %convert_element_type3A_1943, %gather3A_22 : vector<16xf32>
    %add3A_1951 = arith.addf %add3A_1949, %mul3A_1950 : vector<16xf32>
    %mul3A_1952 = arith.mulf %convert_element_type3A_1946, %gather3A_34 : vector<16xf32>
    %add3A_1953 = arith.addf %add3A_1951, %mul3A_1952 : vector<16xf32>
    %sub3A_1954 = arith.subf %gather3A_1929, %gather3A_1916 : vector<16xf32>
    %mul3A_1955 = arith.mulf %convert_element_type3A_1940, %gather3A_14 : vector<16xf32>
    %add3A_1956 = arith.addf %sub3A_1954, %mul3A_1955 : vector<16xf32>
    %mul3A_1957 = arith.mulf %convert_element_type3A_1943, %gather3A_26 : vector<16xf32>
    %add3A_1958 = arith.addf %add3A_1956, %mul3A_1957 : vector<16xf32>
    %mul3A_1959 = arith.mulf %convert_element_type3A_1946, %gather3A_38 : vector<16xf32>
    %add3A_1960 = arith.addf %add3A_1958, %mul3A_1959 : vector<16xf32>
    %sub3A_1961 = arith.subf %gather3A_1933, %gather3A_1920 : vector<16xf32>
    %mul3A_1962 = arith.mulf %convert_element_type3A_1940, %gather3A_18 : vector<16xf32>
    %add3A_1963 = arith.addf %sub3A_1961, %mul3A_1962 : vector<16xf32>
    %mul3A_1964 = arith.mulf %convert_element_type3A_1943, %gather3A_30 : vector<16xf32>
    %add3A_1965 = arith.addf %add3A_1963, %mul3A_1964 : vector<16xf32>
    %mul3A_1966 = arith.mulf %convert_element_type3A_1946, %gather3A_42 : vector<16xf32>
    %add3A_1967 = arith.addf %add3A_1965, %mul3A_1966 : vector<16xf32>
    %mul3A_1968 = arith.mulf %add3A_1953, %add3A_1953 : vector<16xf32>
    %mul3A_1969 = arith.mulf %add3A_1960, %add3A_1960 : vector<16xf32>
    %add3A_1970 = arith.addf %mul3A_1968, %mul3A_1969 : vector<16xf32>
    %mul3A_1971 = arith.mulf %add3A_1967, %add3A_1967 : vector<16xf32>
    %add3A_1972 = arith.addf %add3A_1970, %mul3A_1971 : vector<16xf32>
    %mul3A_1973 = arith.mulf %add3A_1972, %add3A_1972 : vector<16xf32>
    %mul3A_1974 = arith.mulf %mul3A_1973, %add3A_1972 : vector<16xf32>
    %mul3A_1975 = arith.constant 2.000000e+00 : f32
    %mul3A_1976 = vector.broadcast %mul3A_1975 : f32 to vector<16xf32>
    %mul3A_1977 = arith.mulf %gather3A_1924, %mul3A_1976 : vector<16xf32>
    %add3A_1978 = arith.addf %mul3A_1977, %gather3A_1937 : vector<16xf32>
    %convert_element_type3A_1979 = arith.fptosi %add3A_1978 : vector<16xf32> to vector<16xi32>
    %gather3A_1980 = tpu.vector_load_idx %arg28[%convert_element_type3A_1979] : memref<16xf32, #tpu.memory_space<vmem>>[vector<16xi32>], vector<16xf32>,
    %add3A_1981 = arith.constant 4 : i32
    %add3A_1982 = vector.broadcast %add3A_1981 : i32 to vector<16xi32>
    %add3A_1983 = arith.addi %convert_element_type3A_1979, %add3A_1982 : vector<16xi32>
    %gather3A_1984 = tpu.vector_load_idx %arg28[%add3A_1983] : memref<16xf32, #tpu.memory_space<vmem>>[vector<16xi32>], vector<16xf32>,
    %add3A_1985 = arith.constant 8 : i32
    %add3A_1986 = vector.broadcast %add3A_1985 : i32 to vector<16xi32>
    %add3A_1987 = arith.addi %convert_element_type3A_1979, %add3A_1986 : vector<16xi32>
    %gather3A_1988 = tpu.vector_load_idx %arg28[%add3A_1987] : memref<16xf32, #tpu.memory_space<vmem>>[vector<16xi32>], vector<16xf32>,
    %div3A_1989 = arith.divf %gather3A_1980, %mul3A_1974 : vector<16xf32>
    %sub3A_1990 = arith.constant 1.000000e+00 : f32
    %sub3A_1991 = vector.broadcast %sub3A_1990 : f32 to vector<16xf32>
    %sub3A_1992 = arith.subf %div3A_1989, %sub3A_1991 : vector<16xf32>
    %mul3A_1993 = arith.mulf %div3A_1989, %sub3A_1992 : vector<16xf32>
    %mul3A_1994 = arith.mulf %gather3A_1984, %mul3A_1993 : vector<16xf32>
    %sub3A_1995 = arith.subf %mul3A_1994, %gather3A_1988 : vector<16xf32>
    %get3A_1996 = arith.constant 48 : index
    %get3A_1997 = tpu.vector_load %arg26[%get3A_1996] {strides = array<i32>} : memref<64xi32, #tpu.memory_space<vmem>>, vector<16xi32>,
    %get3A_1998 = arith.constant 48 : index
    %get3A_1999 = tpu.vector_load %arg27[%get3A_1998] {strides = array<i32>} : memref<64xi32, #tpu.memory_space<vmem>>, vector<16xi32>,
    tpu.vector_store_idx %arg11[%get3A_1997], %sub3A_1995 {add = true} : memref<100352xf32, #tpu.memory_space<vmem>>[vector<16xi32>], vector<16xf32>,
    tpu.vector_store_idx %arg11[%get3A_1999], %sub3A_1995 {add = true} : memref<100352xf32, #tpu.memory_space<vmem>>[vector<16xi32>], vector<16xf32>,
    "tpu.region"() ({
      %run_scoped3A = tpu.sem_alloc : memref<!tpu.dma_semaphore, #tpu.memory_space<semaphore_mem>>
      %dma_start3A_2000 = arith.constant 0 : i32
      %dma_start3A_2001 = tpu.memref_slice %arg10[%add3A, %dma_start3A_2000] : memref<32x100352xf32, #tpu.memory_space<hbm>> -> memref<1x100352xf32, #tpu.memory_space<hbm>>
      %dma_start3A_2002 = tpu.memref_squeeze %dma_start3A_2001 : memref<1x100352xf32, #tpu.memory_space<hbm>> -> memref<100352xf32, #tpu.memory_space<hbm>>
      %dma_start3A_2003 = arith.constant 0 : i32
      %dma_start3A_2004 = tpu.memref_slice %arg10[%add3A, %dma_start3A_2003] : memref<32x100352xf32, #tpu.memory_space<hbm>> -> memref<1x100352xf32, #tpu.memory_space<hbm>>
      %dma_start3A_2005 = tpu.memref_squeeze %dma_start3A_2004 : memref<1x100352xf32, #tpu.memory_space<hbm>> -> memref<100352xf32, #tpu.memory_space<hbm>>
      tpu.enqueue_dma source(%arg11 : memref<100352xf32, #tpu.memory_space<vmem>>) target(%dma_start3A_2005 : memref<100352xf32, #tpu.memory_space<hbm>>) target_semaphore(%run_scoped3A : memref<!tpu.dma_semaphore, #tpu.memory_space<semaphore_mem>>)
      %dma_wait3A_2006 = arith.constant 0 : i32
      %dma_wait3A_2007 = tpu.memref_slice %arg10[%add3A, %dma_wait3A_2006] : memref<32x100352xf32, #tpu.memory_space<hbm>> -> memref<1x100352xf32, #tpu.memory_space<hbm>>
      %dma_wait3A_2008 = tpu.memref_squeeze %dma_wait3A_2007 : memref<1x100352xf32, #tpu.memory_space<hbm>> -> memref<100352xf32, #tpu.memory_space<hbm>>
      %dma_wait3A_2009 = arith.constant 0 : i32
      %dma_wait3A_2010 = tpu.memref_slice %arg10[%add3A, %dma_wait3A_2009] : memref<32x100352xf32, #tpu.memory_space<hbm>> -> memref<1x100352xf32, #tpu.memory_space<hbm>>
      %dma_wait3A_2011 = tpu.memref_squeeze %dma_wait3A_2010 : memref<1x100352xf32, #tpu.memory_space<hbm>> -> memref<100352xf32, #tpu.memory_space<hbm>>
      tpu.wait_dma2 semaphore(%run_scoped3A : memref<!tpu.dma_semaphore, #tpu.memory_space<semaphore_mem>>) src(%arg11 : memref<100352xf32, #tpu.memory_space<vmem>>) dst(%dma_wait3A_2011 : memref<100352xf32, #tpu.memory_space<hbm>>)
      tpu.yield
    }) : () -> ()
    return
  }
}

module attributes {stable_mosaic.version = 14 : i64} {
  func.func @body(%arg0: i32, %arg1: memref<3x2048xf32, #tpu.memory_space<vmem>>, %arg2: memref<1x2048xf32, #tpu.memory_space<vmem>>, %arg3: memref<2048x8xf32, #tpu.memory_space<vmem>>) attributes {dimension_semantics = [#tpu.dimension_semantics<arbitrary>], iteration_bounds = array<i64: 49>, scalar_prefetch = 0 : i64, scratch_operands = 0 : i64, tpu.core_type = #tpu.core_type<tc>, window_params = [{transform_indices = @transform_0, window_bounds = array<i64: 3, 2048>}, {transform_indices = @transform_1, window_bounds = array<i64: 1, 2048>}, {transform_indices = @transform_2, window_bounds = array<i64: 2048, 8>}]} {
    %get3A = arith.constant 0 : index
    %get3A_0 = arith.constant 0 : index
    %get3A_1 = vector.load %arg1[%get3A, %get3A_0] : memref<3x2048xf32, #tpu.memory_space<vmem>>, vector<3x2048xf32>
    %get3A_2 = arith.constant 0 : index
    %get3A_3 = arith.constant 0 : index
    %get3A_4 = vector.load %arg2[%get3A_2, %get3A_3] : memref<1x2048xf32, #tpu.memory_space<vmem>>, vector<1x2048xf32>
    %broadcast_in_dim3A = arith.constant 0.000000e+00 : f32
    %broadcast_in_dim3A_5 = vector.broadcast %broadcast_in_dim3A : f32 to vector<4x2048xf32>
    %concatenate3A = tpu.concatenate %get3A_1, %get3A_4, %broadcast_in_dim3A_5 in 0 : vector<3x2048xf32>, vector<1x2048xf32>, vector<4x2048xf32> -> vector<8x2048xf32>
    %transpose3A = tpu.transpose %concatenate3A, [1, 0] : vector<8x2048xf32> -> vector<2048x8xf32>
    %swap3A = arith.constant 0 : index
    %swap3A_6 = arith.constant 0 : index
    %swap3A_7 = vector.load %arg3[%swap3A, %swap3A_6] : memref<2048x8xf32, #tpu.memory_space<vmem>>, vector<2048x8xf32>
    tpu.vector_store %arg3[%swap3A, %swap3A_6], %transpose3A {strides = array<i32>} : memref<2048x8xf32, #tpu.memory_space<vmem>>, vector<2048x8xf32>,
    return
  }
  func.func @transform_0(%arg0: i32) -> (i32, i32) {
    %c0_i32 = arith.constant 0 : i32
    %c0_i32_0 = arith.constant 0 : i32
    return %c0_i32, %arg0 : i32, i32
  }
  func.func @transform_1(%arg0: i32) -> (i32, i32) {
    %c0_i32 = arith.constant 0 : i32
    %c0_i32_0 = arith.constant 0 : i32
    return %c0_i32, %arg0 : i32, i32
  }
  func.func @transform_2(%arg0: i32) -> (i32, i32) {
    %c0_i32 = arith.constant 0 : i32
    %c0_i32_0 = arith.constant 0 : i32
    return %arg0, %c0_i32 : i32, i32
  }
}

module attributes {stable_mosaic.version = 14 : i64} {
  func.func @body(%arg0: i32, %arg1: memref<32x1024xf32, #tpu.memory_space<vmem>>, %arg2: memref<1x1024xf32, #tpu.memory_space<vmem>>) attributes {dimension_semantics = [#tpu.dimension_semantics<arbitrary>], iteration_bounds = array<i64: 98>, scalar_prefetch = 0 : i64, scratch_operands = 0 : i64, tpu.core_type = #tpu.core_type<tc>, window_params = [{transform_indices = @transform_0, window_bounds = array<i64: 32, 1024>}, {transform_indices = @transform_1, window_bounds = array<i64: 1, 1024>}]} {
    %get3A = arith.constant 0 : index
    %get3A_0 = arith.constant 0 : index
    %get3A_1 = vector.load %arg1[%get3A, %get3A_0] : memref<32x1024xf32, #tpu.memory_space<vmem>>, vector<32x1024xf32>
    %reduce_sum3A = arith.constant dense<0.000000e+00> : vector<1024xf32>
    %reduce_sum3A_2 = vector.multi_reduction <add>, %get3A_1, %reduce_sum3A [0] : vector<32x1024xf32> to vector<1024xf32>
    %broadcast_in_dim3A = vector.shape_cast %reduce_sum3A_2 : vector<1024xf32> to vector<1x1024xf32>
    %swap3A = arith.constant 0 : index
    %swap3A_3 = arith.constant 0 : index
    %swap3A_4 = vector.load %arg2[%swap3A, %swap3A_3] : memref<1x1024xf32, #tpu.memory_space<vmem>>, vector<1x1024xf32>
    tpu.vector_store %arg2[%swap3A, %swap3A_3], %broadcast_in_dim3A {strides = array<i32>} : memref<1x1024xf32, #tpu.memory_space<vmem>>, vector<1x1024xf32>,
    return
  }
  func.func @transform_0(%arg0: i32) -> (i32, i32) {
    %c0_i32 = arith.constant 0 : i32
    %c0_i32_0 = arith.constant 0 : i32
    return %c0_i32, %arg0 : i32, i32
  }
  func.func @transform_1(%arg0: i32) -> (i32, i32) {
    %c0_i32 = arith.constant 0 : i32
    %c0_i32_0 = arith.constant 0 : i32
    return %c0_i32, %arg0 : i32, i32
  }
}

</mosaic_0001>

<sc_bundles>
// kernel: kernel.5.cloned.1.call-start
scs
__scs_entry_jumppad:
0x0: {  	(pc) =	sbr.rel $0x88, $3  }
0x1: {  	(tag) =	ssettag $0x0;
	lr =	simm.s32 $0x1  }
0x2: {  	[smem:$0x3F98] =	sst lr;
	_ =	strace $0xD0000000  }
0x3: {  	_ = 	snop  }
0x4: {  	_ = 	snop  }
0x5: {  	_ = 	snop  }
0x6: {  	_ = 	snop  }
0x7: {  	_ = 	snop  }
__scs_overlays_trampoline_lowered:
0x8: {  	[smem:$0x3FA7] =	sst s0  }
0x9: {  	[smem:$0x3FA8] =	sst s1  }
0xa: {  	[smem:$0x3FA9] =	sst s2  }
0xb: {  	[smem:$0x3FAA] =	sst s3  }
0xc: {  	[smem:$0x3FAB] =	sst s4  }
0xd: {  	[smem:$0x3FAC] =	sst s5  }
0xe: {  	[smem:$0x3FAD] =	sst s6  }
0xf: {  	[smem:$0x3FAE] =	sst s7  }
0x10: {  	[smem:$0x3FAF] =	sst s8  }
0x11: {  	[smem:$0x3FB0] =	sst s9;
	s0 =	simm.s32 @!p0 $0x0  }
0x12: {  	s1 =	sld [smem:$0x3F96];
	s0 =	simm.s32 @p0 $0x1  }
0x13: {  	[smem:$0x3FB1] =	sst s0;
	s0 =	simm.s32 @!p1 $0x0  }
0x14: {  	s2 =	sld [smem:$0x3F95];
	s0 =	simm.s32 @p1 $0x1  }
0x15: {  	[smem:$0x3FB2] =	sst s0;
	s0 =	simm.s32 @!p2 $0x0  }
0x16: {  	s3 =	sld [smem:$0x3FDB];
	s0 =	simm.s32 @p2 $0x1  }
0x17: {  	s4 =	simm.s32 $0x1BF5;
	[smem:$0x3FB4] =	sst s0  }
0x18: {  	s0 =	sld [smem:$0x3F97];
	_ =	swait.ge [sflag:s4], $0x0  }
0x19: {  	s7 =	sld [smem:$0x3F98]  }
0x1a: {  	s8 =	sadd.s32 $0xFFFFE003, lr  }
0x1b: {  	s9 =	sadd.s32 $0xFFFFFEF7, lr;
	s5 =	simm.s32 $0xFFFFFFFF;
	p2 =	slt.u32 s8, $0xFFFFF086  }
0x1c: {  	p1 =	slt.u32 s9, $0xF7A;
	s5 =	simm.s32 @!p2 $0x0  }
0x1d: {  	s5 =	simm.s32 @p1 $0x1;
	p0 =	seq.s32 s7, s2  }
0x1e: {  	s7 =	smul.u32 @!p0 $0xF7A, s2;
	p2 =	seq.s32 @!p0 s5, $0x0  }
0x1f: {  	s9 =	smul.u32 $0xF7A, s1;
	s8 =	simm.s32 @!p0 $0x1BF5;
	p2 =	por !p2, p0  }
0x20: {  	[sflag:s8] =	ssyncset.s32 @!p0 $0xFFFFF086;
	s6 =	sadd.s32 @!p0 s3, s7;
	s7 =	simm.s32 @!p0 $0x108  }
0x21: {  	s3 =	sadd.s32 s3, s9;
	s6 =	sadd.s32 @!p0 $0x88, s6;
	s7 =	simm.s32 @p2 $0x1082  }
0x22: {  	[simem:s7], [sflag:s8] =	dma.local @!p0 [hbm:s6], $0xF7A  }
0x23: {  	s9 =	sor.u32 $0xD0000000, s2;
	s6 =	simm.s32 $0x108;
	_ =	swait.ge @!p0 [sflag:s8], $0x0  }
0x24: {  	s3 =	sadd.s32 $0x88, s3;
	s6 =	simm.s32 @!p1 $0x1082;
	[sflag:s4] =	ssyncset.s32 $0xFFFFF086  }
0x25: {  	[simem:s6], [sflag:s4] =	dma.local [hbm:s3], $0xF7A  }
0x26: {  	[smem:$0x3F98] =	sst s1;
	(tag) =	ssettag s2;
	_ =	strace s9  }
0x27: {  	s1 =	sld [smem:$0x3FA8]  }
0x28: {  	s2 =	sld [smem:$0x3FA9]  }
0x29: {  	s4 =	sld [smem:$0x3FAB]  }
0x2a: {  	p0 =	seq.s32 s5, $0x0;
	s5 =	sld [smem:$0x3FAC]  }
0x2b: {  	s6 =	sld [smem:$0x3FAD]  }
0x2c: {  	s7 =	sld [smem:$0x3FAE]  }
0x2d: {  	s3 =	simm.s32 $0x108;
	s8 =	sld [smem:$0x3FAF]  }
0x2e: {  	s3 =	simm.s32 @!p0 $0x1082;
	s9 =	sld [smem:$0x3FB0]  }
0x2f: {  	lr =	sadd.s32 s0, s3;
	s0 =	sld [smem:$0x3FA7]  }
0x30: {  	s3 =	sld [smem:$0x3FAA]  }
0x31: {  	[smem:$0x3FB3] =	sst s10  }
0x32: {  	s10 =	sld [smem:$0x3FB1];
	_ =	sdelay $0x3  }
0x33: {  	p0 =	seq.s32 s10, $0x1;
	s10 =	sld [smem:$0x3FB3];
	_ =	sdelay $0x3  }
0x34: {  	[smem:$0x3FB3] =	sst s10  }
0x35: {  	s10 =	sld [smem:$0x3FB2];
	_ =	sdelay $0x3  }
0x36: {  	p1 =	seq.s32 s10, $0x1;
	s10 =	sld [smem:$0x3FB3];
	_ =	sdelay $0x3  }
0x37: {  	[smem:$0x3FB3] =	sst s10  }
0x38: {  	s10 =	sld [smem:$0x3FB4]  }
0x39: {  	_ = 	snop;
	(pc) =	sbr.ind lr, $3  }
0x3a: {  	_ = 	snop  }
0x3b: {  	_ = 	snop  }
0x3c: {  	p2 =	seq.s32 s10, $0x1;
	s10 =	sld [smem:$0x3FB3]  }
0x3d: {  	_ =	shalt  }
0x3e: {  	_ =	shalt  }
0x3f: {  	_ =	shalt  }
0x40: {  	_ =	shalt  }
0x41: {  	_ =	shalt  }
0x42: {  	_ =	shalt  }
0x43: {  	_ =	shalt  }
0x44: {  	_ =	shalt  }
0x45: {  	_ =	shalt  }
0x46: {  	_ =	shalt  }
0x47: {  	_ =	shalt  }
0x48: {  	_ =	shalt  }
0x49: {  	_ =	shalt  }
0x4a: {  	_ =	shalt  }
0x4b: {  	_ =	shalt  }
0x4c: {  	_ =	shalt  }
0x4d: {  	_ =	shalt  }
0x4e: {  	_ =	shalt  }
0x4f: {  	_ =	shalt  }
0x50: {  	_ =	shalt  }
0x51: {  	_ =	shalt  }
0x52: {  	_ =	shalt  }
0x53: {  	_ =	shalt  }
0x54: {  	_ =	shalt  }
0x55: {  	_ =	shalt  }
0x56: {  	_ =	shalt  }
0x57: {  	_ =	shalt  }
0x58: {  	_ =	shalt  }
0x59: {  	_ =	shalt  }
0x5a: {  	_ =	shalt  }
0x5b: {  	_ =	shalt  }
0x5c: {  	_ =	shalt  }
0x5d: {  	_ =	shalt  }
0x5e: {  	_ =	shalt  }
0x5f: {  	_ =	shalt  }
0x60: {  	_ =	shalt  }
0x61: {  	_ =	shalt  }
0x62: {  	_ =	shalt  }
0x63: {  	_ =	shalt  }
0x64: {  	_ =	shalt  }
0x65: {  	_ =	shalt  }
0x66: {  	_ =	shalt  }
0x67: {  	_ =	shalt  }
0x68: {  	_ =	shalt  }
0x69: {  	_ =	shalt  }
0x6a: {  	_ =	shalt  }
0x6b: {  	_ =	shalt  }
0x6c: {  	_ =	shalt  }
0x6d: {  	_ =	shalt  }
0x6e: {  	_ =	shalt  }
0x6f: {  	_ =	shalt  }
0x70: {  	_ =	shalt  }
0x71: {  	_ =	shalt  }
0x72: {  	_ =	shalt  }
0x73: {  	_ =	shalt  }
0x74: {  	_ =	shalt  }
0x75: {  	_ =	shalt  }
0x76: {  	_ =	shalt  }
0x77: {  	_ =	shalt  }
0x78: {  	_ =	shalt  }
0x79: {  	_ =	shalt  }
0x7a: {  	_ =	shalt  }
0x7b: {  	_ =	shalt  }
0x7c: {  	_ =	shalt  }
0x7d: {  	_ =	shalt  }
0x7e: {  	_ =	shalt  }
0x7f: {  	_ =	shalt  }
0x80: {  	_ =	shalt  }
0x81: {  	_ =	shalt  }
0x82: {  	_ =	shalt  }
0x83: {  	_ =	shalt  }
0x84: {  	_ =	shalt  }
0x85: {  	_ =	shalt  }
0x86: {  	_ =	shalt  }
0x87: {  	_ =	shalt  }
.Lfunc_end0:
.L_simem_size_0:
called_computation_lowered:
.L_overlay_start_0:
0x88: {  	s2 =	sld [smem:$0x3FD9]  }
0x89: {  	s3 =	sld [smem:$0x3FFE];
	_ =	sdelay $0x1  }
0x8a: {  	s1 =	srdreg.scid  }
0x8b: {  	s0 =	sand.u32 $0x1, s1  }
0x8c: {  	s17 =	sshll.u32 s0, $0xA;
	s2 =	sadd.s32 s3, s2  }
0x8d: {  	s2 =	sadd.s32 s2, s17  }
0x8e: {  	[smem:$0x3FBF] =	sst s2  }
0x8f: {  	_ = 	snop  }
0x90: {  	s2 =	sld [smem:$0x3FC6]  }
0x91: {  	s18 =	sld [smem:$0x3FC5]  }
0x92: {  	s4 =	sld [smem:$0x3FD0];
	(tm) =	ssettm $0x1  }
0x93: {  	s5 =	sld [smem:$0x3FFB];
	_ =	sdelay $0x3  }
0x94: {  	_ =	strace s5  }
0x95: {  	s5 =	sld [smem:$0x3FFC];
	_ =	sdelay $0x3  }
0x96: {  	_ =	strace s5  }
0x97: {  	s5 =	sld [smem:$0x3FFD];
	_ =	sdelay $0x3  }
0x98: {  	_ =	strace s5  }
0x99: {  	_ =	strace $0x8FFFFFFF  }
0x9a: {  	s19 =	sld [smem:$0x3FDB];
	_ =	sdelay $0x1  }
0x9b: {  	s6 =	simm.s32 $_scs_section_size  }
0x9c: {  	s7 =	simm.s32 $_size__tile_overlayer_lowered;
	s8 =	simm.s32 $_tile_overlayer_lowered  }
0x9d: {  	s22 =	simm.s32 $0x1BFF;
	s21 =	sshll.u32 s8, $0x1;
	s5 =	sadd.s32 s6, s19  }
0x9e: {  	s9 =	simm.s32 $0x0;
	s20 =	sshll.u32 s7, $0x1;
	s7 =	sadd.s32 s21, s5  }
0x9f: {  	[timem:s9], [sflag:s22] =	dma.local [hbm:s7], s20  }
0xa0: {  	_ =	swait.ge [sflag:s22], s20  }
0xa1: {  	s6 =	ssub.s32 $0x0, s20;
	[sflag:s22] =	ssyncset.done $0x0  }
0xa2: {  	[sflag:s22] =	ssyncadd.s32 s6;
	_ =	sdelay $0x1  }
0xa3: {  	s23 =	simm.s32 $0x1B8B  }
0xa4: {  	_ =	swait.ge [sflag:s23], $0x1  }
0xa5: {  	[sflag:s23] =	ssyncset.done $0x0  }
0xa6: {  	s25 =	simm.s32 $0x1B8E;
	s24 =	sld [smem:$0x3FFE];
	[sflag:s23] =	ssyncadd.s32 $0xFFFFFFFF  }
0xa7: {  	s26 =	simm.s32 $execute0_lowered;
	[smem:$0x3FD2] =	sst s25  }
0xa8: {  	s7 =	sshll.u32 s26, $0x1;
	_ =	strace $0x80000046;
	[dreg:$0x1] =	wrdreg $0xFFFFFFFF  }
0xa9: {  	s28 =	simm.s32 $_size_execute0_lowered;
	s5 =	sadd.s32 s5, s7;
	[dreg:$0x0] =	wrdreg $0x0  }
0xaa: {  	s7 =	sshll.u32 s28, $0x1;
	[dreg:$0x2] =	wrdreg s5  }
0xab: {  	[dreg:$0x3] =	wrdreg s7  }
0xac: {  	[dreg:$0x4] =	wrdreg $0xC0  }
0xad: {  	_ =	task [dreg:s9], $0x5FFFF  }
0xae: {  	[dreg:$0x1] =	wrdreg $0xFFFFFFFF  }
0xaf: {  	[dreg:$0x0] =	wrdreg $0x60  }
0xb0: {  	[dreg:$0x2] =	wrdreg s24  }
0xb1: {  	[dreg:$0x3] =	wrdreg s2  }
0xb2: {  	[dreg:$0x4] =	wrdreg s18  }
0xb3: {  	[dreg:$0x5] =	wrdreg s4  }
0xb4: {  	[dreg:$0x6] =	wrdreg $0x9  }
0xb5: {  	_ =	task.clear_ibuf [dreg:s9], $0x7FFFF;
	_ =	strace $0x90000046  }
0xb6: {  	s29 =	simm.s32 $0x9;
	_ =	strace $0x80000048  }
0xb7: {  	_ =	swait.ge [sflag:s29], $0x1  }
0xb8: {  	[sflag:s29] =	ssyncadd.s32 $0xFFFFFFFF  }
0xb9: {  	_ =	strace $0x90000048  }
0xba: {  	_ =	sfence  }
0xbb: {  	s30 =	sld [smem:$0x0];
	_ =	sdelay $0x2  }
0xbc: {  	s31 =	sshll.u32 s1, $0xD;
	s1 =	sshrl.u32 s1, $0x2  }
0xbd: {  	s3 =	sand.u32 $0x4000, s31;
	s1 =	sadd.s32 s1, s30  }
0xbe: {  	s0 =	sor.u32 s3, s0;
	s1 =	sshll.u32 s1, $0x11  }
0xbf: {  	s0 =	sor.u32 s1, s0  }
0xc0: {  	s0 =	sadd.s32 $0x8F2B, s0  }
0xc1: {  	[sflag:s0] =	ssyncadd.remote.s32 $0x1  }
0xc2: {  	_ =	sfence.sel $0xFFFF  }
0xc3: {  	[dreg:$0x0] =	wrdreg $0xFFFFFFFF;
	(pc) =	sbr.abs _section_cstart, $3  }
0xc4: {  	[dreg:$0x1] =	wrdreg $0xFFFFFFFF  }
0xc5: {  	_ =	task.clear_ibuf [dreg:s9], $0x2FFFF;
	_ =	strace $0x9FFFFFFF  }
0xc6: {  	(tm) =	ssettm $0x7FFFFFFF  }
0xc7: {  	_ =	shalt  }
tec
execute0_lowered:
.L_overlay_start_1:
0x0: {  	(tag) =	ssettag $0x1  }
0x1: {  	s0 =	rddreg [dreg:$0x0]  }
0x2: {  	s2 =	srdreg.scid;
	s1 =	stileid.u32  }
0x3: {  	s3 =	rddreg [dreg:$0x1];
	s2 =	sand.u32 $0x1, s2;
	s4 =	sshll.u32 s1, $0x1  }
0x4: {  	s14 =	rddreg [dreg:$0x2];
	s5 =	simm.s32 $0x0;
	s4 =	sor.u32 s2, s4  }
0x5: {  	[smem:$0x7FF] =	sst s5;
	s10 =	smul.u32 $0x3100, s4  }
0x6: {  	s6 =	sadd.s32 $0x188800, s0;
	s7 =	sadd.s32 $0x1A1000, s0;
	s4 =	smul.u32 $0x30D40, s4  }
0x7: {  	s8 =	sadd.s32 $0xC3E00, s0;
	s11 =	smul.u32 $0x61A80, s1;
	s16 =	sadd.s32 $0x600, s0  }
0x8: {  	_ =	strace $0x80000047;
	s12 =	ssub.s32 $0x2, s2;
	s4 =	sshrl.u32 s4, $0x3  }
0x9: {  	s2 =	smul.u32 $0x30D40, s2;
	[dreg:$0xa] =	wrdreg s16;
	s18 =	sadd.s32 s3, s4  }
0xa: {  	s9 =	sadd.s32 $0x800, s0;
	s19 =	sadd.s32 s14, s4;
	[dreg:$0xb] =	wrdreg s18  }
0xb: {  	s2 =	sadd.s32 s2, s11;
	s20 =	sadd.s32 s7, s4;
	[dreg:$0xc] =	wrdreg s19  }
0xc: {  	s0 =	sadd.s32 s10, s0;
	s21 =	sadd.s32 s8, s4;
	[dreg:$0xd] =	wrdreg s20  }
0xd: {  	s11 =	sadd.s32 $0x180, s2;
	s22 =	sadd.s32 s9, s4;
	[dreg:$0xe] =	wrdreg s21  }
0xe: {  	s23 =	sadd.s32 $0x10, s4;
	s0 =	sadd.s32 $0x264600, s0;
	[dreg:$0xf] =	wrdreg s22  }
0xf: {  	s11 =	sshrl.u32 s11, $0x3;
	s24 =	sadd.s32 s3, s23;
	[dreg:$0x1a] =	wrdreg s0  }
0x10: {  	s13 =	sadd.s32 s11, s9;
	[dreg:$0x10] =	wrdreg s24  }
0x11: {  	s26 =	sadd.s32 s14, s23;
	[dreg:$0x5] =	wrdreg s13  }
0x12: {  	s25 =	sadd.s32 s11, s8;
	[dreg:$0x11] =	wrdreg s26  }
0x13: {  	s30 =	simm.s32 $0x19D80;
	s16 =	sadd.s32 s7, s23;
	[dreg:$0x6] =	wrdreg s25  }
0x14: {  	s17 =	sshrl.u32 s12, $0x1;
	s15 =	sadd.s32 s11, s7;
	[dreg:$0x12] =	wrdreg s16  }
0x15: {  	s10 =	ssub.s32 s12, s17;
	s17 =	sadd.s32 s11, s14;
	[dreg:$0x7] =	wrdreg s15  }
0x16: {  	s28 =	simm.s32 $0x4;
	s18 =	sadd.s32 s8, s23;
	[dreg:$0x8] =	wrdreg s17  }
0x17: {  	v0 =	vimm.f32 $0.0e+00;
	v1 =	vimm.s32 $0x1;
	v4 =	vlaneseq.u32;
	s29 =	simm.s32 $0x6;
	s19 =	sadd.s32 s9, s23;
	[dreg:$0x13] =	wrdreg s18  }
0x18: {  	v2 =	vimm.s32 $0x2;
	v3 =	vimm.s32 $0x3;
	v4 =	vmul.u32 $0x8, v4;
	s4 =	sadd.s32 $0x61A0, s4;
	s11 =	sadd.s32 s11, s3;
	[dreg:$0x14] =	wrdreg s19  }
0x19: {  	v5 =	vimm.s32 $0x4;
	v6 =	vimm.s32 $0x5;
	v7 =	vimm.s32 $0x6;
	s31 =	simm.s32 $0x0;
	s20 =	sadd.s32 s3, s4;
	[dreg:$0x9] =	wrdreg s11  }
0x1a: {  	v8 =	vimm.s32 $0x7;
	v9 =	vimm.s32 $0x8;
	s1 =	simm.s32 $0x7;
	v10 =	vor.u32 $0x1, v4;
	s21 =	sadd.s32 s14, s4;
	[dreg:$0x15] =	wrdreg s20  }
0x1b: {  	v11 =	vor.u32 $0x2, v4;
	v12 =	vor.u32 $0x3, v4;
	v13 =	vor.u32 $0x80, v4;
	s12 =	simm.s32 $0x18B00;
	s22 =	sadd.s32 s7, s4;
	[dreg:$0x16] =	wrdreg s21  }
0x1c: {  	v14 =	vor.u32 $0x81, v4;
	v15 =	vor.u32 $0x82, v4;
	v16 =	vor.u32 $0x83, v4;
	s23 =	sadd.s32 s8, s4;
	s14 =	simm.s32 $0x80;
	[dreg:$0x17] =	wrdreg s22  }
0x1d: {  	v17 =	vor.u32 $0x100, v4;
	v18 =	vor.u32 $0x101, v4;
	v19 =	vor.u32 $0x102, v4;
	[dreg:$0x18] =	wrdreg s23;
	s24 =	sadd.s32 s9, s4;
	s25 =	smax.u32 s10, $0x1  }
0x1e: {  	v20 =	vor.u32 $0x103, v4;
	v21 =	vor.u32 $0x180, v4;
	v22 =	vor.u32 $0x181, v4;
	s26 =	sadd.s32 $0x100, s2;
	s19 =	simm.s32 $0x19D90;
	s2 =	simm.s32 $0x18800  }
0x1f: {  	v23 =	vor.u32 $0x182, v4;
	v24 =	vor.u32 $0x183, v4;
	v25 =	vor.u32 $0x200, v4;
	s4 =	simm.s32 $0x18900;
	s11 =	simm.s32 $0x18A00;
	s21 =	simm.s32 $0x18C00  }
0x20: {  	v26 =	vor.u32 $0x201, v4;
	v27 =	vor.u32 $0x202, v4;
	v28 =	vor.u32 $0x203, v4;
	s13 =	simm.s32 $0x1;
	s15 =	simm.s32 $0x18D00;
	s16 =	simm.s32 $0x19500  }
0x21: {  	v29 =	vor.u32 $0x280, v4;
	v30 =	vor.u32 $0x281, v4;
	v31 =	vor.u32 $0x282, v4;
	s17 =	simm.s32 $0x18880;
	s18 =	simm.s32 $0x18980;
	[dreg:$0x19] =	wrdreg s24  }
0x22: {  	v32 =	vor.u32 $0x283, v4;
	v33 =	vor.u32 $0x300, v4;
	v34 =	vor.u32 $0x301, v4;
	s20 =	simm.s32 $0x18A80;
	s10 =	simm.s32 $0x18B80;
	[dreg:$0x1b] =	wrdreg s25  }
0x23: {  	v35 =	vor.u32 $0x302, v4;
	v36 =	vor.u32 $0x303, v4;
	v37 =	vor.u32 $0x380, v4;
	s22 =	simm.s32 $0x2;
	s23 =	simm.s32 $0x19100;
	[dreg:$0x1c] =	wrdreg s26  }
0x24: {  	v38 =	vor.u32 $0x381, v4;
	v39 =	vor.u32 $0x382, v4;
	v40 =	vor.u32 $0x383, v4;
	s24 =	simm.s32 $0x19900;
	s25 =	simm.s32 $0x3;
	s26 =	simm.s32 $0x5  }
.LBB2_1:
0x25: {  	[dreg:$0x1d] =	wrdreg s31  }
0x26: {  	s0 =	rddreg [dreg:$0x3]  }
0x27: {  	[tilespmem:s30], [sflag:$0x7] =	stream.linear.gather [hbm4b:s0+s5], $0x10, $0x38;
	[tilespmem:$0x19DA0] =	vst v63  }
0x28: {  	_ =	swait.ge [sflag:s1], $0x10  }
0x29: {  	[sflag:s1] =	ssyncset.done $0x0  }
0x2a: {  	s0 =	rddreg [dreg:$0xa];
	[sflag:s1] =	ssyncadd.s32 $0xFFFFFFF0  }
0x2b: {  	[tilespmem:s19], [sflag:$0x7] =	stream.linear.gather [hbm4b:s0+s5], $0x10, $0x38;
	[tilespmem:$0x19DA0] =	vst v63  }
0x2c: {  	_ =	swait.ge [sflag:s1], $0x10  }
0x2d: {  	[sflag:s1] =	ssyncset.done $0x0  }
0x2e: {  	s31 =	simm.s32 $0x0;
	s0 =	simm.s32 $0x40;
	[sflag:s1] =	ssyncadd.s32 $0xFFFFFFF0  }
.LBB2_2:
0x2f: {  	p0 =	sne.s32 s0, $0x61FC0;
	[tilespmem:s31+$0x0] =	vst v0;
	s31 =	smov.u32 s0;
	s0 =	sadd.s32 $0x40, s0  }
.Ltmp0:
0x30: {  	(pc) =	sbr.rel @p0 .LBB2_2-.Ltmp0, $2  }
0x31: {  	_ =	sdelay $0x2  }
0x32: {  	s31 =	sshra.s32 s31, $0x2  }
0x33: {  	_ =	sdelay $0x1  }
0x34: {  	[tilespmem:s31+$0x0] =	vst v0  }
0x35: {  	v49 =	vld.msk [tilespmem:s19+$0x0], $0xffff  }
0x36: {  	v48 =	vld.idx.msk [tilespmem:v1+s19+$0x0], $0xffff  }
0x37: {  	v43 =	vld.idx.msk [tilespmem:v2+s19+$0x0], $0xffff  }
0x38: {  	v47 =	vld.idx.msk [tilespmem:v3+s19+$0x0], $0xffff  }
0x39: {  	v46 =	vld.idx.msk [tilespmem:v5+s19+$0x0], $0xffff  }
0x3a: {  	v42 =	vld.idx.msk [tilespmem:v6+s19+$0x0], $0xffff  }
0x3b: {  	v45 =	vld.idx.msk [tilespmem:v7+s19+$0x0], $0xffff  }
0x3c: {  	s0 =	simm.s32 $0x0;
	s1 =	rddreg [dreg:$0xb];
	v44 =	vld.idx.msk [tilespmem:v8+s19+$0x0], $0xffff  }
0x3d: {  	v41 =	vld.idx.msk [tilespmem:v9+s19+$0x0], $0xffff;
	[tilespmem:s2], [sflag:$0x1] =	stream.linear.gather [hbm4b:s1+s0], $0x80, $0x38  }
0x3e: {  	s19 =	rddreg [dreg:$0xc]  }
0x3f: {  	[tilespmem:s4], [sflag:$0x1] =	stream.linear.gather [hbm4b:s19+s0], $0x80, $0x38;
	[tilespmem:$0x19DA0] =	vst v63  }
0x40: {  	s19 =	rddreg [dreg:$0xd]  }
0x41: {  	[tilespmem:s11], [sflag:$0x1] =	stream.linear.gather [hbm4b:s19+s0], $0x80, $0x38;
	[tilespmem:$0x19DA0] =	vst v63  }
0x42: {  	s11 =	rddreg [dreg:$0xe]  }
0x43: {  	[tilespmem:s12], [sflag:$0x1] =	stream.linear.gather [hbm4b:s11+s0], $0x80, $0x38;
	[tilespmem:$0x19DA0] =	vst v63  }
0x44: {  	s19 =	rddreg [dreg:$0xf]  }
0x45: {  	[tilespmem:s21], [sflag:$0x1] =	stream.linear.gather [hbm4b:s19+s0], $0x80, $0x38;
	[tilespmem:$0x19DA0] =	vst v63  }
0x46: {  	_ =	swait.ge [sflag:s13], $0x80  }
0x47: {  	[sflag:s13] =	ssyncset.done $0x0  }
0x48: {  	[sflag:s13] =	ssyncadd.s32 $0xFFFFFF80  }
0x49: {  	_ =	swait.ge [sflag:s13], $0x80  }
0x4a: {  	[sflag:s13] =	ssyncset.done $0x0  }
0x4b: {  	[sflag:s13] =	ssyncadd.s32 $0xFFFFFF80  }
0x4c: {  	_ =	swait.ge [sflag:s13], $0x80  }
0x4d: {  	[sflag:s13] =	ssyncset.done $0x0  }
0x4e: {  	[sflag:s13] =	ssyncadd.s32 $0xFFFFFF80  }
0x4f: {  	_ =	swait.ge [sflag:s13], $0x80  }
0x50: {  	[sflag:s13] =	ssyncset.done $0x0  }
0x51: {  	[sflag:s13] =	ssyncadd.s32 $0xFFFFFF80  }
0x52: {  	_ =	swait.ge [sflag:s13], $0x80  }
0x53: {  	[sflag:s13] =	ssyncset.done $0x0  }
0x54: {  	[sflag:s13] =	ssyncadd.s32 $0xFFFFFF80  }
0x55: {  	[tilespmem:s15], [sflag:$0x3] =	stream.indirect.gather [hbm4b:s6+s14], $0x8, s2, s14, $0xb8;
	[tilespmem:$0x19DA0] =	vst v63  }
0x56: {  	s11 =	rddreg [dreg:$0x10]  }
0x57: {  	[tilespmem:s16], [sflag:$0x5] =	stream.indirect.gather [hbm4b:s6+s14], $0x8, s4, s14, $0xb8;
	[tilespmem:$0x19DA0] =	vst v63  }
0x58: {  	s12 =	rddreg [dreg:$0x11]  }
0x59: {  	[tilespmem:s17], [sflag:$0x2] =	stream.linear.gather [hbm4b:s11+s0], $0x80, $0x38;
	[tilespmem:$0x19DA0] =	vst v63  }
0x5a: {  	s19 =	rddreg [dreg:$0x12]  }
0x5b: {  	[tilespmem:s18], [sflag:$0x2] =	stream.linear.gather [hbm4b:s12+s0], $0x80, $0x38;
	[tilespmem:$0x19DA0] =	vst v63  }
0x5c: {  	s21 =	rddreg [dreg:$0x14]  }
0x5d: {  	[tilespmem:s20], [sflag:$0x2] =	stream.linear.gather [hbm4b:s19+s0], $0x80, $0x38;
	[tilespmem:$0x19DA0] =	vst v63  }
0x5e: {  	s20 =	rddreg [dreg:$0x13]  }
0x5f: {  	[tilespmem:s10], [sflag:$0x2] =	stream.linear.gather [hbm4b:s20+s0], $0x80, $0x38;
	[tilespmem:$0x19DA0] =	vst v63  }
0x60: {  	s31 =	rddreg [dreg:$0x1c];
	s12 =	simm.s32 $0x18C80  }
0x61: {  	[tilespmem:s12], [sflag:$0x2] =	stream.linear.gather [hbm4b:s21+s0], $0x80, $0x38;
	[tilespmem:$0x19DA0] =	vst v63  }
0x62: {  	s10 =	simm.s32 $0x18B80;
	s20 =	rddreg [dreg:$0x2];
	s21 =	simm.s32 $0x18A80  }
.LBB2_4:
0x63: {  	_ =	swait.ge [sflag:s22], $0x80  }
0x64: {  	[sflag:s22] =	ssyncset.done $0x0  }
0x65: {  	[sflag:s22] =	ssyncadd.s32 $0xFFFFFF80  }
0x66: {  	_ =	swait.ge [sflag:s22], $0x80  }
0x67: {  	[sflag:s22] =	ssyncset.done $0x0  }
0x68: {  	[sflag:s22] =	ssyncadd.s32 $0xFFFFFF80  }
0x69: {  	_ =	swait.ge [sflag:s22], $0x80  }
0x6a: {  	[sflag:s22] =	ssyncset.done $0x0  }
0x6b: {  	[sflag:s22] =	ssyncadd.s32 $0xFFFFFF80  }
0x6c: {  	_ =	swait.ge [sflag:s22], $0x80  }
0x6d: {  	[sflag:s22] =	ssyncset.done $0x0  }
0x6e: {  	[sflag:s22] =	ssyncadd.s32 $0xFFFFFF80  }
0x6f: {  	_ =	swait.ge [sflag:s22], $0x80  }
0x70: {  	[sflag:s22] =	ssyncset.done $0x0  }
0x71: {  	[sflag:s22] =	ssyncadd.s32 $0xFFFFFF80  }
0x72: {  	[tilespmem:s23], [sflag:$0x4] =	stream.indirect.gather [hbm4b:s6+s14], $0x8, s17, s14, $0xb8;
	[tilespmem:$0x19DA0] =	vst v63  }
0x73: {  	_ = 	snop  }
0x74: {  	[tilespmem:s24], [sflag:$0x6] =	stream.indirect.gather [hbm4b:s6+s14], $0x8, s18, s14, $0xb8;
	[tilespmem:$0x19DA0] =	vst v63  }
0x75: {  	_ =	swait.ge [sflag:s25], $0x400  }
0x76: {  	[sflag:s25] =	ssyncset.done $0x0  }
0x77: {  	[sflag:s25] =	ssyncadd.s32 $0xFFFFFC00  }
0x78: {  	_ =	swait.ge [sflag:s26], $0x400  }
0x79: {  	[sflag:s26] =	ssyncset.done $0x0  }
0x7a: {  	[sflag:s26] =	ssyncadd.s32 $0xFFFFFC00  }
0x7b: {  	v50 =	vld.idx.msk [tilespmem:v4+s15+$0x0], $0xffff  }
0x7c: {  	v51 =	vld.idx.msk [tilespmem:v10+s15+$0x0], $0xffff  }
0x7d: {  	v52 =	vld [tilespmem:$0x18A00]  }
0x7e: {  	v53 =	vld.idx.msk [tilespmem:v4+s16+$0x0], $0xffff  }
0x7f: {  	v54 =	vld.idx.msk [tilespmem:v10+s16+$0x0], $0xffff  }
0x80: {  	v55 =	vld [tilespmem:$0x18B00]  }
0x81: {  	v56 =	vld [tilespmem:$0x18C00]  }
0x82: {  	v57 =	vld.idx.msk [tilespmem:v11+s15+$0x0], $0xffff  }
0x83: {  	v58 =	vld.idx.msk [tilespmem:v11+s16+$0x0], $0xffff;
	_ =	sdelay $0x1  }
0x84: {  	v52 =	vcvt.s32.f32 v52  }
0x85: {  	v50 =	vsub.f32 v53, v50;
	v55 =	vcvt.s32.f32 v55;
	v56 =	vcvt.s32.f32 v56  }
0x86: {  	v51 =	vsub.f32 v54, v51;
	v62 =	vmul.f32 v52, v49;
	v63 =	vmul.f32 v52, v48  }
0x87: {  	v57 =	vsub.f32 v58, v57;
	v60 =	vmul.f32 v55, v47;
	v52 =	vmul.f32 v52, v43  }
0x88: {  	v61 =	vmul.f32 v55, v46;
	v50 =	vadd.f32 v62, v50;
	v51 =	vadd.f32 v63, v51  }
0x89: {  	v55 =	vmul.f32 v55, v42;
	v62 =	vmul.f32 v56, v45;
	v52 =	vadd.f32 v52, v57  }
0x8a: {  	v63 =	vmul.f32 v56, v44;
	v50 =	vadd.f32 v60, v50;
	v51 =	vadd.f32 v61, v51  }
0x8b: {  	v52 =	vadd.f32 v55, v52  }
0x8c: {  	v58 =	vmul.f32 v56, v41;
	v50 =	vadd.f32 v62, v50;
	v51 =	vadd.f32 v63, v51  }
0x8d: {  	v59 =	vld.idx.msk [tilespmem:v12+s15+$0x0], $0xffff  }
0x8e: {  	v52 =	vadd.f32 v58, v52;
	v50 =	vmul.f32 v50, v50;
	v51 =	vmul.f32 v51, v51  }
0x8f: {  	v60 =	vld.idx.msk [tilespmem:v12+s16+$0x0], $0xffff  }
0x90: {  	v61 =	vmul.f32 v52, v52;
	v50 =	vadd.f32 v51, v50;
	_ =	sdelay $0x1  }
0x91: {  	v62 =	vadd.f32 v59, v59;
	v50 =	vadd.f32 v50, v61;
	_ =	sdelay $0x1  }
0x92: {  	v51 =	vadd.f32 v60, v62;
	v63 =	vmul.f32 v50, v50;
	_ =	sdelay $0x1  }
0x93: {  	v51 =	vtrunc.f32 v51;
	v50 =	vmul.f32 v63, v50  }
0x94: {  	v51 =	vcvt.f32.s32 v51  }
0x95: {  	(erf) = vrcp.f32 v50;
	_ =	sdelay $0x4  }
0x96: {  	v56 =	vld.idx.msk [tilespmem:v51+s30+$0x0], $0xffff  }
0x97: {  	v57 =	vadd.s32 $0x4, v51;
	_ =	sdelay $0x1  }
0x98: {  	v51 =	vadd.s32 $0x8, v51  }
0x99: {  	v58 =	vpop (erf)  }
0x9a: {  	v59 =	vld [tilespmem:$0x18800];
	v50 =	vmul.f32 v58, v56  }
0x9b: {  	v52 =	vld.idx.msk [tilespmem:v57+s30+$0x0], $0xffff  }
0x9c: {  	v60 =	vld [tilespmem:$0x18900];
	v53 =	vadd.f32 $-1.000000000e+00, v50  }
0x9d: {  	v51 =	vld.idx.msk [tilespmem:v51+s30+$0x0], $0xffff  }
0x9e: {  	v50 =	vmul.f32 v53, v50;
	_ =	sdelay $0x1  }
0x9f: {  	v50 =	vmul.f32 v50, v52;
	_ =	sdelay $0x1  }
0xa0: {  	v50 =	vsub.f32 v50, v51;
	_ =	sdelay $0x1  }
0xa1: {  	[tilespmem:v59+s5+$0x0] =	vst.idx.add.f32.msk $0xffff, v50  }
0xa2: {  	[tilespmem:v60+s5+$0x0] =	vst.idx.add.f32.msk $0xffff, v50  }
0xa3: {  	v50 =	vld.idx.msk [tilespmem:v13+s15+$0x0], $0xffff  }
0xa4: {  	v51 =	vld.idx.msk [tilespmem:v14+s15+$0x0], $0xffff  }
0xa5: {  	v61 =	vld [tilespmem:$0x18A10]  }
0xa6: {  	v62 =	vld.idx.msk [tilespmem:v13+s16+$0x0], $0xffff  }
0xa7: {  	v54 =	vld.idx.msk [tilespmem:v14+s16+$0x0], $0xffff  }
0xa8: {  	v55 =	vld [tilespmem:$0x18B10]  }
0xa9: {  	v63 =	vld [tilespmem:$0x18C10]  }
0xaa: {  	v57 =	vld.idx.msk [tilespmem:v15+s15+$0x0], $0xffff  }
0xab: {  	v58 =	vld.idx.msk [tilespmem:v15+s16+$0x0], $0xffff;
	_ =	sdelay $0x1  }
0xac: {  	v52 =	vcvt.s32.f32 v61  }
0xad: {  	v50 =	vsub.f32 v62, v50;
	v55 =	vcvt.s32.f32 v55;
	v56 =	vcvt.s32.f32 v63  }
0xae: {  	v51 =	vsub.f32 v54, v51;
	v60 =	vmul.f32 v52, v49;
	v61 =	vmul.f32 v52, v48  }
0xaf: {  	v57 =	vsub.f32 v58, v57;
	v62 =	vmul.f32 v55, v47;
	v52 =	vmul.f32 v52, v43  }
0xb0: {  	v63 =	vmul.f32 v55, v46;
	v50 =	vadd.f32 v60, v50;
	v51 =	vadd.f32 v61, v51  }
0xb1: {  	v59 =	vmul.f32 v56, v45;
	v55 =	vmul.f32 v55, v42;
	v52 =	vadd.f32 v52, v57  }
0xb2: {  	v60 =	vmul.f32 v56, v44;
	v50 =	vadd.f32 v62, v50;
	v51 =	vadd.f32 v63, v51  }
0xb3: {  	v52 =	vadd.f32 v55, v52  }
0xb4: {  	v61 =	vmul.f32 v56, v41;
	v50 =	vadd.f32 v59, v50;
	v51 =	vadd.f32 v60, v51  }
0xb5: {  	v62 =	vld.idx.msk [tilespmem:v16+s15+$0x0], $0xffff  }
0xb6: {  	v52 =	vadd.f32 v61, v52;
	v50 =	vmul.f32 v50, v50;
	v51 =	vmul.f32 v51, v51  }
0xb7: {  	v63 =	vld.idx.msk [tilespmem:v16+s16+$0x0], $0xffff  }
0xb8: {  	v55 =	vmul.f32 v52, v52;
	v50 =	vadd.f32 v51, v50;
	_ =	sdelay $0x1  }
0xb9: {  	v56 =	vadd.f32 v62, v62;
	v50 =	vadd.f32 v50, v55;
	_ =	sdelay $0x1  }
0xba: {  	v51 =	vadd.f32 v63, v56;
	v57 =	vmul.f32 v50, v50;
	_ =	sdelay $0x1  }
0xbb: {  	v51 =	vtrunc.f32 v51;
	v50 =	vmul.f32 v57, v50  }
0xbc: {  	v51 =	vcvt.f32.s32 v51  }
0xbd: {  	(erf) = vrcp.f32 v50;
	_ =	sdelay $0x4  }
0xbe: {  	v58 =	vld.idx.msk [tilespmem:v51+s30+$0x0], $0xffff  }
0xbf: {  	v59 =	vadd.s32 $0x4, v51;
	_ =	sdelay $0x1  }
0xc0: {  	v51 =	vadd.s32 $0x8, v51  }
0xc1: {  	v60 =	vpop (erf)  }
0xc2: {  	v61 =	vld [tilespmem:$0x18810];
	v50 =	vmul.f32 v60, v58  }
0xc3: {  	v52 =	vld.idx.msk [tilespmem:v59+s30+$0x0], $0xffff  }
0xc4: {  	v62 =	vld [tilespmem:$0x18910];
	v53 =	vadd.f32 $-1.000000000e+00, v50  }
0xc5: {  	v51 =	vld.idx.msk [tilespmem:v51+s30+$0x0], $0xffff  }
0xc6: {  	v50 =	vmul.f32 v53, v50;
	_ =	sdelay $0x1  }
0xc7: {  	v50 =	vmul.f32 v50, v52;
	_ =	sdelay $0x1  }
0xc8: {  	v50 =	vsub.f32 v50, v51;
	_ =	sdelay $0x1  }
0xc9: {  	[tilespmem:v61+s5+$0x0] =	vst.idx.add.f32.msk $0xffff, v50  }
0xca: {  	[tilespmem:v62+s5+$0x0] =	vst.idx.add.f32.msk $0xffff, v50  }
0xcb: {  	v50 =	vld.idx.msk [tilespmem:v17+s15+$0x0], $0xffff  }
0xcc: {  	v51 =	vld.idx.msk [tilespmem:v18+s15+$0x0], $0xffff  }
0xcd: {  	v63 =	vld [tilespmem:$0x18A20]  }
0xce: {  	v60 =	vld.idx.msk [tilespmem:v17+s16+$0x0], $0xffff  }
0xcf: {  	v54 =	vld.idx.msk [tilespmem:v18+s16+$0x0], $0xffff  }
0xd0: {  	v55 =	vld [tilespmem:$0x18B20]  }
0xd1: {  	v61 =	vld [tilespmem:$0x18C20]  }
0xd2: {  	v57 =	vld.idx.msk [tilespmem:v19+s15+$0x0], $0xffff  }
0xd3: {  	v58 =	vld.idx.msk [tilespmem:v19+s16+$0x0], $0xffff;
	_ =	sdelay $0x1  }
0xd4: {  	v52 =	vcvt.s32.f32 v63  }
0xd5: {  	v50 =	vsub.f32 v60, v50;
	v55 =	vcvt.s32.f32 v55;
	v56 =	vcvt.s32.f32 v61  }
0xd6: {  	v51 =	vsub.f32 v54, v51;
	v62 =	vmul.f32 v52, v49;
	v63 =	vmul.f32 v52, v48  }
0xd7: {  	v57 =	vsub.f32 v58, v57;
	v60 =	vmul.f32 v55, v47;
	v52 =	vmul.f32 v52, v43  }
0xd8: {  	v61 =	vmul.f32 v55, v46;
	v50 =	vadd.f32 v62, v50;
	v51 =	vadd.f32 v63, v51  }
0xd9: {  	v55 =	vmul.f32 v55, v42;
	v62 =	vmul.f32 v56, v45;
	v52 =	vadd.f32 v52, v57  }
0xda: {  	v63 =	vmul.f32 v56, v44;
	v50 =	vadd.f32 v60, v50;
	v51 =	vadd.f32 v61, v51  }
0xdb: {  	v52 =	vadd.f32 v55, v52  }
0xdc: {  	v58 =	vmul.f32 v56, v41;
	v50 =	vadd.f32 v62, v50;
	v51 =	vadd.f32 v63, v51  }
0xdd: {  	v59 =	vld.idx.msk [tilespmem:v20+s15+$0x0], $0xffff  }
0xde: {  	v52 =	vadd.f32 v58, v52;
	v50 =	vmul.f32 v50, v50;
	v51 =	vmul.f32 v51, v51  }
0xdf: {  	v60 =	vld.idx.msk [tilespmem:v20+s16+$0x0], $0xffff  }
0xe0: {  	v61 =	vmul.f32 v52, v52;
	v50 =	vadd.f32 v51, v50;
	_ =	sdelay $0x1  }
0xe1: {  	v62 =	vadd.f32 v59, v59;
	v50 =	vadd.f32 v50, v61;
	_ =	sdelay $0x1  }
0xe2: {  	v51 =	vadd.f32 v60, v62;
	v63 =	vmul.f32 v50, v50;
	_ =	sdelay $0x1  }
0xe3: {  	v51 =	vtrunc.f32 v51;
	v50 =	vmul.f32 v63, v50  }
0xe4: {  	v51 =	vcvt.f32.s32 v51  }
0xe5: {  	(erf) = vrcp.f32 v50;
	_ =	sdelay $0x4  }
0xe6: {  	v56 =	vld.idx.msk [tilespmem:v51+s30+$0x0], $0xffff  }
0xe7: {  	v57 =	vadd.s32 $0x4, v51;
	_ =	sdelay $0x1  }
0xe8: {  	v51 =	vadd.s32 $0x8, v51  }
0xe9: {  	v58 =	vpop (erf)  }
0xea: {  	v59 =	vld [tilespmem:$0x18820];
	v50 =	vmul.f32 v58, v56  }
0xeb: {  	v52 =	vld.idx.msk [tilespmem:v57+s30+$0x0], $0xffff  }
0xec: {  	v60 =	vld [tilespmem:$0x18920];
	v53 =	vadd.f32 $-1.000000000e+00, v50  }
0xed: {  	v51 =	vld.idx.msk [tilespmem:v51+s30+$0x0], $0xffff  }
0xee: {  	v50 =	vmul.f32 v53, v50;
	_ =	sdelay $0x1  }
0xef: {  	v50 =	vmul.f32 v50, v52;
	_ =	sdelay $0x1  }
0xf0: {  	v50 =	vsub.f32 v50, v51;
	_ =	sdelay $0x1  }
0xf1: {  	[tilespmem:v59+s5+$0x0] =	vst.idx.add.f32.msk $0xffff, v50  }
0xf2: {  	[tilespmem:v60+s5+$0x0] =	vst.idx.add.f32.msk $0xffff, v50  }
0xf3: {  	v50 =	vld.idx.msk [tilespmem:v21+s15+$0x0], $0xffff  }
0xf4: {  	v51 =	vld.idx.msk [tilespmem:v22+s15+$0x0], $0xffff  }
0xf5: {  	v61 =	vld [tilespmem:$0x18A30]  }
0xf6: {  	v62 =	vld.idx.msk [tilespmem:v21+s16+$0x0], $0xffff  }
0xf7: {  	v54 =	vld.idx.msk [tilespmem:v22+s16+$0x0], $0xffff  }
0xf8: {  	v55 =	vld [tilespmem:$0x18B30]  }
0xf9: {  	v63 =	vld [tilespmem:$0x18C30]  }
0xfa: {  	v57 =	vld.idx.msk [tilespmem:v23+s15+$0x0], $0xffff  }
0xfb: {  	v58 =	vld.idx.msk [tilespmem:v23+s16+$0x0], $0xffff;
	_ =	sdelay $0x1  }
0xfc: {  	v52 =	vcvt.s32.f32 v61  }
0xfd: {  	v50 =	vsub.f32 v62, v50;
	v55 =	vcvt.s32.f32 v55;
	v56 =	vcvt.s32.f32 v63  }
0xfe: {  	v51 =	vsub.f32 v54, v51;
	v60 =	vmul.f32 v52, v49;
	v61 =	vmul.f32 v52, v48  }
0xff: {  	v57 =	vsub.f32 v58, v57;
	v62 =	vmul.f32 v55, v47;
	v52 =	vmul.f32 v52, v43  }
0x100: {  	v63 =	vmul.f32 v55, v46;
	v50 =	vadd.f32 v60, v50;
	v51 =	vadd.f32 v61, v51  }
0x101: {  	v59 =	vmul.f32 v56, v45;
	v55 =	vmul.f32 v55, v42;
	v52 =	vadd.f32 v52, v57  }
0x102: {  	v60 =	vmul.f32 v56, v44;
	v50 =	vadd.f32 v62, v50;
	v51 =	vadd.f32 v63, v51  }
0x103: {  	v52 =	vadd.f32 v55, v52  }
0x104: {  	v61 =	vmul.f32 v56, v41;
	v50 =	vadd.f32 v59, v50;
	v51 =	vadd.f32 v60, v51  }
0x105: {  	v62 =	vld.idx.msk [tilespmem:v24+s15+$0x0], $0xffff  }
0x106: {  	v52 =	vadd.f32 v61, v52;
	v50 =	vmul.f32 v50, v50;
	v51 =	vmul.f32 v51, v51  }
0x107: {  	v63 =	vld.idx.msk [tilespmem:v24+s16+$0x0], $0xffff  }
0x108: {  	v55 =	vmul.f32 v52, v52;
	v50 =	vadd.f32 v51, v50;
	_ =	sdelay $0x1  }
0x109: {  	v56 =	vadd.f32 v62, v62;
	v50 =	vadd.f32 v50, v55;
	_ =	sdelay $0x1  }
0x10a: {  	v51 =	vadd.f32 v63, v56;
	v57 =	vmul.f32 v50, v50;
	_ =	sdelay $0x1  }
0x10b: {  	v51 =	vtrunc.f32 v51;
	v50 =	vmul.f32 v57, v50  }
0x10c: {  	v51 =	vcvt.f32.s32 v51  }
0x10d: {  	(erf) = vrcp.f32 v50;
	_ =	sdelay $0x4  }
0x10e: {  	v58 =	vld.idx.msk [tilespmem:v51+s30+$0x0], $0xffff  }
0x10f: {  	v59 =	vadd.s32 $0x4, v51;
	_ =	sdelay $0x1  }
0x110: {  	v51 =	vadd.s32 $0x8, v51  }
0x111: {  	v60 =	vpop (erf)  }
0x112: {  	v61 =	vld [tilespmem:$0x18830];
	v50 =	vmul.f32 v60, v58  }
0x113: {  	v52 =	vld.idx.msk [tilespmem:v59+s30+$0x0], $0xffff  }
0x114: {  	v62 =	vld [tilespmem:$0x18930];
	v53 =	vadd.f32 $-1.000000000e+00, v50  }
0x115: {  	v51 =	vld.idx.msk [tilespmem:v51+s30+$0x0], $0xffff  }
0x116: {  	v50 =	vmul.f32 v53, v50;
	_ =	sdelay $0x1  }
0x117: {  	v50 =	vmul.f32 v50, v52;
	_ =	sdelay $0x1  }
0x118: {  	v50 =	vsub.f32 v50, v51;
	_ =	sdelay $0x1  }
0x119: {  	[tilespmem:v61+s5+$0x0] =	vst.idx.add.f32.msk $0xffff, v50  }
0x11a: {  	[tilespmem:v62+s5+$0x0] =	vst.idx.add.f32.msk $0xffff, v50  }
0x11b: {  	v50 =	vld.idx.msk [tilespmem:v25+s15+$0x0], $0xffff  }
0x11c: {  	v51 =	vld.idx.msk [tilespmem:v26+s15+$0x0], $0xffff  }
0x11d: {  	v63 =	vld [tilespmem:$0x18A40]  }
0x11e: {  	v60 =	vld.idx.msk [tilespmem:v25+s16+$0x0], $0xffff  }
0x11f: {  	v54 =	vld.idx.msk [tilespmem:v26+s16+$0x0], $0xffff  }
0x120: {  	v55 =	vld [tilespmem:$0x18B40]  }
0x121: {  	v61 =	vld [tilespmem:$0x18C40]  }
0x122: {  	v57 =	vld.idx.msk [tilespmem:v27+s15+$0x0], $0xffff  }
0x123: {  	v58 =	vld.idx.msk [tilespmem:v27+s16+$0x0], $0xffff;
	_ =	sdelay $0x1  }
0x124: {  	v52 =	vcvt.s32.f32 v63  }
0x125: {  	v50 =	vsub.f32 v60, v50;
	v55 =	vcvt.s32.f32 v55;
	v56 =	vcvt.s32.f32 v61  }
0x126: {  	v51 =	vsub.f32 v54, v51;
	v62 =	vmul.f32 v52, v49;
	v63 =	vmul.f32 v52, v48  }
0x127: {  	v57 =	vsub.f32 v58, v57;
	v60 =	vmul.f32 v55, v47;
	v52 =	vmul.f32 v52, v43  }
0x128: {  	v61 =	vmul.f32 v55, v46;
	v50 =	vadd.f32 v62, v50;
	v51 =	vadd.f32 v63, v51  }
0x129: {  	v55 =	vmul.f32 v55, v42;
	v62 =	vmul.f32 v56, v45;
	v52 =	vadd.f32 v52, v57  }
0x12a: {  	v63 =	vmul.f32 v56, v44;
	v50 =	vadd.f32 v60, v50;
	v51 =	vadd.f32 v61, v51  }
0x12b: {  	v52 =	vadd.f32 v55, v52  }
0x12c: {  	v58 =	vmul.f32 v56, v41;
	v50 =	vadd.f32 v62, v50;
	v51 =	vadd.f32 v63, v51  }
0x12d: {  	v59 =	vld.idx.msk [tilespmem:v28+s15+$0x0], $0xffff  }
0x12e: {  	v52 =	vadd.f32 v58, v52;
	v50 =	vmul.f32 v50, v50;
	v51 =	vmul.f32 v51, v51  }
0x12f: {  	v60 =	vld.idx.msk [tilespmem:v28+s16+$0x0], $0xffff  }
0x130: {  	v61 =	vmul.f32 v52, v52;
	v50 =	vadd.f32 v51, v50;
	_ =	sdelay $0x1  }
0x131: {  	v62 =	vadd.f32 v59, v59;
	v50 =	vadd.f32 v50, v61;
	_ =	sdelay $0x1  }
0x132: {  	v51 =	vadd.f32 v60, v62;
	v63 =	vmul.f32 v50, v50;
	_ =	sdelay $0x1  }
0x133: {  	v51 =	vtrunc.f32 v51;
	v50 =	vmul.f32 v63, v50  }
0x134: {  	v51 =	vcvt.f32.s32 v51  }
0x135: {  	(erf) = vrcp.f32 v50;
	_ =	sdelay $0x4  }
0x136: {  	v56 =	vld.idx.msk [tilespmem:v51+s30+$0x0], $0xffff  }
0x137: {  	v57 =	vadd.s32 $0x4, v51;
	_ =	sdelay $0x1  }
0x138: {  	v51 =	vadd.s32 $0x8, v51  }
0x139: {  	v58 =	vpop (erf)  }
0x13a: {  	v59 =	vld [tilespmem:$0x18840];
	v50 =	vmul.f32 v58, v56  }
0x13b: {  	v52 =	vld.idx.msk [tilespmem:v57+s30+$0x0], $0xffff  }
0x13c: {  	v60 =	vld [tilespmem:$0x18940];
	v53 =	vadd.f32 $-1.000000000e+00, v50  }
0x13d: {  	v51 =	vld.idx.msk [tilespmem:v51+s30+$0x0], $0xffff  }
0x13e: {  	v50 =	vmul.f32 v53, v50;
	_ =	sdelay $0x1  }
0x13f: {  	v50 =	vmul.f32 v50, v52;
	_ =	sdelay $0x1  }
0x140: {  	v50 =	vsub.f32 v50, v51;
	_ =	sdelay $0x1  }
0x141: {  	[tilespmem:v59+s5+$0x0] =	vst.idx.add.f32.msk $0xffff, v50  }
0x142: {  	[tilespmem:v60+s5+$0x0] =	vst.idx.add.f32.msk $0xffff, v50  }
0x143: {  	v50 =	vld.idx.msk [tilespmem:v29+s15+$0x0], $0xffff  }
0x144: {  	v51 =	vld.idx.msk [tilespmem:v30+s15+$0x0], $0xffff  }
0x145: {  	v61 =	vld [tilespmem:$0x18A50]  }
0x146: {  	v62 =	vld.idx.msk [tilespmem:v29+s16+$0x0], $0xffff  }
0x147: {  	v54 =	vld.idx.msk [tilespmem:v30+s16+$0x0], $0xffff  }
0x148: {  	v55 =	vld [tilespmem:$0x18B50]  }
0x149: {  	v63 =	vld [tilespmem:$0x18C50]  }
0x14a: {  	v57 =	vld.idx.msk [tilespmem:v31+s15+$0x0], $0xffff  }
0x14b: {  	v58 =	vld.idx.msk [tilespmem:v31+s16+$0x0], $0xffff;
	_ =	sdelay $0x1  }
0x14c: {  	v52 =	vcvt.s32.f32 v61  }
0x14d: {  	v50 =	vsub.f32 v62, v50;
	v55 =	vcvt.s32.f32 v55;
	v56 =	vcvt.s32.f32 v63  }
0x14e: {  	v51 =	vsub.f32 v54, v51;
	v60 =	vmul.f32 v52, v49;
	v61 =	vmul.f32 v52, v48  }
0x14f: {  	v57 =	vsub.f32 v58, v57;
	v62 =	vmul.f32 v55, v47;
	v52 =	vmul.f32 v52, v43  }
0x150: {  	v63 =	vmul.f32 v55, v46;
	v50 =	vadd.f32 v60, v50;
	v51 =	vadd.f32 v61, v51  }
0x151: {  	v59 =	vmul.f32 v56, v45;
	v55 =	vmul.f32 v55, v42;
	v52 =	vadd.f32 v52, v57  }
0x152: {  	v60 =	vmul.f32 v56, v44;
	v50 =	vadd.f32 v62, v50;
	v51 =	vadd.f32 v63, v51  }
0x153: {  	v52 =	vadd.f32 v55, v52  }
0x154: {  	v61 =	vmul.f32 v56, v41;
	v50 =	vadd.f32 v59, v50;
	v51 =	vadd.f32 v60, v51  }
0x155: {  	v62 =	vld.idx.msk [tilespmem:v32+s15+$0x0], $0xffff  }
0x156: {  	v52 =	vadd.f32 v61, v52;
	v50 =	vmul.f32 v50, v50;
	v51 =	vmul.f32 v51, v51  }
0x157: {  	v63 =	vld.idx.msk [tilespmem:v32+s16+$0x0], $0xffff  }
0x158: {  	v55 =	vmul.f32 v52, v52;
	v50 =	vadd.f32 v51, v50;
	_ =	sdelay $0x1  }
0x159: {  	v56 =	vadd.f32 v62, v62;
	v50 =	vadd.f32 v50, v55;
	_ =	sdelay $0x1  }
0x15a: {  	v51 =	vadd.f32 v63, v56;
	v57 =	vmul.f32 v50, v50;
	_ =	sdelay $0x1  }
0x15b: {  	v51 =	vtrunc.f32 v51;
	v50 =	vmul.f32 v57, v50  }
0x15c: {  	v51 =	vcvt.f32.s32 v51  }
0x15d: {  	(erf) = vrcp.f32 v50;
	_ =	sdelay $0x4  }
0x15e: {  	v58 =	vld.idx.msk [tilespmem:v51+s30+$0x0], $0xffff  }
0x15f: {  	v59 =	vadd.s32 $0x4, v51;
	_ =	sdelay $0x1  }
0x160: {  	v51 =	vadd.s32 $0x8, v51  }
0x161: {  	v60 =	vpop (erf)  }
0x162: {  	v61 =	vld [tilespmem:$0x18850];
	v50 =	vmul.f32 v60, v58  }
0x163: {  	v52 =	vld.idx.msk [tilespmem:v59+s30+$0x0], $0xffff  }
0x164: {  	v62 =	vld [tilespmem:$0x18950];
	v53 =	vadd.f32 $-1.000000000e+00, v50  }
0x165: {  	v51 =	vld.idx.msk [tilespmem:v51+s30+$0x0], $0xffff  }
0x166: {  	v50 =	vmul.f32 v53, v50;
	_ =	sdelay $0x1  }
0x167: {  	v50 =	vmul.f32 v50, v52;
	_ =	sdelay $0x1  }
0x168: {  	v50 =	vsub.f32 v50, v51;
	_ =	sdelay $0x1  }
0x169: {  	[tilespmem:v61+s5+$0x0] =	vst.idx.add.f32.msk $0xffff, v50  }
0x16a: {  	[tilespmem:v62+s5+$0x0] =	vst.idx.add.f32.msk $0xffff, v50  }
0x16b: {  	v50 =	vld.idx.msk [tilespmem:v33+s15+$0x0], $0xffff  }
0x16c: {  	v51 =	vld.idx.msk [tilespmem:v34+s15+$0x0], $0xffff  }
0x16d: {  	v63 =	vld [tilespmem:$0x18A60]  }
0x16e: {  	v60 =	vld.idx.msk [tilespmem:v33+s16+$0x0], $0xffff  }
0x16f: {  	v54 =	vld.idx.msk [tilespmem:v34+s16+$0x0], $0xffff  }
0x170: {  	v55 =	vld [tilespmem:$0x18B60]  }
0x171: {  	v61 =	vld [tilespmem:$0x18C60]  }
0x172: {  	v57 =	vld.idx.msk [tilespmem:v35+s15+$0x0], $0xffff  }
0x173: {  	v58 =	vld.idx.msk [tilespmem:v35+s16+$0x0], $0xffff;
	_ =	sdelay $0x1  }
0x174: {  	v52 =	vcvt.s32.f32 v63  }
0x175: {  	v50 =	vsub.f32 v60, v50;
	v55 =	vcvt.s32.f32 v55;
	v56 =	vcvt.s32.f32 v61  }
0x176: {  	v51 =	vsub.f32 v54, v51;
	v62 =	vmul.f32 v52, v49;
	v63 =	vmul.f32 v52, v48  }
0x177: {  	v57 =	vsub.f32 v58, v57;
	v60 =	vmul.f32 v55, v47;
	v52 =	vmul.f32 v52, v43  }
0x178: {  	v61 =	vmul.f32 v55, v46;
	v50 =	vadd.f32 v62, v50;
	v51 =	vadd.f32 v63, v51  }
0x179: {  	v55 =	vmul.f32 v55, v42;
	v62 =	vmul.f32 v56, v45;
	v52 =	vadd.f32 v52, v57  }
0x17a: {  	v63 =	vmul.f32 v56, v44;
	v50 =	vadd.f32 v60, v50;
	v51 =	vadd.f32 v61, v51  }
0x17b: {  	v52 =	vadd.f32 v55, v52  }
0x17c: {  	v57 =	vmul.f32 v56, v41;
	v50 =	vadd.f32 v62, v50;
	v51 =	vadd.f32 v63, v51  }
0x17d: {  	v58 =	vld.idx.msk [tilespmem:v36+s15+$0x0], $0xffff  }
0x17e: {  	v52 =	vadd.f32 v57, v52;
	v50 =	vmul.f32 v50, v50;
	v51 =	vmul.f32 v51, v51  }
0x17f: {  	v59 =	vld.idx.msk [tilespmem:v36+s16+$0x0], $0xffff  }
0x180: {  	v60 =	vmul.f32 v52, v52;
	v50 =	vadd.f32 v51, v50;
	_ =	sdelay $0x1  }
0x181: {  	v61 =	vadd.f32 v58, v58;
	v50 =	vadd.f32 v50, v60;
	_ =	sdelay $0x1  }
0x182: {  	v51 =	vadd.f32 v59, v61;
	v62 =	vmul.f32 v50, v50;
	_ =	sdelay $0x1  }
0x183: {  	v51 =	vtrunc.f32 v51;
	v50 =	vmul.f32 v62, v50  }
0x184: {  	v51 =	vcvt.f32.s32 v51  }
0x185: {  	(erf) = vrcp.f32 v50;
	_ =	sdelay $0x4  }
0x186: {  	v63 =	vld.idx.msk [tilespmem:v51+s30+$0x0], $0xffff  }
0x187: {  	v56 =	vadd.s32 $0x4, v51;
	_ =	sdelay $0x1  }
0x188: {  	v51 =	vadd.s32 $0x8, v51  }
0x189: {  	v57 =	vpop (erf)  }
0x18a: {  	v58 =	vld [tilespmem:$0x18860];
	v50 =	vmul.f32 v57, v63  }
0x18b: {  	v52 =	vld.idx.msk [tilespmem:v56+s30+$0x0], $0xffff  }
0x18c: {  	v59 =	vld [tilespmem:$0x18960];
	v53 =	vadd.f32 $-1.000000000e+00, v50  }
0x18d: {  	v51 =	vld.idx.msk [tilespmem:v51+s30+$0x0], $0xffff  }
0x18e: {  	v50 =	vmul.f32 v53, v50;
	_ =	sdelay $0x1  }
0x18f: {  	v50 =	vmul.f32 v50, v52;
	_ =	sdelay $0x1  }
0x190: {  	v50 =	vsub.f32 v50, v51;
	_ =	sdelay $0x1  }
0x191: {  	[tilespmem:v58+s5+$0x0] =	vst.idx.add.f32.msk $0xffff, v50  }
0x192: {  	[tilespmem:v59+s5+$0x0] =	vst.idx.add.f32.msk $0xffff, v50  }
0x193: {  	v50 =	vld.idx.msk [tilespmem:v37+s15+$0x0], $0xffff  }
0x194: {  	v51 =	vld.idx.msk [tilespmem:v38+s15+$0x0], $0xffff  }
0x195: {  	v60 =	vld [tilespmem:$0x18A70]  }
0x196: {  	v61 =	vld.idx.msk [tilespmem:v37+s16+$0x0], $0xffff  }
0x197: {  	v54 =	vld.idx.msk [tilespmem:v38+s16+$0x0], $0xffff  }
0x198: {  	v55 =	vld [tilespmem:$0x18B70]  }
0x199: {  	v62 =	vld [tilespmem:$0x18C70]  }
0x19a: {  	v57 =	vld.idx.msk [tilespmem:v39+s15+$0x0], $0xffff  }
0x19b: {  	v58 =	vld.idx.msk [tilespmem:v39+s16+$0x0], $0xffff;
	_ =	sdelay $0x1  }
0x19c: {  	v52 =	vcvt.s32.f32 v60  }
0x19d: {  	v50 =	vsub.f32 v61, v50;
	v55 =	vcvt.s32.f32 v55;
	v56 =	vcvt.s32.f32 v62  }
0x19e: {  	v51 =	vsub.f32 v54, v51;
	v63 =	vmul.f32 v52, v49;
	v60 =	vmul.f32 v52, v48  }
0x19f: {  	v57 =	vsub.f32 v58, v57;
	v61 =	vmul.f32 v55, v47;
	v52 =	vmul.f32 v52, v43  }
0x1a0: {  	v62 =	vmul.f32 v55, v46;
	v50 =	vadd.f32 v63, v50;
	v51 =	vadd.f32 v60, v51  }
0x1a1: {  	v58 =	vmul.f32 v56, v44;
	v55 =	vmul.f32 v55, v42;
	v52 =	vadd.f32 v52, v57  }
0x1a2: {  	v63 =	vmul.f32 v56, v45;
	v50 =	vadd.f32 v61, v50;
	v51 =	vadd.f32 v62, v51  }
0x1a3: {  	v52 =	vadd.f32 v55, v52  }
0x1a4: {  	v59 =	vmul.f32 v56, v41;
	v50 =	vadd.f32 v63, v50;
	v51 =	vadd.f32 v58, v51  }
0x1a5: {  	v60 =	vld.idx.msk [tilespmem:v40+s15+$0x0], $0xffff  }
0x1a6: {  	v52 =	vadd.f32 v59, v52;
	v50 =	vmul.f32 v50, v50;
	v51 =	vmul.f32 v51, v51  }
0x1a7: {  	v61 =	vld.idx.msk [tilespmem:v40+s16+$0x0], $0xffff  }
0x1a8: {  	v62 =	vmul.f32 v52, v52;
	v50 =	vadd.f32 v51, v50;
	_ =	sdelay $0x1  }
0x1a9: {  	v63 =	vadd.f32 v60, v60;
	v50 =	vadd.f32 v50, v62;
	_ =	sdelay $0x1  }
0x1aa: {  	v51 =	vadd.f32 v61, v63;
	v56 =	vmul.f32 v50, v50;
	_ =	sdelay $0x1  }
0x1ab: {  	v51 =	vtrunc.f32 v51;
	v50 =	vmul.f32 v56, v50  }
0x1ac: {  	v51 =	vcvt.f32.s32 v51  }
0x1ad: {  	(erf) = vrcp.f32 v50;
	_ =	sdelay $0x4  }
0x1ae: {  	v57 =	vld.idx.msk [tilespmem:v51+s30+$0x0], $0xffff  }
0x1af: {  	v58 =	vadd.s32 $0x4, v51;
	_ =	sdelay $0x1  }
0x1b0: {  	v51 =	vadd.s32 $0x8, v51  }
0x1b1: {  	v59 =	vpop (erf)  }
0x1b2: {  	v60 =	vld [tilespmem:$0x18870];
	v50 =	vmul.f32 v59, v57  }
0x1b3: {  	v52 =	vld.idx.msk [tilespmem:v58+s30+$0x0], $0xffff  }
0x1b4: {  	v61 =	vld [tilespmem:$0x18970];
	v53 =	vadd.f32 $-1.000000000e+00, v50  }
0x1b5: {  	v51 =	vld.idx.msk [tilespmem:v51+s30+$0x0], $0xffff  }
0x1b6: {  	v50 =	vmul.f32 v53, v50;
	_ =	sdelay $0x1  }
0x1b7: {  	v50 =	vmul.f32 v50, v52;
	_ =	sdelay $0x1  }
0x1b8: {  	v50 =	vsub.f32 v50, v51;
	_ =	sdelay $0x1  }
0x1b9: {  	s1 =	sshrl.u32 s31, $0x3;
	[tilespmem:v60+s5+$0x0] =	vst.idx.add.f32.msk $0xffff, v50  }
0x1ba: {  	s11 =	sadd.s32 s3, s1;
	[tilespmem:v61+s5+$0x0] =	vst.idx.add.f32.msk $0xffff, v50  }
0x1bb: {  	[tilespmem:s2], [sflag:$0x1] =	stream.linear.gather [hbm4b:s11+s5], $0x80, $0x38;
	[tilespmem:$0x19DA0] =	vst v63  }
0x1bc: {  	s11 =	sadd.s32 s20, s1  }
0x1bd: {  	[tilespmem:s4], [sflag:$0x1] =	stream.linear.gather [hbm4b:s11+s5], $0x80, $0x38;
	[tilespmem:$0x19DA0] =	vst v63  }
0x1be: {  	s19 =	smov.u32 s3;
	s3 =	sadd.s32 s7, s1;
	s11 =	simm.s32 $0x18A00  }
0x1bf: {  	[tilespmem:s11], [sflag:$0x1] =	stream.linear.gather [hbm4b:s3+s5], $0x80, $0x38;
	[tilespmem:$0x19DA0] =	vst v63  }
0x1c0: {  	s3 =	sadd.s32 s8, s1;
	s11 =	simm.s32 $0x18B00  }
0x1c1: {  	[tilespmem:s11], [sflag:$0x1] =	stream.linear.gather [hbm4b:s3+s5], $0x80, $0x38;
	[tilespmem:$0x19DA0] =	vst v63  }
0x1c2: {  	s1 =	sadd.s32 s9, s1;
	s11 =	simm.s32 $0x18C00  }
0x1c3: {  	[tilespmem:s11], [sflag:$0x1] =	stream.linear.gather [hbm4b:s1+s5], $0x80, $0x38;
	[tilespmem:$0x19DA0] =	vst v63  }
0x1c4: {  	_ =	swait.ge [sflag:s13], $0x80  }
0x1c5: {  	[sflag:s13] =	ssyncset.done $0x0  }
0x1c6: {  	[sflag:s13] =	ssyncadd.s32 $0xFFFFFF80  }
0x1c7: {  	_ =	swait.ge [sflag:s13], $0x80  }
0x1c8: {  	[sflag:s13] =	ssyncset.done $0x0  }
0x1c9: {  	[sflag:s13] =	ssyncadd.s32 $0xFFFFFF80  }
0x1ca: {  	_ =	swait.ge [sflag:s13], $0x80  }
0x1cb: {  	[sflag:s13] =	ssyncset.done $0x0  }
0x1cc: {  	[sflag:s13] =	ssyncadd.s32 $0xFFFFFF80  }
0x1cd: {  	_ =	swait.ge [sflag:s13], $0x80  }
0x1ce: {  	[sflag:s13] =	ssyncset.done $0x0  }
0x1cf: {  	[sflag:s13] =	ssyncadd.s32 $0xFFFFFF80  }
0x1d0: {  	_ =	swait.ge [sflag:s13], $0x80  }
0x1d1: {  	[sflag:s13] =	ssyncset.done $0x0  }
0x1d2: {  	[sflag:s13] =	ssyncadd.s32 $0xFFFFFF80  }
0x1d3: {  	[tilespmem:s15], [sflag:$0x3] =	stream.indirect.gather [hbm4b:s6+s14], $0x8, s2, s14, $0xb8;
	[tilespmem:$0x19DA0] =	vst v63  }
0x1d4: {  	_ = 	snop  }
0x1d5: {  	[tilespmem:s16], [sflag:$0x5] =	stream.indirect.gather [hbm4b:s6+s14], $0x8, s4, s14, $0xb8;
	[tilespmem:$0x19DA0] =	vst v63  }
0x1d6: {  	_ =	swait.ge [sflag:s28], $0x400  }
0x1d7: {  	[sflag:s28] =	ssyncset.done $0x0  }
0x1d8: {  	[sflag:s28] =	ssyncadd.s32 $0xFFFFFC00  }
0x1d9: {  	_ =	swait.ge [sflag:s29], $0x400  }
0x1da: {  	[sflag:s29] =	ssyncset.done $0x0  }
0x1db: {  	[sflag:s29] =	ssyncadd.s32 $0xFFFFFC00  }
0x1dc: {  	v50 =	vld.idx.msk [tilespmem:v4+s23+$0x0], $0xffff  }
0x1dd: {  	v51 =	vld.idx.msk [tilespmem:v10+s23+$0x0], $0xffff  }
0x1de: {  	v52 =	vld [tilespmem:$0x18A80]  }
0x1df: {  	v62 =	vld.idx.msk [tilespmem:v4+s24+$0x0], $0xffff  }
0x1e0: {  	v63 =	vld.idx.msk [tilespmem:v10+s24+$0x0], $0xffff  }
0x1e1: {  	v60 =	vld [tilespmem:$0x18B80]  }
0x1e2: {  	v61 =	vld [tilespmem:$0x18C80]  }
0x1e3: {  	v57 =	vld.idx.msk [tilespmem:v11+s23+$0x0], $0xffff  }
0x1e4: {  	v58 =	vld.idx.msk [tilespmem:v11+s24+$0x0], $0xffff;
	_ =	sdelay $0x1  }
0x1e5: {  	v52 =	vcvt.s32.f32 v52  }
0x1e6: {  	v50 =	vsub.f32 v62, v50;
	v55 =	vcvt.s32.f32 v60;
	v56 =	vcvt.s32.f32 v61  }
0x1e7: {  	v51 =	vsub.f32 v63, v51;
	v62 =	vmul.f32 v52, v49;
	v63 =	vmul.f32 v52, v48  }
0x1e8: {  	v57 =	vsub.f32 v58, v57;
	v60 =	vmul.f32 v55, v47;
	v52 =	vmul.f32 v52, v43  }
0x1e9: {  	v61 =	vmul.f32 v55, v46;
	v50 =	vadd.f32 v62, v50;
	v51 =	vadd.f32 v63, v51  }
0x1ea: {  	v55 =	vmul.f32 v55, v42;
	v62 =	vmul.f32 v56, v45;
	v52 =	vadd.f32 v52, v57  }
0x1eb: {  	v63 =	vmul.f32 v56, v44;
	v50 =	vadd.f32 v60, v50;
	v51 =	vadd.f32 v61, v51  }
0x1ec: {  	v52 =	vadd.f32 v55, v52  }
0x1ed: {  	v58 =	vmul.f32 v56, v41;
	v50 =	vadd.f32 v62, v50;
	v51 =	vadd.f32 v63, v51  }
0x1ee: {  	v59 =	vld.idx.msk [tilespmem:v12+s23+$0x0], $0xffff  }
0x1ef: {  	v52 =	vadd.f32 v58, v52;
	v50 =	vmul.f32 v50, v50;
	v51 =	vmul.f32 v51, v51  }
0x1f0: {  	v60 =	vld.idx.msk [tilespmem:v12+s24+$0x0], $0xffff  }
0x1f1: {  	v61 =	vmul.f32 v52, v52;
	v50 =	vadd.f32 v51, v50;
	_ =	sdelay $0x1  }
0x1f2: {  	v62 =	vadd.f32 v59, v59;
	v50 =	vadd.f32 v50, v61;
	_ =	sdelay $0x1  }
0x1f3: {  	v51 =	vadd.f32 v60, v62;
	v63 =	vmul.f32 v50, v50;
	_ =	sdelay $0x1  }
0x1f4: {  	v51 =	vtrunc.f32 v51;
	v50 =	vmul.f32 v63, v50  }
0x1f5: {  	v51 =	vcvt.f32.s32 v51  }
0x1f6: {  	(erf) = vrcp.f32 v50;
	_ =	sdelay $0x4  }
0x1f7: {  	v56 =	vld.idx.msk [tilespmem:v51+s30+$0x0], $0xffff  }
0x1f8: {  	v57 =	vadd.s32 $0x4, v51;
	_ =	sdelay $0x1  }
0x1f9: {  	v51 =	vadd.s32 $0x8, v51  }
0x1fa: {  	v58 =	vpop (erf)  }
0x1fb: {  	v59 =	vld [tilespmem:$0x18880];
	v50 =	vmul.f32 v58, v56  }
0x1fc: {  	v52 =	vld.idx.msk [tilespmem:v57+s30+$0x0], $0xffff  }
0x1fd: {  	v60 =	vld [tilespmem:$0x18980];
	v53 =	vadd.f32 $-1.000000000e+00, v50  }
0x1fe: {  	v51 =	vld.idx.msk [tilespmem:v51+s30+$0x0], $0xffff  }
0x1ff: {  	v50 =	vmul.f32 v53, v50;
	_ =	sdelay $0x1  }
0x200: {  	v50 =	vmul.f32 v50, v52;
	_ =	sdelay $0x1  }
0x201: {  	v50 =	vsub.f32 v50, v51;
	_ =	sdelay $0x1  }
0x202: {  	[tilespmem:v59+s5+$0x0] =	vst.idx.add.f32.msk $0xffff, v50  }
0x203: {  	[tilespmem:v60+s5+$0x0] =	vst.idx.add.f32.msk $0xffff, v50  }
0x204: {  	v50 =	vld.idx.msk [tilespmem:v13+s23+$0x0], $0xffff  }
0x205: {  	v51 =	vld.idx.msk [tilespmem:v14+s23+$0x0], $0xffff  }
0x206: {  	v61 =	vld [tilespmem:$0x18A90]  }
0x207: {  	v62 =	vld.idx.msk [tilespmem:v13+s24+$0x0], $0xffff  }
0x208: {  	v54 =	vld.idx.msk [tilespmem:v14+s24+$0x0], $0xffff  }
0x209: {  	v55 =	vld [tilespmem:$0x18B90]  }
0x20a: {  	v63 =	vld [tilespmem:$0x18C90]  }
0x20b: {  	v57 =	vld.idx.msk [tilespmem:v15+s23+$0x0], $0xffff  }
0x20c: {  	v58 =	vld.idx.msk [tilespmem:v15+s24+$0x0], $0xffff;
	_ =	sdelay $0x1  }
0x20d: {  	v52 =	vcvt.s32.f32 v61  }
0x20e: {  	v50 =	vsub.f32 v62, v50;
	v55 =	vcvt.s32.f32 v55;
	v56 =	vcvt.s32.f32 v63  }
0x20f: {  	v51 =	vsub.f32 v54, v51;
	v60 =	vmul.f32 v52, v49;
	v61 =	vmul.f32 v52, v48  }
0x210: {  	v57 =	vsub.f32 v58, v57;
	v62 =	vmul.f32 v55, v47;
	v52 =	vmul.f32 v52, v43  }
0x211: {  	v63 =	vmul.f32 v55, v46;
	v50 =	vadd.f32 v60, v50;
	v51 =	vadd.f32 v61, v51  }
0x212: {  	v59 =	vmul.f32 v56, v45;
	v55 =	vmul.f32 v55, v42;
	v52 =	vadd.f32 v52, v57  }
0x213: {  	v60 =	vmul.f32 v56, v44;
	v50 =	vadd.f32 v62, v50;
	v51 =	vadd.f32 v63, v51  }
0x214: {  	v52 =	vadd.f32 v55, v52  }
0x215: {  	v61 =	vmul.f32 v56, v41;
	v50 =	vadd.f32 v59, v50;
	v51 =	vadd.f32 v60, v51  }
0x216: {  	v62 =	vld.idx.msk [tilespmem:v16+s23+$0x0], $0xffff  }
0x217: {  	v52 =	vadd.f32 v61, v52;
	v50 =	vmul.f32 v50, v50;
	v51 =	vmul.f32 v51, v51  }
0x218: {  	v63 =	vld.idx.msk [tilespmem:v16+s24+$0x0], $0xffff  }
0x219: {  	v55 =	vmul.f32 v52, v52;
	v50 =	vadd.f32 v51, v50;
	_ =	sdelay $0x1  }
0x21a: {  	v56 =	vadd.f32 v62, v62;
	v50 =	vadd.f32 v50, v55;
	_ =	sdelay $0x1  }
0x21b: {  	v51 =	vadd.f32 v63, v56;
	v57 =	vmul.f32 v50, v50;
	_ =	sdelay $0x1  }
0x21c: {  	v51 =	vtrunc.f32 v51;
	v50 =	vmul.f32 v57, v50  }
0x21d: {  	v51 =	vcvt.f32.s32 v51  }
0x21e: {  	(erf) = vrcp.f32 v50;
	_ =	sdelay $0x4  }
0x21f: {  	v58 =	vld.idx.msk [tilespmem:v51+s30+$0x0], $0xffff  }
0x220: {  	v59 =	vadd.s32 $0x4, v51;
	_ =	sdelay $0x1  }
0x221: {  	v51 =	vadd.s32 $0x8, v51  }
0x222: {  	v60 =	vpop (erf)  }
0x223: {  	v61 =	vld [tilespmem:$0x18890];
	v50 =	vmul.f32 v60, v58  }
0x224: {  	v52 =	vld.idx.msk [tilespmem:v59+s30+$0x0], $0xffff  }
0x225: {  	v62 =	vld [tilespmem:$0x18990];
	v53 =	vadd.f32 $-1.000000000e+00, v50  }
0x226: {  	v51 =	vld.idx.msk [tilespmem:v51+s30+$0x0], $0xffff  }
0x227: {  	v50 =	vmul.f32 v53, v50;
	_ =	sdelay $0x1  }
0x228: {  	v50 =	vmul.f32 v50, v52;
	_ =	sdelay $0x1  }
0x229: {  	v50 =	vsub.f32 v50, v51;
	_ =	sdelay $0x1  }
0x22a: {  	[tilespmem:v61+s5+$0x0] =	vst.idx.add.f32.msk $0xffff, v50  }
0x22b: {  	[tilespmem:v62+s5+$0x0] =	vst.idx.add.f32.msk $0xffff, v50  }
0x22c: {  	v50 =	vld.idx.msk [tilespmem:v17+s23+$0x0], $0xffff  }
0x22d: {  	v51 =	vld.idx.msk [tilespmem:v18+s23+$0x0], $0xffff  }
0x22e: {  	v63 =	vld [tilespmem:$0x18AA0]  }
0x22f: {  	v60 =	vld.idx.msk [tilespmem:v17+s24+$0x0], $0xffff  }
0x230: {  	v54 =	vld.idx.msk [tilespmem:v18+s24+$0x0], $0xffff  }
0x231: {  	v55 =	vld [tilespmem:$0x18BA0]  }
0x232: {  	v61 =	vld [tilespmem:$0x18CA0]  }
0x233: {  	v57 =	vld.idx.msk [tilespmem:v19+s23+$0x0], $0xffff  }
0x234: {  	v58 =	vld.idx.msk [tilespmem:v19+s24+$0x0], $0xffff;
	_ =	sdelay $0x1  }
0x235: {  	v52 =	vcvt.s32.f32 v63  }
0x236: {  	v50 =	vsub.f32 v60, v50;
	v55 =	vcvt.s32.f32 v55;
	v56 =	vcvt.s32.f32 v61  }
0x237: {  	v51 =	vsub.f32 v54, v51;
	v62 =	vmul.f32 v52, v49;
	v63 =	vmul.f32 v52, v48  }
0x238: {  	v57 =	vsub.f32 v58, v57;
	v60 =	vmul.f32 v55, v47;
	v52 =	vmul.f32 v52, v43  }
0x239: {  	v61 =	vmul.f32 v55, v46;
	v50 =	vadd.f32 v62, v50;
	v51 =	vadd.f32 v63, v51  }
0x23a: {  	v55 =	vmul.f32 v55, v42;
	v62 =	vmul.f32 v56, v45;
	v52 =	vadd.f32 v52, v57  }
0x23b: {  	v63 =	vmul.f32 v56, v44;
	v50 =	vadd.f32 v60, v50;
	v51 =	vadd.f32 v61, v51  }
0x23c: {  	v52 =	vadd.f32 v55, v52  }
0x23d: {  	v58 =	vmul.f32 v56, v41;
	v50 =	vadd.f32 v62, v50;
	v51 =	vadd.f32 v63, v51  }
0x23e: {  	v59 =	vld.idx.msk [tilespmem:v20+s23+$0x0], $0xffff  }
0x23f: {  	v52 =	vadd.f32 v58, v52;
	v50 =	vmul.f32 v50, v50;
	v51 =	vmul.f32 v51, v51  }
0x240: {  	v60 =	vld.idx.msk [tilespmem:v20+s24+$0x0], $0xffff  }
0x241: {  	v61 =	vmul.f32 v52, v52;
	v50 =	vadd.f32 v51, v50;
	_ =	sdelay $0x1  }
0x242: {  	v62 =	vadd.f32 v59, v59;
	v50 =	vadd.f32 v50, v61;
	_ =	sdelay $0x1  }
0x243: {  	v51 =	vadd.f32 v60, v62;
	v63 =	vmul.f32 v50, v50;
	_ =	sdelay $0x1  }
0x244: {  	v51 =	vtrunc.f32 v51;
	v50 =	vmul.f32 v63, v50  }
0x245: {  	v51 =	vcvt.f32.s32 v51  }
0x246: {  	(erf) = vrcp.f32 v50;
	_ =	sdelay $0x4  }
0x247: {  	v56 =	vld.idx.msk [tilespmem:v51+s30+$0x0], $0xffff  }
0x248: {  	v57 =	vadd.s32 $0x4, v51;
	_ =	sdelay $0x1  }
0x249: {  	v51 =	vadd.s32 $0x8, v51  }
0x24a: {  	v58 =	vpop (erf)  }
0x24b: {  	v59 =	vld [tilespmem:$0x188A0];
	v50 =	vmul.f32 v58, v56  }
0x24c: {  	v52 =	vld.idx.msk [tilespmem:v57+s30+$0x0], $0xffff  }
0x24d: {  	v60 =	vld [tilespmem:$0x189A0];
	v53 =	vadd.f32 $-1.000000000e+00, v50  }
0x24e: {  	v51 =	vld.idx.msk [tilespmem:v51+s30+$0x0], $0xffff  }
0x24f: {  	v50 =	vmul.f32 v53, v50;
	_ =	sdelay $0x1  }
0x250: {  	v50 =	vmul.f32 v50, v52;
	_ =	sdelay $0x1  }
0x251: {  	v50 =	vsub.f32 v50, v51;
	_ =	sdelay $0x1  }
0x252: {  	[tilespmem:v59+s5+$0x0] =	vst.idx.add.f32.msk $0xffff, v50  }
0x253: {  	[tilespmem:v60+s5+$0x0] =	vst.idx.add.f32.msk $0xffff, v50  }
0x254: {  	v50 =	vld.idx.msk [tilespmem:v21+s23+$0x0], $0xffff  }
0x255: {  	v51 =	vld.idx.msk [tilespmem:v22+s23+$0x0], $0xffff  }
0x256: {  	v61 =	vld [tilespmem:$0x18AB0]  }
0x257: {  	v62 =	vld.idx.msk [tilespmem:v21+s24+$0x0], $0xffff  }
0x258: {  	v54 =	vld.idx.msk [tilespmem:v22+s24+$0x0], $0xffff  }
0x259: {  	v55 =	vld [tilespmem:$0x18BB0]  }
0x25a: {  	v63 =	vld [tilespmem:$0x18CB0]  }
0x25b: {  	v57 =	vld.idx.msk [tilespmem:v23+s23+$0x0], $0xffff  }
0x25c: {  	v58 =	vld.idx.msk [tilespmem:v23+s24+$0x0], $0xffff;
	_ =	sdelay $0x1  }
0x25d: {  	v52 =	vcvt.s32.f32 v61  }
0x25e: {  	v50 =	vsub.f32 v62, v50;
	v55 =	vcvt.s32.f32 v55;
	v56 =	vcvt.s32.f32 v63  }
0x25f: {  	v51 =	vsub.f32 v54, v51;
	v60 =	vmul.f32 v52, v49;
	v61 =	vmul.f32 v52, v48  }
0x260: {  	v57 =	vsub.f32 v58, v57;
	v62 =	vmul.f32 v55, v47;
	v52 =	vmul.f32 v52, v43  }
0x261: {  	v63 =	vmul.f32 v55, v46;
	v50 =	vadd.f32 v60, v50;
	v51 =	vadd.f32 v61, v51  }
0x262: {  	v59 =	vmul.f32 v56, v45;
	v55 =	vmul.f32 v55, v42;
	v52 =	vadd.f32 v52, v57  }
0x263: {  	v60 =	vmul.f32 v56, v44;
	v50 =	vadd.f32 v62, v50;
	v51 =	vadd.f32 v63, v51  }
0x264: {  	v52 =	vadd.f32 v55, v52  }
0x265: {  	v61 =	vmul.f32 v56, v41;
	v50 =	vadd.f32 v59, v50;
	v51 =	vadd.f32 v60, v51  }
0x266: {  	v62 =	vld.idx.msk [tilespmem:v24+s23+$0x0], $0xffff  }
0x267: {  	v52 =	vadd.f32 v61, v52;
	v50 =	vmul.f32 v50, v50;
	v51 =	vmul.f32 v51, v51  }
0x268: {  	v63 =	vld.idx.msk [tilespmem:v24+s24+$0x0], $0xffff  }
0x269: {  	v55 =	vmul.f32 v52, v52;
	v50 =	vadd.f32 v51, v50;
	_ =	sdelay $0x1  }
0x26a: {  	v56 =	vadd.f32 v62, v62;
	v50 =	vadd.f32 v50, v55;
	_ =	sdelay $0x1  }
0x26b: {  	v51 =	vadd.f32 v63, v56;
	v57 =	vmul.f32 v50, v50;
	_ =	sdelay $0x1  }
0x26c: {  	v51 =	vtrunc.f32 v51;
	v50 =	vmul.f32 v57, v50  }
0x26d: {  	v51 =	vcvt.f32.s32 v51  }
0x26e: {  	(erf) = vrcp.f32 v50;
	_ =	sdelay $0x4  }
0x26f: {  	v58 =	vld.idx.msk [tilespmem:v51+s30+$0x0], $0xffff  }
0x270: {  	v59 =	vadd.s32 $0x4, v51;
	_ =	sdelay $0x1  }
0x271: {  	v51 =	vadd.s32 $0x8, v51  }
0x272: {  	v60 =	vpop (erf)  }
0x273: {  	v61 =	vld [tilespmem:$0x188B0];
	v50 =	vmul.f32 v60, v58  }
0x274: {  	v52 =	vld.idx.msk [tilespmem:v59+s30+$0x0], $0xffff  }
0x275: {  	v62 =	vld [tilespmem:$0x189B0];
	v53 =	vadd.f32 $-1.000000000e+00, v50  }
0x276: {  	v51 =	vld.idx.msk [tilespmem:v51+s30+$0x0], $0xffff  }
0x277: {  	v50 =	vmul.f32 v53, v50;
	_ =	sdelay $0x1  }
0x278: {  	v50 =	vmul.f32 v50, v52;
	_ =	sdelay $0x1  }
0x279: {  	v50 =	vsub.f32 v50, v51;
	_ =	sdelay $0x1  }
0x27a: {  	[tilespmem:v61+s5+$0x0] =	vst.idx.add.f32.msk $0xffff, v50  }
0x27b: {  	[tilespmem:v62+s5+$0x0] =	vst.idx.add.f32.msk $0xffff, v50  }
0x27c: {  	v50 =	vld.idx.msk [tilespmem:v25+s23+$0x0], $0xffff  }
0x27d: {  	v51 =	vld.idx.msk [tilespmem:v26+s23+$0x0], $0xffff  }
0x27e: {  	v63 =	vld [tilespmem:$0x18AC0]  }
0x27f: {  	v60 =	vld.idx.msk [tilespmem:v25+s24+$0x0], $0xffff  }
0x280: {  	v54 =	vld.idx.msk [tilespmem:v26+s24+$0x0], $0xffff  }
0x281: {  	v55 =	vld [tilespmem:$0x18BC0]  }
0x282: {  	v61 =	vld [tilespmem:$0x18CC0]  }
0x283: {  	v57 =	vld.idx.msk [tilespmem:v27+s23+$0x0], $0xffff  }
0x284: {  	v58 =	vld.idx.msk [tilespmem:v27+s24+$0x0], $0xffff;
	_ =	sdelay $0x1  }
0x285: {  	v52 =	vcvt.s32.f32 v63  }
0x286: {  	v50 =	vsub.f32 v60, v50;
	v55 =	vcvt.s32.f32 v55;
	v56 =	vcvt.s32.f32 v61  }
0x287: {  	v51 =	vsub.f32 v54, v51;
	v62 =	vmul.f32 v52, v49;
	v63 =	vmul.f32 v52, v48  }
0x288: {  	v57 =	vsub.f32 v58, v57;
	v60 =	vmul.f32 v55, v47;
	v52 =	vmul.f32 v52, v43  }
0x289: {  	v61 =	vmul.f32 v55, v46;
	v50 =	vadd.f32 v62, v50;
	v51 =	vadd.f32 v63, v51  }
0x28a: {  	v55 =	vmul.f32 v55, v42;
	v62 =	vmul.f32 v56, v45;
	v52 =	vadd.f32 v52, v57  }
0x28b: {  	v63 =	vmul.f32 v56, v44;
	v50 =	vadd.f32 v60, v50;
	v51 =	vadd.f32 v61, v51  }
0x28c: {  	v52 =	vadd.f32 v55, v52  }
0x28d: {  	v58 =	vmul.f32 v56, v41;
	v50 =	vadd.f32 v62, v50;
	v51 =	vadd.f32 v63, v51  }
0x28e: {  	v59 =	vld.idx.msk [tilespmem:v28+s23+$0x0], $0xffff  }
0x28f: {  	v52 =	vadd.f32 v58, v52;
	v50 =	vmul.f32 v50, v50;
	v51 =	vmul.f32 v51, v51  }
0x290: {  	v60 =	vld.idx.msk [tilespmem:v28+s24+$0x0], $0xffff  }
0x291: {  	v61 =	vmul.f32 v52, v52;
	v50 =	vadd.f32 v51, v50;
	_ =	sdelay $0x1  }
0x292: {  	v62 =	vadd.f32 v59, v59;
	v50 =	vadd.f32 v50, v61;
	_ =	sdelay $0x1  }
0x293: {  	v51 =	vadd.f32 v60, v62;
	v63 =	vmul.f32 v50, v50;
	_ =	sdelay $0x1  }
0x294: {  	v51 =	vtrunc.f32 v51;
	v50 =	vmul.f32 v63, v50  }
0x295: {  	v51 =	vcvt.f32.s32 v51  }
0x296: {  	(erf) = vrcp.f32 v50;
	_ =	sdelay $0x4  }
0x297: {  	v56 =	vld.idx.msk [tilespmem:v51+s30+$0x0], $0xffff  }
0x298: {  	v57 =	vadd.s32 $0x4, v51;
	_ =	sdelay $0x1  }
0x299: {  	v51 =	vadd.s32 $0x8, v51  }
0x29a: {  	v58 =	vpop (erf)  }
0x29b: {  	v59 =	vld [tilespmem:$0x188C0];
	v50 =	vmul.f32 v58, v56  }
0x29c: {  	v52 =	vld.idx.msk [tilespmem:v57+s30+$0x0], $0xffff  }
0x29d: {  	v60 =	vld [tilespmem:$0x189C0];
	v53 =	vadd.f32 $-1.000000000e+00, v50  }
0x29e: {  	v51 =	vld.idx.msk [tilespmem:v51+s30+$0x0], $0xffff  }
0x29f: {  	v50 =	vmul.f32 v53, v50;
	_ =	sdelay $0x1  }
0x2a0: {  	v50 =	vmul.f32 v50, v52;
	_ =	sdelay $0x1  }
0x2a1: {  	v50 =	vsub.f32 v50, v51;
	_ =	sdelay $0x1  }
0x2a2: {  	[tilespmem:v59+s5+$0x0] =	vst.idx.add.f32.msk $0xffff, v50  }
0x2a3: {  	[tilespmem:v60+s5+$0x0] =	vst.idx.add.f32.msk $0xffff, v50  }
0x2a4: {  	v50 =	vld.idx.msk [tilespmem:v29+s23+$0x0], $0xffff  }
0x2a5: {  	v51 =	vld.idx.msk [tilespmem:v30+s23+$0x0], $0xffff  }
0x2a6: {  	v61 =	vld [tilespmem:$0x18AD0]  }
0x2a7: {  	v62 =	vld.idx.msk [tilespmem:v29+s24+$0x0], $0xffff  }
0x2a8: {  	v54 =	vld.idx.msk [tilespmem:v30+s24+$0x0], $0xffff  }
0x2a9: {  	v55 =	vld [tilespmem:$0x18BD0]  }
0x2aa: {  	v63 =	vld [tilespmem:$0x18CD0]  }
0x2ab: {  	v57 =	vld.idx.msk [tilespmem:v31+s23+$0x0], $0xffff  }
0x2ac: {  	v58 =	vld.idx.msk [tilespmem:v31+s24+$0x0], $0xffff;
	_ =	sdelay $0x1  }
0x2ad: {  	v52 =	vcvt.s32.f32 v61  }
0x2ae: {  	v50 =	vsub.f32 v62, v50;
	v55 =	vcvt.s32.f32 v55;
	v56 =	vcvt.s32.f32 v63  }
0x2af: {  	v51 =	vsub.f32 v54, v51;
	v60 =	vmul.f32 v52, v49;
	v61 =	vmul.f32 v52, v48  }
0x2b0: {  	v57 =	vsub.f32 v58, v57;
	v62 =	vmul.f32 v55, v47;
	v52 =	vmul.f32 v52, v43  }
0x2b1: {  	v63 =	vmul.f32 v55, v46;
	v50 =	vadd.f32 v60, v50;
	v51 =	vadd.f32 v61, v51  }
0x2b2: {  	v59 =	vmul.f32 v56, v45;
	v55 =	vmul.f32 v55, v42;
	v52 =	vadd.f32 v52, v57  }
0x2b3: {  	v60 =	vmul.f32 v56, v44;
	v50 =	vadd.f32 v62, v50;
	v51 =	vadd.f32 v63, v51  }
0x2b4: {  	v52 =	vadd.f32 v55, v52  }
0x2b5: {  	v61 =	vmul.f32 v56, v41;
	v50 =	vadd.f32 v59, v50;
	v51 =	vadd.f32 v60, v51  }
0x2b6: {  	v62 =	vld.idx.msk [tilespmem:v32+s23+$0x0], $0xffff  }
0x2b7: {  	v52 =	vadd.f32 v61, v52;
	v50 =	vmul.f32 v50, v50;
	v51 =	vmul.f32 v51, v51  }
0x2b8: {  	v63 =	vld.idx.msk [tilespmem:v32+s24+$0x0], $0xffff  }
0x2b9: {  	v55 =	vmul.f32 v52, v52;
	v50 =	vadd.f32 v51, v50;
	_ =	sdelay $0x1  }
0x2ba: {  	v56 =	vadd.f32 v62, v62;
	v50 =	vadd.f32 v50, v55;
	_ =	sdelay $0x1  }
0x2bb: {  	v51 =	vadd.f32 v63, v56;
	v57 =	vmul.f32 v50, v50;
	_ =	sdelay $0x1  }
0x2bc: {  	v51 =	vtrunc.f32 v51;
	v50 =	vmul.f32 v57, v50  }
0x2bd: {  	v51 =	vcvt.f32.s32 v51  }
0x2be: {  	(erf) = vrcp.f32 v50;
	_ =	sdelay $0x4  }
0x2bf: {  	v58 =	vld.idx.msk [tilespmem:v51+s30+$0x0], $0xffff  }
0x2c0: {  	v59 =	vadd.s32 $0x4, v51;
	_ =	sdelay $0x1  }
0x2c1: {  	v51 =	vadd.s32 $0x8, v51  }
0x2c2: {  	v60 =	vpop (erf)  }
0x2c3: {  	v61 =	vld [tilespmem:$0x188D0];
	v50 =	vmul.f32 v60, v58  }
0x2c4: {  	v52 =	vld.idx.msk [tilespmem:v59+s30+$0x0], $0xffff  }
0x2c5: {  	v62 =	vld [tilespmem:$0x189D0];
	v53 =	vadd.f32 $-1.000000000e+00, v50  }
0x2c6: {  	v51 =	vld.idx.msk [tilespmem:v51+s30+$0x0], $0xffff  }
0x2c7: {  	v50 =	vmul.f32 v53, v50;
	_ =	sdelay $0x1  }
0x2c8: {  	v50 =	vmul.f32 v50, v52;
	_ =	sdelay $0x1  }
0x2c9: {  	v50 =	vsub.f32 v50, v51;
	_ =	sdelay $0x1  }
0x2ca: {  	[tilespmem:v61+s5+$0x0] =	vst.idx.add.f32.msk $0xffff, v50  }
0x2cb: {  	[tilespmem:v62+s5+$0x0] =	vst.idx.add.f32.msk $0xffff, v50  }
0x2cc: {  	v50 =	vld.idx.msk [tilespmem:v33+s23+$0x0], $0xffff  }
0x2cd: {  	v51 =	vld.idx.msk [tilespmem:v34+s23+$0x0], $0xffff  }
0x2ce: {  	v63 =	vld [tilespmem:$0x18AE0]  }
0x2cf: {  	v60 =	vld.idx.msk [tilespmem:v33+s24+$0x0], $0xffff  }
0x2d0: {  	v54 =	vld.idx.msk [tilespmem:v34+s24+$0x0], $0xffff  }
0x2d1: {  	v55 =	vld [tilespmem:$0x18BE0]  }
0x2d2: {  	v61 =	vld [tilespmem:$0x18CE0]  }
0x2d3: {  	v57 =	vld.idx.msk [tilespmem:v35+s23+$0x0], $0xffff  }
0x2d4: {  	v58 =	vld.idx.msk [tilespmem:v35+s24+$0x0], $0xffff;
	_ =	sdelay $0x1  }
0x2d5: {  	v52 =	vcvt.s32.f32 v63  }
0x2d6: {  	v50 =	vsub.f32 v60, v50;
	v55 =	vcvt.s32.f32 v55;
	v56 =	vcvt.s32.f32 v61  }
0x2d7: {  	v51 =	vsub.f32 v54, v51;
	v62 =	vmul.f32 v52, v49;
	v63 =	vmul.f32 v52, v48  }
0x2d8: {  	v57 =	vsub.f32 v58, v57;
	v60 =	vmul.f32 v55, v47;
	v52 =	vmul.f32 v52, v43  }
0x2d9: {  	v61 =	vmul.f32 v55, v46;
	v50 =	vadd.f32 v62, v50;
	v51 =	vadd.f32 v63, v51  }
0x2da: {  	v55 =	vmul.f32 v55, v42;
	v62 =	vmul.f32 v56, v45;
	v52 =	vadd.f32 v52, v57  }
0x2db: {  	v63 =	vmul.f32 v56, v44;
	v50 =	vadd.f32 v60, v50;
	v51 =	vadd.f32 v61, v51  }
0x2dc: {  	v52 =	vadd.f32 v55, v52  }
0x2dd: {  	v58 =	vmul.f32 v56, v41;
	v50 =	vadd.f32 v62, v50;
	v51 =	vadd.f32 v63, v51  }
0x2de: {  	v59 =	vld.idx.msk [tilespmem:v36+s23+$0x0], $0xffff  }
0x2df: {  	v52 =	vadd.f32 v58, v52;
	v50 =	vmul.f32 v50, v50;
	v51 =	vmul.f32 v51, v51  }
0x2e0: {  	v60 =	vld.idx.msk [tilespmem:v36+s24+$0x0], $0xffff  }
0x2e1: {  	v61 =	vmul.f32 v52, v52;
	v50 =	vadd.f32 v51, v50;
	_ =	sdelay $0x1  }
0x2e2: {  	v62 =	vadd.f32 v59, v59;
	v50 =	vadd.f32 v50, v61;
	_ =	sdelay $0x1  }
0x2e3: {  	v51 =	vadd.f32 v60, v62;
	v63 =	vmul.f32 v50, v50;
	_ =	sdelay $0x1  }
0x2e4: {  	v51 =	vtrunc.f32 v51;
	v50 =	vmul.f32 v63, v50  }
0x2e5: {  	v51 =	vcvt.f32.s32 v51  }
0x2e6: {  	(erf) = vrcp.f32 v50;
	_ =	sdelay $0x4  }
0x2e7: {  	v56 =	vld.idx.msk [tilespmem:v51+s30+$0x0], $0xffff  }
0x2e8: {  	v57 =	vadd.s32 $0x4, v51;
	_ =	sdelay $0x1  }
0x2e9: {  	v51 =	vadd.s32 $0x8, v51  }
0x2ea: {  	v58 =	vpop (erf)  }
0x2eb: {  	v59 =	vld [tilespmem:$0x188E0];
	v50 =	vmul.f32 v58, v56  }
0x2ec: {  	v52 =	vld.idx.msk [tilespmem:v57+s30+$0x0], $0xffff  }
0x2ed: {  	v60 =	vld [tilespmem:$0x189E0];
	v53 =	vadd.f32 $-1.000000000e+00, v50  }
0x2ee: {  	v51 =	vld.idx.msk [tilespmem:v51+s30+$0x0], $0xffff  }
0x2ef: {  	v50 =	vmul.f32 v53, v50;
	_ =	sdelay $0x1  }
0x2f0: {  	v50 =	vmul.f32 v50, v52;
	_ =	sdelay $0x1  }
0x2f1: {  	v50 =	vsub.f32 v50, v51;
	_ =	sdelay $0x1  }
0x2f2: {  	[tilespmem:v59+s5+$0x0] =	vst.idx.add.f32.msk $0xffff, v50  }
0x2f3: {  	[tilespmem:v60+s5+$0x0] =	vst.idx.add.f32.msk $0xffff, v50  }
0x2f4: {  	v50 =	vld.idx.msk [tilespmem:v37+s23+$0x0], $0xffff  }
0x2f5: {  	v51 =	vld.idx.msk [tilespmem:v38+s23+$0x0], $0xffff  }
0x2f6: {  	v61 =	vld [tilespmem:$0x18AF0]  }
0x2f7: {  	v62 =	vld.idx.msk [tilespmem:v37+s24+$0x0], $0xffff  }
0x2f8: {  	v54 =	vld.idx.msk [tilespmem:v38+s24+$0x0], $0xffff  }
0x2f9: {  	v55 =	vld [tilespmem:$0x18BF0]  }
0x2fa: {  	v63 =	vld [tilespmem:$0x18CF0]  }
0x2fb: {  	v57 =	vld.idx.msk [tilespmem:v39+s23+$0x0], $0xffff  }
0x2fc: {  	v58 =	vld.idx.msk [tilespmem:v39+s24+$0x0], $0xffff;
	_ =	sdelay $0x1  }
0x2fd: {  	v52 =	vcvt.s32.f32 v61  }
0x2fe: {  	v50 =	vsub.f32 v62, v50;
	v55 =	vcvt.s32.f32 v55;
	v56 =	vcvt.s32.f32 v63  }
0x2ff: {  	v51 =	vsub.f32 v54, v51;
	v60 =	vmul.f32 v52, v49;
	v61 =	vmul.f32 v52, v48  }
0x300: {  	v57 =	vsub.f32 v58, v57;
	v62 =	vmul.f32 v55, v47;
	v52 =	vmul.f32 v52, v43  }
0x301: {  	v63 =	vmul.f32 v55, v46;
	v50 =	vadd.f32 v60, v50;
	v51 =	vadd.f32 v61, v51  }
0x302: {  	v59 =	vmul.f32 v56, v45;
	v55 =	vmul.f32 v55, v42;
	v52 =	vadd.f32 v52, v57  }
0x303: {  	v60 =	vmul.f32 v56, v44;
	v50 =	vadd.f32 v62, v50;
	v51 =	vadd.f32 v63, v51  }
0x304: {  	v52 =	vadd.f32 v55, v52  }
0x305: {  	v61 =	vmul.f32 v56, v41;
	v50 =	vadd.f32 v59, v50;
	v51 =	vadd.f32 v60, v51  }
0x306: {  	v62 =	vld.idx.msk [tilespmem:v40+s23+$0x0], $0xffff  }
0x307: {  	v52 =	vadd.f32 v61, v52;
	v50 =	vmul.f32 v50, v50;
	v51 =	vmul.f32 v51, v51  }
0x308: {  	v63 =	vld.idx.msk [tilespmem:v40+s24+$0x0], $0xffff  }
0x309: {  	v56 =	vmul.f32 v52, v52;
	v50 =	vadd.f32 v51, v50;
	_ =	sdelay $0x1  }
0x30a: {  	v57 =	vadd.f32 v62, v62;
	v50 =	vadd.f32 v50, v56;
	_ =	sdelay $0x1  }
0x30b: {  	v51 =	vadd.f32 v63, v57;
	v58 =	vmul.f32 v50, v50;
	_ =	sdelay $0x1  }
0x30c: {  	v51 =	vtrunc.f32 v51;
	v50 =	vmul.f32 v58, v50  }
0x30d: {  	v51 =	vcvt.f32.s32 v51  }
0x30e: {  	(erf) = vrcp.f32 v50;
	_ =	sdelay $0x4  }
0x30f: {  	v59 =	vld.idx.msk [tilespmem:v51+s30+$0x0], $0xffff  }
0x310: {  	v60 =	vadd.s32 $0x4, v51;
	_ =	sdelay $0x1  }
0x311: {  	v51 =	vadd.s32 $0x8, v51  }
0x312: {  	v61 =	vpop (erf)  }
0x313: {  	v62 =	vld [tilespmem:$0x188F0];
	v50 =	vmul.f32 v61, v59  }
0x314: {  	v52 =	vld.idx.msk [tilespmem:v60+s30+$0x0], $0xffff  }
0x315: {  	v63 =	vld [tilespmem:$0x189F0];
	v53 =	vadd.f32 $-1.000000000e+00, v50  }
0x316: {  	v51 =	vld.idx.msk [tilespmem:v51+s30+$0x0], $0xffff  }
0x317: {  	v50 =	vmul.f32 v53, v50;
	_ =	sdelay $0x1  }
0x318: {  	v50 =	vmul.f32 v50, v52;
	_ =	sdelay $0x1  }
0x319: {  	v50 =	vsub.f32 v50, v51;
	_ =	sdelay $0x1  }
0x31a: {  	s3 =	rddreg [dreg:$0x9];
	[tilespmem:v62+s5+$0x0] =	vst.idx.add.f32.msk $0xffff, v50  }
0x31b: {  	s1 =	sadd.s32 s0, s3;
	s3 =	rddreg [dreg:$0x8];
	[tilespmem:v63+s5+$0x0] =	vst.idx.add.f32.msk $0xffff, v50  }
0x31c: {  	[tilespmem:s17], [sflag:$0x2] =	stream.linear.gather [hbm4b:s1+s5], $0x80, $0x38;
	[tilespmem:$0x19DA0] =	vst v63  }
0x31d: {  	s11 =	rddreg [dreg:$0x7];
	s3 =	sadd.s32 s0, s3  }
0x31e: {  	[tilespmem:s18], [sflag:$0x2] =	stream.linear.gather [hbm4b:s3+s5], $0x80, $0x38;
	[tilespmem:$0x19DA0] =	vst v63  }
0x31f: {  	p0 =	sne.s32 s0, $0x6160;
	s1 =	sadd.s32 s0, s11  }
0x320: {  	[tilespmem:s21], [sflag:$0x2] =	stream.linear.gather [hbm4b:s1+s5], $0x80, $0x38;
	[tilespmem:$0x19DA0] =	vst v63  }
.Ltmp1:
0x321: {  	s3 =	rddreg [dreg:$0x6];
	(pc) =	sbr.rel @p0 .LBB2_4-.Ltmp1, $4  }
0x322: {  	s31 =	sadd.s32 $0x100, s31;
	s11 =	rddreg [dreg:$0x5];
	s3 =	sadd.s32 s0, s3  }
0x323: {  	[tilespmem:s10], [sflag:$0x2] =	stream.linear.gather [hbm4b:s3+s5], $0x80, $0x38;
	[tilespmem:$0x19DA0] =	vst v63  }
0x324: {  	s1 =	sadd.s32 s0, s11;
	s0 =	sadd.s32 $0x20, s0;
	s3 =	smov.u32 s19  }
0x325: {  	[tilespmem:s12], [sflag:$0x2] =	stream.linear.gather [hbm4b:s1+s5], $0x80, $0x38;
	[tilespmem:$0x19DA0] =	vst v63  }
0x326: {  	_ =	swait.ge [sflag:s22], $0x80  }
0x327: {  	[sflag:s22] =	ssyncset.done $0x0  }
0x328: {  	[sflag:s22] =	ssyncadd.s32 $0xFFFFFF80  }
0x329: {  	_ =	swait.ge [sflag:s22], $0x80  }
0x32a: {  	[sflag:s22] =	ssyncset.done $0x0  }
0x32b: {  	[sflag:s22] =	ssyncadd.s32 $0xFFFFFF80  }
0x32c: {  	_ =	swait.ge [sflag:s22], $0x80  }
0x32d: {  	[sflag:s22] =	ssyncset.done $0x0  }
0x32e: {  	[sflag:s22] =	ssyncadd.s32 $0xFFFFFF80  }
0x32f: {  	_ =	swait.ge [sflag:s22], $0x80  }
0x330: {  	[sflag:s22] =	ssyncset.done $0x0  }
0x331: {  	[sflag:s22] =	ssyncadd.s32 $0xFFFFFF80  }
0x332: {  	_ =	swait.ge [sflag:s22], $0x80  }
0x333: {  	[sflag:s22] =	ssyncset.done $0x0  }
0x334: {  	[sflag:s22] =	ssyncadd.s32 $0xFFFFFF80  }
0x335: {  	[tilespmem:s23], [sflag:$0x4] =	stream.indirect.gather [hbm4b:s6+s14], $0x8, s17, s14, $0xb8;
	[tilespmem:$0x19DA0] =	vst v63  }
0x336: {  	_ = 	snop  }
0x337: {  	[tilespmem:s24], [sflag:$0x6] =	stream.indirect.gather [hbm4b:s6+s14], $0x8, s18, s14, $0xb8;
	[tilespmem:$0x19DA0] =	vst v63  }
0x338: {  	_ =	swait.ge [sflag:s25], $0x400  }
0x339: {  	[sflag:s25] =	ssyncset.done $0x0  }
0x33a: {  	[sflag:s25] =	ssyncadd.s32 $0xFFFFFC00  }
0x33b: {  	_ =	swait.ge [sflag:s26], $0x400  }
0x33c: {  	[sflag:s26] =	ssyncset.done $0x0  }
0x33d: {  	[sflag:s26] =	ssyncadd.s32 $0xFFFFFC00  }
0x33e: {  	v50 =	vld.idx.msk [tilespmem:v4+s15+$0x0], $0xffff  }
0x33f: {  	v51 =	vld.idx.msk [tilespmem:v10+s15+$0x0], $0xffff  }
0x340: {  	v52 =	vld [tilespmem:$0x18A00]  }
0x341: {  	v53 =	vld.idx.msk [tilespmem:v4+s16+$0x0], $0xffff  }
0x342: {  	v54 =	vld.idx.msk [tilespmem:v10+s16+$0x0], $0xffff  }
0x343: {  	v55 =	vld [tilespmem:$0x18B00]  }
0x344: {  	v56 =	vld [tilespmem:$0x18C00]  }
0x345: {  	v57 =	vld.idx.msk [tilespmem:v11+s15+$0x0], $0xffff  }
0x346: {  	v58 =	vld.idx.msk [tilespmem:v11+s16+$0x0], $0xffff;
	_ =	sdelay $0x1  }
0x347: {  	v52 =	vcvt.s32.f32 v52  }
0x348: {  	v50 =	vsub.f32 v53, v50;
	v55 =	vcvt.s32.f32 v55;
	v56 =	vcvt.s32.f32 v56  }
0x349: {  	v51 =	vsub.f32 v54, v51;
	v60 =	vmul.f32 v52, v49;
	v61 =	vmul.f32 v52, v48  }
0x34a: {  	v57 =	vsub.f32 v58, v57;
	v62 =	vmul.f32 v55, v47;
	v52 =	vmul.f32 v52, v43  }
0x34b: {  	v63 =	vmul.f32 v55, v46;
	v50 =	vadd.f32 v60, v50;
	v51 =	vadd.f32 v61, v51  }
0x34c: {  	v59 =	vmul.f32 v56, v45;
	v55 =	vmul.f32 v55, v42;
	v52 =	vadd.f32 v52, v57  }
0x34d: {  	v60 =	vmul.f32 v56, v44;
	v50 =	vadd.f32 v62, v50;
	v51 =	vadd.f32 v63, v51  }
0x34e: {  	v52 =	vadd.f32 v55, v52  }
0x34f: {  	v61 =	vmul.f32 v56, v41;
	v50 =	vadd.f32 v59, v50;
	v51 =	vadd.f32 v60, v51  }
0x350: {  	v62 =	vld.idx.msk [tilespmem:v12+s15+$0x0], $0xffff  }
0x351: {  	v52 =	vadd.f32 v61, v52;
	v50 =	vmul.f32 v50, v50;
	v51 =	vmul.f32 v51, v51  }
0x352: {  	v63 =	vld.idx.msk [tilespmem:v12+s16+$0x0], $0xffff  }
0x353: {  	v55 =	vmul.f32 v52, v52;
	v50 =	vadd.f32 v51, v50;
	_ =	sdelay $0x1  }
0x354: {  	v56 =	vadd.f32 v62, v62;
	v50 =	vadd.f32 v50, v55;
	_ =	sdelay $0x1  }
0x355: {  	v51 =	vadd.f32 v63, v56;
	v57 =	vmul.f32 v50, v50;
	_ =	sdelay $0x1  }
0x356: {  	v51 =	vtrunc.f32 v51;
	v50 =	vmul.f32 v57, v50  }
0x357: {  	v51 =	vcvt.f32.s32 v51  }
0x358: {  	(erf) = vrcp.f32 v50;
	_ =	sdelay $0x4  }
0x359: {  	v58 =	vld.idx.msk [tilespmem:v51+s30+$0x0], $0xffff  }
0x35a: {  	v59 =	vadd.s32 $0x4, v51;
	_ =	sdelay $0x1  }
0x35b: {  	v51 =	vadd.s32 $0x8, v51  }
0x35c: {  	v60 =	vpop (erf)  }
0x35d: {  	v61 =	vld [tilespmem:$0x18800];
	v50 =	vmul.f32 v60, v58  }
0x35e: {  	v52 =	vld.idx.msk [tilespmem:v59+s30+$0x0], $0xffff  }
0x35f: {  	v62 =	vld [tilespmem:$0x18900];
	v53 =	vadd.f32 $-1.000000000e+00, v50  }
0x360: {  	v51 =	vld.idx.msk [tilespmem:v51+s30+$0x0], $0xffff  }
0x361: {  	v50 =	vmul.f32 v53, v50;
	_ =	sdelay $0x1  }
0x362: {  	v50 =	vmul.f32 v50, v52;
	_ =	sdelay $0x1  }
0x363: {  	v50 =	vsub.f32 v50, v51;
	_ =	sdelay $0x1  }
0x364: {  	[tilespmem:v61+s5+$0x0] =	vst.idx.add.f32.msk $0xffff, v50  }
0x365: {  	[tilespmem:v62+s5+$0x0] =	vst.idx.add.f32.msk $0xffff, v50  }
0x366: {  	v50 =	vld.idx.msk [tilespmem:v13+s15+$0x0], $0xffff  }
0x367: {  	v51 =	vld.idx.msk [tilespmem:v14+s15+$0x0], $0xffff  }
0x368: {  	v63 =	vld [tilespmem:$0x18A10]  }
0x369: {  	v60 =	vld.idx.msk [tilespmem:v13+s16+$0x0], $0xffff  }
0x36a: {  	v54 =	vld.idx.msk [tilespmem:v14+s16+$0x0], $0xffff  }
0x36b: {  	v55 =	vld [tilespmem:$0x18B10]  }
0x36c: {  	v61 =	vld [tilespmem:$0x18C10]  }
0x36d: {  	v57 =	vld.idx.msk [tilespmem:v15+s15+$0x0], $0xffff  }
0x36e: {  	v58 =	vld.idx.msk [tilespmem:v15+s16+$0x0], $0xffff;
	_ =	sdelay $0x1  }
0x36f: {  	v52 =	vcvt.s32.f32 v63  }
0x370: {  	v50 =	vsub.f32 v60, v50;
	v55 =	vcvt.s32.f32 v55;
	v56 =	vcvt.s32.f32 v61  }
0x371: {  	v51 =	vsub.f32 v54, v51;
	v62 =	vmul.f32 v52, v49;
	v63 =	vmul.f32 v52, v48  }
0x372: {  	v57 =	vsub.f32 v58, v57;
	v60 =	vmul.f32 v55, v47;
	v52 =	vmul.f32 v52, v43  }
0x373: {  	v61 =	vmul.f32 v55, v46;
	v50 =	vadd.f32 v62, v50;
	v51 =	vadd.f32 v63, v51  }
0x374: {  	v55 =	vmul.f32 v55, v42;
	v62 =	vmul.f32 v56, v45;
	v52 =	vadd.f32 v52, v57  }
0x375: {  	v63 =	vmul.f32 v56, v44;
	v50 =	vadd.f32 v60, v50;
	v51 =	vadd.f32 v61, v51  }
0x376: {  	v52 =	vadd.f32 v55, v52  }
0x377: {  	v58 =	vmul.f32 v56, v41;
	v50 =	vadd.f32 v62, v50;
	v51 =	vadd.f32 v63, v51  }
0x378: {  	v59 =	vld.idx.msk [tilespmem:v16+s15+$0x0], $0xffff  }
0x379: {  	v52 =	vadd.f32 v58, v52;
	v50 =	vmul.f32 v50, v50;
	v51 =	vmul.f32 v51, v51  }
0x37a: {  	v60 =	vld.idx.msk [tilespmem:v16+s16+$0x0], $0xffff  }
0x37b: {  	v61 =	vmul.f32 v52, v52;
	v50 =	vadd.f32 v51, v50;
	_ =	sdelay $0x1  }
0x37c: {  	v62 =	vadd.f32 v59, v59;
	v50 =	vadd.f32 v50, v61;
	_ =	sdelay $0x1  }
0x37d: {  	v51 =	vadd.f32 v60, v62;
	v63 =	vmul.f32 v50, v50;
	_ =	sdelay $0x1  }
0x37e: {  	v51 =	vtrunc.f32 v51;
	v50 =	vmul.f32 v63, v50  }
0x37f: {  	v51 =	vcvt.f32.s32 v51  }
0x380: {  	(erf) = vrcp.f32 v50;
	_ =	sdelay $0x4  }
0x381: {  	v56 =	vld.idx.msk [tilespmem:v51+s30+$0x0], $0xffff  }
0x382: {  	v57 =	vadd.s32 $0x4, v51;
	_ =	sdelay $0x1  }
0x383: {  	v51 =	vadd.s32 $0x8, v51  }
0x384: {  	v58 =	vpop (erf)  }
0x385: {  	v59 =	vld [tilespmem:$0x18810];
	v50 =	vmul.f32 v58, v56  }
0x386: {  	v52 =	vld.idx.msk [tilespmem:v57+s30+$0x0], $0xffff  }
0x387: {  	v60 =	vld [tilespmem:$0x18910];
	v53 =	vadd.f32 $-1.000000000e+00, v50  }
0x388: {  	v51 =	vld.idx.msk [tilespmem:v51+s30+$0x0], $0xffff  }
0x389: {  	v50 =	vmul.f32 v53, v50;
	_ =	sdelay $0x1  }
0x38a: {  	v50 =	vmul.f32 v50, v52;
	_ =	sdelay $0x1  }
0x38b: {  	v50 =	vsub.f32 v50, v51;
	_ =	sdelay $0x1  }
0x38c: {  	[tilespmem:v59+s5+$0x0] =	vst.idx.add.f32.msk $0xffff, v50  }
0x38d: {  	[tilespmem:v60+s5+$0x0] =	vst.idx.add.f32.msk $0xffff, v50  }
0x38e: {  	v50 =	vld.idx.msk [tilespmem:v17+s15+$0x0], $0xffff  }
0x38f: {  	v51 =	vld.idx.msk [tilespmem:v18+s15+$0x0], $0xffff  }
0x390: {  	v61 =	vld [tilespmem:$0x18A20]  }
0x391: {  	v62 =	vld.idx.msk [tilespmem:v17+s16+$0x0], $0xffff  }
0x392: {  	v54 =	vld.idx.msk [tilespmem:v18+s16+$0x0], $0xffff  }
0x393: {  	v55 =	vld [tilespmem:$0x18B20]  }
0x394: {  	v63 =	vld [tilespmem:$0x18C20]  }
0x395: {  	v57 =	vld.idx.msk [tilespmem:v19+s15+$0x0], $0xffff  }
0x396: {  	v58 =	vld.idx.msk [tilespmem:v19+s16+$0x0], $0xffff;
	_ =	sdelay $0x1  }
0x397: {  	v52 =	vcvt.s32.f32 v61  }
0x398: {  	v50 =	vsub.f32 v62, v50;
	v55 =	vcvt.s32.f32 v55;
	v56 =	vcvt.s32.f32 v63  }
0x399: {  	v51 =	vsub.f32 v54, v51;
	v60 =	vmul.f32 v52, v49;
	v61 =	vmul.f32 v52, v48  }
0x39a: {  	v57 =	vsub.f32 v58, v57;
	v62 =	vmul.f32 v55, v47;
	v52 =	vmul.f32 v52, v43  }
0x39b: {  	v63 =	vmul.f32 v55, v46;
	v50 =	vadd.f32 v60, v50;
	v51 =	vadd.f32 v61, v51  }
0x39c: {  	v59 =	vmul.f32 v56, v45;
	v55 =	vmul.f32 v55, v42;
	v52 =	vadd.f32 v52, v57  }
0x39d: {  	v60 =	vmul.f32 v56, v44;
	v50 =	vadd.f32 v62, v50;
	v51 =	vadd.f32 v63, v51  }
0x39e: {  	v52 =	vadd.f32 v55, v52  }
0x39f: {  	v61 =	vmul.f32 v56, v41;
	v50 =	vadd.f32 v59, v50;
	v51 =	vadd.f32 v60, v51  }
0x3a0: {  	v62 =	vld.idx.msk [tilespmem:v20+s15+$0x0], $0xffff  }
0x3a1: {  	v52 =	vadd.f32 v61, v52;
	v50 =	vmul.f32 v50, v50;
	v51 =	vmul.f32 v51, v51  }
0x3a2: {  	v63 =	vld.idx.msk [tilespmem:v20+s16+$0x0], $0xffff  }
0x3a3: {  	v55 =	vmul.f32 v52, v52;
	v50 =	vadd.f32 v51, v50;
	_ =	sdelay $0x1  }
0x3a4: {  	v56 =	vadd.f32 v62, v62;
	v50 =	vadd.f32 v50, v55;
	_ =	sdelay $0x1  }
0x3a5: {  	v51 =	vadd.f32 v63, v56;
	v57 =	vmul.f32 v50, v50;
	_ =	sdelay $0x1  }
0x3a6: {  	v51 =	vtrunc.f32 v51;
	v50 =	vmul.f32 v57, v50  }
0x3a7: {  	v51 =	vcvt.f32.s32 v51  }
0x3a8: {  	(erf) = vrcp.f32 v50;
	_ =	sdelay $0x4  }
0x3a9: {  	v58 =	vld.idx.msk [tilespmem:v51+s30+$0x0], $0xffff  }
0x3aa: {  	v59 =	vadd.s32 $0x4, v51;
	_ =	sdelay $0x1  }
0x3ab: {  	v51 =	vadd.s32 $0x8, v51  }
0x3ac: {  	v60 =	vpop (erf)  }
0x3ad: {  	v61 =	vld [tilespmem:$0x18820];
	v50 =	vmul.f32 v60, v58  }
0x3ae: {  	v52 =	vld.idx.msk [tilespmem:v59+s30+$0x0], $0xffff  }
0x3af: {  	v62 =	vld [tilespmem:$0x18920];
	v53 =	vadd.f32 $-1.000000000e+00, v50  }
0x3b0: {  	v51 =	vld.idx.msk [tilespmem:v51+s30+$0x0], $0xffff  }
0x3b1: {  	v50 =	vmul.f32 v53, v50;
	_ =	sdelay $0x1  }
0x3b2: {  	v50 =	vmul.f32 v50, v52;
	_ =	sdelay $0x1  }
0x3b3: {  	v50 =	vsub.f32 v50, v51;
	_ =	sdelay $0x1  }
0x3b4: {  	[tilespmem:v61+s5+$0x0] =	vst.idx.add.f32.msk $0xffff, v50  }
0x3b5: {  	[tilespmem:v62+s5+$0x0] =	vst.idx.add.f32.msk $0xffff, v50  }
0x3b6: {  	v50 =	vld.idx.msk [tilespmem:v21+s15+$0x0], $0xffff  }
0x3b7: {  	v51 =	vld.idx.msk [tilespmem:v22+s15+$0x0], $0xffff  }
0x3b8: {  	v63 =	vld [tilespmem:$0x18A30]  }
0x3b9: {  	v60 =	vld.idx.msk [tilespmem:v21+s16+$0x0], $0xffff  }
0x3ba: {  	v54 =	vld.idx.msk [tilespmem:v22+s16+$0x0], $0xffff  }
0x3bb: {  	v55 =	vld [tilespmem:$0x18B30]  }
0x3bc: {  	v61 =	vld [tilespmem:$0x18C30]  }
0x3bd: {  	v57 =	vld.idx.msk [tilespmem:v23+s15+$0x0], $0xffff  }
0x3be: {  	v58 =	vld.idx.msk [tilespmem:v23+s16+$0x0], $0xffff;
	_ =	sdelay $0x1  }
0x3bf: {  	v52 =	vcvt.s32.f32 v63  }
0x3c0: {  	v50 =	vsub.f32 v60, v50;
	v55 =	vcvt.s32.f32 v55;
	v56 =	vcvt.s32.f32 v61  }
0x3c1: {  	v51 =	vsub.f32 v54, v51;
	v62 =	vmul.f32 v52, v49;
	v63 =	vmul.f32 v52, v48  }
0x3c2: {  	v57 =	vsub.f32 v58, v57;
	v60 =	vmul.f32 v55, v47;
	v52 =	vmul.f32 v52, v43  }
0x3c3: {  	v61 =	vmul.f32 v55, v46;
	v50 =	vadd.f32 v62, v50;
	v51 =	vadd.f32 v63, v51  }
0x3c4: {  	v55 =	vmul.f32 v55, v42;
	v62 =	vmul.f32 v56, v45;
	v52 =	vadd.f32 v52, v57  }
0x3c5: {  	v63 =	vmul.f32 v56, v44;
	v50 =	vadd.f32 v60, v50;
	v51 =	vadd.f32 v61, v51  }
0x3c6: {  	v52 =	vadd.f32 v55, v52  }
0x3c7: {  	v58 =	vmul.f32 v56, v41;
	v50 =	vadd.f32 v62, v50;
	v51 =	vadd.f32 v63, v51  }
0x3c8: {  	v59 =	vld.idx.msk [tilespmem:v24+s15+$0x0], $0xffff  }
0x3c9: {  	v52 =	vadd.f32 v58, v52;
	v50 =	vmul.f32 v50, v50;
	v51 =	vmul.f32 v51, v51  }
0x3ca: {  	v60 =	vld.idx.msk [tilespmem:v24+s16+$0x0], $0xffff  }
0x3cb: {  	v61 =	vmul.f32 v52, v52;
	v50 =	vadd.f32 v51, v50;
	_ =	sdelay $0x1  }
0x3cc: {  	v62 =	vadd.f32 v59, v59;
	v50 =	vadd.f32 v50, v61;
	_ =	sdelay $0x1  }
0x3cd: {  	v51 =	vadd.f32 v60, v62;
	v63 =	vmul.f32 v50, v50;
	_ =	sdelay $0x1  }
0x3ce: {  	v51 =	vtrunc.f32 v51;
	v50 =	vmul.f32 v63, v50  }
0x3cf: {  	v51 =	vcvt.f32.s32 v51  }
0x3d0: {  	(erf) = vrcp.f32 v50;
	_ =	sdelay $0x4  }
0x3d1: {  	v56 =	vld.idx.msk [tilespmem:v51+s30+$0x0], $0xffff  }
0x3d2: {  	v57 =	vadd.s32 $0x4, v51;
	_ =	sdelay $0x1  }
0x3d3: {  	v51 =	vadd.s32 $0x8, v51  }
0x3d4: {  	v58 =	vpop (erf)  }
0x3d5: {  	v59 =	vld [tilespmem:$0x18830];
	v50 =	vmul.f32 v58, v56  }
0x3d6: {  	v52 =	vld.idx.msk [tilespmem:v57+s30+$0x0], $0xffff  }
0x3d7: {  	v60 =	vld [tilespmem:$0x18930];
	v53 =	vadd.f32 $-1.000000000e+00, v50  }
0x3d8: {  	v51 =	vld.idx.msk [tilespmem:v51+s30+$0x0], $0xffff  }
0x3d9: {  	v50 =	vmul.f32 v53, v50;
	_ =	sdelay $0x1  }
0x3da: {  	v50 =	vmul.f32 v50, v52;
	_ =	sdelay $0x1  }
0x3db: {  	v50 =	vsub.f32 v50, v51;
	_ =	sdelay $0x1  }
0x3dc: {  	[tilespmem:v59+s5+$0x0] =	vst.idx.add.f32.msk $0xffff, v50  }
0x3dd: {  	[tilespmem:v60+s5+$0x0] =	vst.idx.add.f32.msk $0xffff, v50  }
0x3de: {  	v50 =	vld.idx.msk [tilespmem:v25+s15+$0x0], $0xffff  }
0x3df: {  	v51 =	vld.idx.msk [tilespmem:v26+s15+$0x0], $0xffff  }
0x3e0: {  	v61 =	vld [tilespmem:$0x18A40]  }
0x3e1: {  	v62 =	vld.idx.msk [tilespmem:v25+s16+$0x0], $0xffff  }
0x3e2: {  	v54 =	vld.idx.msk [tilespmem:v26+s16+$0x0], $0xffff  }
0x3e3: {  	v55 =	vld [tilespmem:$0x18B40]  }
0x3e4: {  	v63 =	vld [tilespmem:$0x18C40]  }
0x3e5: {  	v57 =	vld.idx.msk [tilespmem:v27+s15+$0x0], $0xffff  }
0x3e6: {  	v58 =	vld.idx.msk [tilespmem:v27+s16+$0x0], $0xffff;
	_ =	sdelay $0x1  }
0x3e7: {  	v52 =	vcvt.s32.f32 v61  }
0x3e8: {  	v50 =	vsub.f32 v62, v50;
	v55 =	vcvt.s32.f32 v55;
	v56 =	vcvt.s32.f32 v63  }
0x3e9: {  	v51 =	vsub.f32 v54, v51;
	v60 =	vmul.f32 v52, v49;
	v61 =	vmul.f32 v52, v48  }
0x3ea: {  	v57 =	vsub.f32 v58, v57;
	v62 =	vmul.f32 v55, v47;
	v52 =	vmul.f32 v52, v43  }
0x3eb: {  	v63 =	vmul.f32 v55, v46;
	v50 =	vadd.f32 v60, v50;
	v51 =	vadd.f32 v61, v51  }
0x3ec: {  	v59 =	vmul.f32 v56, v45;
	v55 =	vmul.f32 v55, v42;
	v52 =	vadd.f32 v52, v57  }
0x3ed: {  	v60 =	vmul.f32 v56, v44;
	v50 =	vadd.f32 v62, v50;
	v51 =	vadd.f32 v63, v51  }
0x3ee: {  	v52 =	vadd.f32 v55, v52  }
0x3ef: {  	v61 =	vmul.f32 v56, v41;
	v50 =	vadd.f32 v59, v50;
	v51 =	vadd.f32 v60, v51  }
0x3f0: {  	v62 =	vld.idx.msk [tilespmem:v28+s15+$0x0], $0xffff  }
0x3f1: {  	v52 =	vadd.f32 v61, v52;
	v50 =	vmul.f32 v50, v50;
	v51 =	vmul.f32 v51, v51  }
0x3f2: {  	v63 =	vld.idx.msk [tilespmem:v28+s16+$0x0], $0xffff  }
0x3f3: {  	v55 =	vmul.f32 v52, v52;
	v50 =	vadd.f32 v51, v50;
	_ =	sdelay $0x1  }
0x3f4: {  	v56 =	vadd.f32 v62, v62;
	v50 =	vadd.f32 v50, v55;
	_ =	sdelay $0x1  }
0x3f5: {  	v51 =	vadd.f32 v63, v56;
	v57 =	vmul.f32 v50, v50;
	_ =	sdelay $0x1  }
0x3f6: {  	v51 =	vtrunc.f32 v51;
	v50 =	vmul.f32 v57, v50  }
0x3f7: {  	v51 =	vcvt.f32.s32 v51  }
0x3f8: {  	(erf) = vrcp.f32 v50;
	_ =	sdelay $0x4  }
0x3f9: {  	v58 =	vld.idx.msk [tilespmem:v51+s30+$0x0], $0xffff  }
0x3fa: {  	v59 =	vadd.s32 $0x4, v51;
	_ =	sdelay $0x1  }
0x3fb: {  	v51 =	vadd.s32 $0x8, v51  }
0x3fc: {  	v60 =	vpop (erf)  }
0x3fd: {  	v61 =	vld [tilespmem:$0x18840];
	v50 =	vmul.f32 v60, v58  }
0x3fe: {  	v52 =	vld.idx.msk [tilespmem:v59+s30+$0x0], $0xffff  }
0x3ff: {  	v62 =	vld [tilespmem:$0x18940];
	v53 =	vadd.f32 $-1.000000000e+00, v50  }
0x400: {  	v51 =	vld.idx.msk [tilespmem:v51+s30+$0x0], $0xffff  }
0x401: {  	v50 =	vmul.f32 v53, v50;
	_ =	sdelay $0x1  }
0x402: {  	v50 =	vmul.f32 v50, v52;
	_ =	sdelay $0x1  }
0x403: {  	v50 =	vsub.f32 v50, v51;
	_ =	sdelay $0x1  }
0x404: {  	[tilespmem:v61+s5+$0x0] =	vst.idx.add.f32.msk $0xffff, v50  }
0x405: {  	[tilespmem:v62+s5+$0x0] =	vst.idx.add.f32.msk $0xffff, v50  }
0x406: {  	v50 =	vld.idx.msk [tilespmem:v29+s15+$0x0], $0xffff  }
0x407: {  	v51 =	vld.idx.msk [tilespmem:v30+s15+$0x0], $0xffff  }
0x408: {  	v63 =	vld [tilespmem:$0x18A50]  }
0x409: {  	v60 =	vld.idx.msk [tilespmem:v29+s16+$0x0], $0xffff  }
0x40a: {  	v54 =	vld.idx.msk [tilespmem:v30+s16+$0x0], $0xffff  }
0x40b: {  	v55 =	vld [tilespmem:$0x18B50]  }
0x40c: {  	v61 =	vld [tilespmem:$0x18C50]  }
0x40d: {  	v57 =	vld.idx.msk [tilespmem:v31+s15+$0x0], $0xffff  }
0x40e: {  	v58 =	vld.idx.msk [tilespmem:v31+s16+$0x0], $0xffff;
	_ =	sdelay $0x1  }
0x40f: {  	v52 =	vcvt.s32.f32 v63  }
0x410: {  	v50 =	vsub.f32 v60, v50;
	v55 =	vcvt.s32.f32 v55;
	v56 =	vcvt.s32.f32 v61  }
0x411: {  	v51 =	vsub.f32 v54, v51;
	v62 =	vmul.f32 v52, v49;
	v63 =	vmul.f32 v52, v48  }
0x412: {  	v57 =	vsub.f32 v58, v57;
	v60 =	vmul.f32 v55, v47;
	v52 =	vmul.f32 v52, v43  }
0x413: {  	v61 =	vmul.f32 v55, v46;
	v50 =	vadd.f32 v62, v50;
	v51 =	vadd.f32 v63, v51  }
0x414: {  	v55 =	vmul.f32 v55, v42;
	v62 =	vmul.f32 v56, v45;
	v52 =	vadd.f32 v52, v57  }
0x415: {  	v63 =	vmul.f32 v56, v44;
	v50 =	vadd.f32 v60, v50;
	v51 =	vadd.f32 v61, v51  }
0x416: {  	v52 =	vadd.f32 v55, v52  }
0x417: {  	v58 =	vmul.f32 v56, v41;
	v50 =	vadd.f32 v62, v50;
	v51 =	vadd.f32 v63, v51  }
0x418: {  	v59 =	vld.idx.msk [tilespmem:v32+s15+$0x0], $0xffff  }
0x419: {  	v52 =	vadd.f32 v58, v52;
	v50 =	vmul.f32 v50, v50;
	v51 =	vmul.f32 v51, v51  }
0x41a: {  	v60 =	vld.idx.msk [tilespmem:v32+s16+$0x0], $0xffff  }
0x41b: {  	v61 =	vmul.f32 v52, v52;
	v50 =	vadd.f32 v51, v50;
	_ =	sdelay $0x1  }
0x41c: {  	v62 =	vadd.f32 v59, v59;
	v50 =	vadd.f32 v50, v61;
	_ =	sdelay $0x1  }
0x41d: {  	v51 =	vadd.f32 v60, v62;
	v63 =	vmul.f32 v50, v50;
	_ =	sdelay $0x1  }
0x41e: {  	v51 =	vtrunc.f32 v51;
	v50 =	vmul.f32 v63, v50  }
0x41f: {  	v51 =	vcvt.f32.s32 v51  }
0x420: {  	(erf) = vrcp.f32 v50;
	_ =	sdelay $0x4  }
0x421: {  	v56 =	vld.idx.msk [tilespmem:v51+s30+$0x0], $0xffff  }
0x422: {  	v57 =	vadd.s32 $0x4, v51;
	_ =	sdelay $0x1  }
0x423: {  	v51 =	vadd.s32 $0x8, v51  }
0x424: {  	v58 =	vpop (erf)  }
0x425: {  	v59 =	vld [tilespmem:$0x18850];
	v50 =	vmul.f32 v58, v56  }
0x426: {  	v52 =	vld.idx.msk [tilespmem:v57+s30+$0x0], $0xffff  }
0x427: {  	v60 =	vld [tilespmem:$0x18950];
	v53 =	vadd.f32 $-1.000000000e+00, v50  }
0x428: {  	v51 =	vld.idx.msk [tilespmem:v51+s30+$0x0], $0xffff  }
0x429: {  	v50 =	vmul.f32 v53, v50;
	_ =	sdelay $0x1  }
0x42a: {  	v50 =	vmul.f32 v50, v52;
	_ =	sdelay $0x1  }
0x42b: {  	v50 =	vsub.f32 v50, v51;
	_ =	sdelay $0x1  }
0x42c: {  	[tilespmem:v59+s5+$0x0] =	vst.idx.add.f32.msk $0xffff, v50  }
0x42d: {  	[tilespmem:v60+s5+$0x0] =	vst.idx.add.f32.msk $0xffff, v50  }
0x42e: {  	v50 =	vld.idx.msk [tilespmem:v33+s15+$0x0], $0xffff  }
0x42f: {  	v51 =	vld.idx.msk [tilespmem:v34+s15+$0x0], $0xffff  }
0x430: {  	v61 =	vld [tilespmem:$0x18A60]  }
0x431: {  	v62 =	vld.idx.msk [tilespmem:v33+s16+$0x0], $0xffff  }
0x432: {  	v54 =	vld.idx.msk [tilespmem:v34+s16+$0x0], $0xffff  }
0x433: {  	v55 =	vld [tilespmem:$0x18B60]  }
0x434: {  	v63 =	vld [tilespmem:$0x18C60]  }
0x435: {  	v57 =	vld.idx.msk [tilespmem:v35+s15+$0x0], $0xffff  }
0x436: {  	v58 =	vld.idx.msk [tilespmem:v35+s16+$0x0], $0xffff;
	_ =	sdelay $0x1  }
0x437: {  	v52 =	vcvt.s32.f32 v61  }
0x438: {  	v50 =	vsub.f32 v62, v50;
	v55 =	vcvt.s32.f32 v55;
	v56 =	vcvt.s32.f32 v63  }
0x439: {  	v51 =	vsub.f32 v54, v51;
	v60 =	vmul.f32 v52, v49;
	v61 =	vmul.f32 v52, v48  }
0x43a: {  	v57 =	vsub.f32 v58, v57;
	v62 =	vmul.f32 v55, v47;
	v52 =	vmul.f32 v52, v43  }
0x43b: {  	v63 =	vmul.f32 v55, v46;
	v50 =	vadd.f32 v60, v50;
	v51 =	vadd.f32 v61, v51  }
0x43c: {  	v59 =	vmul.f32 v56, v45;
	v55 =	vmul.f32 v55, v42;
	v52 =	vadd.f32 v52, v57  }
0x43d: {  	v60 =	vmul.f32 v56, v44;
	v50 =	vadd.f32 v62, v50;
	v51 =	vadd.f32 v63, v51  }
0x43e: {  	v52 =	vadd.f32 v55, v52  }
0x43f: {  	v61 =	vmul.f32 v56, v41;
	v50 =	vadd.f32 v59, v50;
	v51 =	vadd.f32 v60, v51  }
0x440: {  	v62 =	vld.idx.msk [tilespmem:v36+s15+$0x0], $0xffff  }
0x441: {  	v52 =	vadd.f32 v61, v52;
	v50 =	vmul.f32 v50, v50;
	v51 =	vmul.f32 v51, v51  }
0x442: {  	v63 =	vld.idx.msk [tilespmem:v36+s16+$0x0], $0xffff  }
0x443: {  	v55 =	vmul.f32 v52, v52;
	v50 =	vadd.f32 v51, v50;
	_ =	sdelay $0x1  }
0x444: {  	v56 =	vadd.f32 v62, v62;
	v50 =	vadd.f32 v50, v55;
	_ =	sdelay $0x1  }
0x445: {  	v51 =	vadd.f32 v63, v56;
	v57 =	vmul.f32 v50, v50;
	_ =	sdelay $0x1  }
0x446: {  	v51 =	vtrunc.f32 v51;
	v50 =	vmul.f32 v57, v50  }
0x447: {  	v51 =	vcvt.f32.s32 v51  }
0x448: {  	(erf) = vrcp.f32 v50;
	_ =	sdelay $0x4  }
0x449: {  	v58 =	vld.idx.msk [tilespmem:v51+s30+$0x0], $0xffff  }
0x44a: {  	v59 =	vadd.s32 $0x4, v51;
	_ =	sdelay $0x1  }
0x44b: {  	v51 =	vadd.s32 $0x8, v51  }
0x44c: {  	v60 =	vpop (erf)  }
0x44d: {  	v61 =	vld [tilespmem:$0x18860];
	v50 =	vmul.f32 v60, v58  }
0x44e: {  	v52 =	vld.idx.msk [tilespmem:v59+s30+$0x0], $0xffff  }
0x44f: {  	v62 =	vld [tilespmem:$0x18960];
	v53 =	vadd.f32 $-1.000000000e+00, v50  }
0x450: {  	v51 =	vld.idx.msk [tilespmem:v51+s30+$0x0], $0xffff  }
0x451: {  	v50 =	vmul.f32 v53, v50;
	_ =	sdelay $0x1  }
0x452: {  	v50 =	vmul.f32 v50, v52;
	_ =	sdelay $0x1  }
0x453: {  	v50 =	vsub.f32 v50, v51;
	_ =	sdelay $0x1  }
0x454: {  	[tilespmem:v61+s5+$0x0] =	vst.idx.add.f32.msk $0xffff, v50  }
0x455: {  	[tilespmem:v62+s5+$0x0] =	vst.idx.add.f32.msk $0xffff, v50  }
0x456: {  	v50 =	vld.idx.msk [tilespmem:v37+s15+$0x0], $0xffff  }
0x457: {  	v51 =	vld.idx.msk [tilespmem:v38+s15+$0x0], $0xffff  }
0x458: {  	v63 =	vld [tilespmem:$0x18A70]  }
0x459: {  	v60 =	vld.idx.msk [tilespmem:v37+s16+$0x0], $0xffff  }
0x45a: {  	v54 =	vld.idx.msk [tilespmem:v38+s16+$0x0], $0xffff  }
0x45b: {  	v55 =	vld [tilespmem:$0x18B70]  }
0x45c: {  	v61 =	vld [tilespmem:$0x18C70]  }
0x45d: {  	v57 =	vld.idx.msk [tilespmem:v39+s15+$0x0], $0xffff  }
0x45e: {  	v58 =	vld.idx.msk [tilespmem:v39+s16+$0x0], $0xffff;
	_ =	sdelay $0x1  }
0x45f: {  	v52 =	vcvt.s32.f32 v63  }
0x460: {  	v50 =	vsub.f32 v60, v50;
	v55 =	vcvt.s32.f32 v55;
	v56 =	vcvt.s32.f32 v61  }
0x461: {  	v51 =	vsub.f32 v54, v51;
	v62 =	vmul.f32 v52, v49;
	v63 =	vmul.f32 v52, v48  }
0x462: {  	v57 =	vsub.f32 v58, v57;
	v60 =	vmul.f32 v55, v47;
	v52 =	vmul.f32 v52, v43  }
0x463: {  	v61 =	vmul.f32 v55, v46;
	v50 =	vadd.f32 v62, v50;
	v51 =	vadd.f32 v63, v51  }
0x464: {  	v55 =	vmul.f32 v55, v42;
	v62 =	vmul.f32 v56, v45;
	v52 =	vadd.f32 v52, v57  }
0x465: {  	v63 =	vmul.f32 v56, v44;
	v50 =	vadd.f32 v60, v50;
	v51 =	vadd.f32 v61, v51  }
0x466: {  	v52 =	vadd.f32 v55, v52  }
0x467: {  	v57 =	vmul.f32 v56, v41;
	v50 =	vadd.f32 v62, v50;
	v51 =	vadd.f32 v63, v51  }
0x468: {  	v58 =	vld.idx.msk [tilespmem:v40+s15+$0x0], $0xffff  }
0x469: {  	v52 =	vadd.f32 v57, v52;
	v50 =	vmul.f32 v50, v50;
	v51 =	vmul.f32 v51, v51  }
0x46a: {  	v59 =	vld.idx.msk [tilespmem:v40+s16+$0x0], $0xffff  }
0x46b: {  	v60 =	vmul.f32 v52, v52;
	v50 =	vadd.f32 v51, v50;
	_ =	sdelay $0x1  }
0x46c: {  	v61 =	vadd.f32 v58, v58;
	v50 =	vadd.f32 v50, v60;
	_ =	sdelay $0x1  }
0x46d: {  	v51 =	vadd.f32 v59, v61;
	v62 =	vmul.f32 v50, v50;
	_ =	sdelay $0x1  }
0x46e: {  	v51 =	vtrunc.f32 v51;
	v50 =	vmul.f32 v62, v50  }
0x46f: {  	v51 =	vcvt.f32.s32 v51  }
0x470: {  	(erf) = vrcp.f32 v50;
	_ =	sdelay $0x4  }
0x471: {  	v63 =	vld.idx.msk [tilespmem:v51+s30+$0x0], $0xffff  }
0x472: {  	v56 =	vadd.s32 $0x4, v51;
	_ =	sdelay $0x1  }
0x473: {  	v51 =	vadd.s32 $0x8, v51  }
0x474: {  	v57 =	vpop (erf)  }
0x475: {  	v58 =	vld [tilespmem:$0x18870];
	v50 =	vmul.f32 v57, v63  }
0x476: {  	v52 =	vld.idx.msk [tilespmem:v56+s30+$0x0], $0xffff  }
0x477: {  	v59 =	vld [tilespmem:$0x18970];
	v53 =	vadd.f32 $-1.000000000e+00, v50  }
0x478: {  	v51 =	vld.idx.msk [tilespmem:v51+s30+$0x0], $0xffff  }
0x479: {  	v50 =	vmul.f32 v53, v50;
	_ =	sdelay $0x1  }
0x47a: {  	v50 =	vmul.f32 v50, v52;
	_ =	sdelay $0x1  }
0x47b: {  	v50 =	vsub.f32 v50, v51;
	_ =	sdelay $0x1  }
0x47c: {  	[tilespmem:v58+s5+$0x0] =	vst.idx.add.f32.msk $0xffff, v50  }
0x47d: {  	[tilespmem:v59+s5+$0x0] =	vst.idx.add.f32.msk $0xffff, v50  }
0x47e: {  	_ =	swait.ge [sflag:s28], $0x400  }
0x47f: {  	[sflag:s28] =	ssyncset.done $0x0  }
0x480: {  	[sflag:s28] =	ssyncadd.s32 $0xFFFFFC00  }
0x481: {  	_ =	swait.ge [sflag:s29], $0x400  }
0x482: {  	[sflag:s29] =	ssyncset.done $0x0  }
0x483: {  	[sflag:s29] =	ssyncadd.s32 $0xFFFFFC00  }
0x484: {  	v50 =	vld.idx.msk [tilespmem:v4+s23+$0x0], $0xffff  }
0x485: {  	v51 =	vld.idx.msk [tilespmem:v10+s23+$0x0], $0xffff  }
0x486: {  	v52 =	vld [tilespmem:$0x18A80]  }
0x487: {  	v60 =	vld.idx.msk [tilespmem:v4+s24+$0x0], $0xffff  }
0x488: {  	v61 =	vld.idx.msk [tilespmem:v10+s24+$0x0], $0xffff  }
0x489: {  	v62 =	vld [tilespmem:$0x18B80]  }
0x48a: {  	v63 =	vld [tilespmem:$0x18C80]  }
0x48b: {  	v57 =	vld.idx.msk [tilespmem:v11+s23+$0x0], $0xffff  }
0x48c: {  	v58 =	vld.idx.msk [tilespmem:v11+s24+$0x0], $0xffff;
	_ =	sdelay $0x1  }
0x48d: {  	v52 =	vcvt.s32.f32 v52  }
0x48e: {  	v50 =	vsub.f32 v60, v50;
	v55 =	vcvt.s32.f32 v62;
	v56 =	vcvt.s32.f32 v63  }
0x48f: {  	v51 =	vsub.f32 v61, v51;
	v60 =	vmul.f32 v52, v49;
	v61 =	vmul.f32 v52, v48  }
0x490: {  	v57 =	vsub.f32 v58, v57;
	v62 =	vmul.f32 v55, v47;
	v52 =	vmul.f32 v52, v43  }
0x491: {  	v63 =	vmul.f32 v55, v46;
	v50 =	vadd.f32 v60, v50;
	v51 =	vadd.f32 v61, v51  }
0x492: {  	v59 =	vmul.f32 v56, v45;
	v55 =	vmul.f32 v55, v42;
	v52 =	vadd.f32 v52, v57  }
0x493: {  	v60 =	vmul.f32 v56, v44;
	v50 =	vadd.f32 v62, v50;
	v51 =	vadd.f32 v63, v51  }
0x494: {  	v52 =	vadd.f32 v55, v52  }
0x495: {  	v61 =	vmul.f32 v56, v41;
	v50 =	vadd.f32 v59, v50;
	v51 =	vadd.f32 v60, v51  }
0x496: {  	v62 =	vld.idx.msk [tilespmem:v12+s23+$0x0], $0xffff  }
0x497: {  	v52 =	vadd.f32 v61, v52;
	v50 =	vmul.f32 v50, v50;
	v51 =	vmul.f32 v51, v51  }
0x498: {  	v63 =	vld.idx.msk [tilespmem:v12+s24+$0x0], $0xffff  }
0x499: {  	v55 =	vmul.f32 v52, v52;
	v50 =	vadd.f32 v51, v50;
	_ =	sdelay $0x1  }
0x49a: {  	v56 =	vadd.f32 v62, v62;
	v50 =	vadd.f32 v50, v55;
	_ =	sdelay $0x1  }
0x49b: {  	v51 =	vadd.f32 v63, v56;
	v57 =	vmul.f32 v50, v50;
	_ =	sdelay $0x1  }
0x49c: {  	v51 =	vtrunc.f32 v51;
	v50 =	vmul.f32 v57, v50  }
0x49d: {  	v51 =	vcvt.f32.s32 v51  }
0x49e: {  	(erf) = vrcp.f32 v50;
	_ =	sdelay $0x4  }
0x49f: {  	v58 =	vld.idx.msk [tilespmem:v51+s30+$0x0], $0xffff  }
0x4a0: {  	v59 =	vadd.s32 $0x4, v51;
	_ =	sdelay $0x1  }
0x4a1: {  	v51 =	vadd.s32 $0x8, v51  }
0x4a2: {  	v60 =	vpop (erf)  }
0x4a3: {  	v61 =	vld [tilespmem:$0x18880];
	v50 =	vmul.f32 v60, v58  }
0x4a4: {  	v52 =	vld.idx.msk [tilespmem:v59+s30+$0x0], $0xffff  }
0x4a5: {  	v62 =	vld [tilespmem:$0x18980];
	v53 =	vadd.f32 $-1.000000000e+00, v50  }
0x4a6: {  	v51 =	vld.idx.msk [tilespmem:v51+s30+$0x0], $0xffff  }
0x4a7: {  	v50 =	vmul.f32 v53, v50;
	_ =	sdelay $0x1  }
0x4a8: {  	v50 =	vmul.f32 v50, v52;
	_ =	sdelay $0x1  }
0x4a9: {  	v50 =	vsub.f32 v50, v51;
	_ =	sdelay $0x1  }
0x4aa: {  	[tilespmem:v61+s5+$0x0] =	vst.idx.add.f32.msk $0xffff, v50  }
0x4ab: {  	[tilespmem:v62+s5+$0x0] =	vst.idx.add.f32.msk $0xffff, v50  }
0x4ac: {  	v50 =	vld.idx.msk [tilespmem:v13+s23+$0x0], $0xffff  }
0x4ad: {  	v51 =	vld.idx.msk [tilespmem:v14+s23+$0x0], $0xffff  }
0x4ae: {  	v63 =	vld [tilespmem:$0x18A90]  }
0x4af: {  	v60 =	vld.idx.msk [tilespmem:v13+s24+$0x0], $0xffff  }
0x4b0: {  	v54 =	vld.idx.msk [tilespmem:v14+s24+$0x0], $0xffff  }
0x4b1: {  	v55 =	vld [tilespmem:$0x18B90]  }
0x4b2: {  	v61 =	vld [tilespmem:$0x18C90]  }
0x4b3: {  	v57 =	vld.idx.msk [tilespmem:v15+s23+$0x0], $0xffff  }
0x4b4: {  	v58 =	vld.idx.msk [tilespmem:v15+s24+$0x0], $0xffff;
	_ =	sdelay $0x1  }
0x4b5: {  	v52 =	vcvt.s32.f32 v63  }
0x4b6: {  	v50 =	vsub.f32 v60, v50;
	v55 =	vcvt.s32.f32 v55;
	v56 =	vcvt.s32.f32 v61  }
0x4b7: {  	v51 =	vsub.f32 v54, v51;
	v62 =	vmul.f32 v52, v49;
	v63 =	vmul.f32 v52, v48  }
0x4b8: {  	v57 =	vsub.f32 v58, v57;
	v60 =	vmul.f32 v55, v47;
	v52 =	vmul.f32 v52, v43  }
0x4b9: {  	v61 =	vmul.f32 v55, v46;
	v50 =	vadd.f32 v62, v50;
	v51 =	vadd.f32 v63, v51  }
0x4ba: {  	v55 =	vmul.f32 v55, v42;
	v62 =	vmul.f32 v56, v45;
	v52 =	vadd.f32 v52, v57  }
0x4bb: {  	v63 =	vmul.f32 v56, v44;
	v50 =	vadd.f32 v60, v50;
	v51 =	vadd.f32 v61, v51  }
0x4bc: {  	v52 =	vadd.f32 v55, v52  }
0x4bd: {  	v58 =	vmul.f32 v56, v41;
	v50 =	vadd.f32 v62, v50;
	v51 =	vadd.f32 v63, v51  }
0x4be: {  	v59 =	vld.idx.msk [tilespmem:v16+s23+$0x0], $0xffff  }
0x4bf: {  	v52 =	vadd.f32 v58, v52;
	v50 =	vmul.f32 v50, v50;
	v51 =	vmul.f32 v51, v51  }
0x4c0: {  	v60 =	vld.idx.msk [tilespmem:v16+s24+$0x0], $0xffff  }
0x4c1: {  	v61 =	vmul.f32 v52, v52;
	v50 =	vadd.f32 v51, v50;
	_ =	sdelay $0x1  }
0x4c2: {  	v62 =	vadd.f32 v59, v59;
	v50 =	vadd.f32 v50, v61;
	_ =	sdelay $0x1  }
0x4c3: {  	v51 =	vadd.f32 v60, v62;
	v63 =	vmul.f32 v50, v50;
	_ =	sdelay $0x1  }
0x4c4: {  	v51 =	vtrunc.f32 v51;
	v50 =	vmul.f32 v63, v50  }
0x4c5: {  	v51 =	vcvt.f32.s32 v51  }
0x4c6: {  	(erf) = vrcp.f32 v50;
	_ =	sdelay $0x4  }
0x4c7: {  	v56 =	vld.idx.msk [tilespmem:v51+s30+$0x0], $0xffff  }
0x4c8: {  	v57 =	vadd.s32 $0x4, v51;
	_ =	sdelay $0x1  }
0x4c9: {  	v51 =	vadd.s32 $0x8, v51  }
0x4ca: {  	v58 =	vpop (erf)  }
0x4cb: {  	v59 =	vld [tilespmem:$0x18890];
	v50 =	vmul.f32 v58, v56  }
0x4cc: {  	v52 =	vld.idx.msk [tilespmem:v57+s30+$0x0], $0xffff  }
0x4cd: {  	v60 =	vld [tilespmem:$0x18990];
	v53 =	vadd.f32 $-1.000000000e+00, v50  }
0x4ce: {  	v51 =	vld.idx.msk [tilespmem:v51+s30+$0x0], $0xffff  }
0x4cf: {  	v50 =	vmul.f32 v53, v50;
	_ =	sdelay $0x1  }
0x4d0: {  	v50 =	vmul.f32 v50, v52;
	_ =	sdelay $0x1  }
0x4d1: {  	v50 =	vsub.f32 v50, v51;
	_ =	sdelay $0x1  }
0x4d2: {  	[tilespmem:v59+s5+$0x0] =	vst.idx.add.f32.msk $0xffff, v50  }
0x4d3: {  	[tilespmem:v60+s5+$0x0] =	vst.idx.add.f32.msk $0xffff, v50  }
0x4d4: {  	v50 =	vld.idx.msk [tilespmem:v17+s23+$0x0], $0xffff  }
0x4d5: {  	v51 =	vld.idx.msk [tilespmem:v18+s23+$0x0], $0xffff  }
0x4d6: {  	v61 =	vld [tilespmem:$0x18AA0]  }
0x4d7: {  	v62 =	vld.idx.msk [tilespmem:v17+s24+$0x0], $0xffff  }
0x4d8: {  	v54 =	vld.idx.msk [tilespmem:v18+s24+$0x0], $0xffff  }
0x4d9: {  	v55 =	vld [tilespmem:$0x18BA0]  }
0x4da: {  	v63 =	vld [tilespmem:$0x18CA0]  }
0x4db: {  	v57 =	vld.idx.msk [tilespmem:v19+s23+$0x0], $0xffff  }
0x4dc: {  	v58 =	vld.idx.msk [tilespmem:v19+s24+$0x0], $0xffff;
	_ =	sdelay $0x1  }
0x4dd: {  	v52 =	vcvt.s32.f32 v61  }
0x4de: {  	v50 =	vsub.f32 v62, v50;
	v55 =	vcvt.s32.f32 v55;
	v56 =	vcvt.s32.f32 v63  }
0x4df: {  	v51 =	vsub.f32 v54, v51;
	v60 =	vmul.f32 v52, v49;
	v61 =	vmul.f32 v52, v48  }
0x4e0: {  	v57 =	vsub.f32 v58, v57;
	v62 =	vmul.f32 v55, v47;
	v52 =	vmul.f32 v52, v43  }
0x4e1: {  	v63 =	vmul.f32 v55, v46;
	v50 =	vadd.f32 v60, v50;
	v51 =	vadd.f32 v61, v51  }
0x4e2: {  	v59 =	vmul.f32 v56, v45;
	v55 =	vmul.f32 v55, v42;
	v52 =	vadd.f32 v52, v57  }
0x4e3: {  	v60 =	vmul.f32 v56, v44;
	v50 =	vadd.f32 v62, v50;
	v51 =	vadd.f32 v63, v51  }
0x4e4: {  	v52 =	vadd.f32 v55, v52  }
0x4e5: {  	v61 =	vmul.f32 v56, v41;
	v50 =	vadd.f32 v59, v50;
	v51 =	vadd.f32 v60, v51  }
0x4e6: {  	v62 =	vld.idx.msk [tilespmem:v20+s23+$0x0], $0xffff  }
0x4e7: {  	v52 =	vadd.f32 v61, v52;
	v50 =	vmul.f32 v50, v50;
	v51 =	vmul.f32 v51, v51  }
0x4e8: {  	v63 =	vld.idx.msk [tilespmem:v20+s24+$0x0], $0xffff  }
0x4e9: {  	v55 =	vmul.f32 v52, v52;
	v50 =	vadd.f32 v51, v50;
	_ =	sdelay $0x1  }
0x4ea: {  	v56 =	vadd.f32 v62, v62;
	v50 =	vadd.f32 v50, v55;
	_ =	sdelay $0x1  }
0x4eb: {  	v51 =	vadd.f32 v63, v56;
	v57 =	vmul.f32 v50, v50;
	_ =	sdelay $0x1  }
0x4ec: {  	v51 =	vtrunc.f32 v51;
	v50 =	vmul.f32 v57, v50  }
0x4ed: {  	v51 =	vcvt.f32.s32 v51  }
0x4ee: {  	(erf) = vrcp.f32 v50;
	_ =	sdelay $0x4  }
0x4ef: {  	v58 =	vld.idx.msk [tilespmem:v51+s30+$0x0], $0xffff  }
0x4f0: {  	v59 =	vadd.s32 $0x4, v51;
	_ =	sdelay $0x1  }
0x4f1: {  	v51 =	vadd.s32 $0x8, v51  }
0x4f2: {  	v60 =	vpop (erf)  }
0x4f3: {  	v61 =	vld [tilespmem:$0x188A0];
	v50 =	vmul.f32 v60, v58  }
0x4f4: {  	v52 =	vld.idx.msk [tilespmem:v59+s30+$0x0], $0xffff  }
0x4f5: {  	v62 =	vld [tilespmem:$0x189A0];
	v53 =	vadd.f32 $-1.000000000e+00, v50  }
0x4f6: {  	v51 =	vld.idx.msk [tilespmem:v51+s30+$0x0], $0xffff  }
0x4f7: {  	v50 =	vmul.f32 v53, v50;
	_ =	sdelay $0x1  }
0x4f8: {  	v50 =	vmul.f32 v50, v52;
	_ =	sdelay $0x1  }
0x4f9: {  	v50 =	vsub.f32 v50, v51;
	_ =	sdelay $0x1  }
0x4fa: {  	[tilespmem:v61+s5+$0x0] =	vst.idx.add.f32.msk $0xffff, v50  }
0x4fb: {  	[tilespmem:v62+s5+$0x0] =	vst.idx.add.f32.msk $0xffff, v50  }
0x4fc: {  	v50 =	vld.idx.msk [tilespmem:v21+s23+$0x0], $0xffff  }
0x4fd: {  	v51 =	vld.idx.msk [tilespmem:v22+s23+$0x0], $0xffff  }
0x4fe: {  	v63 =	vld [tilespmem:$0x18AB0]  }
0x4ff: {  	v60 =	vld.idx.msk [tilespmem:v21+s24+$0x0], $0xffff  }
0x500: {  	v54 =	vld.idx.msk [tilespmem:v22+s24+$0x0], $0xffff  }
0x501: {  	v55 =	vld [tilespmem:$0x18BB0]  }
0x502: {  	v61 =	vld [tilespmem:$0x18CB0]  }
0x503: {  	v57 =	vld.idx.msk [tilespmem:v23+s23+$0x0], $0xffff  }
0x504: {  	v58 =	vld.idx.msk [tilespmem:v23+s24+$0x0], $0xffff;
	_ =	sdelay $0x1  }
0x505: {  	v52 =	vcvt.s32.f32 v63  }
0x506: {  	v50 =	vsub.f32 v60, v50;
	v55 =	vcvt.s32.f32 v55;
	v56 =	vcvt.s32.f32 v61  }
0x507: {  	v51 =	vsub.f32 v54, v51;
	v62 =	vmul.f32 v52, v49;
	v63 =	vmul.f32 v52, v48  }
0x508: {  	v57 =	vsub.f32 v58, v57;
	v60 =	vmul.f32 v55, v47;
	v52 =	vmul.f32 v52, v43  }
0x509: {  	v61 =	vmul.f32 v55, v46;
	v50 =	vadd.f32 v62, v50;
	v51 =	vadd.f32 v63, v51  }
0x50a: {  	v55 =	vmul.f32 v55, v42;
	v62 =	vmul.f32 v56, v45;
	v52 =	vadd.f32 v52, v57  }
0x50b: {  	v63 =	vmul.f32 v56, v44;
	v50 =	vadd.f32 v60, v50;
	v51 =	vadd.f32 v61, v51  }
0x50c: {  	v52 =	vadd.f32 v55, v52  }
0x50d: {  	v58 =	vmul.f32 v56, v41;
	v50 =	vadd.f32 v62, v50;
	v51 =	vadd.f32 v63, v51  }
0x50e: {  	v59 =	vld.idx.msk [tilespmem:v24+s23+$0x0], $0xffff  }
0x50f: {  	v52 =	vadd.f32 v58, v52;
	v50 =	vmul.f32 v50, v50;
	v51 =	vmul.f32 v51, v51  }
0x510: {  	v60 =	vld.idx.msk [tilespmem:v24+s24+$0x0], $0xffff  }
0x511: {  	v61 =	vmul.f32 v52, v52;
	v50 =	vadd.f32 v51, v50;
	_ =	sdelay $0x1  }
0x512: {  	v62 =	vadd.f32 v59, v59;
	v50 =	vadd.f32 v50, v61;
	_ =	sdelay $0x1  }
0x513: {  	v51 =	vadd.f32 v60, v62;
	v63 =	vmul.f32 v50, v50;
	_ =	sdelay $0x1  }
0x514: {  	v51 =	vtrunc.f32 v51;
	v50 =	vmul.f32 v63, v50  }
0x515: {  	v51 =	vcvt.f32.s32 v51  }
0x516: {  	(erf) = vrcp.f32 v50;
	_ =	sdelay $0x4  }
0x517: {  	v56 =	vld.idx.msk [tilespmem:v51+s30+$0x0], $0xffff  }
0x518: {  	v57 =	vadd.s32 $0x4, v51;
	_ =	sdelay $0x1  }
0x519: {  	v51 =	vadd.s32 $0x8, v51  }
0x51a: {  	v58 =	vpop (erf)  }
0x51b: {  	v59 =	vld [tilespmem:$0x188B0];
	v50 =	vmul.f32 v58, v56  }
0x51c: {  	v52 =	vld.idx.msk [tilespmem:v57+s30+$0x0], $0xffff  }
0x51d: {  	v60 =	vld [tilespmem:$0x189B0];
	v53 =	vadd.f32 $-1.000000000e+00, v50  }
0x51e: {  	v51 =	vld.idx.msk [tilespmem:v51+s30+$0x0], $0xffff  }
0x51f: {  	v50 =	vmul.f32 v53, v50;
	_ =	sdelay $0x1  }
0x520: {  	v50 =	vmul.f32 v50, v52;
	_ =	sdelay $0x1  }
0x521: {  	v50 =	vsub.f32 v50, v51;
	_ =	sdelay $0x1  }
0x522: {  	[tilespmem:v59+s5+$0x0] =	vst.idx.add.f32.msk $0xffff, v50  }
0x523: {  	[tilespmem:v60+s5+$0x0] =	vst.idx.add.f32.msk $0xffff, v50  }
0x524: {  	v50 =	vld.idx.msk [tilespmem:v25+s23+$0x0], $0xffff  }
0x525: {  	v51 =	vld.idx.msk [tilespmem:v26+s23+$0x0], $0xffff  }
0x526: {  	v61 =	vld [tilespmem:$0x18AC0]  }
0x527: {  	v62 =	vld.idx.msk [tilespmem:v25+s24+$0x0], $0xffff  }
0x528: {  	v54 =	vld.idx.msk [tilespmem:v26+s24+$0x0], $0xffff  }
0x529: {  	v55 =	vld [tilespmem:$0x18BC0]  }
0x52a: {  	v63 =	vld [tilespmem:$0x18CC0]  }
0x52b: {  	v57 =	vld.idx.msk [tilespmem:v27+s23+$0x0], $0xffff  }
0x52c: {  	v58 =	vld.idx.msk [tilespmem:v27+s24+$0x0], $0xffff;
	_ =	sdelay $0x1  }
0x52d: {  	v52 =	vcvt.s32.f32 v61  }
0x52e: {  	v50 =	vsub.f32 v62, v50;
	v55 =	vcvt.s32.f32 v55;
	v56 =	vcvt.s32.f32 v63  }
0x52f: {  	v51 =	vsub.f32 v54, v51;
	v60 =	vmul.f32 v52, v49;
	v61 =	vmul.f32 v52, v48  }
0x530: {  	v57 =	vsub.f32 v58, v57;
	v62 =	vmul.f32 v55, v47;
	v52 =	vmul.f32 v52, v43  }
0x531: {  	v63 =	vmul.f32 v55, v46;
	v50 =	vadd.f32 v60, v50;
	v51 =	vadd.f32 v61, v51  }
0x532: {  	v59 =	vmul.f32 v56, v45;
	v55 =	vmul.f32 v55, v42;
	v52 =	vadd.f32 v52, v57  }
0x533: {  	v60 =	vmul.f32 v56, v44;
	v50 =	vadd.f32 v62, v50;
	v51 =	vadd.f32 v63, v51  }
0x534: {  	v52 =	vadd.f32 v55, v52  }
0x535: {  	v61 =	vmul.f32 v56, v41;
	v50 =	vadd.f32 v59, v50;
	v51 =	vadd.f32 v60, v51  }
0x536: {  	v62 =	vld.idx.msk [tilespmem:v28+s23+$0x0], $0xffff  }
0x537: {  	v52 =	vadd.f32 v61, v52;
	v50 =	vmul.f32 v50, v50;
	v51 =	vmul.f32 v51, v51  }
0x538: {  	v63 =	vld.idx.msk [tilespmem:v28+s24+$0x0], $0xffff  }
0x539: {  	v55 =	vmul.f32 v52, v52;
	v50 =	vadd.f32 v51, v50;
	_ =	sdelay $0x1  }
0x53a: {  	v56 =	vadd.f32 v62, v62;
	v50 =	vadd.f32 v50, v55;
	_ =	sdelay $0x1  }
0x53b: {  	v51 =	vadd.f32 v63, v56;
	v57 =	vmul.f32 v50, v50;
	_ =	sdelay $0x1  }
0x53c: {  	v51 =	vtrunc.f32 v51;
	v50 =	vmul.f32 v57, v50  }
0x53d: {  	v51 =	vcvt.f32.s32 v51  }
0x53e: {  	(erf) = vrcp.f32 v50;
	_ =	sdelay $0x4  }
0x53f: {  	v58 =	vld.idx.msk [tilespmem:v51+s30+$0x0], $0xffff  }
0x540: {  	v59 =	vadd.s32 $0x4, v51;
	_ =	sdelay $0x1  }
0x541: {  	v51 =	vadd.s32 $0x8, v51  }
0x542: {  	v60 =	vpop (erf)  }
0x543: {  	v61 =	vld [tilespmem:$0x188C0];
	v50 =	vmul.f32 v60, v58  }
0x544: {  	v52 =	vld.idx.msk [tilespmem:v59+s30+$0x0], $0xffff  }
0x545: {  	v62 =	vld [tilespmem:$0x189C0];
	v53 =	vadd.f32 $-1.000000000e+00, v50  }
0x546: {  	v51 =	vld.idx.msk [tilespmem:v51+s30+$0x0], $0xffff  }
0x547: {  	v50 =	vmul.f32 v53, v50;
	_ =	sdelay $0x1  }
0x548: {  	v50 =	vmul.f32 v50, v52;
	_ =	sdelay $0x1  }
0x549: {  	v50 =	vsub.f32 v50, v51;
	_ =	sdelay $0x1  }
0x54a: {  	[tilespmem:v61+s5+$0x0] =	vst.idx.add.f32.msk $0xffff, v50  }
0x54b: {  	[tilespmem:v62+s5+$0x0] =	vst.idx.add.f32.msk $0xffff, v50  }
0x54c: {  	v50 =	vld.idx.msk [tilespmem:v29+s23+$0x0], $0xffff  }
0x54d: {  	v51 =	vld.idx.msk [tilespmem:v30+s23+$0x0], $0xffff  }
0x54e: {  	v63 =	vld [tilespmem:$0x18AD0]  }
0x54f: {  	v60 =	vld.idx.msk [tilespmem:v29+s24+$0x0], $0xffff  }
0x550: {  	v54 =	vld.idx.msk [tilespmem:v30+s24+$0x0], $0xffff  }
0x551: {  	v55 =	vld [tilespmem:$0x18BD0]  }
0x552: {  	v61 =	vld [tilespmem:$0x18CD0]  }
0x553: {  	v57 =	vld.idx.msk [tilespmem:v31+s23+$0x0], $0xffff  }
0x554: {  	v58 =	vld.idx.msk [tilespmem:v31+s24+$0x0], $0xffff;
	_ =	sdelay $0x1  }
0x555: {  	v52 =	vcvt.s32.f32 v63  }
0x556: {  	v50 =	vsub.f32 v60, v50;
	v55 =	vcvt.s32.f32 v55;
	v56 =	vcvt.s32.f32 v61  }
0x557: {  	v51 =	vsub.f32 v54, v51;
	v62 =	vmul.f32 v52, v49;
	v63 =	vmul.f32 v52, v48  }
0x558: {  	v57 =	vsub.f32 v58, v57;
	v60 =	vmul.f32 v55, v47;
	v52 =	vmul.f32 v52, v43  }
0x559: {  	v61 =	vmul.f32 v55, v46;
	v50 =	vadd.f32 v62, v50;
	v51 =	vadd.f32 v63, v51  }
0x55a: {  	v55 =	vmul.f32 v55, v42;
	v62 =	vmul.f32 v56, v45;
	v52 =	vadd.f32 v52, v57  }
0x55b: {  	v63 =	vmul.f32 v56, v44;
	v50 =	vadd.f32 v60, v50;
	v51 =	vadd.f32 v61, v51  }
0x55c: {  	v52 =	vadd.f32 v55, v52  }
0x55d: {  	v58 =	vmul.f32 v56, v41;
	v50 =	vadd.f32 v62, v50;
	v51 =	vadd.f32 v63, v51  }
0x55e: {  	v59 =	vld.idx.msk [tilespmem:v32+s23+$0x0], $0xffff  }
0x55f: {  	v52 =	vadd.f32 v58, v52;
	v50 =	vmul.f32 v50, v50;
	v51 =	vmul.f32 v51, v51  }
0x560: {  	v60 =	vld.idx.msk [tilespmem:v32+s24+$0x0], $0xffff  }
0x561: {  	v61 =	vmul.f32 v52, v52;
	v50 =	vadd.f32 v51, v50;
	_ =	sdelay $0x1  }
0x562: {  	v62 =	vadd.f32 v59, v59;
	v50 =	vadd.f32 v50, v61;
	_ =	sdelay $0x1  }
0x563: {  	v51 =	vadd.f32 v60, v62;
	v63 =	vmul.f32 v50, v50;
	_ =	sdelay $0x1  }
0x564: {  	v51 =	vtrunc.f32 v51;
	v50 =	vmul.f32 v63, v50  }
0x565: {  	v51 =	vcvt.f32.s32 v51  }
0x566: {  	(erf) = vrcp.f32 v50;
	_ =	sdelay $0x4  }
0x567: {  	v56 =	vld.idx.msk [tilespmem:v51+s30+$0x0], $0xffff  }
0x568: {  	v57 =	vadd.s32 $0x4, v51;
	_ =	sdelay $0x1  }
0x569: {  	v51 =	vadd.s32 $0x8, v51  }
0x56a: {  	v58 =	vpop (erf)  }
0x56b: {  	v59 =	vld [tilespmem:$0x188D0];
	v50 =	vmul.f32 v58, v56  }
0x56c: {  	v52 =	vld.idx.msk [tilespmem:v57+s30+$0x0], $0xffff  }
0x56d: {  	v60 =	vld [tilespmem:$0x189D0];
	v53 =	vadd.f32 $-1.000000000e+00, v50  }
0x56e: {  	v51 =	vld.idx.msk [tilespmem:v51+s30+$0x0], $0xffff  }
0x56f: {  	v50 =	vmul.f32 v53, v50;
	_ =	sdelay $0x1  }
0x570: {  	v50 =	vmul.f32 v50, v52;
	_ =	sdelay $0x1  }
0x571: {  	v50 =	vsub.f32 v50, v51;
	_ =	sdelay $0x1  }
0x572: {  	[tilespmem:v59+s5+$0x0] =	vst.idx.add.f32.msk $0xffff, v50  }
0x573: {  	[tilespmem:v60+s5+$0x0] =	vst.idx.add.f32.msk $0xffff, v50  }
0x574: {  	v50 =	vld.idx.msk [tilespmem:v33+s23+$0x0], $0xffff  }
0x575: {  	v51 =	vld.idx.msk [tilespmem:v34+s23+$0x0], $0xffff  }
0x576: {  	v61 =	vld [tilespmem:$0x18AE0]  }
0x577: {  	v62 =	vld.idx.msk [tilespmem:v33+s24+$0x0], $0xffff  }
0x578: {  	v54 =	vld.idx.msk [tilespmem:v34+s24+$0x0], $0xffff  }
0x579: {  	v55 =	vld [tilespmem:$0x18BE0]  }
0x57a: {  	v63 =	vld [tilespmem:$0x18CE0]  }
0x57b: {  	v57 =	vld.idx.msk [tilespmem:v35+s23+$0x0], $0xffff  }
0x57c: {  	v58 =	vld.idx.msk [tilespmem:v35+s24+$0x0], $0xffff;
	_ =	sdelay $0x1  }
0x57d: {  	v52 =	vcvt.s32.f32 v61  }
0x57e: {  	v50 =	vsub.f32 v62, v50;
	v55 =	vcvt.s32.f32 v55;
	v56 =	vcvt.s32.f32 v63  }
0x57f: {  	v51 =	vsub.f32 v54, v51;
	v60 =	vmul.f32 v52, v49;
	v61 =	vmul.f32 v52, v48  }
0x580: {  	v57 =	vsub.f32 v58, v57;
	v62 =	vmul.f32 v55, v47;
	v52 =	vmul.f32 v52, v43  }
0x581: {  	v63 =	vmul.f32 v55, v46;
	v50 =	vadd.f32 v60, v50;
	v51 =	vadd.f32 v61, v51  }
0x582: {  	v59 =	vmul.f32 v56, v45;
	v55 =	vmul.f32 v55, v42;
	v52 =	vadd.f32 v52, v57  }
0x583: {  	v60 =	vmul.f32 v56, v44;
	v50 =	vadd.f32 v62, v50;
	v51 =	vadd.f32 v63, v51  }
0x584: {  	v52 =	vadd.f32 v55, v52  }
0x585: {  	v61 =	vmul.f32 v56, v41;
	v50 =	vadd.f32 v59, v50;
	v51 =	vadd.f32 v60, v51  }
0x586: {  	v62 =	vld.idx.msk [tilespmem:v36+s23+$0x0], $0xffff  }
0x587: {  	v52 =	vadd.f32 v61, v52;
	v50 =	vmul.f32 v50, v50;
	v51 =	vmul.f32 v51, v51  }
0x588: {  	v63 =	vld.idx.msk [tilespmem:v36+s24+$0x0], $0xffff  }
0x589: {  	v55 =	vmul.f32 v52, v52;
	v50 =	vadd.f32 v51, v50;
	_ =	sdelay $0x1  }
0x58a: {  	v56 =	vadd.f32 v62, v62;
	v50 =	vadd.f32 v50, v55;
	_ =	sdelay $0x1  }
0x58b: {  	v51 =	vadd.f32 v63, v56;
	v57 =	vmul.f32 v50, v50;
	_ =	sdelay $0x1  }
0x58c: {  	v51 =	vtrunc.f32 v51;
	v50 =	vmul.f32 v57, v50  }
0x58d: {  	v51 =	vcvt.f32.s32 v51  }
0x58e: {  	(erf) = vrcp.f32 v50;
	_ =	sdelay $0x4  }
0x58f: {  	v58 =	vld.idx.msk [tilespmem:v51+s30+$0x0], $0xffff  }
0x590: {  	v59 =	vadd.s32 $0x4, v51;
	_ =	sdelay $0x1  }
0x591: {  	v51 =	vadd.s32 $0x8, v51  }
0x592: {  	v60 =	vpop (erf)  }
0x593: {  	v61 =	vld [tilespmem:$0x188E0];
	v50 =	vmul.f32 v60, v58  }
0x594: {  	v52 =	vld.idx.msk [tilespmem:v59+s30+$0x0], $0xffff  }
0x595: {  	v62 =	vld [tilespmem:$0x189E0];
	v53 =	vadd.f32 $-1.000000000e+00, v50  }
0x596: {  	v51 =	vld.idx.msk [tilespmem:v51+s30+$0x0], $0xffff  }
0x597: {  	v50 =	vmul.f32 v53, v50;
	_ =	sdelay $0x1  }
0x598: {  	v50 =	vmul.f32 v50, v52;
	_ =	sdelay $0x1  }
0x599: {  	v50 =	vsub.f32 v50, v51;
	_ =	sdelay $0x1  }
0x59a: {  	[tilespmem:v61+s5+$0x0] =	vst.idx.add.f32.msk $0xffff, v50  }
0x59b: {  	[tilespmem:v62+s5+$0x0] =	vst.idx.add.f32.msk $0xffff, v50  }
0x59c: {  	v50 =	vld.idx.msk [tilespmem:v37+s23+$0x0], $0xffff  }
0x59d: {  	v51 =	vld.idx.msk [tilespmem:v38+s23+$0x0], $0xffff  }
0x59e: {  	v63 =	vld [tilespmem:$0x18AF0]  }
0x59f: {  	v60 =	vld.idx.msk [tilespmem:v37+s24+$0x0], $0xffff  }
0x5a0: {  	v54 =	vld.idx.msk [tilespmem:v38+s24+$0x0], $0xffff  }
0x5a1: {  	v55 =	vld [tilespmem:$0x18BF0]  }
0x5a2: {  	v61 =	vld [tilespmem:$0x18CF0]  }
0x5a3: {  	v57 =	vld.idx.msk [tilespmem:v39+s23+$0x0], $0xffff  }
0x5a4: {  	v58 =	vld.idx.msk [tilespmem:v39+s24+$0x0], $0xffff;
	_ =	sdelay $0x1  }
0x5a5: {  	v52 =	vcvt.s32.f32 v63  }
0x5a6: {  	v50 =	vsub.f32 v60, v50;
	v55 =	vcvt.s32.f32 v55;
	v56 =	vcvt.s32.f32 v61  }
0x5a7: {  	v51 =	vsub.f32 v54, v51;
	v62 =	vmul.f32 v52, v49;
	v63 =	vmul.f32 v52, v48  }
0x5a8: {  	v57 =	vsub.f32 v58, v57;
	v60 =	vmul.f32 v55, v47;
	v52 =	vmul.f32 v52, v43  }
0x5a9: {  	v61 =	vmul.f32 v55, v46;
	v50 =	vadd.f32 v62, v50;
	v51 =	vadd.f32 v63, v51  }
0x5aa: {  	v55 =	vmul.f32 v55, v42;
	v62 =	vmul.f32 v56, v45;
	v52 =	vadd.f32 v52, v57  }
0x5ab: {  	v63 =	vmul.f32 v56, v44;
	v50 =	vadd.f32 v60, v50;
	v51 =	vadd.f32 v61, v51  }
0x5ac: {  	v52 =	vadd.f32 v55, v52  }
0x5ad: {  	v57 =	vmul.f32 v56, v41;
	v50 =	vadd.f32 v62, v50;
	v51 =	vadd.f32 v63, v51  }
0x5ae: {  	v58 =	vld.idx.msk [tilespmem:v40+s23+$0x0], $0xffff  }
0x5af: {  	v52 =	vadd.f32 v57, v52;
	v50 =	vmul.f32 v50, v50;
	v51 =	vmul.f32 v51, v51  }
0x5b0: {  	v59 =	vld.idx.msk [tilespmem:v40+s24+$0x0], $0xffff  }
0x5b1: {  	v60 =	vmul.f32 v52, v52;
	v50 =	vadd.f32 v51, v50;
	_ =	sdelay $0x1  }
0x5b2: {  	v61 =	vadd.f32 v58, v58;
	v50 =	vadd.f32 v50, v60;
	_ =	sdelay $0x1  }
0x5b3: {  	v51 =	vadd.f32 v59, v61;
	v62 =	vmul.f32 v50, v50;
	_ =	sdelay $0x1  }
0x5b4: {  	v51 =	vtrunc.f32 v51;
	v50 =	vmul.f32 v62, v50  }
0x5b5: {  	v51 =	vcvt.f32.s32 v51  }
0x5b6: {  	(erf) = vrcp.f32 v50;
	_ =	sdelay $0x4  }
0x5b7: {  	v63 =	vld.idx.msk [tilespmem:v51+s30+$0x0], $0xffff  }
0x5b8: {  	v56 =	vadd.s32 $0x4, v51;
	_ =	sdelay $0x1  }
0x5b9: {  	v51 =	vadd.s32 $0x8, v51  }
0x5ba: {  	v57 =	vpop (erf)  }
0x5bb: {  	v58 =	vld [tilespmem:$0x188F0];
	v50 =	vmul.f32 v57, v63  }
0x5bc: {  	v52 =	vld.idx.msk [tilespmem:v56+s30+$0x0], $0xffff  }
0x5bd: {  	v59 =	vld [tilespmem:$0x189F0];
	v53 =	vadd.f32 $-1.000000000e+00, v50  }
0x5be: {  	v51 =	vld.idx.msk [tilespmem:v51+s30+$0x0], $0xffff  }
0x5bf: {  	v50 =	vmul.f32 v53, v50;
	_ =	sdelay $0x1  }
0x5c0: {  	v50 =	vmul.f32 v50, v52;
	_ =	sdelay $0x1  }
0x5c1: {  	v50 =	vsub.f32 v50, v51;
	_ =	sdelay $0x1  }
0x5c2: {  	[tilespmem:v58+s5+$0x0] =	vst.idx.add.f32.msk $0xffff, v50  }
0x5c3: {  	s10 =	simm.s32 $0x19D00;
	s1 =	simm.s32 $0x7;
	s0 =	rddreg [dreg:$0x15];
	[tilespmem:v59+s5+$0x0] =	vst.idx.add.f32.msk $0xffff, v50  }
0x5c4: {  	[tilespmem:s10], [sflag:$0x7] =	stream.linear.gather [hbm4b:s0+s5], $0x40, $0x38;
	[tilespmem:$0x19DA0] =	vst v63  }
0x5c5: {  	_ =	swait.ge [sflag:s1], $0x40  }
0x5c6: {  	[sflag:s1] =	ssyncset.done $0x0  }
0x5c7: {  	s12 =	simm.s32 $0x19D40;
	s20 =	rddreg [dreg:$0x16];
	[sflag:s1] =	ssyncadd.s32 $0xFFFFFFC0  }
0x5c8: {  	[tilespmem:s12], [sflag:$0x7] =	stream.linear.gather [hbm4b:s20+s5], $0x40, $0x38;
	[tilespmem:$0x19DA0] =	vst v63  }
0x5c9: {  	_ =	swait.ge [sflag:s1], $0x40  }
0x5ca: {  	[sflag:s1] =	ssyncset.done $0x0  }
0x5cb: {  	s11 =	simm.s32 $0x18A00;
	s21 =	rddreg [dreg:$0x17];
	[sflag:s1] =	ssyncadd.s32 $0xFFFFFFC0  }
0x5cc: {  	[tilespmem:s11], [sflag:$0x7] =	stream.linear.gather [hbm4b:s21+s5], $0x40, $0x38;
	[tilespmem:$0x19DA0] =	vst v63  }
0x5cd: {  	_ =	swait.ge [sflag:s1], $0x40  }
0x5ce: {  	[sflag:s1] =	ssyncset.done $0x0  }
0x5cf: {  	s19 =	simm.s32 $0x18B00;
	s11 =	rddreg [dreg:$0x18];
	[sflag:s1] =	ssyncadd.s32 $0xFFFFFFC0  }
0x5d0: {  	[tilespmem:s19], [sflag:$0x7] =	stream.linear.gather [hbm4b:s11+s5], $0x40, $0x38;
	[tilespmem:$0x19DA0] =	vst v63  }
0x5d1: {  	_ =	swait.ge [sflag:s1], $0x40  }
0x5d2: {  	[sflag:s1] =	ssyncset.done $0x0  }
0x5d3: {  	s21 =	simm.s32 $0x18C00;
	s20 =	rddreg [dreg:$0x19];
	[sflag:s1] =	ssyncadd.s32 $0xFFFFFFC0  }
0x5d4: {  	[tilespmem:s21], [sflag:$0x7] =	stream.linear.gather [hbm4b:s20+s5], $0x40, $0x38;
	[tilespmem:$0x19DA0] =	vst v63  }
0x5d5: {  	_ =	swait.ge [sflag:s1], $0x40  }
0x5d6: {  	[sflag:s1] =	ssyncset.done $0x0  }
0x5d7: {  	s19 =	simm.s32 $0x40;
	[sflag:s1] =	ssyncadd.s32 $0xFFFFFFC0  }
0x5d8: {  	[tilespmem:s15], [sflag:$0x3] =	stream.indirect.gather [hbm4b:s6+s19], $0x8, s10, s19, $0xb8;
	[tilespmem:$0x19DA0] =	vst v63  }
0x5d9: {  	_ = 	snop  }
0x5da: {  	[tilespmem:s16], [sflag:$0x5] =	stream.indirect.gather [hbm4b:s6+s19], $0x8, s12, s19, $0xb8;
	[tilespmem:$0x19DA0] =	vst v63  }
0x5db: {  	_ =	swait.ge [sflag:s25], $0x200  }
0x5dc: {  	[sflag:s25] =	ssyncset.done $0x0  }
0x5dd: {  	[sflag:s25] =	ssyncadd.s32 $0xFFFFFE00  }
0x5de: {  	_ =	swait.ge [sflag:s26], $0x200  }
0x5df: {  	[sflag:s26] =	ssyncset.done $0x0  }
0x5e0: {  	[sflag:s26] =	ssyncadd.s32 $0xFFFFFE00  }
0x5e1: {  	v50 =	vld.idx.msk [tilespmem:v4+s15+$0x0], $0xffff  }
0x5e2: {  	v51 =	vld.idx.msk [tilespmem:v10+s15+$0x0], $0xffff  }
0x5e3: {  	v52 =	vld [tilespmem:$0x18A00]  }
0x5e4: {  	v60 =	vld.idx.msk [tilespmem:v4+s16+$0x0], $0xffff  }
0x5e5: {  	v61 =	vld.idx.msk [tilespmem:v10+s16+$0x0], $0xffff  }
0x5e6: {  	v62 =	vld [tilespmem:$0x18B00]  }
0x5e7: {  	v63 =	vld [tilespmem:$0x18C00]  }
0x5e8: {  	v57 =	vld.idx.msk [tilespmem:v11+s15+$0x0], $0xffff  }
0x5e9: {  	v58 =	vld.idx.msk [tilespmem:v11+s16+$0x0], $0xffff;
	_ =	sdelay $0x1  }
0x5ea: {  	v52 =	vcvt.s32.f32 v52  }
0x5eb: {  	v50 =	vsub.f32 v60, v50;
	v55 =	vcvt.s32.f32 v62;
	v56 =	vcvt.s32.f32 v63  }
0x5ec: {  	v51 =	vsub.f32 v61, v51;
	v60 =	vmul.f32 v52, v49;
	v61 =	vmul.f32 v52, v48  }
0x5ed: {  	v57 =	vsub.f32 v58, v57;
	v62 =	vmul.f32 v55, v47;
	v52 =	vmul.f32 v52, v43  }
0x5ee: {  	v63 =	vmul.f32 v55, v46;
	v50 =	vadd.f32 v60, v50;
	v51 =	vadd.f32 v61, v51  }
0x5ef: {  	v59 =	vmul.f32 v56, v45;
	v55 =	vmul.f32 v55, v42;
	v52 =	vadd.f32 v52, v57  }
0x5f0: {  	v60 =	vmul.f32 v56, v44;
	v50 =	vadd.f32 v62, v50;
	v51 =	vadd.f32 v63, v51  }
0x5f1: {  	v52 =	vadd.f32 v55, v52  }
0x5f2: {  	v61 =	vmul.f32 v56, v41;
	v50 =	vadd.f32 v59, v50;
	v51 =	vadd.f32 v60, v51  }
0x5f3: {  	v62 =	vld.idx.msk [tilespmem:v12+s15+$0x0], $0xffff  }
0x5f4: {  	v52 =	vadd.f32 v61, v52;
	v50 =	vmul.f32 v50, v50;
	v51 =	vmul.f32 v51, v51  }
0x5f5: {  	v63 =	vld.idx.msk [tilespmem:v12+s16+$0x0], $0xffff  }
0x5f6: {  	v55 =	vmul.f32 v52, v52;
	v50 =	vadd.f32 v51, v50;
	_ =	sdelay $0x1  }
0x5f7: {  	v56 =	vadd.f32 v62, v62;
	v50 =	vadd.f32 v50, v55;
	_ =	sdelay $0x1  }
0x5f8: {  	v51 =	vadd.f32 v63, v56;
	v57 =	vmul.f32 v50, v50;
	_ =	sdelay $0x1  }
0x5f9: {  	v51 =	vtrunc.f32 v51;
	v50 =	vmul.f32 v57, v50  }
0x5fa: {  	v51 =	vcvt.f32.s32 v51  }
0x5fb: {  	(erf) = vrcp.f32 v50;
	_ =	sdelay $0x4  }
0x5fc: {  	v58 =	vld.idx.msk [tilespmem:v51+s30+$0x0], $0xffff  }
0x5fd: {  	v59 =	vadd.s32 $0x4, v51;
	_ =	sdelay $0x1  }
0x5fe: {  	v51 =	vadd.s32 $0x8, v51  }
0x5ff: {  	v60 =	vpop (erf)  }
0x600: {  	v61 =	vld [tilespmem:$0x19D00];
	v50 =	vmul.f32 v60, v58  }
0x601: {  	v52 =	vld.idx.msk [tilespmem:v59+s30+$0x0], $0xffff  }
0x602: {  	v62 =	vld [tilespmem:$0x19D40];
	v53 =	vadd.f32 $-1.000000000e+00, v50  }
0x603: {  	v51 =	vld.idx.msk [tilespmem:v51+s30+$0x0], $0xffff  }
0x604: {  	v50 =	vmul.f32 v53, v50;
	_ =	sdelay $0x1  }
0x605: {  	v50 =	vmul.f32 v50, v52;
	_ =	sdelay $0x1  }
0x606: {  	v50 =	vsub.f32 v50, v51;
	_ =	sdelay $0x1  }
0x607: {  	[tilespmem:v61+s5+$0x0] =	vst.idx.add.f32.msk $0xffff, v50  }
0x608: {  	[tilespmem:v62+s5+$0x0] =	vst.idx.add.f32.msk $0xffff, v50  }
0x609: {  	v50 =	vld.idx.msk [tilespmem:v13+s15+$0x0], $0xffff  }
0x60a: {  	v51 =	vld.idx.msk [tilespmem:v14+s15+$0x0], $0xffff  }
0x60b: {  	v63 =	vld [tilespmem:$0x18A10]  }
0x60c: {  	v60 =	vld.idx.msk [tilespmem:v13+s16+$0x0], $0xffff  }
0x60d: {  	v54 =	vld.idx.msk [tilespmem:v14+s16+$0x0], $0xffff  }
0x60e: {  	v55 =	vld [tilespmem:$0x18B10]  }
0x60f: {  	v61 =	vld [tilespmem:$0x18C10]  }
0x610: {  	v57 =	vld.idx.msk [tilespmem:v15+s15+$0x0], $0xffff  }
0x611: {  	v58 =	vld.idx.msk [tilespmem:v15+s16+$0x0], $0xffff;
	_ =	sdelay $0x1  }
0x612: {  	v52 =	vcvt.s32.f32 v63  }
0x613: {  	v50 =	vsub.f32 v60, v50;
	v55 =	vcvt.s32.f32 v55;
	v56 =	vcvt.s32.f32 v61  }
0x614: {  	v51 =	vsub.f32 v54, v51;
	v62 =	vmul.f32 v52, v49;
	v63 =	vmul.f32 v52, v48  }
0x615: {  	v57 =	vsub.f32 v58, v57;
	v60 =	vmul.f32 v55, v47;
	v52 =	vmul.f32 v52, v43  }
0x616: {  	v61 =	vmul.f32 v55, v46;
	v50 =	vadd.f32 v62, v50;
	v51 =	vadd.f32 v63, v51  }
0x617: {  	v55 =	vmul.f32 v55, v42;
	v62 =	vmul.f32 v56, v45;
	v52 =	vadd.f32 v52, v57  }
0x618: {  	v63 =	vmul.f32 v56, v44;
	v50 =	vadd.f32 v60, v50;
	v51 =	vadd.f32 v61, v51  }
0x619: {  	v52 =	vadd.f32 v55, v52  }
0x61a: {  	v58 =	vmul.f32 v56, v41;
	v50 =	vadd.f32 v62, v50;
	v51 =	vadd.f32 v63, v51  }
0x61b: {  	v59 =	vld.idx.msk [tilespmem:v16+s15+$0x0], $0xffff  }
0x61c: {  	v52 =	vadd.f32 v58, v52;
	v50 =	vmul.f32 v50, v50;
	v51 =	vmul.f32 v51, v51  }
0x61d: {  	v60 =	vld.idx.msk [tilespmem:v16+s16+$0x0], $0xffff  }
0x61e: {  	v61 =	vmul.f32 v52, v52;
	v50 =	vadd.f32 v51, v50;
	_ =	sdelay $0x1  }
0x61f: {  	v62 =	vadd.f32 v59, v59;
	v50 =	vadd.f32 v50, v61;
	_ =	sdelay $0x1  }
0x620: {  	v51 =	vadd.f32 v60, v62;
	v63 =	vmul.f32 v50, v50;
	_ =	sdelay $0x1  }
0x621: {  	v51 =	vtrunc.f32 v51;
	v50 =	vmul.f32 v63, v50  }
0x622: {  	v51 =	vcvt.f32.s32 v51  }
0x623: {  	(erf) = vrcp.f32 v50;
	_ =	sdelay $0x4  }
0x624: {  	v56 =	vld.idx.msk [tilespmem:v51+s30+$0x0], $0xffff  }
0x625: {  	v57 =	vadd.s32 $0x4, v51;
	_ =	sdelay $0x1  }
0x626: {  	v51 =	vadd.s32 $0x8, v51  }
0x627: {  	v58 =	vpop (erf)  }
0x628: {  	v59 =	vld [tilespmem:$0x19D10];
	v50 =	vmul.f32 v58, v56  }
0x629: {  	v52 =	vld.idx.msk [tilespmem:v57+s30+$0x0], $0xffff  }
0x62a: {  	v60 =	vld [tilespmem:$0x19D50];
	v53 =	vadd.f32 $-1.000000000e+00, v50  }
0x62b: {  	v51 =	vld.idx.msk [tilespmem:v51+s30+$0x0], $0xffff  }
0x62c: {  	v50 =	vmul.f32 v53, v50;
	_ =	sdelay $0x1  }
0x62d: {  	v50 =	vmul.f32 v50, v52;
	_ =	sdelay $0x1  }
0x62e: {  	v50 =	vsub.f32 v50, v51;
	_ =	sdelay $0x1  }
0x62f: {  	[tilespmem:v59+s5+$0x0] =	vst.idx.add.f32.msk $0xffff, v50  }
0x630: {  	[tilespmem:v60+s5+$0x0] =	vst.idx.add.f32.msk $0xffff, v50  }
0x631: {  	v50 =	vld.idx.msk [tilespmem:v17+s15+$0x0], $0xffff  }
0x632: {  	v51 =	vld.idx.msk [tilespmem:v18+s15+$0x0], $0xffff  }
0x633: {  	v61 =	vld [tilespmem:$0x18A20]  }
0x634: {  	v62 =	vld.idx.msk [tilespmem:v17+s16+$0x0], $0xffff  }
0x635: {  	v54 =	vld.idx.msk [tilespmem:v18+s16+$0x0], $0xffff  }
0x636: {  	v55 =	vld [tilespmem:$0x18B20]  }
0x637: {  	v63 =	vld [tilespmem:$0x18C20]  }
0x638: {  	v57 =	vld.idx.msk [tilespmem:v19+s15+$0x0], $0xffff  }
0x639: {  	v58 =	vld.idx.msk [tilespmem:v19+s16+$0x0], $0xffff;
	_ =	sdelay $0x1  }
0x63a: {  	v52 =	vcvt.s32.f32 v61  }
0x63b: {  	v50 =	vsub.f32 v62, v50;
	v55 =	vcvt.s32.f32 v55;
	v56 =	vcvt.s32.f32 v63  }
0x63c: {  	v51 =	vsub.f32 v54, v51;
	v60 =	vmul.f32 v52, v49;
	v61 =	vmul.f32 v52, v48  }
0x63d: {  	v57 =	vsub.f32 v58, v57;
	v62 =	vmul.f32 v55, v47;
	v52 =	vmul.f32 v52, v43  }
0x63e: {  	v63 =	vmul.f32 v55, v46;
	v50 =	vadd.f32 v60, v50;
	v51 =	vadd.f32 v61, v51  }
0x63f: {  	v59 =	vmul.f32 v56, v45;
	v55 =	vmul.f32 v55, v42;
	v52 =	vadd.f32 v52, v57  }
0x640: {  	v60 =	vmul.f32 v56, v44;
	v50 =	vadd.f32 v62, v50;
	v51 =	vadd.f32 v63, v51  }
0x641: {  	v52 =	vadd.f32 v55, v52  }
0x642: {  	v61 =	vmul.f32 v56, v41;
	v50 =	vadd.f32 v59, v50;
	v51 =	vadd.f32 v60, v51  }
0x643: {  	v62 =	vld.idx.msk [tilespmem:v20+s15+$0x0], $0xffff  }
0x644: {  	v52 =	vadd.f32 v61, v52;
	v50 =	vmul.f32 v50, v50;
	v51 =	vmul.f32 v51, v51  }
0x645: {  	v63 =	vld.idx.msk [tilespmem:v20+s16+$0x0], $0xffff  }
0x646: {  	v55 =	vmul.f32 v52, v52;
	v50 =	vadd.f32 v51, v50;
	_ =	sdelay $0x1  }
0x647: {  	v56 =	vadd.f32 v62, v62;
	v50 =	vadd.f32 v50, v55;
	_ =	sdelay $0x1  }
0x648: {  	v51 =	vadd.f32 v63, v56;
	v57 =	vmul.f32 v50, v50;
	_ =	sdelay $0x1  }
0x649: {  	v51 =	vtrunc.f32 v51;
	v50 =	vmul.f32 v57, v50  }
0x64a: {  	v51 =	vcvt.f32.s32 v51  }
0x64b: {  	(erf) = vrcp.f32 v50;
	_ =	sdelay $0x4  }
0x64c: {  	v58 =	vld.idx.msk [tilespmem:v51+s30+$0x0], $0xffff  }
0x64d: {  	v59 =	vadd.s32 $0x4, v51;
	_ =	sdelay $0x1  }
0x64e: {  	v51 =	vadd.s32 $0x8, v51  }
0x64f: {  	v60 =	vpop (erf)  }
0x650: {  	v61 =	vld [tilespmem:$0x19D20];
	v50 =	vmul.f32 v60, v58  }
0x651: {  	v52 =	vld.idx.msk [tilespmem:v59+s30+$0x0], $0xffff  }
0x652: {  	v62 =	vld [tilespmem:$0x19D60];
	v53 =	vadd.f32 $-1.000000000e+00, v50  }
0x653: {  	v51 =	vld.idx.msk [tilespmem:v51+s30+$0x0], $0xffff  }
0x654: {  	v50 =	vmul.f32 v53, v50;
	_ =	sdelay $0x1  }
0x655: {  	v50 =	vmul.f32 v50, v52;
	_ =	sdelay $0x1  }
0x656: {  	v50 =	vsub.f32 v50, v51;
	_ =	sdelay $0x1  }
0x657: {  	[tilespmem:v61+s5+$0x0] =	vst.idx.add.f32.msk $0xffff, v50  }
0x658: {  	[tilespmem:v62+s5+$0x0] =	vst.idx.add.f32.msk $0xffff, v50  }
0x659: {  	v50 =	vld.idx.msk [tilespmem:v21+s15+$0x0], $0xffff  }
0x65a: {  	v51 =	vld.idx.msk [tilespmem:v22+s15+$0x0], $0xffff  }
0x65b: {  	v63 =	vld [tilespmem:$0x18A30]  }
0x65c: {  	v60 =	vld.idx.msk [tilespmem:v21+s16+$0x0], $0xffff  }
0x65d: {  	v54 =	vld.idx.msk [tilespmem:v22+s16+$0x0], $0xffff  }
0x65e: {  	v55 =	vld [tilespmem:$0x18B30]  }
0x65f: {  	v61 =	vld [tilespmem:$0x18C30]  }
0x660: {  	v57 =	vld.idx.msk [tilespmem:v23+s15+$0x0], $0xffff  }
0x661: {  	v58 =	vld.idx.msk [tilespmem:v23+s16+$0x0], $0xffff;
	v52 =	vcvt.s32.f32 v63;
	_ =	sdelay $0x1  }
0x662: {  	v50 =	vsub.f32 v60, v50;
	v53 =	vcvt.s32.f32 v55;
	v62 =	vmul.f32 v52, v49  }
0x663: {  	v51 =	vsub.f32 v54, v51;
	v59 =	vcvt.s32.f32 v61;
	v63 =	vmul.f32 v52, v48  }
0x664: {  	v60 =	vmul.f32 v53, v47;
	v61 =	vmul.f32 v53, v46;
	v49 =	vadd.f32 v62, v50  }
0x665: {  	v48 =	vadd.f32 v63, v51;
	v62 =	vsub.f32 v58, v57;
	v63 =	vmul.f32 v52, v43  }
0x666: {  	v51 =	vmul.f32 v59, v44;
	v47 =	vadd.f32 v60, v49;
	v49 =	vmul.f32 v59, v45  }
0x667: {  	v52 =	vmul.f32 v53, v42;
	v46 =	vadd.f32 v61, v48;
	v43 =	vadd.f32 v63, v62  }
0x668: {  	v45 =	vadd.f32 v49, v47  }
0x669: {  	v53 =	vmul.f32 v59, v41;
	v44 =	vadd.f32 v51, v46;
	v42 =	vadd.f32 v52, v43  }
0x66a: {  	v54 =	vld.idx.msk [tilespmem:v24+s15+$0x0], $0xffff  }
0x66b: {  	v41 =	vadd.f32 v53, v42;
	v55 =	vmul.f32 v45, v45;
	v44 =	vmul.f32 v44, v44  }
0x66c: {  	v56 =	vld.idx.msk [tilespmem:v24+s16+$0x0], $0xffff  }
0x66d: {  	v42 =	vadd.f32 v44, v55;
	v41 =	vmul.f32 v41, v41;
	_ =	sdelay $0x1  }
0x66e: {  	v57 =	vadd.f32 v54, v54;
	v41 =	vadd.f32 v42, v41;
	_ =	sdelay $0x1  }
0x66f: {  	v42 =	vadd.f32 v56, v57;
	v58 =	vmul.f32 v41, v41;
	_ =	sdelay $0x1  }
0x670: {  	v42 =	vtrunc.f32 v42;
	v41 =	vmul.f32 v58, v41  }
0x671: {  	v42 =	vcvt.f32.s32 v42  }
0x672: {  	(erf) = vrcp.f32 v41;
	_ =	sdelay $0x4  }
0x673: {  	v59 =	vld.idx.msk [tilespmem:v42+s30+$0x0], $0xffff  }
0x674: {  	v60 =	vadd.s32 $0x4, v42;
	_ =	sdelay $0x1  }
0x675: {  	v42 =	vadd.s32 $0x8, v42  }
0x676: {  	v61 =	vpop (erf)  }
0x677: {  	v62 =	vld [tilespmem:$0x19D30];
	v41 =	vmul.f32 v61, v59  }
0x678: {  	v43 =	vld.idx.msk [tilespmem:v60+s30+$0x0], $0xffff  }
0x679: {  	v63 =	vld [tilespmem:$0x19D70];
	v44 =	vadd.f32 $-1.000000000e+00, v41  }
0x67a: {  	v42 =	vld.idx.msk [tilespmem:v42+s30+$0x0], $0xffff  }
0x67b: {  	v41 =	vmul.f32 v44, v41;
	_ =	sdelay $0x1  }
0x67c: {  	v41 =	vmul.f32 v41, v43;
	_ =	sdelay $0x1  }
0x67d: {  	v41 =	vsub.f32 v41, v42;
	_ =	sdelay $0x1  }
0x67e: {  	[tilespmem:v62+s5+$0x0] =	vst.idx.add.f32.msk $0xffff, v41  }
0x67f: {  	s20 =	rddreg [dreg:$0x1a];
	[tilespmem:v63+s5+$0x0] =	vst.idx.add.f32.msk $0xffff, v41  }
0x680: {  	[hbm4b:s20+s5] =	stream.linear.scatter [tilespmem:s5], [sflag:$0x7], $0x18800, $0x38;
	[tilespmem:$0x19DA0] =	vst v63  }
0x681: {  	_ =	swait.ge [sflag:s1], $0x18800  }
0x682: {  	s31 =	rddreg [dreg:$0x1d]  }
0x683: {  	s21 =	rddreg [dreg:$0x1b];
	s31 =	sadd.s32 $0x1, s31  }
0x684: {  	p0 =	sne.s32 s31, s21  }
.Ltmp2:
0x685: {  	_ = 	snop;
	(pc) =	sbr.rel @p0 .LBB2_1-.Ltmp2, $4  }
0x686: {  	_ = 	snop  }
0x687: {  	s11 =	simm.s32 $0x18A00;
	s10 =	simm.s32 $0x18B80  }
0x688: {  	s19 =	simm.s32 $0x19D90;
	s12 =	simm.s32 $0x18B00;
	[sflag:s1] =	ssyncset.done $0x0  }
0x689: {  	s20 =	simm.s32 $0x18A80;
	[sflag:s1] =	ssyncadd.s32 $0xFFFE7800;
	s21 =	simm.s32 $0x18C00  }
0x68a: {  	_ =	sfence.sel $0x180000  }
0x68b: {  	[bflag:$0x0] =	sbarrier.arrive $0xFFFF  }
0x68c: {  	_ =	strace $0x90000047  }
0x68d: {  	s0 =	stileid.u32;
	[bflag:$0x2] =	sbarrier.arrive $0xFFFF  }
0x68e: {  	p0 =	sne.s32 s0, $0x0;
	s0 =	rddreg [dreg:$0x4]  }
0x68f: {  	s0 =	sadd.s32 @!p0 $0x100000, s0  }
0x690: {  	[sflag:s0] =	ssyncadd.tile.s32 @!p0 $0x1;
	_ =	shalt  }
.Lfunc_end2:
_tile_overlayer_lowered:
.L_overlay_start_2:
0x691: {  	(tag) =	ssettag $0x2  }
0x692: {  	s0 =	rddreg [dreg:$0x0];
	s2 =	stileid.u32  }
0x693: {  	s1 =	rddreg [dreg:$0x1];
	p0 =	sne.s32 s2, $0x0  }
0x694: {  	s3 =	rddreg [dreg:$0x2];
	[bflag:$0x3] =	sbarrier.arrive $0xFFFF;
	s2 =	simm.s32 @!p0 $0x1C07  }
0x695: {  	[timem:s3], [sflag:s2] =	dma.local @!p0 [hbm:s0], s1  }
0x696: {  	s0 =	simm.s32 @!p0 $0x7  }
0x697: {  	_ =	swait.ge @!p0 [sflag:s0], s1  }
0x698: {  	s1 =	ssub.s32 @!p0 $0x0, s1;
	[sflag:s0] =	ssyncset.done @!p0 $0x0  }
0x699: {  	[sflag:s0] =	ssyncadd.s32 @!p0 s1  }
0x69a: {  	[bflag:$0x3] =	sbarrier.arrive $0xFFFF  }
0x69b: {  	_ =	shalt  }

</sc_bundles>
